<compile_context>
chip_gen: v7x
topology: tpu7x:2x2x1
jax: 0.10.2.dev20260603
libtpu: 0.0.44.dev20260713+nightly
codegen_flags: <defaults>
</compile_context>

<pallas_src>
import functools

import jax
import jax.numpy as jnp
from jax import lax
from jax.experimental import pallas as pl
from jax.experimental.pallas import tpu as pltpu
from jax.experimental.pallas import tpu_sc as plsc

_D = 128
_FLAT = _D * (_D + 1) // 2
_TB = 128
_NSEM = 4
_CHUNK = 512
_SPLIT = 1024


def _sc_body(flat_hbm, out_hbm, vbuf, mbuf):
    info = plsc.get_sparse_core_info()
    nc = info.num_cores
    w = lax.axis_index("s") * nc + lax.axis_index("c")
    base = pl.multiple_of(8 * w * w + 2 * w - lax.rem(2 * w, 8), 8)
    pltpu.sync_copy(flat_hbm.at[pl.ds(base, _CHUNK)], vbuf)

    lo = _CHUNK * w
    iota16 = lax.broadcasted_iota(jnp.int32, (16,), 0)
    for j in range(_CHUNK // 16):
        p = lo + j * 16 + iota16
        r = lax.shift_right_logical(p, 7)
        c = lax.bitwise_and(p, 127)
        src = lax.shift_right_logical(r * (r + 1), 1) + c - base
        mask = c <= r
        srcc = jnp.clip(src, 0, _CHUNK - 1)
        v = plsc.load_gather(vbuf, [srcc], mask=mask)
        mbuf[pl.ds(j * 16, 16)] = jnp.where(mask, v, 0.0)

    pltpu.sync_copy(mbuf, out_hbm.at[pl.ds(lo, _CHUNK)])


def _sc_scatter(flat):
    mesh = plsc.VectorSubcoreMesh(core_axis_name="c", subcore_axis_name="s")
    run = functools.partial(
        pl.kernel,
        mesh=mesh,
        out_type=jax.ShapeDtypeStruct((_D * _D,), jnp.float32),
        scratch_types=[
            pltpu.VMEM((_CHUNK,), jnp.float32),
            pltpu.VMEM((_CHUNK,), jnp.float32),
        ],
        compiler_params=pltpu.CompilerParams(needs_layout_passes=False),
    )(_sc_body)
    return run(flat)


def _stream_out(buf_ref, out_ref, sems, t0, t1):
    n = (t1 - t0) // _TB

    def issue(i, _):
        for k in range(_NSEM):
            pltpu.make_async_copy(
                buf_ref,
                out_ref.at[pl.ds(t0 + (i * _NSEM + k) * _TB, _TB)],
                sems.at[k]).start()
        return 0

    lax.fori_loop(0, n // _NSEM, issue, 0)

    def drain(i, _):
        for k in range(_NSEM):
            pltpu.make_async_copy(
                buf_ref, out_ref.at[pl.ds(t0, _TB)], sems.at[k]).wait()
        return 0

    lax.fori_loop(0, n // _NSEM, drain, 0)


def _tc_a_body(flat_ref, out_ref, m_ref, buf_ref, sems):
    col = lax.broadcasted_iota(jnp.int32, (1, _D), 1)
    for r in range(_D):
        s = r * (r + 1) // 2
        vals = flat_ref[0, s:s + _D].reshape(1, _D)
        row = jnp.where(
            col < r, vals,
            jnp.where(col == r, jax.nn.softplus(vals), 0.0))
        m_ref[r:r + 1, :] = row

    buf_ref[...] = jnp.broadcast_to(m_ref[...][None, :, :], (_TB, _D, _D))
    _stream_out(buf_ref, out_ref, sems, 0, _SPLIT)


def _tc_b_body(acc_ref, m_ref, out_ref, s_ref, buf_ref, sems):
    del acc_ref
    m = m_ref[...]
    row = lax.broadcasted_iota(jnp.int32, (_D, _D), 0)
    col = lax.broadcasted_iota(jnp.int32, (_D, _D), 1)
    s_ref[...] = jnp.where(row == col, jax.nn.softplus(m), m)

    buf_ref[...] = jnp.broadcast_to(s_ref[...][None, :, :], (_TB, _D, _D))
    _stream_out(buf_ref, out_ref, sems, _SPLIT, out_ref.shape[0])


def kernel(sigma2_schedule, t_schedule, flat_noise_sigma_chol):
    Tn = sigma2_schedule.shape[0]
    m_sc = _sc_scatter(flat_noise_sigma_chol).reshape(_D, _D)

    flat2 = jnp.concatenate(
        [flat_noise_sigma_chol,
         jnp.zeros((_D,), jnp.float32)]).reshape(1, _FLAT + _D)

    part = pl.pallas_call(
        _tc_a_body,
        in_specs=[pl.BlockSpec((1, _FLAT + _D), lambda: (0, 0))],
        out_specs=pl.BlockSpec(memory_space=pl.ANY),
        out_shape=jax.ShapeDtypeStruct((Tn, _D, _D), jnp.float32),
        scratch_shapes=[
            pltpu.VMEM((_D, _D), jnp.float32),
            pltpu.VMEM((_TB, _D, _D), jnp.float32),
            pltpu.SemaphoreType.DMA((_NSEM,)),
        ],
    )(flat2)

    return pl.pallas_call(
        _tc_b_body,
        in_specs=[
            pl.BlockSpec(memory_space=pl.ANY),
            pl.BlockSpec((_D, _D), lambda: (0, 0)),
        ],
        out_specs=pl.BlockSpec(memory_space=pl.ANY),
        out_shape=jax.ShapeDtypeStruct((Tn, _D, _D), jnp.float32),
        input_output_aliases={0: 0},
        scratch_shapes=[
            pltpu.VMEM((_D, _D), jnp.float32),
            pltpu.VMEM((_TB, _D, _D), jnp.float32),
            pltpu.SemaphoreType.DMA((_NSEM,)),
        ],
    )(part, m_sc)

# --- scband reference (transcript-rebuilt; emitter-appended) ---
"""Pipeline reference for scband-time-constant-noise-process-covar-generator-81733227642946 (READ-ONLY COPY).

The authoritative reference and input builder live on the scoring server;
editing this copy changes nothing except your own understanding.
"""

import jax, jax.numpy as jnp
import numpy as np

D = 128
T = 2048
FLAT_SIZE = D * (D + 1) // 2


def setup_inputs(seed: int = 0) -> dict:
    key = jax.random.key(seed)
    sigma2_schedule = jnp.ones((T,), dtype=jnp.float32)
    t_schedule = jnp.arange(T, dtype=jnp.float32)
    flat_noise_sigma_chol = jax.random.normal(key, (FLAT_SIZE,), dtype=jnp.float32) / D
    return {
        "sigma2_schedule": sigma2_schedule,
        "t_schedule": t_schedule,
        "flat_noise_sigma_chol": flat_noise_sigma_chol,
    }


def reference(sigma2_schedule, t_schedule, flat_noise_sigma_chol):
    # sigma2_schedule must be time-constant (checked in torch); only its shape matters here.
    Tn = sigma2_schedule.shape[0]
    tril_r, tril_c = jnp.tril_indices(D)
    out = jnp.zeros((Tn, D, D), dtype=jnp.float32)
    # scatter the flat lower-triangular Cholesky params into every time slice
    flat_b = jnp.broadcast_to(flat_noise_sigma_chol, (Tn, FLAT_SIZE))
    out = out.at[:, tril_r, tril_c].set(flat_b)
    # softplus on the diagonal entries
    diag = jnp.arange(D)
    out = out.at[:, diag, diag].set(jax.nn.softplus(out[:, diag, diag]))
    return out

if __name__ == "__main__":
    import jax
    _d = setup_inputs()
    print(jax.jit(kernel)(*tuple(_d.values())))

</pallas_src>

<mosaic_0001>
#map = affine_map<(d0, d1) -> (0)>
module attributes {stable_mosaic.version = 14 : i64} {
  func.func @_sc_body(%arg0: i32, %arg1: i32, %arg2: memref<8256xf32, #tpu.memory_space<hbm>>, %arg3: memref<16384xf32, #tpu.memory_space<hbm>>, %arg4: memref<512xf32, #tpu.memory_space<vmem>>, %arg5: memref<512xf32, #tpu.memory_space<vmem>>) attributes {dimension_semantics = [#tpu.dimension_semantics<core_parallel>, #tpu.dimension_semantics<subcore_parallel>], iteration_bounds = array<i64: 2, 16>, scalar_prefetch = 0 : i64, scratch_operands = 2 : i64, tpu.core_type = #tpu.core_type<sc_vector_subcore>, window_params = [{transform_indices = #map}, {transform_indices = #map}]} {
    %mul3A = arith.constant 2 : i32
    %mul3A_0 = arith.muli %arg1, %mul3A : i32
    %add3A = arith.addi %mul3A_0, %arg0 : i32
    %mul3A_1 = arith.constant 8 : i32
    %mul3A_2 = arith.muli %mul3A_1, %add3A : i32
    %mul3A_3 = arith.muli %mul3A_2, %add3A : i32
    %mul3A_4 = arith.constant 2 : i32
    %mul3A_5 = arith.muli %mul3A_4, %add3A : i32
    %add3A_6 = arith.addi %mul3A_3, %mul3A_5 : i32
    %mul3A_7 = arith.constant 2 : i32
    %mul3A_8 = arith.muli %mul3A_7, %add3A : i32
    %rem3A = arith.constant 8 : i32
    %rem3A_9 = arith.remsi %mul3A_8, %rem3A : i32
    %sub3A = arith.subi %add3A_6, %rem3A_9 : i32
    %multiple_of3A = tpu.assume_multiple %sub3A, 8 : i32
    "tpu.region"() ({
      %run_scoped3A = tpu.sem_alloc : memref<!tpu.dma_semaphore, #tpu.memory_space<semaphore_mem>>
      %dma_start3A = tpu.memref_slice %arg2[%multiple_of3A] : memref<8256xf32, #tpu.memory_space<hbm>> -> memref<512xf32, #tpu.memory_space<hbm>>
      %dma_start3A_1058 = tpu.memref_slice %arg2[%multiple_of3A] : memref<8256xf32, #tpu.memory_space<hbm>> -> memref<512xf32, #tpu.memory_space<hbm>>
      tpu.enqueue_dma source(%dma_start3A_1058 : memref<512xf32, #tpu.memory_space<hbm>>) target(%arg4 : memref<512xf32, #tpu.memory_space<vmem>>) target_semaphore(%run_scoped3A : memref<!tpu.dma_semaphore, #tpu.memory_space<semaphore_mem>>)
      %dma_wait3A = tpu.memref_slice %arg2[%multiple_of3A] : memref<8256xf32, #tpu.memory_space<hbm>> -> memref<512xf32, #tpu.memory_space<hbm>>
      %dma_wait3A_1059 = tpu.memref_slice %arg2[%multiple_of3A] : memref<8256xf32, #tpu.memory_space<hbm>> -> memref<512xf32, #tpu.memory_space<hbm>>
      tpu.wait_dma2 semaphore(%run_scoped3A : memref<!tpu.dma_semaphore, #tpu.memory_space<semaphore_mem>>) src(%dma_wait3A_1059 : memref<512xf32, #tpu.memory_space<hbm>>) dst(%arg4 : memref<512xf32, #tpu.memory_space<vmem>>)
      tpu.yield
    }) : () -> ()
    %mul3A_10 = arith.constant 512 : i32
    %mul3A_11 = arith.muli %mul3A_10, %add3A : i32
    %iota3A = tpu.iota {dimensions = array<i32: 0>} : vector<16xi32>
    %add3A_12 = arith.constant 0 : i32
    %add3A_13 = arith.addi %mul3A_11, %add3A_12 : i32
    %add3A_14 = vector.broadcast %add3A_13 : i32 to vector<16xi32>
    %add3A_15 = arith.addi %add3A_14, %iota3A : vector<16xi32>
    %shift_right_logical3A = arith.constant 7 : i32
    %shift_right_logical3A_16 = vector.broadcast %shift_right_logical3A : i32 to vector<16xi32>
    %shift_right_logical3A_17 = arith.shrui %add3A_15, %shift_right_logical3A_16 : vector<16xi32>
    %and3A = arith.constant 127 : i32
    %and3A_18 = vector.broadcast %and3A : i32 to vector<16xi32>
    %and3A_19 = arith.andi %add3A_15, %and3A_18 : vector<16xi32>
    %add3A_20 = arith.constant 1 : i32
    %add3A_21 = vector.broadcast %add3A_20 : i32 to vector<16xi32>
    %add3A_22 = arith.addi %shift_right_logical3A_17, %add3A_21 : vector<16xi32>
    %mul3A_23 = arith.muli %shift_right_logical3A_17, %add3A_22 : vector<16xi32>
    %shift_right_logical3A_24 = arith.constant 1 : i32
    %shift_right_logical3A_25 = vector.broadcast %shift_right_logical3A_24 : i32 to vector<16xi32>
    %shift_right_logical3A_26 = arith.shrui %mul3A_23, %shift_right_logical3A_25 : vector<16xi32>
    %add3A_27 = arith.addi %shift_right_logical3A_26, %and3A_19 : vector<16xi32>
    %sub3A_28 = vector.broadcast %multiple_of3A : i32 to vector<16xi32>
    %sub3A_29 = arith.subi %add3A_27, %sub3A_28 : vector<16xi32>
    %le3A = arith.cmpi sle, %and3A_19, %shift_right_logical3A_17 : vector<16xi32>
    %jit3A = arith.constant 0 : i32
    %jit3A_30 = arith.constant 511 : i32
    %max3A = vector.broadcast %jit3A : i32 to vector<16xi32>
    %max3A_31 = arith.maxsi %max3A, %sub3A_29 : vector<16xi32>
    %min3A = vector.broadcast %jit3A_30 : i32 to vector<16xi32>
    %min3A_32 = arith.minsi %min3A, %max3A_31 : vector<16xi32>
    %gather3A = tpu.vector_load_idx %arg4[%min3A_32] masked %le3A : memref<512xf32, #tpu.memory_space<vmem>>[vector<16xi32>], vector<16xf32>, vector<16xi1>
    %jit3A_33 = arith.constant 0.000000e+00 : f32
    %broadcast_in_dim3A = vector.broadcast %jit3A_33 : f32 to vector<16xf32>
    %select_n3A = arith.select %le3A, %gather3A, %broadcast_in_dim3A : vector<16xi1>, vector<16xf32>
    %swap3A = arith.constant 0 : index
    %swap3A_34 = tpu.vector_load %arg5[%swap3A] {strides = array<i32>} : memref<512xf32, #tpu.memory_space<vmem>>, vector<16xf32>,
    tpu.vector_store %arg5[%swap3A], %select_n3A {strides = array<i32>} : memref<512xf32, #tpu.memory_space<vmem>>, vector<16xf32>,
    %add3A_35 = arith.constant 16 : i32
    %add3A_36 = arith.addi %mul3A_11, %add3A_35 : i32
    %add3A_37 = vector.broadcast %add3A_36 : i32 to vector<16xi32>
    %add3A_38 = arith.addi %add3A_37, %iota3A : vector<16xi32>
    %shift_right_logical3A_39 = arith.constant 7 : i32
    %shift_right_logical3A_40 = vector.broadcast %shift_right_logical3A_39 : i32 to vector<16xi32>
    %shift_right_logical3A_41 = arith.shrui %add3A_38, %shift_right_logical3A_40 : vector<16xi32>
    %and3A_42 = arith.constant 127 : i32
    %and3A_43 = vector.broadcast %and3A_42 : i32 to vector<16xi32>
    %and3A_44 = arith.andi %add3A_38, %and3A_43 : vector<16xi32>
    %add3A_45 = arith.constant 1 : i32
    %add3A_46 = vector.broadcast %add3A_45 : i32 to vector<16xi32>
    %add3A_47 = arith.addi %shift_right_logical3A_41, %add3A_46 : vector<16xi32>
    %mul3A_48 = arith.muli %shift_right_logical3A_41, %add3A_47 : vector<16xi32>
    %shift_right_logical3A_49 = arith.constant 1 : i32
    %shift_right_logical3A_50 = vector.broadcast %shift_right_logical3A_49 : i32 to vector<16xi32>
    %shift_right_logical3A_51 = arith.shrui %mul3A_48, %shift_right_logical3A_50 : vector<16xi32>
    %add3A_52 = arith.addi %shift_right_logical3A_51, %and3A_44 : vector<16xi32>
    %sub3A_53 = vector.broadcast %multiple_of3A : i32 to vector<16xi32>
    %sub3A_54 = arith.subi %add3A_52, %sub3A_53 : vector<16xi32>
    %le3A_55 = arith.cmpi sle, %and3A_44, %shift_right_logical3A_41 : vector<16xi32>
    %jit3A_56 = arith.constant 0 : i32
    %jit3A_57 = arith.constant 511 : i32
    %max3A_58 = vector.broadcast %jit3A_56 : i32 to vector<16xi32>
    %max3A_59 = arith.maxsi %max3A_58, %sub3A_54 : vector<16xi32>
    %min3A_60 = vector.broadcast %jit3A_57 : i32 to vector<16xi32>
    %min3A_61 = arith.minsi %min3A_60, %max3A_59 : vector<16xi32>
    %gather3A_62 = tpu.vector_load_idx %arg4[%min3A_61] masked %le3A_55 : memref<512xf32, #tpu.memory_space<vmem>>[vector<16xi32>], vector<16xf32>, vector<16xi1>
    %jit3A_63 = arith.constant 0.000000e+00 : f32
    %broadcast_in_dim3A_64 = vector.broadcast %jit3A_63 : f32 to vector<16xf32>
    %select_n3A_65 = arith.select %le3A_55, %gather3A_62, %broadcast_in_dim3A_64 : vector<16xi1>, vector<16xf32>
    %swap3A_66 = arith.constant 16 : index
    %swap3A_67 = tpu.vector_load %arg5[%swap3A_66] {strides = array<i32>} : memref<512xf32, #tpu.memory_space<vmem>>, vector<16xf32>,
    tpu.vector_store %arg5[%swap3A_66], %select_n3A_65 {strides = array<i32>} : memref<512xf32, #tpu.memory_space<vmem>>, vector<16xf32>,
    %add3A_68 = arith.constant 32 : i32
    %add3A_69 = arith.addi %mul3A_11, %add3A_68 : i32
    %add3A_70 = vector.broadcast %add3A_69 : i32 to vector<16xi32>
    %add3A_71 = arith.addi %add3A_70, %iota3A : vector<16xi32>
    %shift_right_logical3A_72 = arith.constant 7 : i32
    %shift_right_logical3A_73 = vector.broadcast %shift_right_logical3A_72 : i32 to vector<16xi32>
    %shift_right_logical3A_74 = arith.shrui %add3A_71, %shift_right_logical3A_73 : vector<16xi32>
    %and3A_75 = arith.constant 127 : i32
    %and3A_76 = vector.broadcast %and3A_75 : i32 to vector<16xi32>
    %and3A_77 = arith.andi %add3A_71, %and3A_76 : vector<16xi32>
    %add3A_78 = arith.constant 1 : i32
    %add3A_79 = vector.broadcast %add3A_78 : i32 to vector<16xi32>
    %add3A_80 = arith.addi %shift_right_logical3A_74, %add3A_79 : vector<16xi32>
    %mul3A_81 = arith.muli %shift_right_logical3A_74, %add3A_80 : vector<16xi32>
    %shift_right_logical3A_82 = arith.constant 1 : i32
    %shift_right_logical3A_83 = vector.broadcast %shift_right_logical3A_82 : i32 to vector<16xi32>
    %shift_right_logical3A_84 = arith.shrui %mul3A_81, %shift_right_logical3A_83 : vector<16xi32>
    %add3A_85 = arith.addi %shift_right_logical3A_84, %and3A_77 : vector<16xi32>
    %sub3A_86 = vector.broadcast %multiple_of3A : i32 to vector<16xi32>
    %sub3A_87 = arith.subi %add3A_85, %sub3A_86 : vector<16xi32>
    %le3A_88 = arith.cmpi sle, %and3A_77, %shift_right_logical3A_74 : vector<16xi32>
    %jit3A_89 = arith.constant 0 : i32
    %jit3A_90 = arith.constant 511 : i32
    %max3A_91 = vector.broadcast %jit3A_89 : i32 to vector<16xi32>
    %max3A_92 = arith.maxsi %max3A_91, %sub3A_87 : vector<16xi32>
    %min3A_93 = vector.broadcast %jit3A_90 : i32 to vector<16xi32>
    %min3A_94 = arith.minsi %min3A_93, %max3A_92 : vector<16xi32>
    %gather3A_95 = tpu.vector_load_idx %arg4[%min3A_94] masked %le3A_88 : memref<512xf32, #tpu.memory_space<vmem>>[vector<16xi32>], vector<16xf32>, vector<16xi1>
    %jit3A_96 = arith.constant 0.000000e+00 : f32
    %broadcast_in_dim3A_97 = vector.broadcast %jit3A_96 : f32 to vector<16xf32>
    %select_n3A_98 = arith.select %le3A_88, %gather3A_95, %broadcast_in_dim3A_97 : vector<16xi1>, vector<16xf32>
    %swap3A_99 = arith.constant 32 : index
    %swap3A_100 = tpu.vector_load %arg5[%swap3A_99] {strides = array<i32>} : memref<512xf32, #tpu.memory_space<vmem>>, vector<16xf32>,
    tpu.vector_store %arg5[%swap3A_99], %select_n3A_98 {strides = array<i32>} : memref<512xf32, #tpu.memory_space<vmem>>, vector<16xf32>,
    %add3A_101 = arith.constant 48 : i32
    %add3A_102 = arith.addi %mul3A_11, %add3A_101 : i32
    %add3A_103 = vector.broadcast %add3A_102 : i32 to vector<16xi32>
    %add3A_104 = arith.addi %add3A_103, %iota3A : vector<16xi32>
    %shift_right_logical3A_105 = arith.constant 7 : i32
    %shift_right_logical3A_106 = vector.broadcast %shift_right_logical3A_105 : i32 to vector<16xi32>
    %shift_right_logical3A_107 = arith.shrui %add3A_104, %shift_right_logical3A_106 : vector<16xi32>
    %and3A_108 = arith.constant 127 : i32
    %and3A_109 = vector.broadcast %and3A_108 : i32 to vector<16xi32>
    %and3A_110 = arith.andi %add3A_104, %and3A_109 : vector<16xi32>
    %add3A_111 = arith.constant 1 : i32
    %add3A_112 = vector.broadcast %add3A_111 : i32 to vector<16xi32>
    %add3A_113 = arith.addi %shift_right_logical3A_107, %add3A_112 : vector<16xi32>
    %mul3A_114 = arith.muli %shift_right_logical3A_107, %add3A_113 : vector<16xi32>
    %shift_right_logical3A_115 = arith.constant 1 : i32
    %shift_right_logical3A_116 = vector.broadcast %shift_right_logical3A_115 : i32 to vector<16xi32>
    %shift_right_logical3A_117 = arith.shrui %mul3A_114, %shift_right_logical3A_116 : vector<16xi32>
    %add3A_118 = arith.addi %shift_right_logical3A_117, %and3A_110 : vector<16xi32>
    %sub3A_119 = vector.broadcast %multiple_of3A : i32 to vector<16xi32>
    %sub3A_120 = arith.subi %add3A_118, %sub3A_119 : vector<16xi32>
    %le3A_121 = arith.cmpi sle, %and3A_110, %shift_right_logical3A_107 : vector<16xi32>
    %jit3A_122 = arith.constant 0 : i32
    %jit3A_123 = arith.constant 511 : i32
    %max3A_124 = vector.broadcast %jit3A_122 : i32 to vector<16xi32>
    %max3A_125 = arith.maxsi %max3A_124, %sub3A_120 : vector<16xi32>
    %min3A_126 = vector.broadcast %jit3A_123 : i32 to vector<16xi32>
    %min3A_127 = arith.minsi %min3A_126, %max3A_125 : vector<16xi32>
    %gather3A_128 = tpu.vector_load_idx %arg4[%min3A_127] masked %le3A_121 : memref<512xf32, #tpu.memory_space<vmem>>[vector<16xi32>], vector<16xf32>, vector<16xi1>
    %jit3A_129 = arith.constant 0.000000e+00 : f32
    %broadcast_in_dim3A_130 = vector.broadcast %jit3A_129 : f32 to vector<16xf32>
    %select_n3A_131 = arith.select %le3A_121, %gather3A_128, %broadcast_in_dim3A_130 : vector<16xi1>, vector<16xf32>
    %swap3A_132 = arith.constant 48 : index
    %swap3A_133 = tpu.vector_load %arg5[%swap3A_132] {strides = array<i32>} : memref<512xf32, #tpu.memory_space<vmem>>, vector<16xf32>,
    tpu.vector_store %arg5[%swap3A_132], %select_n3A_131 {strides = array<i32>} : memref<512xf32, #tpu.memory_space<vmem>>, vector<16xf32>,
    %add3A_134 = arith.constant 64 : i32
    %add3A_135 = arith.addi %mul3A_11, %add3A_134 : i32
    %add3A_136 = vector.broadcast %add3A_135 : i32 to vector<16xi32>
    %add3A_137 = arith.addi %add3A_136, %iota3A : vector<16xi32>
    %shift_right_logical3A_138 = arith.constant 7 : i32
    %shift_right_logical3A_139 = vector.broadcast %shift_right_logical3A_138 : i32 to vector<16xi32>
    %shift_right_logical3A_140 = arith.shrui %add3A_137, %shift_right_logical3A_139 : vector<16xi32>
    %and3A_141 = arith.constant 127 : i32
    %and3A_142 = vector.broadcast %and3A_141 : i32 to vector<16xi32>
    %and3A_143 = arith.andi %add3A_137, %and3A_142 : vector<16xi32>
    %add3A_144 = arith.constant 1 : i32
    %add3A_145 = vector.broadcast %add3A_144 : i32 to vector<16xi32>
    %add3A_146 = arith.addi %shift_right_logical3A_140, %add3A_145 : vector<16xi32>
    %mul3A_147 = arith.muli %shift_right_logical3A_140, %add3A_146 : vector<16xi32>
    %shift_right_logical3A_148 = arith.constant 1 : i32
    %shift_right_logical3A_149 = vector.broadcast %shift_right_logical3A_148 : i32 to vector<16xi32>
    %shift_right_logical3A_150 = arith.shrui %mul3A_147, %shift_right_logical3A_149 : vector<16xi32>
    %add3A_151 = arith.addi %shift_right_logical3A_150, %and3A_143 : vector<16xi32>
    %sub3A_152 = vector.broadcast %multiple_of3A : i32 to vector<16xi32>
    %sub3A_153 = arith.subi %add3A_151, %sub3A_152 : vector<16xi32>
    %le3A_154 = arith.cmpi sle, %and3A_143, %shift_right_logical3A_140 : vector<16xi32>
    %jit3A_155 = arith.constant 0 : i32
    %jit3A_156 = arith.constant 511 : i32
    %max3A_157 = vector.broadcast %jit3A_155 : i32 to vector<16xi32>
    %max3A_158 = arith.maxsi %max3A_157, %sub3A_153 : vector<16xi32>
    %min3A_159 = vector.broadcast %jit3A_156 : i32 to vector<16xi32>
    %min3A_160 = arith.minsi %min3A_159, %max3A_158 : vector<16xi32>
    %gather3A_161 = tpu.vector_load_idx %arg4[%min3A_160] masked %le3A_154 : memref<512xf32, #tpu.memory_space<vmem>>[vector<16xi32>], vector<16xf32>, vector<16xi1>
    %jit3A_162 = arith.constant 0.000000e+00 : f32
    %broadcast_in_dim3A_163 = vector.broadcast %jit3A_162 : f32 to vector<16xf32>
    %select_n3A_164 = arith.select %le3A_154, %gather3A_161, %broadcast_in_dim3A_163 : vector<16xi1>, vector<16xf32>
    %swap3A_165 = arith.constant 64 : index
    %swap3A_166 = tpu.vector_load %arg5[%swap3A_165] {strides = array<i32>} : memref<512xf32, #tpu.memory_space<vmem>>, vector<16xf32>,
    tpu.vector_store %arg5[%swap3A_165], %select_n3A_164 {strides = array<i32>} : memref<512xf32, #tpu.memory_space<vmem>>, vector<16xf32>,
    %add3A_167 = arith.constant 80 : i32
    %add3A_168 = arith.addi %mul3A_11, %add3A_167 : i32
    %add3A_169 = vector.broadcast %add3A_168 : i32 to vector<16xi32>
    %add3A_170 = arith.addi %add3A_169, %iota3A : vector<16xi32>
    %shift_right_logical3A_171 = arith.constant 7 : i32
    %shift_right_logical3A_172 = vector.broadcast %shift_right_logical3A_171 : i32 to vector<16xi32>
    %shift_right_logical3A_173 = arith.shrui %add3A_170, %shift_right_logical3A_172 : vector<16xi32>
    %and3A_174 = arith.constant 127 : i32
    %and3A_175 = vector.broadcast %and3A_174 : i32 to vector<16xi32>
    %and3A_176 = arith.andi %add3A_170, %and3A_175 : vector<16xi32>
    %add3A_177 = arith.constant 1 : i32
    %add3A_178 = vector.broadcast %add3A_177 : i32 to vector<16xi32>
    %add3A_179 = arith.addi %shift_right_logical3A_173, %add3A_178 : vector<16xi32>
    %mul3A_180 = arith.muli %shift_right_logical3A_173, %add3A_179 : vector<16xi32>
    %shift_right_logical3A_181 = arith.constant 1 : i32
    %shift_right_logical3A_182 = vector.broadcast %shift_right_logical3A_181 : i32 to vector<16xi32>
    %shift_right_logical3A_183 = arith.shrui %mul3A_180, %shift_right_logical3A_182 : vector<16xi32>
    %add3A_184 = arith.addi %shift_right_logical3A_183, %and3A_176 : vector<16xi32>
    %sub3A_185 = vector.broadcast %multiple_of3A : i32 to vector<16xi32>
    %sub3A_186 = arith.subi %add3A_184, %sub3A_185 : vector<16xi32>
    %le3A_187 = arith.cmpi sle, %and3A_176, %shift_right_logical3A_173 : vector<16xi32>
    %jit3A_188 = arith.constant 0 : i32
    %jit3A_189 = arith.constant 511 : i32
    %max3A_190 = vector.broadcast %jit3A_188 : i32 to vector<16xi32>
    %max3A_191 = arith.maxsi %max3A_190, %sub3A_186 : vector<16xi32>
    %min3A_192 = vector.broadcast %jit3A_189 : i32 to vector<16xi32>
    %min3A_193 = arith.minsi %min3A_192, %max3A_191 : vector<16xi32>
    %gather3A_194 = tpu.vector_load_idx %arg4[%min3A_193] masked %le3A_187 : memref<512xf32, #tpu.memory_space<vmem>>[vector<16xi32>], vector<16xf32>, vector<16xi1>
    %jit3A_195 = arith.constant 0.000000e+00 : f32
    %broadcast_in_dim3A_196 = vector.broadcast %jit3A_195 : f32 to vector<16xf32>
    %select_n3A_197 = arith.select %le3A_187, %gather3A_194, %broadcast_in_dim3A_196 : vector<16xi1>, vector<16xf32>
    %swap3A_198 = arith.constant 80 : index
    %swap3A_199 = tpu.vector_load %arg5[%swap3A_198] {strides = array<i32>} : memref<512xf32, #tpu.memory_space<vmem>>, vector<16xf32>,
    tpu.vector_store %arg5[%swap3A_198], %select_n3A_197 {strides = array<i32>} : memref<512xf32, #tpu.memory_space<vmem>>, vector<16xf32>,
    %add3A_200 = arith.constant 96 : i32
    %add3A_201 = arith.addi %mul3A_11, %add3A_200 : i32
    %add3A_202 = vector.broadcast %add3A_201 : i32 to vector<16xi32>
    %add3A_203 = arith.addi %add3A_202, %iota3A : vector<16xi32>
    %shift_right_logical3A_204 = arith.constant 7 : i32
    %shift_right_logical3A_205 = vector.broadcast %shift_right_logical3A_204 : i32 to vector<16xi32>
    %shift_right_logical3A_206 = arith.shrui %add3A_203, %shift_right_logical3A_205 : vector<16xi32>
    %and3A_207 = arith.constant 127 : i32
    %and3A_208 = vector.broadcast %and3A_207 : i32 to vector<16xi32>
    %and3A_209 = arith.andi %add3A_203, %and3A_208 : vector<16xi32>
    %add3A_210 = arith.constant 1 : i32
    %add3A_211 = vector.broadcast %add3A_210 : i32 to vector<16xi32>
    %add3A_212 = arith.addi %shift_right_logical3A_206, %add3A_211 : vector<16xi32>
    %mul3A_213 = arith.muli %shift_right_logical3A_206, %add3A_212 : vector<16xi32>
    %shift_right_logical3A_214 = arith.constant 1 : i32
    %shift_right_logical3A_215 = vector.broadcast %shift_right_logical3A_214 : i32 to vector<16xi32>
    %shift_right_logical3A_216 = arith.shrui %mul3A_213, %shift_right_logical3A_215 : vector<16xi32>
    %add3A_217 = arith.addi %shift_right_logical3A_216, %and3A_209 : vector<16xi32>
    %sub3A_218 = vector.broadcast %multiple_of3A : i32 to vector<16xi32>
    %sub3A_219 = arith.subi %add3A_217, %sub3A_218 : vector<16xi32>
    %le3A_220 = arith.cmpi sle, %and3A_209, %shift_right_logical3A_206 : vector<16xi32>
    %jit3A_221 = arith.constant 0 : i32
    %jit3A_222 = arith.constant 511 : i32
    %max3A_223 = vector.broadcast %jit3A_221 : i32 to vector<16xi32>
    %max3A_224 = arith.maxsi %max3A_223, %sub3A_219 : vector<16xi32>
    %min3A_225 = vector.broadcast %jit3A_222 : i32 to vector<16xi32>
    %min3A_226 = arith.minsi %min3A_225, %max3A_224 : vector<16xi32>
    %gather3A_227 = tpu.vector_load_idx %arg4[%min3A_226] masked %le3A_220 : memref<512xf32, #tpu.memory_space<vmem>>[vector<16xi32>], vector<16xf32>, vector<16xi1>
    %jit3A_228 = arith.constant 0.000000e+00 : f32
    %broadcast_in_dim3A_229 = vector.broadcast %jit3A_228 : f32 to vector<16xf32>
    %select_n3A_230 = arith.select %le3A_220, %gather3A_227, %broadcast_in_dim3A_229 : vector<16xi1>, vector<16xf32>
    %swap3A_231 = arith.constant 96 : index
    %swap3A_232 = tpu.vector_load %arg5[%swap3A_231] {strides = array<i32>} : memref<512xf32, #tpu.memory_space<vmem>>, vector<16xf32>,
    tpu.vector_store %arg5[%swap3A_231], %select_n3A_230 {strides = array<i32>} : memref<512xf32, #tpu.memory_space<vmem>>, vector<16xf32>,
    %add3A_233 = arith.constant 112 : i32
    %add3A_234 = arith.addi %mul3A_11, %add3A_233 : i32
    %add3A_235 = vector.broadcast %add3A_234 : i32 to vector<16xi32>
    %add3A_236 = arith.addi %add3A_235, %iota3A : vector<16xi32>
    %shift_right_logical3A_237 = arith.constant 7 : i32
    %shift_right_logical3A_238 = vector.broadcast %shift_right_logical3A_237 : i32 to vector<16xi32>
    %shift_right_logical3A_239 = arith.shrui %add3A_236, %shift_right_logical3A_238 : vector<16xi32>
    %and3A_240 = arith.constant 127 : i32
    %and3A_241 = vector.broadcast %and3A_240 : i32 to vector<16xi32>
    %and3A_242 = arith.andi %add3A_236, %and3A_241 : vector<16xi32>
    %add3A_243 = arith.constant 1 : i32
    %add3A_244 = vector.broadcast %add3A_243 : i32 to vector<16xi32>
    %add3A_245 = arith.addi %shift_right_logical3A_239, %add3A_244 : vector<16xi32>
    %mul3A_246 = arith.muli %shift_right_logical3A_239, %add3A_245 : vector<16xi32>
    %shift_right_logical3A_247 = arith.constant 1 : i32
    %shift_right_logical3A_248 = vector.broadcast %shift_right_logical3A_247 : i32 to vector<16xi32>
    %shift_right_logical3A_249 = arith.shrui %mul3A_246, %shift_right_logical3A_248 : vector<16xi32>
    %add3A_250 = arith.addi %shift_right_logical3A_249, %and3A_242 : vector<16xi32>
    %sub3A_251 = vector.broadcast %multiple_of3A : i32 to vector<16xi32>
    %sub3A_252 = arith.subi %add3A_250, %sub3A_251 : vector<16xi32>
    %le3A_253 = arith.cmpi sle, %and3A_242, %shift_right_logical3A_239 : vector<16xi32>
    %jit3A_254 = arith.constant 0 : i32
    %jit3A_255 = arith.constant 511 : i32
    %max3A_256 = vector.broadcast %jit3A_254 : i32 to vector<16xi32>
    %max3A_257 = arith.maxsi %max3A_256, %sub3A_252 : vector<16xi32>
    %min3A_258 = vector.broadcast %jit3A_255 : i32 to vector<16xi32>
    %min3A_259 = arith.minsi %min3A_258, %max3A_257 : vector<16xi32>
    %gather3A_260 = tpu.vector_load_idx %arg4[%min3A_259] masked %le3A_253 : memref<512xf32, #tpu.memory_space<vmem>>[vector<16xi32>], vector<16xf32>, vector<16xi1>
    %jit3A_261 = arith.constant 0.000000e+00 : f32
    %broadcast_in_dim3A_262 = vector.broadcast %jit3A_261 : f32 to vector<16xf32>
    %select_n3A_263 = arith.select %le3A_253, %gather3A_260, %broadcast_in_dim3A_262 : vector<16xi1>, vector<16xf32>
    %swap3A_264 = arith.constant 112 : index
    %swap3A_265 = tpu.vector_load %arg5[%swap3A_264] {strides = array<i32>} : memref<512xf32, #tpu.memory_space<vmem>>, vector<16xf32>,
    tpu.vector_store %arg5[%swap3A_264], %select_n3A_263 {strides = array<i32>} : memref<512xf32, #tpu.memory_space<vmem>>, vector<16xf32>,
    %add3A_266 = arith.constant 128 : i32
    %add3A_267 = arith.addi %mul3A_11, %add3A_266 : i32
    %add3A_268 = vector.broadcast %add3A_267 : i32 to vector<16xi32>
    %add3A_269 = arith.addi %add3A_268, %iota3A : vector<16xi32>
    %shift_right_logical3A_270 = arith.constant 7 : i32
    %shift_right_logical3A_271 = vector.broadcast %shift_right_logical3A_270 : i32 to vector<16xi32>
    %shift_right_logical3A_272 = arith.shrui %add3A_269, %shift_right_logical3A_271 : vector<16xi32>
    %and3A_273 = arith.constant 127 : i32
    %and3A_274 = vector.broadcast %and3A_273 : i32 to vector<16xi32>
    %and3A_275 = arith.andi %add3A_269, %and3A_274 : vector<16xi32>
    %add3A_276 = arith.constant 1 : i32
    %add3A_277 = vector.broadcast %add3A_276 : i32 to vector<16xi32>
    %add3A_278 = arith.addi %shift_right_logical3A_272, %add3A_277 : vector<16xi32>
    %mul3A_279 = arith.muli %shift_right_logical3A_272, %add3A_278 : vector<16xi32>
    %shift_right_logical3A_280 = arith.constant 1 : i32
    %shift_right_logical3A_281 = vector.broadcast %shift_right_logical3A_280 : i32 to vector<16xi32>
    %shift_right_logical3A_282 = arith.shrui %mul3A_279, %shift_right_logical3A_281 : vector<16xi32>
    %add3A_283 = arith.addi %shift_right_logical3A_282, %and3A_275 : vector<16xi32>
    %sub3A_284 = vector.broadcast %multiple_of3A : i32 to vector<16xi32>
    %sub3A_285 = arith.subi %add3A_283, %sub3A_284 : vector<16xi32>
    %le3A_286 = arith.cmpi sle, %and3A_275, %shift_right_logical3A_272 : vector<16xi32>
    %jit3A_287 = arith.constant 0 : i32
    %jit3A_288 = arith.constant 511 : i32
    %max3A_289 = vector.broadcast %jit3A_287 : i32 to vector<16xi32>
    %max3A_290 = arith.maxsi %max3A_289, %sub3A_285 : vector<16xi32>
    %min3A_291 = vector.broadcast %jit3A_288 : i32 to vector<16xi32>
    %min3A_292 = arith.minsi %min3A_291, %max3A_290 : vector<16xi32>
    %gather3A_293 = tpu.vector_load_idx %arg4[%min3A_292] masked %le3A_286 : memref<512xf32, #tpu.memory_space<vmem>>[vector<16xi32>], vector<16xf32>, vector<16xi1>
    %jit3A_294 = arith.constant 0.000000e+00 : f32
    %broadcast_in_dim3A_295 = vector.broadcast %jit3A_294 : f32 to vector<16xf32>
    %select_n3A_296 = arith.select %le3A_286, %gather3A_293, %broadcast_in_dim3A_295 : vector<16xi1>, vector<16xf32>
    %swap3A_297 = arith.constant 128 : index
    %swap3A_298 = tpu.vector_load %arg5[%swap3A_297] {strides = array<i32>} : memref<512xf32, #tpu.memory_space<vmem>>, vector<16xf32>,
    tpu.vector_store %arg5[%swap3A_297], %select_n3A_296 {strides = array<i32>} : memref<512xf32, #tpu.memory_space<vmem>>, vector<16xf32>,
    %add3A_299 = arith.constant 144 : i32
    %add3A_300 = arith.addi %mul3A_11, %add3A_299 : i32
    %add3A_301 = vector.broadcast %add3A_300 : i32 to vector<16xi32>
    %add3A_302 = arith.addi %add3A_301, %iota3A : vector<16xi32>
    %shift_right_logical3A_303 = arith.constant 7 : i32
    %shift_right_logical3A_304 = vector.broadcast %shift_right_logical3A_303 : i32 to vector<16xi32>
    %shift_right_logical3A_305 = arith.shrui %add3A_302, %shift_right_logical3A_304 : vector<16xi32>
    %and3A_306 = arith.constant 127 : i32
    %and3A_307 = vector.broadcast %and3A_306 : i32 to vector<16xi32>
    %and3A_308 = arith.andi %add3A_302, %and3A_307 : vector<16xi32>
    %add3A_309 = arith.constant 1 : i32
    %add3A_310 = vector.broadcast %add3A_309 : i32 to vector<16xi32>
    %add3A_311 = arith.addi %shift_right_logical3A_305, %add3A_310 : vector<16xi32>
    %mul3A_312 = arith.muli %shift_right_logical3A_305, %add3A_311 : vector<16xi32>
    %shift_right_logical3A_313 = arith.constant 1 : i32
    %shift_right_logical3A_314 = vector.broadcast %shift_right_logical3A_313 : i32 to vector<16xi32>
    %shift_right_logical3A_315 = arith.shrui %mul3A_312, %shift_right_logical3A_314 : vector<16xi32>
    %add3A_316 = arith.addi %shift_right_logical3A_315, %and3A_308 : vector<16xi32>
    %sub3A_317 = vector.broadcast %multiple_of3A : i32 to vector<16xi32>
    %sub3A_318 = arith.subi %add3A_316, %sub3A_317 : vector<16xi32>
    %le3A_319 = arith.cmpi sle, %and3A_308, %shift_right_logical3A_305 : vector<16xi32>
    %jit3A_320 = arith.constant 0 : i32
    %jit3A_321 = arith.constant 511 : i32
    %max3A_322 = vector.broadcast %jit3A_320 : i32 to vector<16xi32>
    %max3A_323 = arith.maxsi %max3A_322, %sub3A_318 : vector<16xi32>
    %min3A_324 = vector.broadcast %jit3A_321 : i32 to vector<16xi32>
    %min3A_325 = arith.minsi %min3A_324, %max3A_323 : vector<16xi32>
    %gather3A_326 = tpu.vector_load_idx %arg4[%min3A_325] masked %le3A_319 : memref<512xf32, #tpu.memory_space<vmem>>[vector<16xi32>], vector<16xf32>, vector<16xi1>
    %jit3A_327 = arith.constant 0.000000e+00 : f32
    %broadcast_in_dim3A_328 = vector.broadcast %jit3A_327 : f32 to vector<16xf32>
    %select_n3A_329 = arith.select %le3A_319, %gather3A_326, %broadcast_in_dim3A_328 : vector<16xi1>, vector<16xf32>
    %swap3A_330 = arith.constant 144 : index
    %swap3A_331 = tpu.vector_load %arg5[%swap3A_330] {strides = array<i32>} : memref<512xf32, #tpu.memory_space<vmem>>, vector<16xf32>,
    tpu.vector_store %arg5[%swap3A_330], %select_n3A_329 {strides = array<i32>} : memref<512xf32, #tpu.memory_space<vmem>>, vector<16xf32>,
    %add3A_332 = arith.constant 160 : i32
    %add3A_333 = arith.addi %mul3A_11, %add3A_332 : i32
    %add3A_334 = vector.broadcast %add3A_333 : i32 to vector<16xi32>
    %add3A_335 = arith.addi %add3A_334, %iota3A : vector<16xi32>
    %shift_right_logical3A_336 = arith.constant 7 : i32
    %shift_right_logical3A_337 = vector.broadcast %shift_right_logical3A_336 : i32 to vector<16xi32>
    %shift_right_logical3A_338 = arith.shrui %add3A_335, %shift_right_logical3A_337 : vector<16xi32>
    %and3A_339 = arith.constant 127 : i32
    %and3A_340 = vector.broadcast %and3A_339 : i32 to vector<16xi32>
    %and3A_341 = arith.andi %add3A_335, %and3A_340 : vector<16xi32>
    %add3A_342 = arith.constant 1 : i32
    %add3A_343 = vector.broadcast %add3A_342 : i32 to vector<16xi32>
    %add3A_344 = arith.addi %shift_right_logical3A_338, %add3A_343 : vector<16xi32>
    %mul3A_345 = arith.muli %shift_right_logical3A_338, %add3A_344 : vector<16xi32>
    %shift_right_logical3A_346 = arith.constant 1 : i32
    %shift_right_logical3A_347 = vector.broadcast %shift_right_logical3A_346 : i32 to vector<16xi32>
    %shift_right_logical3A_348 = arith.shrui %mul3A_345, %shift_right_logical3A_347 : vector<16xi32>
    %add3A_349 = arith.addi %shift_right_logical3A_348, %and3A_341 : vector<16xi32>
    %sub3A_350 = vector.broadcast %multiple_of3A : i32 to vector<16xi32>
    %sub3A_351 = arith.subi %add3A_349, %sub3A_350 : vector<16xi32>
    %le3A_352 = arith.cmpi sle, %and3A_341, %shift_right_logical3A_338 : vector<16xi32>
    %jit3A_353 = arith.constant 0 : i32
    %jit3A_354 = arith.constant 511 : i32
    %max3A_355 = vector.broadcast %jit3A_353 : i32 to vector<16xi32>
    %max3A_356 = arith.maxsi %max3A_355, %sub3A_351 : vector<16xi32>
    %min3A_357 = vector.broadcast %jit3A_354 : i32 to vector<16xi32>
    %min3A_358 = arith.minsi %min3A_357, %max3A_356 : vector<16xi32>
    %gather3A_359 = tpu.vector_load_idx %arg4[%min3A_358] masked %le3A_352 : memref<512xf32, #tpu.memory_space<vmem>>[vector<16xi32>], vector<16xf32>, vector<16xi1>
    %jit3A_360 = arith.constant 0.000000e+00 : f32
    %broadcast_in_dim3A_361 = vector.broadcast %jit3A_360 : f32 to vector<16xf32>
    %select_n3A_362 = arith.select %le3A_352, %gather3A_359, %broadcast_in_dim3A_361 : vector<16xi1>, vector<16xf32>
    %swap3A_363 = arith.constant 160 : index
    %swap3A_364 = tpu.vector_load %arg5[%swap3A_363] {strides = array<i32>} : memref<512xf32, #tpu.memory_space<vmem>>, vector<16xf32>,
    tpu.vector_store %arg5[%swap3A_363], %select_n3A_362 {strides = array<i32>} : memref<512xf32, #tpu.memory_space<vmem>>, vector<16xf32>,
    %add3A_365 = arith.constant 176 : i32
    %add3A_366 = arith.addi %mul3A_11, %add3A_365 : i32
    %add3A_367 = vector.broadcast %add3A_366 : i32 to vector<16xi32>
    %add3A_368 = arith.addi %add3A_367, %iota3A : vector<16xi32>
    %shift_right_logical3A_369 = arith.constant 7 : i32
    %shift_right_logical3A_370 = vector.broadcast %shift_right_logical3A_369 : i32 to vector<16xi32>
    %shift_right_logical3A_371 = arith.shrui %add3A_368, %shift_right_logical3A_370 : vector<16xi32>
    %and3A_372 = arith.constant 127 : i32
    %and3A_373 = vector.broadcast %and3A_372 : i32 to vector<16xi32>
    %and3A_374 = arith.andi %add3A_368, %and3A_373 : vector<16xi32>
    %add3A_375 = arith.constant 1 : i32
    %add3A_376 = vector.broadcast %add3A_375 : i32 to vector<16xi32>
    %add3A_377 = arith.addi %shift_right_logical3A_371, %add3A_376 : vector<16xi32>
    %mul3A_378 = arith.muli %shift_right_logical3A_371, %add3A_377 : vector<16xi32>
    %shift_right_logical3A_379 = arith.constant 1 : i32
    %shift_right_logical3A_380 = vector.broadcast %shift_right_logical3A_379 : i32 to vector<16xi32>
    %shift_right_logical3A_381 = arith.shrui %mul3A_378, %shift_right_logical3A_380 : vector<16xi32>
    %add3A_382 = arith.addi %shift_right_logical3A_381, %and3A_374 : vector<16xi32>
    %sub3A_383 = vector.broadcast %multiple_of3A : i32 to vector<16xi32>
    %sub3A_384 = arith.subi %add3A_382, %sub3A_383 : vector<16xi32>
    %le3A_385 = arith.cmpi sle, %and3A_374, %shift_right_logical3A_371 : vector<16xi32>
    %jit3A_386 = arith.constant 0 : i32
    %jit3A_387 = arith.constant 511 : i32
    %max3A_388 = vector.broadcast %jit3A_386 : i32 to vector<16xi32>
    %max3A_389 = arith.maxsi %max3A_388, %sub3A_384 : vector<16xi32>
    %min3A_390 = vector.broadcast %jit3A_387 : i32 to vector<16xi32>
    %min3A_391 = arith.minsi %min3A_390, %max3A_389 : vector<16xi32>
    %gather3A_392 = tpu.vector_load_idx %arg4[%min3A_391] masked %le3A_385 : memref<512xf32, #tpu.memory_space<vmem>>[vector<16xi32>], vector<16xf32>, vector<16xi1>
    %jit3A_393 = arith.constant 0.000000e+00 : f32
    %broadcast_in_dim3A_394 = vector.broadcast %jit3A_393 : f32 to vector<16xf32>
    %select_n3A_395 = arith.select %le3A_385, %gather3A_392, %broadcast_in_dim3A_394 : vector<16xi1>, vector<16xf32>
    %swap3A_396 = arith.constant 176 : index
    %swap3A_397 = tpu.vector_load %arg5[%swap3A_396] {strides = array<i32>} : memref<512xf32, #tpu.memory_space<vmem>>, vector<16xf32>,
    tpu.vector_store %arg5[%swap3A_396], %select_n3A_395 {strides = array<i32>} : memref<512xf32, #tpu.memory_space<vmem>>, vector<16xf32>,
    %add3A_398 = arith.constant 192 : i32
    %add3A_399 = arith.addi %mul3A_11, %add3A_398 : i32
    %add3A_400 = vector.broadcast %add3A_399 : i32 to vector<16xi32>
    %add3A_401 = arith.addi %add3A_400, %iota3A : vector<16xi32>
    %shift_right_logical3A_402 = arith.constant 7 : i32
    %shift_right_logical3A_403 = vector.broadcast %shift_right_logical3A_402 : i32 to vector<16xi32>
    %shift_right_logical3A_404 = arith.shrui %add3A_401, %shift_right_logical3A_403 : vector<16xi32>
    %and3A_405 = arith.constant 127 : i32
    %and3A_406 = vector.broadcast %and3A_405 : i32 to vector<16xi32>
    %and3A_407 = arith.andi %add3A_401, %and3A_406 : vector<16xi32>
    %add3A_408 = arith.constant 1 : i32
    %add3A_409 = vector.broadcast %add3A_408 : i32 to vector<16xi32>
    %add3A_410 = arith.addi %shift_right_logical3A_404, %add3A_409 : vector<16xi32>
    %mul3A_411 = arith.muli %shift_right_logical3A_404, %add3A_410 : vector<16xi32>
    %shift_right_logical3A_412 = arith.constant 1 : i32
    %shift_right_logical3A_413 = vector.broadcast %shift_right_logical3A_412 : i32 to vector<16xi32>
    %shift_right_logical3A_414 = arith.shrui %mul3A_411, %shift_right_logical3A_413 : vector<16xi32>
    %add3A_415 = arith.addi %shift_right_logical3A_414, %and3A_407 : vector<16xi32>
    %sub3A_416 = vector.broadcast %multiple_of3A : i32 to vector<16xi32>
    %sub3A_417 = arith.subi %add3A_415, %sub3A_416 : vector<16xi32>
    %le3A_418 = arith.cmpi sle, %and3A_407, %shift_right_logical3A_404 : vector<16xi32>
    %jit3A_419 = arith.constant 0 : i32
    %jit3A_420 = arith.constant 511 : i32
    %max3A_421 = vector.broadcast %jit3A_419 : i32 to vector<16xi32>
    %max3A_422 = arith.maxsi %max3A_421, %sub3A_417 : vector<16xi32>
    %min3A_423 = vector.broadcast %jit3A_420 : i32 to vector<16xi32>
    %min3A_424 = arith.minsi %min3A_423, %max3A_422 : vector<16xi32>
    %gather3A_425 = tpu.vector_load_idx %arg4[%min3A_424] masked %le3A_418 : memref<512xf32, #tpu.memory_space<vmem>>[vector<16xi32>], vector<16xf32>, vector<16xi1>
    %jit3A_426 = arith.constant 0.000000e+00 : f32
    %broadcast_in_dim3A_427 = vector.broadcast %jit3A_426 : f32 to vector<16xf32>
    %select_n3A_428 = arith.select %le3A_418, %gather3A_425, %broadcast_in_dim3A_427 : vector<16xi1>, vector<16xf32>
    %swap3A_429 = arith.constant 192 : index
    %swap3A_430 = tpu.vector_load %arg5[%swap3A_429] {strides = array<i32>} : memref<512xf32, #tpu.memory_space<vmem>>, vector<16xf32>,
    tpu.vector_store %arg5[%swap3A_429], %select_n3A_428 {strides = array<i32>} : memref<512xf32, #tpu.memory_space<vmem>>, vector<16xf32>,
    %add3A_431 = arith.constant 208 : i32
    %add3A_432 = arith.addi %mul3A_11, %add3A_431 : i32
    %add3A_433 = vector.broadcast %add3A_432 : i32 to vector<16xi32>
    %add3A_434 = arith.addi %add3A_433, %iota3A : vector<16xi32>
    %shift_right_logical3A_435 = arith.constant 7 : i32
    %shift_right_logical3A_436 = vector.broadcast %shift_right_logical3A_435 : i32 to vector<16xi32>
    %shift_right_logical3A_437 = arith.shrui %add3A_434, %shift_right_logical3A_436 : vector<16xi32>
    %and3A_438 = arith.constant 127 : i32
    %and3A_439 = vector.broadcast %and3A_438 : i32 to vector<16xi32>
    %and3A_440 = arith.andi %add3A_434, %and3A_439 : vector<16xi32>
    %add3A_441 = arith.constant 1 : i32
    %add3A_442 = vector.broadcast %add3A_441 : i32 to vector<16xi32>
    %add3A_443 = arith.addi %shift_right_logical3A_437, %add3A_442 : vector<16xi32>
    %mul3A_444 = arith.muli %shift_right_logical3A_437, %add3A_443 : vector<16xi32>
    %shift_right_logical3A_445 = arith.constant 1 : i32
    %shift_right_logical3A_446 = vector.broadcast %shift_right_logical3A_445 : i32 to vector<16xi32>
    %shift_right_logical3A_447 = arith.shrui %mul3A_444, %shift_right_logical3A_446 : vector<16xi32>
    %add3A_448 = arith.addi %shift_right_logical3A_447, %and3A_440 : vector<16xi32>
    %sub3A_449 = vector.broadcast %multiple_of3A : i32 to vector<16xi32>
    %sub3A_450 = arith.subi %add3A_448, %sub3A_449 : vector<16xi32>
    %le3A_451 = arith.cmpi sle, %and3A_440, %shift_right_logical3A_437 : vector<16xi32>
    %jit3A_452 = arith.constant 0 : i32
    %jit3A_453 = arith.constant 511 : i32
    %max3A_454 = vector.broadcast %jit3A_452 : i32 to vector<16xi32>
    %max3A_455 = arith.maxsi %max3A_454, %sub3A_450 : vector<16xi32>
    %min3A_456 = vector.broadcast %jit3A_453 : i32 to vector<16xi32>
    %min3A_457 = arith.minsi %min3A_456, %max3A_455 : vector<16xi32>
    %gather3A_458 = tpu.vector_load_idx %arg4[%min3A_457] masked %le3A_451 : memref<512xf32, #tpu.memory_space<vmem>>[vector<16xi32>], vector<16xf32>, vector<16xi1>
    %jit3A_459 = arith.constant 0.000000e+00 : f32
    %broadcast_in_dim3A_460 = vector.broadcast %jit3A_459 : f32 to vector<16xf32>
    %select_n3A_461 = arith.select %le3A_451, %gather3A_458, %broadcast_in_dim3A_460 : vector<16xi1>, vector<16xf32>
    %swap3A_462 = arith.constant 208 : index
    %swap3A_463 = tpu.vector_load %arg5[%swap3A_462] {strides = array<i32>} : memref<512xf32, #tpu.memory_space<vmem>>, vector<16xf32>,
    tpu.vector_store %arg5[%swap3A_462], %select_n3A_461 {strides = array<i32>} : memref<512xf32, #tpu.memory_space<vmem>>, vector<16xf32>,
    %add3A_464 = arith.constant 224 : i32
    %add3A_465 = arith.addi %mul3A_11, %add3A_464 : i32
    %add3A_466 = vector.broadcast %add3A_465 : i32 to vector<16xi32>
    %add3A_467 = arith.addi %add3A_466, %iota3A : vector<16xi32>
    %shift_right_logical3A_468 = arith.constant 7 : i32
    %shift_right_logical3A_469 = vector.broadcast %shift_right_logical3A_468 : i32 to vector<16xi32>
    %shift_right_logical3A_470 = arith.shrui %add3A_467, %shift_right_logical3A_469 : vector<16xi32>
    %and3A_471 = arith.constant 127 : i32
    %and3A_472 = vector.broadcast %and3A_471 : i32 to vector<16xi32>
    %and3A_473 = arith.andi %add3A_467, %and3A_472 : vector<16xi32>
    %add3A_474 = arith.constant 1 : i32
    %add3A_475 = vector.broadcast %add3A_474 : i32 to vector<16xi32>
    %add3A_476 = arith.addi %shift_right_logical3A_470, %add3A_475 : vector<16xi32>
    %mul3A_477 = arith.muli %shift_right_logical3A_470, %add3A_476 : vector<16xi32>
    %shift_right_logical3A_478 = arith.constant 1 : i32
    %shift_right_logical3A_479 = vector.broadcast %shift_right_logical3A_478 : i32 to vector<16xi32>
    %shift_right_logical3A_480 = arith.shrui %mul3A_477, %shift_right_logical3A_479 : vector<16xi32>
    %add3A_481 = arith.addi %shift_right_logical3A_480, %and3A_473 : vector<16xi32>
    %sub3A_482 = vector.broadcast %multiple_of3A : i32 to vector<16xi32>
    %sub3A_483 = arith.subi %add3A_481, %sub3A_482 : vector<16xi32>
    %le3A_484 = arith.cmpi sle, %and3A_473, %shift_right_logical3A_470 : vector<16xi32>
    %jit3A_485 = arith.constant 0 : i32
    %jit3A_486 = arith.constant 511 : i32
    %max3A_487 = vector.broadcast %jit3A_485 : i32 to vector<16xi32>
    %max3A_488 = arith.maxsi %max3A_487, %sub3A_483 : vector<16xi32>
    %min3A_489 = vector.broadcast %jit3A_486 : i32 to vector<16xi32>
    %min3A_490 = arith.minsi %min3A_489, %max3A_488 : vector<16xi32>
    %gather3A_491 = tpu.vector_load_idx %arg4[%min3A_490] masked %le3A_484 : memref<512xf32, #tpu.memory_space<vmem>>[vector<16xi32>], vector<16xf32>, vector<16xi1>
    %jit3A_492 = arith.constant 0.000000e+00 : f32
    %broadcast_in_dim3A_493 = vector.broadcast %jit3A_492 : f32 to vector<16xf32>
    %select_n3A_494 = arith.select %le3A_484, %gather3A_491, %broadcast_in_dim3A_493 : vector<16xi1>, vector<16xf32>
    %swap3A_495 = arith.constant 224 : index
    %swap3A_496 = tpu.vector_load %arg5[%swap3A_495] {strides = array<i32>} : memref<512xf32, #tpu.memory_space<vmem>>, vector<16xf32>,
    tpu.vector_store %arg5[%swap3A_495], %select_n3A_494 {strides = array<i32>} : memref<512xf32, #tpu.memory_space<vmem>>, vector<16xf32>,
    %add3A_497 = arith.constant 240 : i32
    %add3A_498 = arith.addi %mul3A_11, %add3A_497 : i32
    %add3A_499 = vector.broadcast %add3A_498 : i32 to vector<16xi32>
    %add3A_500 = arith.addi %add3A_499, %iota3A : vector<16xi32>
    %shift_right_logical3A_501 = arith.constant 7 : i32
    %shift_right_logical3A_502 = vector.broadcast %shift_right_logical3A_501 : i32 to vector<16xi32>
    %shift_right_logical3A_503 = arith.shrui %add3A_500, %shift_right_logical3A_502 : vector<16xi32>
    %and3A_504 = arith.constant 127 : i32
    %and3A_505 = vector.broadcast %and3A_504 : i32 to vector<16xi32>
    %and3A_506 = arith.andi %add3A_500, %and3A_505 : vector<16xi32>
    %add3A_507 = arith.constant 1 : i32
    %add3A_508 = vector.broadcast %add3A_507 : i32 to vector<16xi32>
    %add3A_509 = arith.addi %shift_right_logical3A_503, %add3A_508 : vector<16xi32>
    %mul3A_510 = arith.muli %shift_right_logical3A_503, %add3A_509 : vector<16xi32>
    %shift_right_logical3A_511 = arith.constant 1 : i32
    %shift_right_logical3A_512 = vector.broadcast %shift_right_logical3A_511 : i32 to vector<16xi32>
    %shift_right_logical3A_513 = arith.shrui %mul3A_510, %shift_right_logical3A_512 : vector<16xi32>
    %add3A_514 = arith.addi %shift_right_logical3A_513, %and3A_506 : vector<16xi32>
    %sub3A_515 = vector.broadcast %multiple_of3A : i32 to vector<16xi32>
    %sub3A_516 = arith.subi %add3A_514, %sub3A_515 : vector<16xi32>
    %le3A_517 = arith.cmpi sle, %and3A_506, %shift_right_logical3A_503 : vector<16xi32>
    %jit3A_518 = arith.constant 0 : i32
    %jit3A_519 = arith.constant 511 : i32
    %max3A_520 = vector.broadcast %jit3A_518 : i32 to vector<16xi32>
    %max3A_521 = arith.maxsi %max3A_520, %sub3A_516 : vector<16xi32>
    %min3A_522 = vector.broadcast %jit3A_519 : i32 to vector<16xi32>
    %min3A_523 = arith.minsi %min3A_522, %max3A_521 : vector<16xi32>
    %gather3A_524 = tpu.vector_load_idx %arg4[%min3A_523] masked %le3A_517 : memref<512xf32, #tpu.memory_space<vmem>>[vector<16xi32>], vector<16xf32>, vector<16xi1>
    %jit3A_525 = arith.constant 0.000000e+00 : f32
    %broadcast_in_dim3A_526 = vector.broadcast %jit3A_525 : f32 to vector<16xf32>
    %select_n3A_527 = arith.select %le3A_517, %gather3A_524, %broadcast_in_dim3A_526 : vector<16xi1>, vector<16xf32>
    %swap3A_528 = arith.constant 240 : index
    %swap3A_529 = tpu.vector_load %arg5[%swap3A_528] {strides = array<i32>} : memref<512xf32, #tpu.memory_space<vmem>>, vector<16xf32>,
    tpu.vector_store %arg5[%swap3A_528], %select_n3A_527 {strides = array<i32>} : memref<512xf32, #tpu.memory_space<vmem>>, vector<16xf32>,
    %add3A_530 = arith.constant 256 : i32
    %add3A_531 = arith.addi %mul3A_11, %add3A_530 : i32
    %add3A_532 = vector.broadcast %add3A_531 : i32 to vector<16xi32>
    %add3A_533 = arith.addi %add3A_532, %iota3A : vector<16xi32>
    %shift_right_logical3A_534 = arith.constant 7 : i32
    %shift_right_logical3A_535 = vector.broadcast %shift_right_logical3A_534 : i32 to vector<16xi32>
    %shift_right_logical3A_536 = arith.shrui %add3A_533, %shift_right_logical3A_535 : vector<16xi32>
    %and3A_537 = arith.constant 127 : i32
    %and3A_538 = vector.broadcast %and3A_537 : i32 to vector<16xi32>
    %and3A_539 = arith.andi %add3A_533, %and3A_538 : vector<16xi32>
    %add3A_540 = arith.constant 1 : i32
    %add3A_541 = vector.broadcast %add3A_540 : i32 to vector<16xi32>
    %add3A_542 = arith.addi %shift_right_logical3A_536, %add3A_541 : vector<16xi32>
    %mul3A_543 = arith.muli %shift_right_logical3A_536, %add3A_542 : vector<16xi32>
    %shift_right_logical3A_544 = arith.constant 1 : i32
    %shift_right_logical3A_545 = vector.broadcast %shift_right_logical3A_544 : i32 to vector<16xi32>
    %shift_right_logical3A_546 = arith.shrui %mul3A_543, %shift_right_logical3A_545 : vector<16xi32>
    %add3A_547 = arith.addi %shift_right_logical3A_546, %and3A_539 : vector<16xi32>
    %sub3A_548 = vector.broadcast %multiple_of3A : i32 to vector<16xi32>
    %sub3A_549 = arith.subi %add3A_547, %sub3A_548 : vector<16xi32>
    %le3A_550 = arith.cmpi sle, %and3A_539, %shift_right_logical3A_536 : vector<16xi32>
    %jit3A_551 = arith.constant 0 : i32
    %jit3A_552 = arith.constant 511 : i32
    %max3A_553 = vector.broadcast %jit3A_551 : i32 to vector<16xi32>
    %max3A_554 = arith.maxsi %max3A_553, %sub3A_549 : vector<16xi32>
    %min3A_555 = vector.broadcast %jit3A_552 : i32 to vector<16xi32>
    %min3A_556 = arith.minsi %min3A_555, %max3A_554 : vector<16xi32>
    %gather3A_557 = tpu.vector_load_idx %arg4[%min3A_556] masked %le3A_550 : memref<512xf32, #tpu.memory_space<vmem>>[vector<16xi32>], vector<16xf32>, vector<16xi1>
    %jit3A_558 = arith.constant 0.000000e+00 : f32
    %broadcast_in_dim3A_559 = vector.broadcast %jit3A_558 : f32 to vector<16xf32>
    %select_n3A_560 = arith.select %le3A_550, %gather3A_557, %broadcast_in_dim3A_559 : vector<16xi1>, vector<16xf32>
    %swap3A_561 = arith.constant 256 : index
    %swap3A_562 = tpu.vector_load %arg5[%swap3A_561] {strides = array<i32>} : memref<512xf32, #tpu.memory_space<vmem>>, vector<16xf32>,
    tpu.vector_store %arg5[%swap3A_561], %select_n3A_560 {strides = array<i32>} : memref<512xf32, #tpu.memory_space<vmem>>, vector<16xf32>,
    %add3A_563 = arith.constant 272 : i32
    %add3A_564 = arith.addi %mul3A_11, %add3A_563 : i32
    %add3A_565 = vector.broadcast %add3A_564 : i32 to vector<16xi32>
    %add3A_566 = arith.addi %add3A_565, %iota3A : vector<16xi32>
    %shift_right_logical3A_567 = arith.constant 7 : i32
    %shift_right_logical3A_568 = vector.broadcast %shift_right_logical3A_567 : i32 to vector<16xi32>
    %shift_right_logical3A_569 = arith.shrui %add3A_566, %shift_right_logical3A_568 : vector<16xi32>
    %and3A_570 = arith.constant 127 : i32
    %and3A_571 = vector.broadcast %and3A_570 : i32 to vector<16xi32>
    %and3A_572 = arith.andi %add3A_566, %and3A_571 : vector<16xi32>
    %add3A_573 = arith.constant 1 : i32
    %add3A_574 = vector.broadcast %add3A_573 : i32 to vector<16xi32>
    %add3A_575 = arith.addi %shift_right_logical3A_569, %add3A_574 : vector<16xi32>
    %mul3A_576 = arith.muli %shift_right_logical3A_569, %add3A_575 : vector<16xi32>
    %shift_right_logical3A_577 = arith.constant 1 : i32
    %shift_right_logical3A_578 = vector.broadcast %shift_right_logical3A_577 : i32 to vector<16xi32>
    %shift_right_logical3A_579 = arith.shrui %mul3A_576, %shift_right_logical3A_578 : vector<16xi32>
    %add3A_580 = arith.addi %shift_right_logical3A_579, %and3A_572 : vector<16xi32>
    %sub3A_581 = vector.broadcast %multiple_of3A : i32 to vector<16xi32>
    %sub3A_582 = arith.subi %add3A_580, %sub3A_581 : vector<16xi32>
    %le3A_583 = arith.cmpi sle, %and3A_572, %shift_right_logical3A_569 : vector<16xi32>
    %jit3A_584 = arith.constant 0 : i32
    %jit3A_585 = arith.constant 511 : i32
    %max3A_586 = vector.broadcast %jit3A_584 : i32 to vector<16xi32>
    %max3A_587 = arith.maxsi %max3A_586, %sub3A_582 : vector<16xi32>
    %min3A_588 = vector.broadcast %jit3A_585 : i32 to vector<16xi32>
    %min3A_589 = arith.minsi %min3A_588, %max3A_587 : vector<16xi32>
    %gather3A_590 = tpu.vector_load_idx %arg4[%min3A_589] masked %le3A_583 : memref<512xf32, #tpu.memory_space<vmem>>[vector<16xi32>], vector<16xf32>, vector<16xi1>
    %jit3A_591 = arith.constant 0.000000e+00 : f32
    %broadcast_in_dim3A_592 = vector.broadcast %jit3A_591 : f32 to vector<16xf32>
    %select_n3A_593 = arith.select %le3A_583, %gather3A_590, %broadcast_in_dim3A_592 : vector<16xi1>, vector<16xf32>
    %swap3A_594 = arith.constant 272 : index
    %swap3A_595 = tpu.vector_load %arg5[%swap3A_594] {strides = array<i32>} : memref<512xf32, #tpu.memory_space<vmem>>, vector<16xf32>,
    tpu.vector_store %arg5[%swap3A_594], %select_n3A_593 {strides = array<i32>} : memref<512xf32, #tpu.memory_space<vmem>>, vector<16xf32>,
    %add3A_596 = arith.constant 288 : i32
    %add3A_597 = arith.addi %mul3A_11, %add3A_596 : i32
    %add3A_598 = vector.broadcast %add3A_597 : i32 to vector<16xi32>
    %add3A_599 = arith.addi %add3A_598, %iota3A : vector<16xi32>
    %shift_right_logical3A_600 = arith.constant 7 : i32
    %shift_right_logical3A_601 = vector.broadcast %shift_right_logical3A_600 : i32 to vector<16xi32>
    %shift_right_logical3A_602 = arith.shrui %add3A_599, %shift_right_logical3A_601 : vector<16xi32>
    %and3A_603 = arith.constant 127 : i32
    %and3A_604 = vector.broadcast %and3A_603 : i32 to vector<16xi32>
    %and3A_605 = arith.andi %add3A_599, %and3A_604 : vector<16xi32>
    %add3A_606 = arith.constant 1 : i32
    %add3A_607 = vector.broadcast %add3A_606 : i32 to vector<16xi32>
    %add3A_608 = arith.addi %shift_right_logical3A_602, %add3A_607 : vector<16xi32>
    %mul3A_609 = arith.muli %shift_right_logical3A_602, %add3A_608 : vector<16xi32>
    %shift_right_logical3A_610 = arith.constant 1 : i32
    %shift_right_logical3A_611 = vector.broadcast %shift_right_logical3A_610 : i32 to vector<16xi32>
    %shift_right_logical3A_612 = arith.shrui %mul3A_609, %shift_right_logical3A_611 : vector<16xi32>
    %add3A_613 = arith.addi %shift_right_logical3A_612, %and3A_605 : vector<16xi32>
    %sub3A_614 = vector.broadcast %multiple_of3A : i32 to vector<16xi32>
    %sub3A_615 = arith.subi %add3A_613, %sub3A_614 : vector<16xi32>
    %le3A_616 = arith.cmpi sle, %and3A_605, %shift_right_logical3A_602 : vector<16xi32>
    %jit3A_617 = arith.constant 0 : i32
    %jit3A_618 = arith.constant 511 : i32
    %max3A_619 = vector.broadcast %jit3A_617 : i32 to vector<16xi32>
    %max3A_620 = arith.maxsi %max3A_619, %sub3A_615 : vector<16xi32>
    %min3A_621 = vector.broadcast %jit3A_618 : i32 to vector<16xi32>
    %min3A_622 = arith.minsi %min3A_621, %max3A_620 : vector<16xi32>
    %gather3A_623 = tpu.vector_load_idx %arg4[%min3A_622] masked %le3A_616 : memref<512xf32, #tpu.memory_space<vmem>>[vector<16xi32>], vector<16xf32>, vector<16xi1>
    %jit3A_624 = arith.constant 0.000000e+00 : f32
    %broadcast_in_dim3A_625 = vector.broadcast %jit3A_624 : f32 to vector<16xf32>
    %select_n3A_626 = arith.select %le3A_616, %gather3A_623, %broadcast_in_dim3A_625 : vector<16xi1>, vector<16xf32>
    %swap3A_627 = arith.constant 288 : index
    %swap3A_628 = tpu.vector_load %arg5[%swap3A_627] {strides = array<i32>} : memref<512xf32, #tpu.memory_space<vmem>>, vector<16xf32>,
    tpu.vector_store %arg5[%swap3A_627], %select_n3A_626 {strides = array<i32>} : memref<512xf32, #tpu.memory_space<vmem>>, vector<16xf32>,
    %add3A_629 = arith.constant 304 : i32
    %add3A_630 = arith.addi %mul3A_11, %add3A_629 : i32
    %add3A_631 = vector.broadcast %add3A_630 : i32 to vector<16xi32>
    %add3A_632 = arith.addi %add3A_631, %iota3A : vector<16xi32>
    %shift_right_logical3A_633 = arith.constant 7 : i32
    %shift_right_logical3A_634 = vector.broadcast %shift_right_logical3A_633 : i32 to vector<16xi32>
    %shift_right_logical3A_635 = arith.shrui %add3A_632, %shift_right_logical3A_634 : vector<16xi32>
    %and3A_636 = arith.constant 127 : i32
    %and3A_637 = vector.broadcast %and3A_636 : i32 to vector<16xi32>
    %and3A_638 = arith.andi %add3A_632, %and3A_637 : vector<16xi32>
    %add3A_639 = arith.constant 1 : i32
    %add3A_640 = vector.broadcast %add3A_639 : i32 to vector<16xi32>
    %add3A_641 = arith.addi %shift_right_logical3A_635, %add3A_640 : vector<16xi32>
    %mul3A_642 = arith.muli %shift_right_logical3A_635, %add3A_641 : vector<16xi32>
    %shift_right_logical3A_643 = arith.constant 1 : i32
    %shift_right_logical3A_644 = vector.broadcast %shift_right_logical3A_643 : i32 to vector<16xi32>
    %shift_right_logical3A_645 = arith.shrui %mul3A_642, %shift_right_logical3A_644 : vector<16xi32>
    %add3A_646 = arith.addi %shift_right_logical3A_645, %and3A_638 : vector<16xi32>
    %sub3A_647 = vector.broadcast %multiple_of3A : i32 to vector<16xi32>
    %sub3A_648 = arith.subi %add3A_646, %sub3A_647 : vector<16xi32>
    %le3A_649 = arith.cmpi sle, %and3A_638, %shift_right_logical3A_635 : vector<16xi32>
    %jit3A_650 = arith.constant 0 : i32
    %jit3A_651 = arith.constant 511 : i32
    %max3A_652 = vector.broadcast %jit3A_650 : i32 to vector<16xi32>
    %max3A_653 = arith.maxsi %max3A_652, %sub3A_648 : vector<16xi32>
    %min3A_654 = vector.broadcast %jit3A_651 : i32 to vector<16xi32>
    %min3A_655 = arith.minsi %min3A_654, %max3A_653 : vector<16xi32>
    %gather3A_656 = tpu.vector_load_idx %arg4[%min3A_655] masked %le3A_649 : memref<512xf32, #tpu.memory_space<vmem>>[vector<16xi32>], vector<16xf32>, vector<16xi1>
    %jit3A_657 = arith.constant 0.000000e+00 : f32
    %broadcast_in_dim3A_658 = vector.broadcast %jit3A_657 : f32 to vector<16xf32>
    %select_n3A_659 = arith.select %le3A_649, %gather3A_656, %broadcast_in_dim3A_658 : vector<16xi1>, vector<16xf32>
    %swap3A_660 = arith.constant 304 : index
    %swap3A_661 = tpu.vector_load %arg5[%swap3A_660] {strides = array<i32>} : memref<512xf32, #tpu.memory_space<vmem>>, vector<16xf32>,
    tpu.vector_store %arg5[%swap3A_660], %select_n3A_659 {strides = array<i32>} : memref<512xf32, #tpu.memory_space<vmem>>, vector<16xf32>,
    %add3A_662 = arith.constant 320 : i32
    %add3A_663 = arith.addi %mul3A_11, %add3A_662 : i32
    %add3A_664 = vector.broadcast %add3A_663 : i32 to vector<16xi32>
    %add3A_665 = arith.addi %add3A_664, %iota3A : vector<16xi32>
    %shift_right_logical3A_666 = arith.constant 7 : i32
    %shift_right_logical3A_667 = vector.broadcast %shift_right_logical3A_666 : i32 to vector<16xi32>
    %shift_right_logical3A_668 = arith.shrui %add3A_665, %shift_right_logical3A_667 : vector<16xi32>
    %and3A_669 = arith.constant 127 : i32
    %and3A_670 = vector.broadcast %and3A_669 : i32 to vector<16xi32>
    %and3A_671 = arith.andi %add3A_665, %and3A_670 : vector<16xi32>
    %add3A_672 = arith.constant 1 : i32
    %add3A_673 = vector.broadcast %add3A_672 : i32 to vector<16xi32>
    %add3A_674 = arith.addi %shift_right_logical3A_668, %add3A_673 : vector<16xi32>
    %mul3A_675 = arith.muli %shift_right_logical3A_668, %add3A_674 : vector<16xi32>
    %shift_right_logical3A_676 = arith.constant 1 : i32
    %shift_right_logical3A_677 = vector.broadcast %shift_right_logical3A_676 : i32 to vector<16xi32>
    %shift_right_logical3A_678 = arith.shrui %mul3A_675, %shift_right_logical3A_677 : vector<16xi32>
    %add3A_679 = arith.addi %shift_right_logical3A_678, %and3A_671 : vector<16xi32>
    %sub3A_680 = vector.broadcast %multiple_of3A : i32 to vector<16xi32>
    %sub3A_681 = arith.subi %add3A_679, %sub3A_680 : vector<16xi32>
    %le3A_682 = arith.cmpi sle, %and3A_671, %shift_right_logical3A_668 : vector<16xi32>
    %jit3A_683 = arith.constant 0 : i32
    %jit3A_684 = arith.constant 511 : i32
    %max3A_685 = vector.broadcast %jit3A_683 : i32 to vector<16xi32>
    %max3A_686 = arith.maxsi %max3A_685, %sub3A_681 : vector<16xi32>
    %min3A_687 = vector.broadcast %jit3A_684 : i32 to vector<16xi32>
    %min3A_688 = arith.minsi %min3A_687, %max3A_686 : vector<16xi32>
    %gather3A_689 = tpu.vector_load_idx %arg4[%min3A_688] masked %le3A_682 : memref<512xf32, #tpu.memory_space<vmem>>[vector<16xi32>], vector<16xf32>, vector<16xi1>
    %jit3A_690 = arith.constant 0.000000e+00 : f32
    %broadcast_in_dim3A_691 = vector.broadcast %jit3A_690 : f32 to vector<16xf32>
    %select_n3A_692 = arith.select %le3A_682, %gather3A_689, %broadcast_in_dim3A_691 : vector<16xi1>, vector<16xf32>
    %swap3A_693 = arith.constant 320 : index
    %swap3A_694 = tpu.vector_load %arg5[%swap3A_693] {strides = array<i32>} : memref<512xf32, #tpu.memory_space<vmem>>, vector<16xf32>,
    tpu.vector_store %arg5[%swap3A_693], %select_n3A_692 {strides = array<i32>} : memref<512xf32, #tpu.memory_space<vmem>>, vector<16xf32>,
    %add3A_695 = arith.constant 336 : i32
    %add3A_696 = arith.addi %mul3A_11, %add3A_695 : i32
    %add3A_697 = vector.broadcast %add3A_696 : i32 to vector<16xi32>
    %add3A_698 = arith.addi %add3A_697, %iota3A : vector<16xi32>
    %shift_right_logical3A_699 = arith.constant 7 : i32
    %shift_right_logical3A_700 = vector.broadcast %shift_right_logical3A_699 : i32 to vector<16xi32>
    %shift_right_logical3A_701 = arith.shrui %add3A_698, %shift_right_logical3A_700 : vector<16xi32>
    %and3A_702 = arith.constant 127 : i32
    %and3A_703 = vector.broadcast %and3A_702 : i32 to vector<16xi32>
    %and3A_704 = arith.andi %add3A_698, %and3A_703 : vector<16xi32>
    %add3A_705 = arith.constant 1 : i32
    %add3A_706 = vector.broadcast %add3A_705 : i32 to vector<16xi32>
    %add3A_707 = arith.addi %shift_right_logical3A_701, %add3A_706 : vector<16xi32>
    %mul3A_708 = arith.muli %shift_right_logical3A_701, %add3A_707 : vector<16xi32>
    %shift_right_logical3A_709 = arith.constant 1 : i32
    %shift_right_logical3A_710 = vector.broadcast %shift_right_logical3A_709 : i32 to vector<16xi32>
    %shift_right_logical3A_711 = arith.shrui %mul3A_708, %shift_right_logical3A_710 : vector<16xi32>
    %add3A_712 = arith.addi %shift_right_logical3A_711, %and3A_704 : vector<16xi32>
    %sub3A_713 = vector.broadcast %multiple_of3A : i32 to vector<16xi32>
    %sub3A_714 = arith.subi %add3A_712, %sub3A_713 : vector<16xi32>
    %le3A_715 = arith.cmpi sle, %and3A_704, %shift_right_logical3A_701 : vector<16xi32>
    %jit3A_716 = arith.constant 0 : i32
    %jit3A_717 = arith.constant 511 : i32
    %max3A_718 = vector.broadcast %jit3A_716 : i32 to vector<16xi32>
    %max3A_719 = arith.maxsi %max3A_718, %sub3A_714 : vector<16xi32>
    %min3A_720 = vector.broadcast %jit3A_717 : i32 to vector<16xi32>
    %min3A_721 = arith.minsi %min3A_720, %max3A_719 : vector<16xi32>
    %gather3A_722 = tpu.vector_load_idx %arg4[%min3A_721] masked %le3A_715 : memref<512xf32, #tpu.memory_space<vmem>>[vector<16xi32>], vector<16xf32>, vector<16xi1>
    %jit3A_723 = arith.constant 0.000000e+00 : f32
    %broadcast_in_dim3A_724 = vector.broadcast %jit3A_723 : f32 to vector<16xf32>
    %select_n3A_725 = arith.select %le3A_715, %gather3A_722, %broadcast_in_dim3A_724 : vector<16xi1>, vector<16xf32>
    %swap3A_726 = arith.constant 336 : index
    %swap3A_727 = tpu.vector_load %arg5[%swap3A_726] {strides = array<i32>} : memref<512xf32, #tpu.memory_space<vmem>>, vector<16xf32>,
    tpu.vector_store %arg5[%swap3A_726], %select_n3A_725 {strides = array<i32>} : memref<512xf32, #tpu.memory_space<vmem>>, vector<16xf32>,
    %add3A_728 = arith.constant 352 : i32
    %add3A_729 = arith.addi %mul3A_11, %add3A_728 : i32
    %add3A_730 = vector.broadcast %add3A_729 : i32 to vector<16xi32>
    %add3A_731 = arith.addi %add3A_730, %iota3A : vector<16xi32>
    %shift_right_logical3A_732 = arith.constant 7 : i32
    %shift_right_logical3A_733 = vector.broadcast %shift_right_logical3A_732 : i32 to vector<16xi32>
    %shift_right_logical3A_734 = arith.shrui %add3A_731, %shift_right_logical3A_733 : vector<16xi32>
    %and3A_735 = arith.constant 127 : i32
    %and3A_736 = vector.broadcast %and3A_735 : i32 to vector<16xi32>
    %and3A_737 = arith.andi %add3A_731, %and3A_736 : vector<16xi32>
    %add3A_738 = arith.constant 1 : i32
    %add3A_739 = vector.broadcast %add3A_738 : i32 to vector<16xi32>
    %add3A_740 = arith.addi %shift_right_logical3A_734, %add3A_739 : vector<16xi32>
    %mul3A_741 = arith.muli %shift_right_logical3A_734, %add3A_740 : vector<16xi32>
    %shift_right_logical3A_742 = arith.constant 1 : i32
    %shift_right_logical3A_743 = vector.broadcast %shift_right_logical3A_742 : i32 to vector<16xi32>
    %shift_right_logical3A_744 = arith.shrui %mul3A_741, %shift_right_logical3A_743 : vector<16xi32>
    %add3A_745 = arith.addi %shift_right_logical3A_744, %and3A_737 : vector<16xi32>
    %sub3A_746 = vector.broadcast %multiple_of3A : i32 to vector<16xi32>
    %sub3A_747 = arith.subi %add3A_745, %sub3A_746 : vector<16xi32>
    %le3A_748 = arith.cmpi sle, %and3A_737, %shift_right_logical3A_734 : vector<16xi32>
    %jit3A_749 = arith.constant 0 : i32
    %jit3A_750 = arith.constant 511 : i32
    %max3A_751 = vector.broadcast %jit3A_749 : i32 to vector<16xi32>
    %max3A_752 = arith.maxsi %max3A_751, %sub3A_747 : vector<16xi32>
    %min3A_753 = vector.broadcast %jit3A_750 : i32 to vector<16xi32>
    %min3A_754 = arith.minsi %min3A_753, %max3A_752 : vector<16xi32>
    %gather3A_755 = tpu.vector_load_idx %arg4[%min3A_754] masked %le3A_748 : memref<512xf32, #tpu.memory_space<vmem>>[vector<16xi32>], vector<16xf32>, vector<16xi1>
    %jit3A_756 = arith.constant 0.000000e+00 : f32
    %broadcast_in_dim3A_757 = vector.broadcast %jit3A_756 : f32 to vector<16xf32>
    %select_n3A_758 = arith.select %le3A_748, %gather3A_755, %broadcast_in_dim3A_757 : vector<16xi1>, vector<16xf32>
    %swap3A_759 = arith.constant 352 : index
    %swap3A_760 = tpu.vector_load %arg5[%swap3A_759] {strides = array<i32>} : memref<512xf32, #tpu.memory_space<vmem>>, vector<16xf32>,
    tpu.vector_store %arg5[%swap3A_759], %select_n3A_758 {strides = array<i32>} : memref<512xf32, #tpu.memory_space<vmem>>, vector<16xf32>,
    %add3A_761 = arith.constant 368 : i32
    %add3A_762 = arith.addi %mul3A_11, %add3A_761 : i32
    %add3A_763 = vector.broadcast %add3A_762 : i32 to vector<16xi32>
    %add3A_764 = arith.addi %add3A_763, %iota3A : vector<16xi32>
    %shift_right_logical3A_765 = arith.constant 7 : i32
    %shift_right_logical3A_766 = vector.broadcast %shift_right_logical3A_765 : i32 to vector<16xi32>
    %shift_right_logical3A_767 = arith.shrui %add3A_764, %shift_right_logical3A_766 : vector<16xi32>
    %and3A_768 = arith.constant 127 : i32
    %and3A_769 = vector.broadcast %and3A_768 : i32 to vector<16xi32>
    %and3A_770 = arith.andi %add3A_764, %and3A_769 : vector<16xi32>
    %add3A_771 = arith.constant 1 : i32
    %add3A_772 = vector.broadcast %add3A_771 : i32 to vector<16xi32>
    %add3A_773 = arith.addi %shift_right_logical3A_767, %add3A_772 : vector<16xi32>
    %mul3A_774 = arith.muli %shift_right_logical3A_767, %add3A_773 : vector<16xi32>
    %shift_right_logical3A_775 = arith.constant 1 : i32
    %shift_right_logical3A_776 = vector.broadcast %shift_right_logical3A_775 : i32 to vector<16xi32>
    %shift_right_logical3A_777 = arith.shrui %mul3A_774, %shift_right_logical3A_776 : vector<16xi32>
    %add3A_778 = arith.addi %shift_right_logical3A_777, %and3A_770 : vector<16xi32>
    %sub3A_779 = vector.broadcast %multiple_of3A : i32 to vector<16xi32>
    %sub3A_780 = arith.subi %add3A_778, %sub3A_779 : vector<16xi32>
    %le3A_781 = arith.cmpi sle, %and3A_770, %shift_right_logical3A_767 : vector<16xi32>
    %jit3A_782 = arith.constant 0 : i32
    %jit3A_783 = arith.constant 511 : i32
    %max3A_784 = vector.broadcast %jit3A_782 : i32 to vector<16xi32>
    %max3A_785 = arith.maxsi %max3A_784, %sub3A_780 : vector<16xi32>
    %min3A_786 = vector.broadcast %jit3A_783 : i32 to vector<16xi32>
    %min3A_787 = arith.minsi %min3A_786, %max3A_785 : vector<16xi32>
    %gather3A_788 = tpu.vector_load_idx %arg4[%min3A_787] masked %le3A_781 : memref<512xf32, #tpu.memory_space<vmem>>[vector<16xi32>], vector<16xf32>, vector<16xi1>
    %jit3A_789 = arith.constant 0.000000e+00 : f32
    %broadcast_in_dim3A_790 = vector.broadcast %jit3A_789 : f32 to vector<16xf32>
    %select_n3A_791 = arith.select %le3A_781, %gather3A_788, %broadcast_in_dim3A_790 : vector<16xi1>, vector<16xf32>
    %swap3A_792 = arith.constant 368 : index
    %swap3A_793 = tpu.vector_load %arg5[%swap3A_792] {strides = array<i32>} : memref<512xf32, #tpu.memory_space<vmem>>, vector<16xf32>,
    tpu.vector_store %arg5[%swap3A_792], %select_n3A_791 {strides = array<i32>} : memref<512xf32, #tpu.memory_space<vmem>>, vector<16xf32>,
    %add3A_794 = arith.constant 384 : i32
    %add3A_795 = arith.addi %mul3A_11, %add3A_794 : i32
    %add3A_796 = vector.broadcast %add3A_795 : i32 to vector<16xi32>
    %add3A_797 = arith.addi %add3A_796, %iota3A : vector<16xi32>
    %shift_right_logical3A_798 = arith.constant 7 : i32
    %shift_right_logical3A_799 = vector.broadcast %shift_right_logical3A_798 : i32 to vector<16xi32>
    %shift_right_logical3A_800 = arith.shrui %add3A_797, %shift_right_logical3A_799 : vector<16xi32>
    %and3A_801 = arith.constant 127 : i32
    %and3A_802 = vector.broadcast %and3A_801 : i32 to vector<16xi32>
    %and3A_803 = arith.andi %add3A_797, %and3A_802 : vector<16xi32>
    %add3A_804 = arith.constant 1 : i32
    %add3A_805 = vector.broadcast %add3A_804 : i32 to vector<16xi32>
    %add3A_806 = arith.addi %shift_right_logical3A_800, %add3A_805 : vector<16xi32>
    %mul3A_807 = arith.muli %shift_right_logical3A_800, %add3A_806 : vector<16xi32>
    %shift_right_logical3A_808 = arith.constant 1 : i32
    %shift_right_logical3A_809 = vector.broadcast %shift_right_logical3A_808 : i32 to vector<16xi32>
    %shift_right_logical3A_810 = arith.shrui %mul3A_807, %shift_right_logical3A_809 : vector<16xi32>
    %add3A_811 = arith.addi %shift_right_logical3A_810, %and3A_803 : vector<16xi32>
    %sub3A_812 = vector.broadcast %multiple_of3A : i32 to vector<16xi32>
    %sub3A_813 = arith.subi %add3A_811, %sub3A_812 : vector<16xi32>
    %le3A_814 = arith.cmpi sle, %and3A_803, %shift_right_logical3A_800 : vector<16xi32>
    %jit3A_815 = arith.constant 0 : i32
    %jit3A_816 = arith.constant 511 : i32
    %max3A_817 = vector.broadcast %jit3A_815 : i32 to vector<16xi32>
    %max3A_818 = arith.maxsi %max3A_817, %sub3A_813 : vector<16xi32>
    %min3A_819 = vector.broadcast %jit3A_816 : i32 to vector<16xi32>
    %min3A_820 = arith.minsi %min3A_819, %max3A_818 : vector<16xi32>
    %gather3A_821 = tpu.vector_load_idx %arg4[%min3A_820] masked %le3A_814 : memref<512xf32, #tpu.memory_space<vmem>>[vector<16xi32>], vector<16xf32>, vector<16xi1>
    %jit3A_822 = arith.constant 0.000000e+00 : f32
    %broadcast_in_dim3A_823 = vector.broadcast %jit3A_822 : f32 to vector<16xf32>
    %select_n3A_824 = arith.select %le3A_814, %gather3A_821, %broadcast_in_dim3A_823 : vector<16xi1>, vector<16xf32>
    %swap3A_825 = arith.constant 384 : index
    %swap3A_826 = tpu.vector_load %arg5[%swap3A_825] {strides = array<i32>} : memref<512xf32, #tpu.memory_space<vmem>>, vector<16xf32>,
    tpu.vector_store %arg5[%swap3A_825], %select_n3A_824 {strides = array<i32>} : memref<512xf32, #tpu.memory_space<vmem>>, vector<16xf32>,
    %add3A_827 = arith.constant 400 : i32
    %add3A_828 = arith.addi %mul3A_11, %add3A_827 : i32
    %add3A_829 = vector.broadcast %add3A_828 : i32 to vector<16xi32>
    %add3A_830 = arith.addi %add3A_829, %iota3A : vector<16xi32>
    %shift_right_logical3A_831 = arith.constant 7 : i32
    %shift_right_logical3A_832 = vector.broadcast %shift_right_logical3A_831 : i32 to vector<16xi32>
    %shift_right_logical3A_833 = arith.shrui %add3A_830, %shift_right_logical3A_832 : vector<16xi32>
    %and3A_834 = arith.constant 127 : i32
    %and3A_835 = vector.broadcast %and3A_834 : i32 to vector<16xi32>
    %and3A_836 = arith.andi %add3A_830, %and3A_835 : vector<16xi32>
    %add3A_837 = arith.constant 1 : i32
    %add3A_838 = vector.broadcast %add3A_837 : i32 to vector<16xi32>
    %add3A_839 = arith.addi %shift_right_logical3A_833, %add3A_838 : vector<16xi32>
    %mul3A_840 = arith.muli %shift_right_logical3A_833, %add3A_839 : vector<16xi32>
    %shift_right_logical3A_841 = arith.constant 1 : i32
    %shift_right_logical3A_842 = vector.broadcast %shift_right_logical3A_841 : i32 to vector<16xi32>
    %shift_right_logical3A_843 = arith.shrui %mul3A_840, %shift_right_logical3A_842 : vector<16xi32>
    %add3A_844 = arith.addi %shift_right_logical3A_843, %and3A_836 : vector<16xi32>
    %sub3A_845 = vector.broadcast %multiple_of3A : i32 to vector<16xi32>
    %sub3A_846 = arith.subi %add3A_844, %sub3A_845 : vector<16xi32>
    %le3A_847 = arith.cmpi sle, %and3A_836, %shift_right_logical3A_833 : vector<16xi32>
    %jit3A_848 = arith.constant 0 : i32
    %jit3A_849 = arith.constant 511 : i32
    %max3A_850 = vector.broadcast %jit3A_848 : i32 to vector<16xi32>
    %max3A_851 = arith.maxsi %max3A_850, %sub3A_846 : vector<16xi32>
    %min3A_852 = vector.broadcast %jit3A_849 : i32 to vector<16xi32>
    %min3A_853 = arith.minsi %min3A_852, %max3A_851 : vector<16xi32>
    %gather3A_854 = tpu.vector_load_idx %arg4[%min3A_853] masked %le3A_847 : memref<512xf32, #tpu.memory_space<vmem>>[vector<16xi32>], vector<16xf32>, vector<16xi1>
    %jit3A_855 = arith.constant 0.000000e+00 : f32
    %broadcast_in_dim3A_856 = vector.broadcast %jit3A_855 : f32 to vector<16xf32>
    %select_n3A_857 = arith.select %le3A_847, %gather3A_854, %broadcast_in_dim3A_856 : vector<16xi1>, vector<16xf32>
    %swap3A_858 = arith.constant 400 : index
    %swap3A_859 = tpu.vector_load %arg5[%swap3A_858] {strides = array<i32>} : memref<512xf32, #tpu.memory_space<vmem>>, vector<16xf32>,
    tpu.vector_store %arg5[%swap3A_858], %select_n3A_857 {strides = array<i32>} : memref<512xf32, #tpu.memory_space<vmem>>, vector<16xf32>,
    %add3A_860 = arith.constant 416 : i32
    %add3A_861 = arith.addi %mul3A_11, %add3A_860 : i32
    %add3A_862 = vector.broadcast %add3A_861 : i32 to vector<16xi32>
    %add3A_863 = arith.addi %add3A_862, %iota3A : vector<16xi32>
    %shift_right_logical3A_864 = arith.constant 7 : i32
    %shift_right_logical3A_865 = vector.broadcast %shift_right_logical3A_864 : i32 to vector<16xi32>
    %shift_right_logical3A_866 = arith.shrui %add3A_863, %shift_right_logical3A_865 : vector<16xi32>
    %and3A_867 = arith.constant 127 : i32
    %and3A_868 = vector.broadcast %and3A_867 : i32 to vector<16xi32>
    %and3A_869 = arith.andi %add3A_863, %and3A_868 : vector<16xi32>
    %add3A_870 = arith.constant 1 : i32
    %add3A_871 = vector.broadcast %add3A_870 : i32 to vector<16xi32>
    %add3A_872 = arith.addi %shift_right_logical3A_866, %add3A_871 : vector<16xi32>
    %mul3A_873 = arith.muli %shift_right_logical3A_866, %add3A_872 : vector<16xi32>
    %shift_right_logical3A_874 = arith.constant 1 : i32
    %shift_right_logical3A_875 = vector.broadcast %shift_right_logical3A_874 : i32 to vector<16xi32>
    %shift_right_logical3A_876 = arith.shrui %mul3A_873, %shift_right_logical3A_875 : vector<16xi32>
    %add3A_877 = arith.addi %shift_right_logical3A_876, %and3A_869 : vector<16xi32>
    %sub3A_878 = vector.broadcast %multiple_of3A : i32 to vector<16xi32>
    %sub3A_879 = arith.subi %add3A_877, %sub3A_878 : vector<16xi32>
    %le3A_880 = arith.cmpi sle, %and3A_869, %shift_right_logical3A_866 : vector<16xi32>
    %jit3A_881 = arith.constant 0 : i32
    %jit3A_882 = arith.constant 511 : i32
    %max3A_883 = vector.broadcast %jit3A_881 : i32 to vector<16xi32>
    %max3A_884 = arith.maxsi %max3A_883, %sub3A_879 : vector<16xi32>
    %min3A_885 = vector.broadcast %jit3A_882 : i32 to vector<16xi32>
    %min3A_886 = arith.minsi %min3A_885, %max3A_884 : vector<16xi32>
    %gather3A_887 = tpu.vector_load_idx %arg4[%min3A_886] masked %le3A_880 : memref<512xf32, #tpu.memory_space<vmem>>[vector<16xi32>], vector<16xf32>, vector<16xi1>
    %jit3A_888 = arith.constant 0.000000e+00 : f32
    %broadcast_in_dim3A_889 = vector.broadcast %jit3A_888 : f32 to vector<16xf32>
    %select_n3A_890 = arith.select %le3A_880, %gather3A_887, %broadcast_in_dim3A_889 : vector<16xi1>, vector<16xf32>
    %swap3A_891 = arith.constant 416 : index
    %swap3A_892 = tpu.vector_load %arg5[%swap3A_891] {strides = array<i32>} : memref<512xf32, #tpu.memory_space<vmem>>, vector<16xf32>,
    tpu.vector_store %arg5[%swap3A_891], %select_n3A_890 {strides = array<i32>} : memref<512xf32, #tpu.memory_space<vmem>>, vector<16xf32>,
    %add3A_893 = arith.constant 432 : i32
    %add3A_894 = arith.addi %mul3A_11, %add3A_893 : i32
    %add3A_895 = vector.broadcast %add3A_894 : i32 to vector<16xi32>
    %add3A_896 = arith.addi %add3A_895, %iota3A : vector<16xi32>
    %shift_right_logical3A_897 = arith.constant 7 : i32
    %shift_right_logical3A_898 = vector.broadcast %shift_right_logical3A_897 : i32 to vector<16xi32>
    %shift_right_logical3A_899 = arith.shrui %add3A_896, %shift_right_logical3A_898 : vector<16xi32>
    %and3A_900 = arith.constant 127 : i32
    %and3A_901 = vector.broadcast %and3A_900 : i32 to vector<16xi32>
    %and3A_902 = arith.andi %add3A_896, %and3A_901 : vector<16xi32>
    %add3A_903 = arith.constant 1 : i32
    %add3A_904 = vector.broadcast %add3A_903 : i32 to vector<16xi32>
    %add3A_905 = arith.addi %shift_right_logical3A_899, %add3A_904 : vector<16xi32>
    %mul3A_906 = arith.muli %shift_right_logical3A_899, %add3A_905 : vector<16xi32>
    %shift_right_logical3A_907 = arith.constant 1 : i32
    %shift_right_logical3A_908 = vector.broadcast %shift_right_logical3A_907 : i32 to vector<16xi32>
    %shift_right_logical3A_909 = arith.shrui %mul3A_906, %shift_right_logical3A_908 : vector<16xi32>
    %add3A_910 = arith.addi %shift_right_logical3A_909, %and3A_902 : vector<16xi32>
    %sub3A_911 = vector.broadcast %multiple_of3A : i32 to vector<16xi32>
    %sub3A_912 = arith.subi %add3A_910, %sub3A_911 : vector<16xi32>
    %le3A_913 = arith.cmpi sle, %and3A_902, %shift_right_logical3A_899 : vector<16xi32>
    %jit3A_914 = arith.constant 0 : i32
    %jit3A_915 = arith.constant 511 : i32
    %max3A_916 = vector.broadcast %jit3A_914 : i32 to vector<16xi32>
    %max3A_917 = arith.maxsi %max3A_916, %sub3A_912 : vector<16xi32>
    %min3A_918 = vector.broadcast %jit3A_915 : i32 to vector<16xi32>
    %min3A_919 = arith.minsi %min3A_918, %max3A_917 : vector<16xi32>
    %gather3A_920 = tpu.vector_load_idx %arg4[%min3A_919] masked %le3A_913 : memref<512xf32, #tpu.memory_space<vmem>>[vector<16xi32>], vector<16xf32>, vector<16xi1>
    %jit3A_921 = arith.constant 0.000000e+00 : f32
    %broadcast_in_dim3A_922 = vector.broadcast %jit3A_921 : f32 to vector<16xf32>
    %select_n3A_923 = arith.select %le3A_913, %gather3A_920, %broadcast_in_dim3A_922 : vector<16xi1>, vector<16xf32>
    %swap3A_924 = arith.constant 432 : index
    %swap3A_925 = tpu.vector_load %arg5[%swap3A_924] {strides = array<i32>} : memref<512xf32, #tpu.memory_space<vmem>>, vector<16xf32>,
    tpu.vector_store %arg5[%swap3A_924], %select_n3A_923 {strides = array<i32>} : memref<512xf32, #tpu.memory_space<vmem>>, vector<16xf32>,
    %add3A_926 = arith.constant 448 : i32
    %add3A_927 = arith.addi %mul3A_11, %add3A_926 : i32
    %add3A_928 = vector.broadcast %add3A_927 : i32 to vector<16xi32>
    %add3A_929 = arith.addi %add3A_928, %iota3A : vector<16xi32>
    %shift_right_logical3A_930 = arith.constant 7 : i32
    %shift_right_logical3A_931 = vector.broadcast %shift_right_logical3A_930 : i32 to vector<16xi32>
    %shift_right_logical3A_932 = arith.shrui %add3A_929, %shift_right_logical3A_931 : vector<16xi32>
    %and3A_933 = arith.constant 127 : i32
    %and3A_934 = vector.broadcast %and3A_933 : i32 to vector<16xi32>
    %and3A_935 = arith.andi %add3A_929, %and3A_934 : vector<16xi32>
    %add3A_936 = arith.constant 1 : i32
    %add3A_937 = vector.broadcast %add3A_936 : i32 to vector<16xi32>
    %add3A_938 = arith.addi %shift_right_logical3A_932, %add3A_937 : vector<16xi32>
    %mul3A_939 = arith.muli %shift_right_logical3A_932, %add3A_938 : vector<16xi32>
    %shift_right_logical3A_940 = arith.constant 1 : i32
    %shift_right_logical3A_941 = vector.broadcast %shift_right_logical3A_940 : i32 to vector<16xi32>
    %shift_right_logical3A_942 = arith.shrui %mul3A_939, %shift_right_logical3A_941 : vector<16xi32>
    %add3A_943 = arith.addi %shift_right_logical3A_942, %and3A_935 : vector<16xi32>
    %sub3A_944 = vector.broadcast %multiple_of3A : i32 to vector<16xi32>
    %sub3A_945 = arith.subi %add3A_943, %sub3A_944 : vector<16xi32>
    %le3A_946 = arith.cmpi sle, %and3A_935, %shift_right_logical3A_932 : vector<16xi32>
    %jit3A_947 = arith.constant 0 : i32
    %jit3A_948 = arith.constant 511 : i32
    %max3A_949 = vector.broadcast %jit3A_947 : i32 to vector<16xi32>
    %max3A_950 = arith.maxsi %max3A_949, %sub3A_945 : vector<16xi32>
    %min3A_951 = vector.broadcast %jit3A_948 : i32 to vector<16xi32>
    %min3A_952 = arith.minsi %min3A_951, %max3A_950 : vector<16xi32>
    %gather3A_953 = tpu.vector_load_idx %arg4[%min3A_952] masked %le3A_946 : memref<512xf32, #tpu.memory_space<vmem>>[vector<16xi32>], vector<16xf32>, vector<16xi1>
    %jit3A_954 = arith.constant 0.000000e+00 : f32
    %broadcast_in_dim3A_955 = vector.broadcast %jit3A_954 : f32 to vector<16xf32>
    %select_n3A_956 = arith.select %le3A_946, %gather3A_953, %broadcast_in_dim3A_955 : vector<16xi1>, vector<16xf32>
    %swap3A_957 = arith.constant 448 : index
    %swap3A_958 = tpu.vector_load %arg5[%swap3A_957] {strides = array<i32>} : memref<512xf32, #tpu.memory_space<vmem>>, vector<16xf32>,
    tpu.vector_store %arg5[%swap3A_957], %select_n3A_956 {strides = array<i32>} : memref<512xf32, #tpu.memory_space<vmem>>, vector<16xf32>,
    %add3A_959 = arith.constant 464 : i32
    %add3A_960 = arith.addi %mul3A_11, %add3A_959 : i32
    %add3A_961 = vector.broadcast %add3A_960 : i32 to vector<16xi32>
    %add3A_962 = arith.addi %add3A_961, %iota3A : vector<16xi32>
    %shift_right_logical3A_963 = arith.constant 7 : i32
    %shift_right_logical3A_964 = vector.broadcast %shift_right_logical3A_963 : i32 to vector<16xi32>
    %shift_right_logical3A_965 = arith.shrui %add3A_962, %shift_right_logical3A_964 : vector<16xi32>
    %and3A_966 = arith.constant 127 : i32
    %and3A_967 = vector.broadcast %and3A_966 : i32 to vector<16xi32>
    %and3A_968 = arith.andi %add3A_962, %and3A_967 : vector<16xi32>
    %add3A_969 = arith.constant 1 : i32
    %add3A_970 = vector.broadcast %add3A_969 : i32 to vector<16xi32>
    %add3A_971 = arith.addi %shift_right_logical3A_965, %add3A_970 : vector<16xi32>
    %mul3A_972 = arith.muli %shift_right_logical3A_965, %add3A_971 : vector<16xi32>
    %shift_right_logical3A_973 = arith.constant 1 : i32
    %shift_right_logical3A_974 = vector.broadcast %shift_right_logical3A_973 : i32 to vector<16xi32>
    %shift_right_logical3A_975 = arith.shrui %mul3A_972, %shift_right_logical3A_974 : vector<16xi32>
    %add3A_976 = arith.addi %shift_right_logical3A_975, %and3A_968 : vector<16xi32>
    %sub3A_977 = vector.broadcast %multiple_of3A : i32 to vector<16xi32>
    %sub3A_978 = arith.subi %add3A_976, %sub3A_977 : vector<16xi32>
    %le3A_979 = arith.cmpi sle, %and3A_968, %shift_right_logical3A_965 : vector<16xi32>
    %jit3A_980 = arith.constant 0 : i32
    %jit3A_981 = arith.constant 511 : i32
    %max3A_982 = vector.broadcast %jit3A_980 : i32 to vector<16xi32>
    %max3A_983 = arith.maxsi %max3A_982, %sub3A_978 : vector<16xi32>
    %min3A_984 = vector.broadcast %jit3A_981 : i32 to vector<16xi32>
    %min3A_985 = arith.minsi %min3A_984, %max3A_983 : vector<16xi32>
    %gather3A_986 = tpu.vector_load_idx %arg4[%min3A_985] masked %le3A_979 : memref<512xf32, #tpu.memory_space<vmem>>[vector<16xi32>], vector<16xf32>, vector<16xi1>
    %jit3A_987 = arith.constant 0.000000e+00 : f32
    %broadcast_in_dim3A_988 = vector.broadcast %jit3A_987 : f32 to vector<16xf32>
    %select_n3A_989 = arith.select %le3A_979, %gather3A_986, %broadcast_in_dim3A_988 : vector<16xi1>, vector<16xf32>
    %swap3A_990 = arith.constant 464 : index
    %swap3A_991 = tpu.vector_load %arg5[%swap3A_990] {strides = array<i32>} : memref<512xf32, #tpu.memory_space<vmem>>, vector<16xf32>,
    tpu.vector_store %arg5[%swap3A_990], %select_n3A_989 {strides = array<i32>} : memref<512xf32, #tpu.memory_space<vmem>>, vector<16xf32>,
    %add3A_992 = arith.constant 480 : i32
    %add3A_993 = arith.addi %mul3A_11, %add3A_992 : i32
    %add3A_994 = vector.broadcast %add3A_993 : i32 to vector<16xi32>
    %add3A_995 = arith.addi %add3A_994, %iota3A : vector<16xi32>
    %shift_right_logical3A_996 = arith.constant 7 : i32
    %shift_right_logical3A_997 = vector.broadcast %shift_right_logical3A_996 : i32 to vector<16xi32>
    %shift_right_logical3A_998 = arith.shrui %add3A_995, %shift_right_logical3A_997 : vector<16xi32>
    %and3A_999 = arith.constant 127 : i32
    %and3A_1000 = vector.broadcast %and3A_999 : i32 to vector<16xi32>
    %and3A_1001 = arith.andi %add3A_995, %and3A_1000 : vector<16xi32>
    %add3A_1002 = arith.constant 1 : i32
    %add3A_1003 = vector.broadcast %add3A_1002 : i32 to vector<16xi32>
    %add3A_1004 = arith.addi %shift_right_logical3A_998, %add3A_1003 : vector<16xi32>
    %mul3A_1005 = arith.muli %shift_right_logical3A_998, %add3A_1004 : vector<16xi32>
    %shift_right_logical3A_1006 = arith.constant 1 : i32
    %shift_right_logical3A_1007 = vector.broadcast %shift_right_logical3A_1006 : i32 to vector<16xi32>
    %shift_right_logical3A_1008 = arith.shrui %mul3A_1005, %shift_right_logical3A_1007 : vector<16xi32>
    %add3A_1009 = arith.addi %shift_right_logical3A_1008, %and3A_1001 : vector<16xi32>
    %sub3A_1010 = vector.broadcast %multiple_of3A : i32 to vector<16xi32>
    %sub3A_1011 = arith.subi %add3A_1009, %sub3A_1010 : vector<16xi32>
    %le3A_1012 = arith.cmpi sle, %and3A_1001, %shift_right_logical3A_998 : vector<16xi32>
    %jit3A_1013 = arith.constant 0 : i32
    %jit3A_1014 = arith.constant 511 : i32
    %max3A_1015 = vector.broadcast %jit3A_1013 : i32 to vector<16xi32>
    %max3A_1016 = arith.maxsi %max3A_1015, %sub3A_1011 : vector<16xi32>
    %min3A_1017 = vector.broadcast %jit3A_1014 : i32 to vector<16xi32>
    %min3A_1018 = arith.minsi %min3A_1017, %max3A_1016 : vector<16xi32>
    %gather3A_1019 = tpu.vector_load_idx %arg4[%min3A_1018] masked %le3A_1012 : memref<512xf32, #tpu.memory_space<vmem>>[vector<16xi32>], vector<16xf32>, vector<16xi1>
    %jit3A_1020 = arith.constant 0.000000e+00 : f32
    %broadcast_in_dim3A_1021 = vector.broadcast %jit3A_1020 : f32 to vector<16xf32>
    %select_n3A_1022 = arith.select %le3A_1012, %gather3A_1019, %broadcast_in_dim3A_1021 : vector<16xi1>, vector<16xf32>
    %swap3A_1023 = arith.constant 480 : index
    %swap3A_1024 = tpu.vector_load %arg5[%swap3A_1023] {strides = array<i32>} : memref<512xf32, #tpu.memory_space<vmem>>, vector<16xf32>,
    tpu.vector_store %arg5[%swap3A_1023], %select_n3A_1022 {strides = array<i32>} : memref<512xf32, #tpu.memory_space<vmem>>, vector<16xf32>,
    %add3A_1025 = arith.constant 496 : i32
    %add3A_1026 = arith.addi %mul3A_11, %add3A_1025 : i32
    %add3A_1027 = vector.broadcast %add3A_1026 : i32 to vector<16xi32>
    %add3A_1028 = arith.addi %add3A_1027, %iota3A : vector<16xi32>
    %shift_right_logical3A_1029 = arith.constant 7 : i32
    %shift_right_logical3A_1030 = vector.broadcast %shift_right_logical3A_1029 : i32 to vector<16xi32>
    %shift_right_logical3A_1031 = arith.shrui %add3A_1028, %shift_right_logical3A_1030 : vector<16xi32>
    %and3A_1032 = arith.constant 127 : i32
    %and3A_1033 = vector.broadcast %and3A_1032 : i32 to vector<16xi32>
    %and3A_1034 = arith.andi %add3A_1028, %and3A_1033 : vector<16xi32>
    %add3A_1035 = arith.constant 1 : i32
    %add3A_1036 = vector.broadcast %add3A_1035 : i32 to vector<16xi32>
    %add3A_1037 = arith.addi %shift_right_logical3A_1031, %add3A_1036 : vector<16xi32>
    %mul3A_1038 = arith.muli %shift_right_logical3A_1031, %add3A_1037 : vector<16xi32>
    %shift_right_logical3A_1039 = arith.constant 1 : i32
    %shift_right_logical3A_1040 = vector.broadcast %shift_right_logical3A_1039 : i32 to vector<16xi32>
    %shift_right_logical3A_1041 = arith.shrui %mul3A_1038, %shift_right_logical3A_1040 : vector<16xi32>
    %add3A_1042 = arith.addi %shift_right_logical3A_1041, %and3A_1034 : vector<16xi32>
    %sub3A_1043 = vector.broadcast %multiple_of3A : i32 to vector<16xi32>
    %sub3A_1044 = arith.subi %add3A_1042, %sub3A_1043 : vector<16xi32>
    %le3A_1045 = arith.cmpi sle, %and3A_1034, %shift_right_logical3A_1031 : vector<16xi32>
    %jit3A_1046 = arith.constant 0 : i32
    %jit3A_1047 = arith.constant 511 : i32
    %max3A_1048 = vector.broadcast %jit3A_1046 : i32 to vector<16xi32>
    %max3A_1049 = arith.maxsi %max3A_1048, %sub3A_1044 : vector<16xi32>
    %min3A_1050 = vector.broadcast %jit3A_1047 : i32 to vector<16xi32>
    %min3A_1051 = arith.minsi %min3A_1050, %max3A_1049 : vector<16xi32>
    %gather3A_1052 = tpu.vector_load_idx %arg4[%min3A_1051] masked %le3A_1045 : memref<512xf32, #tpu.memory_space<vmem>>[vector<16xi32>], vector<16xf32>, vector<16xi1>
    %jit3A_1053 = arith.constant 0.000000e+00 : f32
    %broadcast_in_dim3A_1054 = vector.broadcast %jit3A_1053 : f32 to vector<16xf32>
    %select_n3A_1055 = arith.select %le3A_1045, %gather3A_1052, %broadcast_in_dim3A_1054 : vector<16xi1>, vector<16xf32>
    %swap3A_1056 = arith.constant 496 : index
    %swap3A_1057 = tpu.vector_load %arg5[%swap3A_1056] {strides = array<i32>} : memref<512xf32, #tpu.memory_space<vmem>>, vector<16xf32>,
    tpu.vector_store %arg5[%swap3A_1056], %select_n3A_1055 {strides = array<i32>} : memref<512xf32, #tpu.memory_space<vmem>>, vector<16xf32>,
    "tpu.region"() ({
      %run_scoped3A = tpu.sem_alloc : memref<!tpu.dma_semaphore, #tpu.memory_space<semaphore_mem>>
      %dma_start3A = tpu.memref_slice %arg3[%mul3A_11] : memref<16384xf32, #tpu.memory_space<hbm>> -> memref<512xf32, #tpu.memory_space<hbm>>
      %dma_start3A_1058 = tpu.memref_slice %arg3[%mul3A_11] : memref<16384xf32, #tpu.memory_space<hbm>> -> memref<512xf32, #tpu.memory_space<hbm>>
      tpu.enqueue_dma source(%arg5 : memref<512xf32, #tpu.memory_space<vmem>>) target(%dma_start3A_1058 : memref<512xf32, #tpu.memory_space<hbm>>) target_semaphore(%run_scoped3A : memref<!tpu.dma_semaphore, #tpu.memory_space<semaphore_mem>>)
      %dma_wait3A = tpu.memref_slice %arg3[%mul3A_11] : memref<16384xf32, #tpu.memory_space<hbm>> -> memref<512xf32, #tpu.memory_space<hbm>>
      %dma_wait3A_1059 = tpu.memref_slice %arg3[%mul3A_11] : memref<16384xf32, #tpu.memory_space<hbm>> -> memref<512xf32, #tpu.memory_space<hbm>>
      tpu.wait_dma2 semaphore(%run_scoped3A : memref<!tpu.dma_semaphore, #tpu.memory_space<semaphore_mem>>) src(%arg5 : memref<512xf32, #tpu.memory_space<vmem>>) dst(%dma_wait3A_1059 : memref<512xf32, #tpu.memory_space<hbm>>)
      tpu.yield
    }) : () -> ()
    return
  }
}

module attributes {stable_mosaic.version = 14 : i64} {
  func.func @_tc_b_body(%arg0: memref<2048x128x128xf32, #tpu.memory_space<any>>, %arg1: memref<128x128xf32, #tpu.memory_space<vmem>>, %arg2: memref<2048x128x128xf32, #tpu.memory_space<any>>, %arg3: memref<128x128xf32, #tpu.memory_space<vmem>>, %arg4: memref<128x128x128xf32, #tpu.memory_space<vmem>>, %arg5: memref<4x!tpu.dma_semaphore, #tpu.memory_space<semaphore_mem>>) attributes {dimension_semantics = [], scalar_prefetch = 0 : i64, scratch_operands = 3 : i64, tpu.core_type = #tpu.core_type<tc>} {
    %get3A = arith.constant 0 : index
    %get3A_0 = arith.constant 0 : index
    %get3A_1 = vector.load %arg1[%get3A, %get3A_0] : memref<128x128xf32, #tpu.memory_space<vmem>>, vector<128x128xf32>
    %iota3A = tpu.iota {dimensions = array<i32: 0>} : vector<128x128xi32>
    %iota3A_2 = tpu.iota {dimensions = array<i32: 1>} : vector<128x128xi32>
    %eq3A = arith.cmpi eq, %iota3A, %iota3A_2 : vector<128x128xi32>
    %custom_jvp_call3A = arith.constant 0.000000e+00 : f32
    %max3A = vector.broadcast %custom_jvp_call3A : f32 to vector<128x128xf32>
    %max3A_3 = arith.maximumf %get3A_1, %max3A : vector<128x128xf32>
    %sub3A = vector.broadcast %custom_jvp_call3A : f32 to vector<128x128xf32>
    %sub3A_4 = arith.subf %get3A_1, %sub3A : vector<128x128xf32>
    %ne3A = arith.cmpf one, %sub3A_4, %sub3A_4 : vector<128x128xf32>
    %add3A = vector.broadcast %custom_jvp_call3A : f32 to vector<128x128xf32>
    %add3A_5 = arith.addf %get3A_1, %add3A : vector<128x128xf32>
    %abs3A = math.absf %sub3A_4 : vector<128x128xf32>
    %neg3A = arith.constant 0.000000e+00 : f32
    %neg3A_6 = vector.broadcast %neg3A : f32 to vector<128x128xf32>
    %neg3A_7 = arith.subf %neg3A_6, %abs3A : vector<128x128xf32>
    %exp3A = math.exp %neg3A_7 : vector<128x128xf32>
    %log1p3A = math.log1p %exp3A : vector<128x128xf32>
    %add3A_8 = arith.addf %max3A_3, %log1p3A : vector<128x128xf32>
    %select_n3A = arith.select %ne3A, %add3A_5, %add3A_8 : vector<128x128xi1>, vector<128x128xf32>
    %select_n3A_9 = arith.select %eq3A, %select_n3A, %get3A_1 : vector<128x128xi1>, vector<128x128xf32>
    %swap3A = arith.constant 0 : index
    %swap3A_10 = arith.constant 0 : index
    %swap3A_11 = vector.load %arg3[%swap3A, %swap3A_10] : memref<128x128xf32, #tpu.memory_space<vmem>>, vector<128x128xf32>
    tpu.vector_store %arg3[%swap3A, %swap3A_10], %select_n3A_9 {strides = array<i32>} : memref<128x128xf32, #tpu.memory_space<vmem>>, vector<128x128xf32>,
    %get3A_12 = arith.constant 0 : index
    %get3A_13 = arith.constant 0 : index
    %get3A_14 = vector.load %arg3[%get3A_12, %get3A_13] : memref<128x128xf32, #tpu.memory_space<vmem>>, vector<128x128xf32>
    %broadcast_in_dim3A = vector.shape_cast %get3A_14 : vector<128x128xf32> to vector<1x128x128xf32>
    %broadcast_in_dim3A_15 = vector.shape_cast %broadcast_in_dim3A : vector<1x128x128xf32> to vector<1x128x128xf32>
    %broadcast_in_dim3A_16 = vector.broadcast %broadcast_in_dim3A_15 : vector<1x128x128xf32> to vector<128x128x128xf32>
    %swap3A_17 = arith.constant 0 : index
    %swap3A_18 = arith.constant 0 : index
    %swap3A_19 = arith.constant 0 : index
    %swap3A_20 = vector.load %arg4[%swap3A_17, %swap3A_18, %swap3A_19] : memref<128x128x128xf32, #tpu.memory_space<vmem>>, vector<128x128x128xf32>
    tpu.vector_store %arg4[%swap3A_17, %swap3A_18, %swap3A_19], %broadcast_in_dim3A_16 {strides = array<i32>} : memref<128x128x128xf32, #tpu.memory_space<vmem>>, vector<128x128x128xf32>,
    %scan3A = arith.constant 0 : i32
    %scan3A_21 = arith.constant 2 : i32
    %scan3A_22 = arith.addi %scan3A, %scan3A_21 : i32
    %scan3A_23 = arith.constant 1 : i32
    scf.for %scan3A_29 = %scan3A to %scan3A_22 step %scan3A_23  : i32 {
      %mul3A = arith.constant 4 : i32
      %mul3A_30 = arith.muli %scan3A_29, %mul3A : i32
      %add3A_31 = arith.constant 0 : i32
      %add3A_32 = arith.addi %mul3A_30, %add3A_31 : i32
      %mul3A_33 = arith.constant 128 : i32
      %mul3A_34 = arith.muli %add3A_32, %mul3A_33 : i32
      %add3A_35 = arith.constant 1024 : i32
      %add3A_36 = arith.addi %add3A_35, %mul3A_34 : i32
      %dma_start3A = arith.constant 0 : i32
      %dma_start3A_37 = tpu.memref_slice %arg5[%dma_start3A] : memref<4x!tpu.dma_semaphore, #tpu.memory_space<semaphore_mem>> -> memref<1x!tpu.dma_semaphore, #tpu.memory_space<semaphore_mem>>
      %dma_start3A_38 = tpu.memref_squeeze %dma_start3A_37 : memref<1x!tpu.dma_semaphore, #tpu.memory_space<semaphore_mem>> -> memref<!tpu.dma_semaphore, #tpu.memory_space<semaphore_mem>>
      %dma_start3A_39 = arith.constant 0 : i32
      %dma_start3A_40 = arith.constant 0 : i32
      %dma_start3A_41 = tpu.memref_slice %arg2[%add3A_36, %dma_start3A_39, %dma_start3A_40] : memref<2048x128x128xf32, #tpu.memory_space<any>> -> memref<128x128x128xf32, #tpu.memory_space<any>>
      tpu.enqueue_dma source(%arg4 : memref<128x128x128xf32, #tpu.memory_space<vmem>>) target(%dma_start3A_41 : memref<128x128x128xf32, #tpu.memory_space<any>>) target_semaphore(%dma_start3A_38 : memref<!tpu.dma_semaphore, #tpu.memory_space<semaphore_mem>>)
      %mul3A_42 = arith.constant 4 : i32
      %mul3A_43 = arith.muli %scan3A_29, %mul3A_42 : i32
      %add3A_44 = arith.constant 1 : i32
      %add3A_45 = arith.addi %mul3A_43, %add3A_44 : i32
      %mul3A_46 = arith.constant 128 : i32
      %mul3A_47 = arith.muli %add3A_45, %mul3A_46 : i32
      %add3A_48 = arith.constant 1024 : i32
      %add3A_49 = arith.addi %add3A_48, %mul3A_47 : i32
      %dma_start3A_50 = arith.constant 1 : i32
      %dma_start3A_51 = tpu.memref_slice %arg5[%dma_start3A_50] : memref<4x!tpu.dma_semaphore, #tpu.memory_space<semaphore_mem>> -> memref<1x!tpu.dma_semaphore, #tpu.memory_space<semaphore_mem>>
      %dma_start3A_52 = tpu.memref_squeeze %dma_start3A_51 : memref<1x!tpu.dma_semaphore, #tpu.memory_space<semaphore_mem>> -> memref<!tpu.dma_semaphore, #tpu.memory_space<semaphore_mem>>
      %dma_start3A_53 = arith.constant 0 : i32
      %dma_start3A_54 = arith.constant 0 : i32
      %dma_start3A_55 = tpu.memref_slice %arg2[%add3A_49, %dma_start3A_53, %dma_start3A_54] : memref<2048x128x128xf32, #tpu.memory_space<any>> -> memref<128x128x128xf32, #tpu.memory_space<any>>
      tpu.enqueue_dma source(%arg4 : memref<128x128x128xf32, #tpu.memory_space<vmem>>) target(%dma_start3A_55 : memref<128x128x128xf32, #tpu.memory_space<any>>) target_semaphore(%dma_start3A_52 : memref<!tpu.dma_semaphore, #tpu.memory_space<semaphore_mem>>)
      %mul3A_56 = arith.constant 4 : i32
      %mul3A_57 = arith.muli %scan3A_29, %mul3A_56 : i32
      %add3A_58 = arith.constant 2 : i32
      %add3A_59 = arith.addi %mul3A_57, %add3A_58 : i32
      %mul3A_60 = arith.constant 128 : i32
      %mul3A_61 = arith.muli %add3A_59, %mul3A_60 : i32
      %add3A_62 = arith.constant 1024 : i32
      %add3A_63 = arith.addi %add3A_62, %mul3A_61 : i32
      %dma_start3A_64 = arith.constant 2 : i32
      %dma_start3A_65 = tpu.memref_slice %arg5[%dma_start3A_64] : memref<4x!tpu.dma_semaphore, #tpu.memory_space<semaphore_mem>> -> memref<1x!tpu.dma_semaphore, #tpu.memory_space<semaphore_mem>>
      %dma_start3A_66 = tpu.memref_squeeze %dma_start3A_65 : memref<1x!tpu.dma_semaphore, #tpu.memory_space<semaphore_mem>> -> memref<!tpu.dma_semaphore, #tpu.memory_space<semaphore_mem>>
      %dma_start3A_67 = arith.constant 0 : i32
      %dma_start3A_68 = arith.constant 0 : i32
      %dma_start3A_69 = tpu.memref_slice %arg2[%add3A_63, %dma_start3A_67, %dma_start3A_68] : memref<2048x128x128xf32, #tpu.memory_space<any>> -> memref<128x128x128xf32, #tpu.memory_space<any>>
      tpu.enqueue_dma source(%arg4 : memref<128x128x128xf32, #tpu.memory_space<vmem>>) target(%dma_start3A_69 : memref<128x128x128xf32, #tpu.memory_space<any>>) target_semaphore(%dma_start3A_66 : memref<!tpu.dma_semaphore, #tpu.memory_space<semaphore_mem>>)
      %mul3A_70 = arith.constant 4 : i32
      %mul3A_71 = arith.muli %scan3A_29, %mul3A_70 : i32
      %add3A_72 = arith.constant 3 : i32
      %add3A_73 = arith.addi %mul3A_71, %add3A_72 : i32
      %mul3A_74 = arith.constant 128 : i32
      %mul3A_75 = arith.muli %add3A_73, %mul3A_74 : i32
      %add3A_76 = arith.constant 1024 : i32
      %add3A_77 = arith.addi %add3A_76, %mul3A_75 : i32
      %dma_start3A_78 = arith.constant 3 : i32
      %dma_start3A_79 = tpu.memref_slice %arg5[%dma_start3A_78] : memref<4x!tpu.dma_semaphore, #tpu.memory_space<semaphore_mem>> -> memref<1x!tpu.dma_semaphore, #tpu.memory_space<semaphore_mem>>
      %dma_start3A_80 = tpu.memref_squeeze %dma_start3A_79 : memref<1x!tpu.dma_semaphore, #tpu.memory_space<semaphore_mem>> -> memref<!tpu.dma_semaphore, #tpu.memory_space<semaphore_mem>>
      %dma_start3A_81 = arith.constant 0 : i32
      %dma_start3A_82 = arith.constant 0 : i32
      %dma_start3A_83 = tpu.memref_slice %arg2[%add3A_77, %dma_start3A_81, %dma_start3A_82] : memref<2048x128x128xf32, #tpu.memory_space<any>> -> memref<128x128x128xf32, #tpu.memory_space<any>>
      tpu.enqueue_dma source(%arg4 : memref<128x128x128xf32, #tpu.memory_space<vmem>>) target(%dma_start3A_83 : memref<128x128x128xf32, #tpu.memory_space<any>>) target_semaphore(%dma_start3A_80 : memref<!tpu.dma_semaphore, #tpu.memory_space<semaphore_mem>>)
    }
    %scan3A_24 = arith.constant 2 : i32
    %scan3A_25 = arith.constant 0 : i32
    %scan3A_26 = arith.constant 2 : i32
    %scan3A_27 = arith.addi %scan3A_25, %scan3A_26 : i32
    %scan3A_28 = arith.constant 1 : i32
    scf.for %scan3A_29 = %scan3A_25 to %scan3A_27 step %scan3A_28  : i32 {
      %dma_wait3A = arith.constant 0 : i32
      %dma_wait3A_30 = tpu.memref_slice %arg5[%dma_wait3A] : memref<4x!tpu.dma_semaphore, #tpu.memory_space<semaphore_mem>> -> memref<1x!tpu.dma_semaphore, #tpu.memory_space<semaphore_mem>>
      %dma_wait3A_31 = tpu.memref_squeeze %dma_wait3A_30 : memref<1x!tpu.dma_semaphore, #tpu.memory_space<semaphore_mem>> -> memref<!tpu.dma_semaphore, #tpu.memory_space<semaphore_mem>>
      %dma_wait3A_32 = arith.constant 1024 : i32
      %dma_wait3A_33 = arith.constant 0 : i32
      %dma_wait3A_34 = arith.constant 0 : i32
      %dma_wait3A_35 = tpu.memref_slice %arg2[%dma_wait3A_32, %dma_wait3A_33, %dma_wait3A_34] : memref<2048x128x128xf32, #tpu.memory_space<any>> -> memref<128x128x128xf32, #tpu.memory_space<any>>
      tpu.wait_dma2 semaphore(%dma_wait3A_31 : memref<!tpu.dma_semaphore, #tpu.memory_space<semaphore_mem>>) src(%arg4 : memref<128x128x128xf32, #tpu.memory_space<vmem>>) dst(%dma_wait3A_35 : memref<128x128x128xf32, #tpu.memory_space<any>>)
      %dma_wait3A_36 = arith.constant 1 : i32
      %dma_wait3A_37 = tpu.memref_slice %arg5[%dma_wait3A_36] : memref<4x!tpu.dma_semaphore, #tpu.memory_space<semaphore_mem>> -> memref<1x!tpu.dma_semaphore, #tpu.memory_space<semaphore_mem>>
      %dma_wait3A_38 = tpu.memref_squeeze %dma_wait3A_37 : memref<1x!tpu.dma_semaphore, #tpu.memory_space<semaphore_mem>> -> memref<!tpu.dma_semaphore, #tpu.memory_space<semaphore_mem>>
      %dma_wait3A_39 = arith.constant 1024 : i32
      %dma_wait3A_40 = arith.constant 0 : i32
      %dma_wait3A_41 = arith.constant 0 : i32
      %dma_wait3A_42 = tpu.memref_slice %arg2[%dma_wait3A_39, %dma_wait3A_40, %dma_wait3A_41] : memref<2048x128x128xf32, #tpu.memory_space<any>> -> memref<128x128x128xf32, #tpu.memory_space<any>>
      tpu.wait_dma2 semaphore(%dma_wait3A_38 : memref<!tpu.dma_semaphore, #tpu.memory_space<semaphore_mem>>) src(%arg4 : memref<128x128x128xf32, #tpu.memory_space<vmem>>) dst(%dma_wait3A_42 : memref<128x128x128xf32, #tpu.memory_space<any>>)
      %dma_wait3A_43 = arith.constant 2 : i32
      %dma_wait3A_44 = tpu.memref_slice %arg5[%dma_wait3A_43] : memref<4x!tpu.dma_semaphore, #tpu.memory_space<semaphore_mem>> -> memref<1x!tpu.dma_semaphore, #tpu.memory_space<semaphore_mem>>
      %dma_wait3A_45 = tpu.memref_squeeze %dma_wait3A_44 : memref<1x!tpu.dma_semaphore, #tpu.memory_space<semaphore_mem>> -> memref<!tpu.dma_semaphore, #tpu.memory_space<semaphore_mem>>
      %dma_wait3A_46 = arith.constant 1024 : i32
      %dma_wait3A_47 = arith.constant 0 : i32
      %dma_wait3A_48 = arith.constant 0 : i32
      %dma_wait3A_49 = tpu.memref_slice %arg2[%dma_wait3A_46, %dma_wait3A_47, %dma_wait3A_48] : memref<2048x128x128xf32, #tpu.memory_space<any>> -> memref<128x128x128xf32, #tpu.memory_space<any>>
      tpu.wait_dma2 semaphore(%dma_wait3A_45 : memref<!tpu.dma_semaphore, #tpu.memory_space<semaphore_mem>>) src(%arg4 : memref<128x128x128xf32, #tpu.memory_space<vmem>>) dst(%dma_wait3A_49 : memref<128x128x128xf32, #tpu.memory_space<any>>)
      %dma_wait3A_50 = arith.constant 3 : i32
      %dma_wait3A_51 = tpu.memref_slice %arg5[%dma_wait3A_50] : memref<4x!tpu.dma_semaphore, #tpu.memory_space<semaphore_mem>> -> memref<1x!tpu.dma_semaphore, #tpu.memory_space<semaphore_mem>>
      %dma_wait3A_52 = tpu.memref_squeeze %dma_wait3A_51 : memref<1x!tpu.dma_semaphore, #tpu.memory_space<semaphore_mem>> -> memref<!tpu.dma_semaphore, #tpu.memory_space<semaphore_mem>>
      %dma_wait3A_53 = arith.constant 1024 : i32
      %dma_wait3A_54 = arith.constant 0 : i32
      %dma_wait3A_55 = arith.constant 0 : i32
      %dma_wait3A_56 = tpu.memref_slice %arg2[%dma_wait3A_53, %dma_wait3A_54, %dma_wait3A_55] : memref<2048x128x128xf32, #tpu.memory_space<any>> -> memref<128x128x128xf32, #tpu.memory_space<any>>
      tpu.wait_dma2 semaphore(%dma_wait3A_52 : memref<!tpu.dma_semaphore, #tpu.memory_space<semaphore_mem>>) src(%arg4 : memref<128x128x128xf32, #tpu.memory_space<vmem>>) dst(%dma_wait3A_56 : memref<128x128x128xf32, #tpu.memory_space<any>>)
    }
    return
  }
}

module attributes {stable_mosaic.version = 14 : i64} {
  func.func @_tc_a_body(%arg0: memref<1x8384xf32, #tpu.memory_space<vmem>>, %arg1: memref<2048x128x128xf32, #tpu.memory_space<any>>, %arg2: memref<128x128xf32, #tpu.memory_space<vmem>>, %arg3: memref<128x128x128xf32, #tpu.memory_space<vmem>>, %arg4: memref<4x!tpu.dma_semaphore, #tpu.memory_space<semaphore_mem>>) attributes {dimension_semantics = [], scalar_prefetch = 0 : i64, scratch_operands = 3 : i64, tpu.core_type = #tpu.core_type<tc>} {
    %iota3A = tpu.iota {dimensions = array<i32: 1>} : vector<1x128xi32>
    %get3A = arith.constant 0 : index
    %get3A_0 = arith.constant 0 : index
    %get3A_1 = vector.load %arg0[%get3A, %get3A_0] : memref<1x8384xf32, #tpu.memory_space<vmem>>, vector<1x128xf32>
    %get3A_2 = vector.shape_cast %get3A_1 : vector<1x128xf32> to vector<128xf32>
    %reshape3A = vector.shape_cast %get3A_2 : vector<128xf32> to vector<1x128xf32>
    %lt3A = arith.constant 0 : i32
    %lt3A_3 = vector.broadcast %lt3A : i32 to vector<1x128xi32>
    %lt3A_4 = arith.cmpi slt, %iota3A, %lt3A_3 : vector<1x128xi32>
    %eq3A = arith.constant 0 : i32
    %eq3A_5 = vector.broadcast %eq3A : i32 to vector<1x128xi32>
    %eq3A_6 = arith.cmpi eq, %iota3A, %eq3A_5 : vector<1x128xi32>
    %custom_jvp_call3A = arith.constant 0.000000e+00 : f32
    %max3A = vector.broadcast %custom_jvp_call3A : f32 to vector<1x128xf32>
    %max3A_7 = arith.maximumf %reshape3A, %max3A : vector<1x128xf32>
    %sub3A = vector.broadcast %custom_jvp_call3A : f32 to vector<1x128xf32>
    %sub3A_8 = arith.subf %reshape3A, %sub3A : vector<1x128xf32>
    %ne3A = arith.cmpf one, %sub3A_8, %sub3A_8 : vector<1x128xf32>
    %add3A = vector.broadcast %custom_jvp_call3A : f32 to vector<1x128xf32>
    %add3A_9 = arith.addf %reshape3A, %add3A : vector<1x128xf32>
    %abs3A = math.absf %sub3A_8 : vector<1x128xf32>
    %neg3A = arith.constant 0.000000e+00 : f32
    %neg3A_10 = vector.broadcast %neg3A : f32 to vector<1x128xf32>
    %neg3A_11 = arith.subf %neg3A_10, %abs3A : vector<1x128xf32>
    %exp3A = math.exp %neg3A_11 : vector<1x128xf32>
    %log1p3A = math.log1p %exp3A : vector<1x128xf32>
    %add3A_12 = arith.addf %max3A_7, %log1p3A : vector<1x128xf32>
    %select_n3A = arith.select %ne3A, %add3A_9, %add3A_12 : vector<1x128xi1>, vector<1x128xf32>
    %jit3A = arith.constant 0.000000e+00 : f32
    %broadcast_in_dim3A = vector.broadcast %jit3A : f32 to vector<1x128xf32>
    %select_n3A_13 = arith.select %eq3A_6, %select_n3A, %broadcast_in_dim3A : vector<1x128xi1>, vector<1x128xf32>
    %select_n3A_14 = arith.select %lt3A_4, %reshape3A, %select_n3A_13 : vector<1x128xi1>, vector<1x128xf32>
    %swap3A = arith.constant 0 : index
    %swap3A_15 = arith.constant 0 : index
    %swap3A_16 = vector.load %arg2[%swap3A, %swap3A_15] : memref<128x128xf32, #tpu.memory_space<vmem>>, vector<1x128xf32>
    tpu.vector_store %arg2[%swap3A, %swap3A_15], %select_n3A_14 {strides = array<i32>} : memref<128x128xf32, #tpu.memory_space<vmem>>, vector<1x128xf32>,
    %get3A_17 = arith.constant 0 : index
    %get3A_18 = arith.constant 1 : index
    %get3A_19 = vector.load %arg0[%get3A_17, %get3A_18] : memref<1x8384xf32, #tpu.memory_space<vmem>>, vector<1x128xf32>
    %get3A_20 = vector.shape_cast %get3A_19 : vector<1x128xf32> to vector<128xf32>
    %reshape3A_21 = vector.shape_cast %get3A_20 : vector<128xf32> to vector<1x128xf32>
    %lt3A_22 = arith.constant 1 : i32
    %lt3A_23 = vector.broadcast %lt3A_22 : i32 to vector<1x128xi32>
    %lt3A_24 = arith.cmpi slt, %iota3A, %lt3A_23 : vector<1x128xi32>
    %eq3A_25 = arith.constant 1 : i32
    %eq3A_26 = vector.broadcast %eq3A_25 : i32 to vector<1x128xi32>
    %eq3A_27 = arith.cmpi eq, %iota3A, %eq3A_26 : vector<1x128xi32>
    %custom_jvp_call3A_28 = arith.constant 0.000000e+00 : f32
    %max3A_29 = vector.broadcast %custom_jvp_call3A_28 : f32 to vector<1x128xf32>
    %max3A_30 = arith.maximumf %reshape3A_21, %max3A_29 : vector<1x128xf32>
    %sub3A_31 = vector.broadcast %custom_jvp_call3A_28 : f32 to vector<1x128xf32>
    %sub3A_32 = arith.subf %reshape3A_21, %sub3A_31 : vector<1x128xf32>
    %ne3A_33 = arith.cmpf one, %sub3A_32, %sub3A_32 : vector<1x128xf32>
    %add3A_34 = vector.broadcast %custom_jvp_call3A_28 : f32 to vector<1x128xf32>
    %add3A_35 = arith.addf %reshape3A_21, %add3A_34 : vector<1x128xf32>
    %abs3A_36 = math.absf %sub3A_32 : vector<1x128xf32>
    %neg3A_37 = arith.constant 0.000000e+00 : f32
    %neg3A_38 = vector.broadcast %neg3A_37 : f32 to vector<1x128xf32>
    %neg3A_39 = arith.subf %neg3A_38, %abs3A_36 : vector<1x128xf32>
    %exp3A_40 = math.exp %neg3A_39 : vector<1x128xf32>
    %log1p3A_41 = math.log1p %exp3A_40 : vector<1x128xf32>
    %add3A_42 = arith.addf %max3A_30, %log1p3A_41 : vector<1x128xf32>
    %select_n3A_43 = arith.select %ne3A_33, %add3A_35, %add3A_42 : vector<1x128xi1>, vector<1x128xf32>
    %jit3A_44 = arith.constant 0.000000e+00 : f32
    %broadcast_in_dim3A_45 = vector.broadcast %jit3A_44 : f32 to vector<1x128xf32>
    %select_n3A_46 = arith.select %eq3A_27, %select_n3A_43, %broadcast_in_dim3A_45 : vector<1x128xi1>, vector<1x128xf32>
    %select_n3A_47 = arith.select %lt3A_24, %reshape3A_21, %select_n3A_46 : vector<1x128xi1>, vector<1x128xf32>
    %swap3A_48 = arith.constant 1 : index
    %swap3A_49 = arith.constant 0 : index
    %swap3A_50 = vector.load %arg2[%swap3A_48, %swap3A_49] : memref<128x128xf32, #tpu.memory_space<vmem>>, vector<1x128xf32>
    tpu.vector_store %arg2[%swap3A_48, %swap3A_49], %select_n3A_47 {strides = array<i32>} : memref<128x128xf32, #tpu.memory_space<vmem>>, vector<1x128xf32>,
    %get3A_51 = arith.constant 0 : index
    %get3A_52 = arith.constant 3 : index
    %get3A_53 = vector.load %arg0[%get3A_51, %get3A_52] : memref<1x8384xf32, #tpu.memory_space<vmem>>, vector<1x128xf32>
    %get3A_54 = vector.shape_cast %get3A_53 : vector<1x128xf32> to vector<128xf32>
    %reshape3A_55 = vector.shape_cast %get3A_54 : vector<128xf32> to vector<1x128xf32>
    %lt3A_56 = arith.constant 2 : i32
    %lt3A_57 = vector.broadcast %lt3A_56 : i32 to vector<1x128xi32>
    %lt3A_58 = arith.cmpi slt, %iota3A, %lt3A_57 : vector<1x128xi32>
    %eq3A_59 = arith.constant 2 : i32
    %eq3A_60 = vector.broadcast %eq3A_59 : i32 to vector<1x128xi32>
    %eq3A_61 = arith.cmpi eq, %iota3A, %eq3A_60 : vector<1x128xi32>
    %custom_jvp_call3A_62 = arith.constant 0.000000e+00 : f32
    %max3A_63 = vector.broadcast %custom_jvp_call3A_62 : f32 to vector<1x128xf32>
    %max3A_64 = arith.maximumf %reshape3A_55, %max3A_63 : vector<1x128xf32>
    %sub3A_65 = vector.broadcast %custom_jvp_call3A_62 : f32 to vector<1x128xf32>
    %sub3A_66 = arith.subf %reshape3A_55, %sub3A_65 : vector<1x128xf32>
    %ne3A_67 = arith.cmpf one, %sub3A_66, %sub3A_66 : vector<1x128xf32>
    %add3A_68 = vector.broadcast %custom_jvp_call3A_62 : f32 to vector<1x128xf32>
    %add3A_69 = arith.addf %reshape3A_55, %add3A_68 : vector<1x128xf32>
    %abs3A_70 = math.absf %sub3A_66 : vector<1x128xf32>
    %neg3A_71 = arith.constant 0.000000e+00 : f32
    %neg3A_72 = vector.broadcast %neg3A_71 : f32 to vector<1x128xf32>
    %neg3A_73 = arith.subf %neg3A_72, %abs3A_70 : vector<1x128xf32>
    %exp3A_74 = math.exp %neg3A_73 : vector<1x128xf32>
    %log1p3A_75 = math.log1p %exp3A_74 : vector<1x128xf32>
    %add3A_76 = arith.addf %max3A_64, %log1p3A_75 : vector<1x128xf32>
    %select_n3A_77 = arith.select %ne3A_67, %add3A_69, %add3A_76 : vector<1x128xi1>, vector<1x128xf32>
    %jit3A_78 = arith.constant 0.000000e+00 : f32
    %broadcast_in_dim3A_79 = vector.broadcast %jit3A_78 : f32 to vector<1x128xf32>
    %select_n3A_80 = arith.select %eq3A_61, %select_n3A_77, %broadcast_in_dim3A_79 : vector<1x128xi1>, vector<1x128xf32>
    %select_n3A_81 = arith.select %lt3A_58, %reshape3A_55, %select_n3A_80 : vector<1x128xi1>, vector<1x128xf32>
    %swap3A_82 = arith.constant 2 : index
    %swap3A_83 = arith.constant 0 : index
    %swap3A_84 = vector.load %arg2[%swap3A_82, %swap3A_83] : memref<128x128xf32, #tpu.memory_space<vmem>>, vector<1x128xf32>
    tpu.vector_store %arg2[%swap3A_82, %swap3A_83], %select_n3A_81 {strides = array<i32>} : memref<128x128xf32, #tpu.memory_space<vmem>>, vector<1x128xf32>,
    %get3A_85 = arith.constant 0 : index
    %get3A_86 = arith.constant 6 : index
    %get3A_87 = vector.load %arg0[%get3A_85, %get3A_86] : memref<1x8384xf32, #tpu.memory_space<vmem>>, vector<1x128xf32>
    %get3A_88 = vector.shape_cast %get3A_87 : vector<1x128xf32> to vector<128xf32>
    %reshape3A_89 = vector.shape_cast %get3A_88 : vector<128xf32> to vector<1x128xf32>
    %lt3A_90 = arith.constant 3 : i32
    %lt3A_91 = vector.broadcast %lt3A_90 : i32 to vector<1x128xi32>
    %lt3A_92 = arith.cmpi slt, %iota3A, %lt3A_91 : vector<1x128xi32>
    %eq3A_93 = arith.constant 3 : i32
    %eq3A_94 = vector.broadcast %eq3A_93 : i32 to vector<1x128xi32>
    %eq3A_95 = arith.cmpi eq, %iota3A, %eq3A_94 : vector<1x128xi32>
    %custom_jvp_call3A_96 = arith.constant 0.000000e+00 : f32
    %max3A_97 = vector.broadcast %custom_jvp_call3A_96 : f32 to vector<1x128xf32>
    %max3A_98 = arith.maximumf %reshape3A_89, %max3A_97 : vector<1x128xf32>
    %sub3A_99 = vector.broadcast %custom_jvp_call3A_96 : f32 to vector<1x128xf32>
    %sub3A_100 = arith.subf %reshape3A_89, %sub3A_99 : vector<1x128xf32>
    %ne3A_101 = arith.cmpf one, %sub3A_100, %sub3A_100 : vector<1x128xf32>
    %add3A_102 = vector.broadcast %custom_jvp_call3A_96 : f32 to vector<1x128xf32>
    %add3A_103 = arith.addf %reshape3A_89, %add3A_102 : vector<1x128xf32>
    %abs3A_104 = math.absf %sub3A_100 : vector<1x128xf32>
    %neg3A_105 = arith.constant 0.000000e+00 : f32
    %neg3A_106 = vector.broadcast %neg3A_105 : f32 to vector<1x128xf32>
    %neg3A_107 = arith.subf %neg3A_106, %abs3A_104 : vector<1x128xf32>
    %exp3A_108 = math.exp %neg3A_107 : vector<1x128xf32>
    %log1p3A_109 = math.log1p %exp3A_108 : vector<1x128xf32>
    %add3A_110 = arith.addf %max3A_98, %log1p3A_109 : vector<1x128xf32>
    %select_n3A_111 = arith.select %ne3A_101, %add3A_103, %add3A_110 : vector<1x128xi1>, vector<1x128xf32>
    %jit3A_112 = arith.constant 0.000000e+00 : f32
    %broadcast_in_dim3A_113 = vector.broadcast %jit3A_112 : f32 to vector<1x128xf32>
    %select_n3A_114 = arith.select %eq3A_95, %select_n3A_111, %broadcast_in_dim3A_113 : vector<1x128xi1>, vector<1x128xf32>
    %select_n3A_115 = arith.select %lt3A_92, %reshape3A_89, %select_n3A_114 : vector<1x128xi1>, vector<1x128xf32>
    %swap3A_116 = arith.constant 3 : index
    %swap3A_117 = arith.constant 0 : index
    %swap3A_118 = vector.load %arg2[%swap3A_116, %swap3A_117] : memref<128x128xf32, #tpu.memory_space<vmem>>, vector<1x128xf32>
    tpu.vector_store %arg2[%swap3A_116, %swap3A_117], %select_n3A_115 {strides = array<i32>} : memref<128x128xf32, #tpu.memory_space<vmem>>, vector<1x128xf32>,
    %get3A_119 = arith.constant 0 : index
    %get3A_120 = arith.constant 10 : index
    %get3A_121 = vector.load %arg0[%get3A_119, %get3A_120] : memref<1x8384xf32, #tpu.memory_space<vmem>>, vector<1x128xf32>
    %get3A_122 = vector.shape_cast %get3A_121 : vector<1x128xf32> to vector<128xf32>
    %reshape3A_123 = vector.shape_cast %get3A_122 : vector<128xf32> to vector<1x128xf32>
    %lt3A_124 = arith.constant 4 : i32
    %lt3A_125 = vector.broadcast %lt3A_124 : i32 to vector<1x128xi32>
    %lt3A_126 = arith.cmpi slt, %iota3A, %lt3A_125 : vector<1x128xi32>
    %eq3A_127 = arith.constant 4 : i32
    %eq3A_128 = vector.broadcast %eq3A_127 : i32 to vector<1x128xi32>
    %eq3A_129 = arith.cmpi eq, %iota3A, %eq3A_128 : vector<1x128xi32>
    %custom_jvp_call3A_130 = arith.constant 0.000000e+00 : f32
    %max3A_131 = vector.broadcast %custom_jvp_call3A_130 : f32 to vector<1x128xf32>
    %max3A_132 = arith.maximumf %reshape3A_123, %max3A_131 : vector<1x128xf32>
    %sub3A_133 = vector.broadcast %custom_jvp_call3A_130 : f32 to vector<1x128xf32>
    %sub3A_134 = arith.subf %reshape3A_123, %sub3A_133 : vector<1x128xf32>
    %ne3A_135 = arith.cmpf one, %sub3A_134, %sub3A_134 : vector<1x128xf32>
    %add3A_136 = vector.broadcast %custom_jvp_call3A_130 : f32 to vector<1x128xf32>
    %add3A_137 = arith.addf %reshape3A_123, %add3A_136 : vector<1x128xf32>
    %abs3A_138 = math.absf %sub3A_134 : vector<1x128xf32>
    %neg3A_139 = arith.constant 0.000000e+00 : f32
    %neg3A_140 = vector.broadcast %neg3A_139 : f32 to vector<1x128xf32>
    %neg3A_141 = arith.subf %neg3A_140, %abs3A_138 : vector<1x128xf32>
    %exp3A_142 = math.exp %neg3A_141 : vector<1x128xf32>
    %log1p3A_143 = math.log1p %exp3A_142 : vector<1x128xf32>
    %add3A_144 = arith.addf %max3A_132, %log1p3A_143 : vector<1x128xf32>
    %select_n3A_145 = arith.select %ne3A_135, %add3A_137, %add3A_144 : vector<1x128xi1>, vector<1x128xf32>
    %jit3A_146 = arith.constant 0.000000e+00 : f32
    %broadcast_in_dim3A_147 = vector.broadcast %jit3A_146 : f32 to vector<1x128xf32>
    %select_n3A_148 = arith.select %eq3A_129, %select_n3A_145, %broadcast_in_dim3A_147 : vector<1x128xi1>, vector<1x128xf32>
    %select_n3A_149 = arith.select %lt3A_126, %reshape3A_123, %select_n3A_148 : vector<1x128xi1>, vector<1x128xf32>
    %swap3A_150 = arith.constant 4 : index
    %swap3A_151 = arith.constant 0 : index
    %swap3A_152 = vector.load %arg2[%swap3A_150, %swap3A_151] : memref<128x128xf32, #tpu.memory_space<vmem>>, vector<1x128xf32>
    tpu.vector_store %arg2[%swap3A_150, %swap3A_151], %select_n3A_149 {strides = array<i32>} : memref<128x128xf32, #tpu.memory_space<vmem>>, vector<1x128xf32>,
    %get3A_153 = arith.constant 0 : index
    %get3A_154 = arith.constant 15 : index
    %get3A_155 = vector.load %arg0[%get3A_153, %get3A_154] : memref<1x8384xf32, #tpu.memory_space<vmem>>, vector<1x128xf32>
    %get3A_156 = vector.shape_cast %get3A_155 : vector<1x128xf32> to vector<128xf32>
    %reshape3A_157 = vector.shape_cast %get3A_156 : vector<128xf32> to vector<1x128xf32>
    %lt3A_158 = arith.constant 5 : i32
    %lt3A_159 = vector.broadcast %lt3A_158 : i32 to vector<1x128xi32>
    %lt3A_160 = arith.cmpi slt, %iota3A, %lt3A_159 : vector<1x128xi32>
    %eq3A_161 = arith.constant 5 : i32
    %eq3A_162 = vector.broadcast %eq3A_161 : i32 to vector<1x128xi32>
    %eq3A_163 = arith.cmpi eq, %iota3A, %eq3A_162 : vector<1x128xi32>
    %custom_jvp_call3A_164 = arith.constant 0.000000e+00 : f32
    %max3A_165 = vector.broadcast %custom_jvp_call3A_164 : f32 to vector<1x128xf32>
    %max3A_166 = arith.maximumf %reshape3A_157, %max3A_165 : vector<1x128xf32>
    %sub3A_167 = vector.broadcast %custom_jvp_call3A_164 : f32 to vector<1x128xf32>
    %sub3A_168 = arith.subf %reshape3A_157, %sub3A_167 : vector<1x128xf32>
    %ne3A_169 = arith.cmpf one, %sub3A_168, %sub3A_168 : vector<1x128xf32>
    %add3A_170 = vector.broadcast %custom_jvp_call3A_164 : f32 to vector<1x128xf32>
    %add3A_171 = arith.addf %reshape3A_157, %add3A_170 : vector<1x128xf32>
    %abs3A_172 = math.absf %sub3A_168 : vector<1x128xf32>
    %neg3A_173 = arith.constant 0.000000e+00 : f32
    %neg3A_174 = vector.broadcast %neg3A_173 : f32 to vector<1x128xf32>
    %neg3A_175 = arith.subf %neg3A_174, %abs3A_172 : vector<1x128xf32>
    %exp3A_176 = math.exp %neg3A_175 : vector<1x128xf32>
    %log1p3A_177 = math.log1p %exp3A_176 : vector<1x128xf32>
    %add3A_178 = arith.addf %max3A_166, %log1p3A_177 : vector<1x128xf32>
    %select_n3A_179 = arith.select %ne3A_169, %add3A_171, %add3A_178 : vector<1x128xi1>, vector<1x128xf32>
    %jit3A_180 = arith.constant 0.000000e+00 : f32
    %broadcast_in_dim3A_181 = vector.broadcast %jit3A_180 : f32 to vector<1x128xf32>
    %select_n3A_182 = arith.select %eq3A_163, %select_n3A_179, %broadcast_in_dim3A_181 : vector<1x128xi1>, vector<1x128xf32>
    %select_n3A_183 = arith.select %lt3A_160, %reshape3A_157, %select_n3A_182 : vector<1x128xi1>, vector<1x128xf32>
    %swap3A_184 = arith.constant 5 : index
    %swap3A_185 = arith.constant 0 : index
    %swap3A_186 = vector.load %arg2[%swap3A_184, %swap3A_185] : memref<128x128xf32, #tpu.memory_space<vmem>>, vector<1x128xf32>
    tpu.vector_store %arg2[%swap3A_184, %swap3A_185], %select_n3A_183 {strides = array<i32>} : memref<128x128xf32, #tpu.memory_space<vmem>>, vector<1x128xf32>,
    %get3A_187 = arith.constant 0 : index
    %get3A_188 = arith.constant 21 : index
    %get3A_189 = vector.load %arg0[%get3A_187, %get3A_188] : memref<1x8384xf32, #tpu.memory_space<vmem>>, vector<1x128xf32>
    %get3A_190 = vector.shape_cast %get3A_189 : vector<1x128xf32> to vector<128xf32>
    %reshape3A_191 = vector.shape_cast %get3A_190 : vector<128xf32> to vector<1x128xf32>
    %lt3A_192 = arith.constant 6 : i32
    %lt3A_193 = vector.broadcast %lt3A_192 : i32 to vector<1x128xi32>
    %lt3A_194 = arith.cmpi slt, %iota3A, %lt3A_193 : vector<1x128xi32>
    %eq3A_195 = arith.constant 6 : i32
    %eq3A_196 = vector.broadcast %eq3A_195 : i32 to vector<1x128xi32>
    %eq3A_197 = arith.cmpi eq, %iota3A, %eq3A_196 : vector<1x128xi32>
    %custom_jvp_call3A_198 = arith.constant 0.000000e+00 : f32
    %max3A_199 = vector.broadcast %custom_jvp_call3A_198 : f32 to vector<1x128xf32>
    %max3A_200 = arith.maximumf %reshape3A_191, %max3A_199 : vector<1x128xf32>
    %sub3A_201 = vector.broadcast %custom_jvp_call3A_198 : f32 to vector<1x128xf32>
    %sub3A_202 = arith.subf %reshape3A_191, %sub3A_201 : vector<1x128xf32>
    %ne3A_203 = arith.cmpf one, %sub3A_202, %sub3A_202 : vector<1x128xf32>
    %add3A_204 = vector.broadcast %custom_jvp_call3A_198 : f32 to vector<1x128xf32>
    %add3A_205 = arith.addf %reshape3A_191, %add3A_204 : vector<1x128xf32>
    %abs3A_206 = math.absf %sub3A_202 : vector<1x128xf32>
    %neg3A_207 = arith.constant 0.000000e+00 : f32
    %neg3A_208 = vector.broadcast %neg3A_207 : f32 to vector<1x128xf32>
    %neg3A_209 = arith.subf %neg3A_208, %abs3A_206 : vector<1x128xf32>
    %exp3A_210 = math.exp %neg3A_209 : vector<1x128xf32>
    %log1p3A_211 = math.log1p %exp3A_210 : vector<1x128xf32>
    %add3A_212 = arith.addf %max3A_200, %log1p3A_211 : vector<1x128xf32>
    %select_n3A_213 = arith.select %ne3A_203, %add3A_205, %add3A_212 : vector<1x128xi1>, vector<1x128xf32>
    %jit3A_214 = arith.constant 0.000000e+00 : f32
    %broadcast_in_dim3A_215 = vector.broadcast %jit3A_214 : f32 to vector<1x128xf32>
    %select_n3A_216 = arith.select %eq3A_197, %select_n3A_213, %broadcast_in_dim3A_215 : vector<1x128xi1>, vector<1x128xf32>
    %select_n3A_217 = arith.select %lt3A_194, %reshape3A_191, %select_n3A_216 : vector<1x128xi1>, vector<1x128xf32>
    %swap3A_218 = arith.constant 6 : index
    %swap3A_219 = arith.constant 0 : index
    %swap3A_220 = vector.load %arg2[%swap3A_218, %swap3A_219] : memref<128x128xf32, #tpu.memory_space<vmem>>, vector<1x128xf32>
    tpu.vector_store %arg2[%swap3A_218, %swap3A_219], %select_n3A_217 {strides = array<i32>} : memref<128x128xf32, #tpu.memory_space<vmem>>, vector<1x128xf32>,
    %get3A_221 = arith.constant 0 : index
    %get3A_222 = arith.constant 28 : index
    %get3A_223 = vector.load %arg0[%get3A_221, %get3A_222] : memref<1x8384xf32, #tpu.memory_space<vmem>>, vector<1x128xf32>
    %get3A_224 = vector.shape_cast %get3A_223 : vector<1x128xf32> to vector<128xf32>
    %reshape3A_225 = vector.shape_cast %get3A_224 : vector<128xf32> to vector<1x128xf32>
    %lt3A_226 = arith.constant 7 : i32
    %lt3A_227 = vector.broadcast %lt3A_226 : i32 to vector<1x128xi32>
    %lt3A_228 = arith.cmpi slt, %iota3A, %lt3A_227 : vector<1x128xi32>
    %eq3A_229 = arith.constant 7 : i32
    %eq3A_230 = vector.broadcast %eq3A_229 : i32 to vector<1x128xi32>
    %eq3A_231 = arith.cmpi eq, %iota3A, %eq3A_230 : vector<1x128xi32>
    %custom_jvp_call3A_232 = arith.constant 0.000000e+00 : f32
    %max3A_233 = vector.broadcast %custom_jvp_call3A_232 : f32 to vector<1x128xf32>
    %max3A_234 = arith.maximumf %reshape3A_225, %max3A_233 : vector<1x128xf32>
    %sub3A_235 = vector.broadcast %custom_jvp_call3A_232 : f32 to vector<1x128xf32>
    %sub3A_236 = arith.subf %reshape3A_225, %sub3A_235 : vector<1x128xf32>
    %ne3A_237 = arith.cmpf one, %sub3A_236, %sub3A_236 : vector<1x128xf32>
    %add3A_238 = vector.broadcast %custom_jvp_call3A_232 : f32 to vector<1x128xf32>
    %add3A_239 = arith.addf %reshape3A_225, %add3A_238 : vector<1x128xf32>
    %abs3A_240 = math.absf %sub3A_236 : vector<1x128xf32>
    %neg3A_241 = arith.constant 0.000000e+00 : f32
    %neg3A_242 = vector.broadcast %neg3A_241 : f32 to vector<1x128xf32>
    %neg3A_243 = arith.subf %neg3A_242, %abs3A_240 : vector<1x128xf32>
    %exp3A_244 = math.exp %neg3A_243 : vector<1x128xf32>
    %log1p3A_245 = math.log1p %exp3A_244 : vector<1x128xf32>
    %add3A_246 = arith.addf %max3A_234, %log1p3A_245 : vector<1x128xf32>
    %select_n3A_247 = arith.select %ne3A_237, %add3A_239, %add3A_246 : vector<1x128xi1>, vector<1x128xf32>
    %jit3A_248 = arith.constant 0.000000e+00 : f32
    %broadcast_in_dim3A_249 = vector.broadcast %jit3A_248 : f32 to vector<1x128xf32>
    %select_n3A_250 = arith.select %eq3A_231, %select_n3A_247, %broadcast_in_dim3A_249 : vector<1x128xi1>, vector<1x128xf32>
    %select_n3A_251 = arith.select %lt3A_228, %reshape3A_225, %select_n3A_250 : vector<1x128xi1>, vector<1x128xf32>
    %swap3A_252 = arith.constant 7 : index
    %swap3A_253 = arith.constant 0 : index
    %swap3A_254 = vector.load %arg2[%swap3A_252, %swap3A_253] : memref<128x128xf32, #tpu.memory_space<vmem>>, vector<1x128xf32>
    tpu.vector_store %arg2[%swap3A_252, %swap3A_253], %select_n3A_251 {strides = array<i32>} : memref<128x128xf32, #tpu.memory_space<vmem>>, vector<1x128xf32>,
    %get3A_255 = arith.constant 0 : index
    %get3A_256 = arith.constant 36 : index
    %get3A_257 = vector.load %arg0[%get3A_255, %get3A_256] : memref<1x8384xf32, #tpu.memory_space<vmem>>, vector<1x128xf32>
    %get3A_258 = vector.shape_cast %get3A_257 : vector<1x128xf32> to vector<128xf32>
    %reshape3A_259 = vector.shape_cast %get3A_258 : vector<128xf32> to vector<1x128xf32>
    %lt3A_260 = arith.constant 8 : i32
    %lt3A_261 = vector.broadcast %lt3A_260 : i32 to vector<1x128xi32>
    %lt3A_262 = arith.cmpi slt, %iota3A, %lt3A_261 : vector<1x128xi32>
    %eq3A_263 = arith.constant 8 : i32
    %eq3A_264 = vector.broadcast %eq3A_263 : i32 to vector<1x128xi32>
    %eq3A_265 = arith.cmpi eq, %iota3A, %eq3A_264 : vector<1x128xi32>
    %custom_jvp_call3A_266 = arith.constant 0.000000e+00 : f32
    %max3A_267 = vector.broadcast %custom_jvp_call3A_266 : f32 to vector<1x128xf32>
    %max3A_268 = arith.maximumf %reshape3A_259, %max3A_267 : vector<1x128xf32>
    %sub3A_269 = vector.broadcast %custom_jvp_call3A_266 : f32 to vector<1x128xf32>
    %sub3A_270 = arith.subf %reshape3A_259, %sub3A_269 : vector<1x128xf32>
    %ne3A_271 = arith.cmpf one, %sub3A_270, %sub3A_270 : vector<1x128xf32>
    %add3A_272 = vector.broadcast %custom_jvp_call3A_266 : f32 to vector<1x128xf32>
    %add3A_273 = arith.addf %reshape3A_259, %add3A_272 : vector<1x128xf32>
    %abs3A_274 = math.absf %sub3A_270 : vector<1x128xf32>
    %neg3A_275 = arith.constant 0.000000e+00 : f32
    %neg3A_276 = vector.broadcast %neg3A_275 : f32 to vector<1x128xf32>
    %neg3A_277 = arith.subf %neg3A_276, %abs3A_274 : vector<1x128xf32>
    %exp3A_278 = math.exp %neg3A_277 : vector<1x128xf32>
    %log1p3A_279 = math.log1p %exp3A_278 : vector<1x128xf32>
    %add3A_280 = arith.addf %max3A_268, %log1p3A_279 : vector<1x128xf32>
    %select_n3A_281 = arith.select %ne3A_271, %add3A_273, %add3A_280 : vector<1x128xi1>, vector<1x128xf32>
    %jit3A_282 = arith.constant 0.000000e+00 : f32
    %broadcast_in_dim3A_283 = vector.broadcast %jit3A_282 : f32 to vector<1x128xf32>
    %select_n3A_284 = arith.select %eq3A_265, %select_n3A_281, %broadcast_in_dim3A_283 : vector<1x128xi1>, vector<1x128xf32>
    %select_n3A_285 = arith.select %lt3A_262, %reshape3A_259, %select_n3A_284 : vector<1x128xi1>, vector<1x128xf32>
    %swap3A_286 = arith.constant 8 : index
    %swap3A_287 = arith.constant 0 : index
    %swap3A_288 = vector.load %arg2[%swap3A_286, %swap3A_287] : memref<128x128xf32, #tpu.memory_space<vmem>>, vector<1x128xf32>
    tpu.vector_store %arg2[%swap3A_286, %swap3A_287], %select_n3A_285 {strides = array<i32>} : memref<128x128xf32, #tpu.memory_space<vmem>>, vector<1x128xf32>,
    %get3A_289 = arith.constant 0 : index
    %get3A_290 = arith.constant 45 : index
    %get3A_291 = vector.load %arg0[%get3A_289, %get3A_290] : memref<1x8384xf32, #tpu.memory_space<vmem>>, vector<1x128xf32>
    %get3A_292 = vector.shape_cast %get3A_291 : vector<1x128xf32> to vector<128xf32>
    %reshape3A_293 = vector.shape_cast %get3A_292 : vector<128xf32> to vector<1x128xf32>
    %lt3A_294 = arith.constant 9 : i32
    %lt3A_295 = vector.broadcast %lt3A_294 : i32 to vector<1x128xi32>
    %lt3A_296 = arith.cmpi slt, %iota3A, %lt3A_295 : vector<1x128xi32>
    %eq3A_297 = arith.constant 9 : i32
    %eq3A_298 = vector.broadcast %eq3A_297 : i32 to vector<1x128xi32>
    %eq3A_299 = arith.cmpi eq, %iota3A, %eq3A_298 : vector<1x128xi32>
    %custom_jvp_call3A_300 = arith.constant 0.000000e+00 : f32
    %max3A_301 = vector.broadcast %custom_jvp_call3A_300 : f32 to vector<1x128xf32>
    %max3A_302 = arith.maximumf %reshape3A_293, %max3A_301 : vector<1x128xf32>
    %sub3A_303 = vector.broadcast %custom_jvp_call3A_300 : f32 to vector<1x128xf32>
    %sub3A_304 = arith.subf %reshape3A_293, %sub3A_303 : vector<1x128xf32>
    %ne3A_305 = arith.cmpf one, %sub3A_304, %sub3A_304 : vector<1x128xf32>
    %add3A_306 = vector.broadcast %custom_jvp_call3A_300 : f32 to vector<1x128xf32>
    %add3A_307 = arith.addf %reshape3A_293, %add3A_306 : vector<1x128xf32>
    %abs3A_308 = math.absf %sub3A_304 : vector<1x128xf32>
    %neg3A_309 = arith.constant 0.000000e+00 : f32
    %neg3A_310 = vector.broadcast %neg3A_309 : f32 to vector<1x128xf32>
    %neg3A_311 = arith.subf %neg3A_310, %abs3A_308 : vector<1x128xf32>
    %exp3A_312 = math.exp %neg3A_311 : vector<1x128xf32>
    %log1p3A_313 = math.log1p %exp3A_312 : vector<1x128xf32>
    %add3A_314 = arith.addf %max3A_302, %log1p3A_313 : vector<1x128xf32>
    %select_n3A_315 = arith.select %ne3A_305, %add3A_307, %add3A_314 : vector<1x128xi1>, vector<1x128xf32>
    %jit3A_316 = arith.constant 0.000000e+00 : f32
    %broadcast_in_dim3A_317 = vector.broadcast %jit3A_316 : f32 to vector<1x128xf32>
    %select_n3A_318 = arith.select %eq3A_299, %select_n3A_315, %broadcast_in_dim3A_317 : vector<1x128xi1>, vector<1x128xf32>
    %select_n3A_319 = arith.select %lt3A_296, %reshape3A_293, %select_n3A_318 : vector<1x128xi1>, vector<1x128xf32>
    %swap3A_320 = arith.constant 9 : index
    %swap3A_321 = arith.constant 0 : index
    %swap3A_322 = vector.load %arg2[%swap3A_320, %swap3A_321] : memref<128x128xf32, #tpu.memory_space<vmem>>, vector<1x128xf32>
    tpu.vector_store %arg2[%swap3A_320, %swap3A_321], %select_n3A_319 {strides = array<i32>} : memref<128x128xf32, #tpu.memory_space<vmem>>, vector<1x128xf32>,
    %get3A_323 = arith.constant 0 : index
    %get3A_324 = arith.constant 55 : index
    %get3A_325 = vector.load %arg0[%get3A_323, %get3A_324] : memref<1x8384xf32, #tpu.memory_space<vmem>>, vector<1x128xf32>
    %get3A_326 = vector.shape_cast %get3A_325 : vector<1x128xf32> to vector<128xf32>
    %reshape3A_327 = vector.shape_cast %get3A_326 : vector<128xf32> to vector<1x128xf32>
    %lt3A_328 = arith.constant 10 : i32
    %lt3A_329 = vector.broadcast %lt3A_328 : i32 to vector<1x128xi32>
    %lt3A_330 = arith.cmpi slt, %iota3A, %lt3A_329 : vector<1x128xi32>
    %eq3A_331 = arith.constant 10 : i32
    %eq3A_332 = vector.broadcast %eq3A_331 : i32 to vector<1x128xi32>
    %eq3A_333 = arith.cmpi eq, %iota3A, %eq3A_332 : vector<1x128xi32>
    %custom_jvp_call3A_334 = arith.constant 0.000000e+00 : f32
    %max3A_335 = vector.broadcast %custom_jvp_call3A_334 : f32 to vector<1x128xf32>
    %max3A_336 = arith.maximumf %reshape3A_327, %max3A_335 : vector<1x128xf32>
    %sub3A_337 = vector.broadcast %custom_jvp_call3A_334 : f32 to vector<1x128xf32>
    %sub3A_338 = arith.subf %reshape3A_327, %sub3A_337 : vector<1x128xf32>
    %ne3A_339 = arith.cmpf one, %sub3A_338, %sub3A_338 : vector<1x128xf32>
    %add3A_340 = vector.broadcast %custom_jvp_call3A_334 : f32 to vector<1x128xf32>
    %add3A_341 = arith.addf %reshape3A_327, %add3A_340 : vector<1x128xf32>
    %abs3A_342 = math.absf %sub3A_338 : vector<1x128xf32>
    %neg3A_343 = arith.constant 0.000000e+00 : f32
    %neg3A_344 = vector.broadcast %neg3A_343 : f32 to vector<1x128xf32>
    %neg3A_345 = arith.subf %neg3A_344, %abs3A_342 : vector<1x128xf32>
    %exp3A_346 = math.exp %neg3A_345 : vector<1x128xf32>
    %log1p3A_347 = math.log1p %exp3A_346 : vector<1x128xf32>
    %add3A_348 = arith.addf %max3A_336, %log1p3A_347 : vector<1x128xf32>
    %select_n3A_349 = arith.select %ne3A_339, %add3A_341, %add3A_348 : vector<1x128xi1>, vector<1x128xf32>
    %jit3A_350 = arith.constant 0.000000e+00 : f32
    %broadcast_in_dim3A_351 = vector.broadcast %jit3A_350 : f32 to vector<1x128xf32>
    %select_n3A_352 = arith.select %eq3A_333, %select_n3A_349, %broadcast_in_dim3A_351 : vector<1x128xi1>, vector<1x128xf32>
    %select_n3A_353 = arith.select %lt3A_330, %reshape3A_327, %select_n3A_352 : vector<1x128xi1>, vector<1x128xf32>
    %swap3A_354 = arith.constant 10 : index
    %swap3A_355 = arith.constant 0 : index
    %swap3A_356 = vector.load %arg2[%swap3A_354, %swap3A_355] : memref<128x128xf32, #tpu.memory_space<vmem>>, vector<1x128xf32>
    tpu.vector_store %arg2[%swap3A_354, %swap3A_355], %select_n3A_353 {strides = array<i32>} : memref<128x128xf32, #tpu.memory_space<vmem>>, vector<1x128xf32>,
    %get3A_357 = arith.constant 0 : index
    %get3A_358 = arith.constant 66 : index
    %get3A_359 = vector.load %arg0[%get3A_357, %get3A_358] : memref<1x8384xf32, #tpu.memory_space<vmem>>, vector<1x128xf32>
    %get3A_360 = vector.shape_cast %get3A_359 : vector<1x128xf32> to vector<128xf32>
    %reshape3A_361 = vector.shape_cast %get3A_360 : vector<128xf32> to vector<1x128xf32>
    %lt3A_362 = arith.constant 11 : i32
    %lt3A_363 = vector.broadcast %lt3A_362 : i32 to vector<1x128xi32>
    %lt3A_364 = arith.cmpi slt, %iota3A, %lt3A_363 : vector<1x128xi32>
    %eq3A_365 = arith.constant 11 : i32
    %eq3A_366 = vector.broadcast %eq3A_365 : i32 to vector<1x128xi32>
    %eq3A_367 = arith.cmpi eq, %iota3A, %eq3A_366 : vector<1x128xi32>
    %custom_jvp_call3A_368 = arith.constant 0.000000e+00 : f32
    %max3A_369 = vector.broadcast %custom_jvp_call3A_368 : f32 to vector<1x128xf32>
    %max3A_370 = arith.maximumf %reshape3A_361, %max3A_369 : vector<1x128xf32>
    %sub3A_371 = vector.broadcast %custom_jvp_call3A_368 : f32 to vector<1x128xf32>
    %sub3A_372 = arith.subf %reshape3A_361, %sub3A_371 : vector<1x128xf32>
    %ne3A_373 = arith.cmpf one, %sub3A_372, %sub3A_372 : vector<1x128xf32>
    %add3A_374 = vector.broadcast %custom_jvp_call3A_368 : f32 to vector<1x128xf32>
    %add3A_375 = arith.addf %reshape3A_361, %add3A_374 : vector<1x128xf32>
    %abs3A_376 = math.absf %sub3A_372 : vector<1x128xf32>
    %neg3A_377 = arith.constant 0.000000e+00 : f32
    %neg3A_378 = vector.broadcast %neg3A_377 : f32 to vector<1x128xf32>
    %neg3A_379 = arith.subf %neg3A_378, %abs3A_376 : vector<1x128xf32>
    %exp3A_380 = math.exp %neg3A_379 : vector<1x128xf32>
    %log1p3A_381 = math.log1p %exp3A_380 : vector<1x128xf32>
    %add3A_382 = arith.addf %max3A_370, %log1p3A_381 : vector<1x128xf32>
    %select_n3A_383 = arith.select %ne3A_373, %add3A_375, %add3A_382 : vector<1x128xi1>, vector<1x128xf32>
    %jit3A_384 = arith.constant 0.000000e+00 : f32
    %broadcast_in_dim3A_385 = vector.broadcast %jit3A_384 : f32 to vector<1x128xf32>
    %select_n3A_386 = arith.select %eq3A_367, %select_n3A_383, %broadcast_in_dim3A_385 : vector<1x128xi1>, vector<1x128xf32>
    %select_n3A_387 = arith.select %lt3A_364, %reshape3A_361, %select_n3A_386 : vector<1x128xi1>, vector<1x128xf32>
    %swap3A_388 = arith.constant 11 : index
    %swap3A_389 = arith.constant 0 : index
    %swap3A_390 = vector.load %arg2[%swap3A_388, %swap3A_389] : memref<128x128xf32, #tpu.memory_space<vmem>>, vector<1x128xf32>
    tpu.vector_store %arg2[%swap3A_388, %swap3A_389], %select_n3A_387 {strides = array<i32>} : memref<128x128xf32, #tpu.memory_space<vmem>>, vector<1x128xf32>,
    %get3A_391 = arith.constant 0 : index
    %get3A_392 = arith.constant 78 : index
    %get3A_393 = vector.load %arg0[%get3A_391, %get3A_392] : memref<1x8384xf32, #tpu.memory_space<vmem>>, vector<1x128xf32>
    %get3A_394 = vector.shape_cast %get3A_393 : vector<1x128xf32> to vector<128xf32>
    %reshape3A_395 = vector.shape_cast %get3A_394 : vector<128xf32> to vector<1x128xf32>
    %lt3A_396 = arith.constant 12 : i32
    %lt3A_397 = vector.broadcast %lt3A_396 : i32 to vector<1x128xi32>
    %lt3A_398 = arith.cmpi slt, %iota3A, %lt3A_397 : vector<1x128xi32>
    %eq3A_399 = arith.constant 12 : i32
    %eq3A_400 = vector.broadcast %eq3A_399 : i32 to vector<1x128xi32>
    %eq3A_401 = arith.cmpi eq, %iota3A, %eq3A_400 : vector<1x128xi32>
    %custom_jvp_call3A_402 = arith.constant 0.000000e+00 : f32
    %max3A_403 = vector.broadcast %custom_jvp_call3A_402 : f32 to vector<1x128xf32>
    %max3A_404 = arith.maximumf %reshape3A_395, %max3A_403 : vector<1x128xf32>
    %sub3A_405 = vector.broadcast %custom_jvp_call3A_402 : f32 to vector<1x128xf32>
    %sub3A_406 = arith.subf %reshape3A_395, %sub3A_405 : vector<1x128xf32>
    %ne3A_407 = arith.cmpf one, %sub3A_406, %sub3A_406 : vector<1x128xf32>
    %add3A_408 = vector.broadcast %custom_jvp_call3A_402 : f32 to vector<1x128xf32>
    %add3A_409 = arith.addf %reshape3A_395, %add3A_408 : vector<1x128xf32>
    %abs3A_410 = math.absf %sub3A_406 : vector<1x128xf32>
    %neg3A_411 = arith.constant 0.000000e+00 : f32
    %neg3A_412 = vector.broadcast %neg3A_411 : f32 to vector<1x128xf32>
    %neg3A_413 = arith.subf %neg3A_412, %abs3A_410 : vector<1x128xf32>
    %exp3A_414 = math.exp %neg3A_413 : vector<1x128xf32>
    %log1p3A_415 = math.log1p %exp3A_414 : vector<1x128xf32>
    %add3A_416 = arith.addf %max3A_404, %log1p3A_415 : vector<1x128xf32>
    %select_n3A_417 = arith.select %ne3A_407, %add3A_409, %add3A_416 : vector<1x128xi1>, vector<1x128xf32>
    %jit3A_418 = arith.constant 0.000000e+00 : f32
    %broadcast_in_dim3A_419 = vector.broadcast %jit3A_418 : f32 to vector<1x128xf32>
    %select_n3A_420 = arith.select %eq3A_401, %select_n3A_417, %broadcast_in_dim3A_419 : vector<1x128xi1>, vector<1x128xf32>
    %select_n3A_421 = arith.select %lt3A_398, %reshape3A_395, %select_n3A_420 : vector<1x128xi1>, vector<1x128xf32>
    %swap3A_422 = arith.constant 12 : index
    %swap3A_423 = arith.constant 0 : index
    %swap3A_424 = vector.load %arg2[%swap3A_422, %swap3A_423] : memref<128x128xf32, #tpu.memory_space<vmem>>, vector<1x128xf32>
    tpu.vector_store %arg2[%swap3A_422, %swap3A_423], %select_n3A_421 {strides = array<i32>} : memref<128x128xf32, #tpu.memory_space<vmem>>, vector<1x128xf32>,
    %get3A_425 = arith.constant 0 : index
    %get3A_426 = arith.constant 91 : index
    %get3A_427 = vector.load %arg0[%get3A_425, %get3A_426] : memref<1x8384xf32, #tpu.memory_space<vmem>>, vector<1x128xf32>
    %get3A_428 = vector.shape_cast %get3A_427 : vector<1x128xf32> to vector<128xf32>
    %reshape3A_429 = vector.shape_cast %get3A_428 : vector<128xf32> to vector<1x128xf32>
    %lt3A_430 = arith.constant 13 : i32
    %lt3A_431 = vector.broadcast %lt3A_430 : i32 to vector<1x128xi32>
    %lt3A_432 = arith.cmpi slt, %iota3A, %lt3A_431 : vector<1x128xi32>
    %eq3A_433 = arith.constant 13 : i32
    %eq3A_434 = vector.broadcast %eq3A_433 : i32 to vector<1x128xi32>
    %eq3A_435 = arith.cmpi eq, %iota3A, %eq3A_434 : vector<1x128xi32>
    %custom_jvp_call3A_436 = arith.constant 0.000000e+00 : f32
    %max3A_437 = vector.broadcast %custom_jvp_call3A_436 : f32 to vector<1x128xf32>
    %max3A_438 = arith.maximumf %reshape3A_429, %max3A_437 : vector<1x128xf32>
    %sub3A_439 = vector.broadcast %custom_jvp_call3A_436 : f32 to vector<1x128xf32>
    %sub3A_440 = arith.subf %reshape3A_429, %sub3A_439 : vector<1x128xf32>
    %ne3A_441 = arith.cmpf one, %sub3A_440, %sub3A_440 : vector<1x128xf32>
    %add3A_442 = vector.broadcast %custom_jvp_call3A_436 : f32 to vector<1x128xf32>
    %add3A_443 = arith.addf %reshape3A_429, %add3A_442 : vector<1x128xf32>
    %abs3A_444 = math.absf %sub3A_440 : vector<1x128xf32>
    %neg3A_445 = arith.constant 0.000000e+00 : f32
    %neg3A_446 = vector.broadcast %neg3A_445 : f32 to vector<1x128xf32>
    %neg3A_447 = arith.subf %neg3A_446, %abs3A_444 : vector<1x128xf32>
    %exp3A_448 = math.exp %neg3A_447 : vector<1x128xf32>
    %log1p3A_449 = math.log1p %exp3A_448 : vector<1x128xf32>
    %add3A_450 = arith.addf %max3A_438, %log1p3A_449 : vector<1x128xf32>
    %select_n3A_451 = arith.select %ne3A_441, %add3A_443, %add3A_450 : vector<1x128xi1>, vector<1x128xf32>
    %jit3A_452 = arith.constant 0.000000e+00 : f32
    %broadcast_in_dim3A_453 = vector.broadcast %jit3A_452 : f32 to vector<1x128xf32>
    %select_n3A_454 = arith.select %eq3A_435, %select_n3A_451, %broadcast_in_dim3A_453 : vector<1x128xi1>, vector<1x128xf32>
    %select_n3A_455 = arith.select %lt3A_432, %reshape3A_429, %select_n3A_454 : vector<1x128xi1>, vector<1x128xf32>
    %swap3A_456 = arith.constant 13 : index
    %swap3A_457 = arith.constant 0 : index
    %swap3A_458 = vector.load %arg2[%swap3A_456, %swap3A_457] : memref<128x128xf32, #tpu.memory_space<vmem>>, vector<1x128xf32>
    tpu.vector_store %arg2[%swap3A_456, %swap3A_457], %select_n3A_455 {strides = array<i32>} : memref<128x128xf32, #tpu.memory_space<vmem>>, vector<1x128xf32>,
    %get3A_459 = arith.constant 0 : index
    %get3A_460 = arith.constant 105 : index
    %get3A_461 = vector.load %arg0[%get3A_459, %get3A_460] : memref<1x8384xf32, #tpu.memory_space<vmem>>, vector<1x128xf32>
    %get3A_462 = vector.shape_cast %get3A_461 : vector<1x128xf32> to vector<128xf32>
    %reshape3A_463 = vector.shape_cast %get3A_462 : vector<128xf32> to vector<1x128xf32>
    %lt3A_464 = arith.constant 14 : i32
    %lt3A_465 = vector.broadcast %lt3A_464 : i32 to vector<1x128xi32>
    %lt3A_466 = arith.cmpi slt, %iota3A, %lt3A_465 : vector<1x128xi32>
    %eq3A_467 = arith.constant 14 : i32
    %eq3A_468 = vector.broadcast %eq3A_467 : i32 to vector<1x128xi32>
    %eq3A_469 = arith.cmpi eq, %iota3A, %eq3A_468 : vector<1x128xi32>
    %custom_jvp_call3A_470 = arith.constant 0.000000e+00 : f32
    %max3A_471 = vector.broadcast %custom_jvp_call3A_470 : f32 to vector<1x128xf32>
    %max3A_472 = arith.maximumf %reshape3A_463, %max3A_471 : vector<1x128xf32>
    %sub3A_473 = vector.broadcast %custom_jvp_call3A_470 : f32 to vector<1x128xf32>
    %sub3A_474 = arith.subf %reshape3A_463, %sub3A_473 : vector<1x128xf32>
    %ne3A_475 = arith.cmpf one, %sub3A_474, %sub3A_474 : vector<1x128xf32>
    %add3A_476 = vector.broadcast %custom_jvp_call3A_470 : f32 to vector<1x128xf32>
    %add3A_477 = arith.addf %reshape3A_463, %add3A_476 : vector<1x128xf32>
    %abs3A_478 = math.absf %sub3A_474 : vector<1x128xf32>
    %neg3A_479 = arith.constant 0.000000e+00 : f32
    %neg3A_480 = vector.broadcast %neg3A_479 : f32 to vector<1x128xf32>
    %neg3A_481 = arith.subf %neg3A_480, %abs3A_478 : vector<1x128xf32>
    %exp3A_482 = math.exp %neg3A_481 : vector<1x128xf32>
    %log1p3A_483 = math.log1p %exp3A_482 : vector<1x128xf32>
    %add3A_484 = arith.addf %max3A_472, %log1p3A_483 : vector<1x128xf32>
    %select_n3A_485 = arith.select %ne3A_475, %add3A_477, %add3A_484 : vector<1x128xi1>, vector<1x128xf32>
    %jit3A_486 = arith.constant 0.000000e+00 : f32
    %broadcast_in_dim3A_487 = vector.broadcast %jit3A_486 : f32 to vector<1x128xf32>
    %select_n3A_488 = arith.select %eq3A_469, %select_n3A_485, %broadcast_in_dim3A_487 : vector<1x128xi1>, vector<1x128xf32>
    %select_n3A_489 = arith.select %lt3A_466, %reshape3A_463, %select_n3A_488 : vector<1x128xi1>, vector<1x128xf32>
    %swap3A_490 = arith.constant 14 : index
    %swap3A_491 = arith.constant 0 : index
    %swap3A_492 = vector.load %arg2[%swap3A_490, %swap3A_491] : memref<128x128xf32, #tpu.memory_space<vmem>>, vector<1x128xf32>
    tpu.vector_store %arg2[%swap3A_490, %swap3A_491], %select_n3A_489 {strides = array<i32>} : memref<128x128xf32, #tpu.memory_space<vmem>>, vector<1x128xf32>,
    %get3A_493 = arith.constant 0 : index
    %get3A_494 = arith.constant 120 : index
    %get3A_495 = vector.load %arg0[%get3A_493, %get3A_494] : memref<1x8384xf32, #tpu.memory_space<vmem>>, vector<1x128xf32>
    %get3A_496 = vector.shape_cast %get3A_495 : vector<1x128xf32> to vector<128xf32>
    %reshape3A_497 = vector.shape_cast %get3A_496 : vector<128xf32> to vector<1x128xf32>
    %lt3A_498 = arith.constant 15 : i32
    %lt3A_499 = vector.broadcast %lt3A_498 : i32 to vector<1x128xi32>
    %lt3A_500 = arith.cmpi slt, %iota3A, %lt3A_499 : vector<1x128xi32>
    %eq3A_501 = arith.constant 15 : i32
    %eq3A_502 = vector.broadcast %eq3A_501 : i32 to vector<1x128xi32>
    %eq3A_503 = arith.cmpi eq, %iota3A, %eq3A_502 : vector<1x128xi32>
    %custom_jvp_call3A_504 = arith.constant 0.000000e+00 : f32
    %max3A_505 = vector.broadcast %custom_jvp_call3A_504 : f32 to vector<1x128xf32>
    %max3A_506 = arith.maximumf %reshape3A_497, %max3A_505 : vector<1x128xf32>
    %sub3A_507 = vector.broadcast %custom_jvp_call3A_504 : f32 to vector<1x128xf32>
    %sub3A_508 = arith.subf %reshape3A_497, %sub3A_507 : vector<1x128xf32>
    %ne3A_509 = arith.cmpf one, %sub3A_508, %sub3A_508 : vector<1x128xf32>
    %add3A_510 = vector.broadcast %custom_jvp_call3A_504 : f32 to vector<1x128xf32>
    %add3A_511 = arith.addf %reshape3A_497, %add3A_510 : vector<1x128xf32>
    %abs3A_512 = math.absf %sub3A_508 : vector<1x128xf32>
    %neg3A_513 = arith.constant 0.000000e+00 : f32
    %neg3A_514 = vector.broadcast %neg3A_513 : f32 to vector<1x128xf32>
    %neg3A_515 = arith.subf %neg3A_514, %abs3A_512 : vector<1x128xf32>
    %exp3A_516 = math.exp %neg3A_515 : vector<1x128xf32>
    %log1p3A_517 = math.log1p %exp3A_516 : vector<1x128xf32>
    %add3A_518 = arith.addf %max3A_506, %log1p3A_517 : vector<1x128xf32>
    %select_n3A_519 = arith.select %ne3A_509, %add3A_511, %add3A_518 : vector<1x128xi1>, vector<1x128xf32>
    %jit3A_520 = arith.constant 0.000000e+00 : f32
    %broadcast_in_dim3A_521 = vector.broadcast %jit3A_520 : f32 to vector<1x128xf32>
    %select_n3A_522 = arith.select %eq3A_503, %select_n3A_519, %broadcast_in_dim3A_521 : vector<1x128xi1>, vector<1x128xf32>
    %select_n3A_523 = arith.select %lt3A_500, %reshape3A_497, %select_n3A_522 : vector<1x128xi1>, vector<1x128xf32>
    %swap3A_524 = arith.constant 15 : index
    %swap3A_525 = arith.constant 0 : index
    %swap3A_526 = vector.load %arg2[%swap3A_524, %swap3A_525] : memref<128x128xf32, #tpu.memory_space<vmem>>, vector<1x128xf32>
    tpu.vector_store %arg2[%swap3A_524, %swap3A_525], %select_n3A_523 {strides = array<i32>} : memref<128x128xf32, #tpu.memory_space<vmem>>, vector<1x128xf32>,
    %get3A_527 = arith.constant 0 : index
    %get3A_528 = arith.constant 136 : index
    %get3A_529 = vector.load %arg0[%get3A_527, %get3A_528] : memref<1x8384xf32, #tpu.memory_space<vmem>>, vector<1x128xf32>
    %get3A_530 = vector.shape_cast %get3A_529 : vector<1x128xf32> to vector<128xf32>
    %reshape3A_531 = vector.shape_cast %get3A_530 : vector<128xf32> to vector<1x128xf32>
    %lt3A_532 = arith.constant 16 : i32
    %lt3A_533 = vector.broadcast %lt3A_532 : i32 to vector<1x128xi32>
    %lt3A_534 = arith.cmpi slt, %iota3A, %lt3A_533 : vector<1x128xi32>
    %eq3A_535 = arith.constant 16 : i32
    %eq3A_536 = vector.broadcast %eq3A_535 : i32 to vector<1x128xi32>
    %eq3A_537 = arith.cmpi eq, %iota3A, %eq3A_536 : vector<1x128xi32>
    %custom_jvp_call3A_538 = arith.constant 0.000000e+00 : f32
    %max3A_539 = vector.broadcast %custom_jvp_call3A_538 : f32 to vector<1x128xf32>
    %max3A_540 = arith.maximumf %reshape3A_531, %max3A_539 : vector<1x128xf32>
    %sub3A_541 = vector.broadcast %custom_jvp_call3A_538 : f32 to vector<1x128xf32>
    %sub3A_542 = arith.subf %reshape3A_531, %sub3A_541 : vector<1x128xf32>
    %ne3A_543 = arith.cmpf one, %sub3A_542, %sub3A_542 : vector<1x128xf32>
    %add3A_544 = vector.broadcast %custom_jvp_call3A_538 : f32 to vector<1x128xf32>
    %add3A_545 = arith.addf %reshape3A_531, %add3A_544 : vector<1x128xf32>
    %abs3A_546 = math.absf %sub3A_542 : vector<1x128xf32>
    %neg3A_547 = arith.constant 0.000000e+00 : f32
    %neg3A_548 = vector.broadcast %neg3A_547 : f32 to vector<1x128xf32>
    %neg3A_549 = arith.subf %neg3A_548, %abs3A_546 : vector<1x128xf32>
    %exp3A_550 = math.exp %neg3A_549 : vector<1x128xf32>
    %log1p3A_551 = math.log1p %exp3A_550 : vector<1x128xf32>
    %add3A_552 = arith.addf %max3A_540, %log1p3A_551 : vector<1x128xf32>
    %select_n3A_553 = arith.select %ne3A_543, %add3A_545, %add3A_552 : vector<1x128xi1>, vector<1x128xf32>
    %jit3A_554 = arith.constant 0.000000e+00 : f32
    %broadcast_in_dim3A_555 = vector.broadcast %jit3A_554 : f32 to vector<1x128xf32>
    %select_n3A_556 = arith.select %eq3A_537, %select_n3A_553, %broadcast_in_dim3A_555 : vector<1x128xi1>, vector<1x128xf32>
    %select_n3A_557 = arith.select %lt3A_534, %reshape3A_531, %select_n3A_556 : vector<1x128xi1>, vector<1x128xf32>
    %swap3A_558 = arith.constant 16 : index
    %swap3A_559 = arith.constant 0 : index
    %swap3A_560 = vector.load %arg2[%swap3A_558, %swap3A_559] : memref<128x128xf32, #tpu.memory_space<vmem>>, vector<1x128xf32>
    tpu.vector_store %arg2[%swap3A_558, %swap3A_559], %select_n3A_557 {strides = array<i32>} : memref<128x128xf32, #tpu.memory_space<vmem>>, vector<1x128xf32>,
    %get3A_561 = arith.constant 0 : index
    %get3A_562 = arith.constant 153 : index
    %get3A_563 = vector.load %arg0[%get3A_561, %get3A_562] : memref<1x8384xf32, #tpu.memory_space<vmem>>, vector<1x128xf32>
    %get3A_564 = vector.shape_cast %get3A_563 : vector<1x128xf32> to vector<128xf32>
    %reshape3A_565 = vector.shape_cast %get3A_564 : vector<128xf32> to vector<1x128xf32>
    %lt3A_566 = arith.constant 17 : i32
    %lt3A_567 = vector.broadcast %lt3A_566 : i32 to vector<1x128xi32>
    %lt3A_568 = arith.cmpi slt, %iota3A, %lt3A_567 : vector<1x128xi32>
    %eq3A_569 = arith.constant 17 : i32
    %eq3A_570 = vector.broadcast %eq3A_569 : i32 to vector<1x128xi32>
    %eq3A_571 = arith.cmpi eq, %iota3A, %eq3A_570 : vector<1x128xi32>
    %custom_jvp_call3A_572 = arith.constant 0.000000e+00 : f32
    %max3A_573 = vector.broadcast %custom_jvp_call3A_572 : f32 to vector<1x128xf32>
    %max3A_574 = arith.maximumf %reshape3A_565, %max3A_573 : vector<1x128xf32>
    %sub3A_575 = vector.broadcast %custom_jvp_call3A_572 : f32 to vector<1x128xf32>
    %sub3A_576 = arith.subf %reshape3A_565, %sub3A_575 : vector<1x128xf32>
    %ne3A_577 = arith.cmpf one, %sub3A_576, %sub3A_576 : vector<1x128xf32>
    %add3A_578 = vector.broadcast %custom_jvp_call3A_572 : f32 to vector<1x128xf32>
    %add3A_579 = arith.addf %reshape3A_565, %add3A_578 : vector<1x128xf32>
    %abs3A_580 = math.absf %sub3A_576 : vector<1x128xf32>
    %neg3A_581 = arith.constant 0.000000e+00 : f32
    %neg3A_582 = vector.broadcast %neg3A_581 : f32 to vector<1x128xf32>
    %neg3A_583 = arith.subf %neg3A_582, %abs3A_580 : vector<1x128xf32>
    %exp3A_584 = math.exp %neg3A_583 : vector<1x128xf32>
    %log1p3A_585 = math.log1p %exp3A_584 : vector<1x128xf32>
    %add3A_586 = arith.addf %max3A_574, %log1p3A_585 : vector<1x128xf32>
    %select_n3A_587 = arith.select %ne3A_577, %add3A_579, %add3A_586 : vector<1x128xi1>, vector<1x128xf32>
    %jit3A_588 = arith.constant 0.000000e+00 : f32
    %broadcast_in_dim3A_589 = vector.broadcast %jit3A_588 : f32 to vector<1x128xf32>
    %select_n3A_590 = arith.select %eq3A_571, %select_n3A_587, %broadcast_in_dim3A_589 : vector<1x128xi1>, vector<1x128xf32>
    %select_n3A_591 = arith.select %lt3A_568, %reshape3A_565, %select_n3A_590 : vector<1x128xi1>, vector<1x128xf32>
    %swap3A_592 = arith.constant 17 : index
    %swap3A_593 = arith.constant 0 : index
    %swap3A_594 = vector.load %arg2[%swap3A_592, %swap3A_593] : memref<128x128xf32, #tpu.memory_space<vmem>>, vector<1x128xf32>
    tpu.vector_store %arg2[%swap3A_592, %swap3A_593], %select_n3A_591 {strides = array<i32>} : memref<128x128xf32, #tpu.memory_space<vmem>>, vector<1x128xf32>,
    %get3A_595 = arith.constant 0 : index
    %get3A_596 = arith.constant 171 : index
    %get3A_597 = vector.load %arg0[%get3A_595, %get3A_596] : memref<1x8384xf32, #tpu.memory_space<vmem>>, vector<1x128xf32>
    %get3A_598 = vector.shape_cast %get3A_597 : vector<1x128xf32> to vector<128xf32>
    %reshape3A_599 = vector.shape_cast %get3A_598 : vector<128xf32> to vector<1x128xf32>
    %lt3A_600 = arith.constant 18 : i32
    %lt3A_601 = vector.broadcast %lt3A_600 : i32 to vector<1x128xi32>
    %lt3A_602 = arith.cmpi slt, %iota3A, %lt3A_601 : vector<1x128xi32>
    %eq3A_603 = arith.constant 18 : i32
    %eq3A_604 = vector.broadcast %eq3A_603 : i32 to vector<1x128xi32>
    %eq3A_605 = arith.cmpi eq, %iota3A, %eq3A_604 : vector<1x128xi32>
    %custom_jvp_call3A_606 = arith.constant 0.000000e+00 : f32
    %max3A_607 = vector.broadcast %custom_jvp_call3A_606 : f32 to vector<1x128xf32>
    %max3A_608 = arith.maximumf %reshape3A_599, %max3A_607 : vector<1x128xf32>
    %sub3A_609 = vector.broadcast %custom_jvp_call3A_606 : f32 to vector<1x128xf32>
    %sub3A_610 = arith.subf %reshape3A_599, %sub3A_609 : vector<1x128xf32>
    %ne3A_611 = arith.cmpf one, %sub3A_610, %sub3A_610 : vector<1x128xf32>
    %add3A_612 = vector.broadcast %custom_jvp_call3A_606 : f32 to vector<1x128xf32>
    %add3A_613 = arith.addf %reshape3A_599, %add3A_612 : vector<1x128xf32>
    %abs3A_614 = math.absf %sub3A_610 : vector<1x128xf32>
    %neg3A_615 = arith.constant 0.000000e+00 : f32
    %neg3A_616 = vector.broadcast %neg3A_615 : f32 to vector<1x128xf32>
    %neg3A_617 = arith.subf %neg3A_616, %abs3A_614 : vector<1x128xf32>
    %exp3A_618 = math.exp %neg3A_617 : vector<1x128xf32>
    %log1p3A_619 = math.log1p %exp3A_618 : vector<1x128xf32>
    %add3A_620 = arith.addf %max3A_608, %log1p3A_619 : vector<1x128xf32>
    %select_n3A_621 = arith.select %ne3A_611, %add3A_613, %add3A_620 : vector<1x128xi1>, vector<1x128xf32>
    %jit3A_622 = arith.constant 0.000000e+00 : f32
    %broadcast_in_dim3A_623 = vector.broadcast %jit3A_622 : f32 to vector<1x128xf32>
    %select_n3A_624 = arith.select %eq3A_605, %select_n3A_621, %broadcast_in_dim3A_623 : vector<1x128xi1>, vector<1x128xf32>
    %select_n3A_625 = arith.select %lt3A_602, %reshape3A_599, %select_n3A_624 : vector<1x128xi1>, vector<1x128xf32>
    %swap3A_626 = arith.constant 18 : index
    %swap3A_627 = arith.constant 0 : index
    %swap3A_628 = vector.load %arg2[%swap3A_626, %swap3A_627] : memref<128x128xf32, #tpu.memory_space<vmem>>, vector<1x128xf32>
    tpu.vector_store %arg2[%swap3A_626, %swap3A_627], %select_n3A_625 {strides = array<i32>} : memref<128x128xf32, #tpu.memory_space<vmem>>, vector<1x128xf32>,
    %get3A_629 = arith.constant 0 : index
    %get3A_630 = arith.constant 190 : index
    %get3A_631 = vector.load %arg0[%get3A_629, %get3A_630] : memref<1x8384xf32, #tpu.memory_space<vmem>>, vector<1x128xf32>
    %get3A_632 = vector.shape_cast %get3A_631 : vector<1x128xf32> to vector<128xf32>
    %reshape3A_633 = vector.shape_cast %get3A_632 : vector<128xf32> to vector<1x128xf32>
    %lt3A_634 = arith.constant 19 : i32
    %lt3A_635 = vector.broadcast %lt3A_634 : i32 to vector<1x128xi32>
    %lt3A_636 = arith.cmpi slt, %iota3A, %lt3A_635 : vector<1x128xi32>
    %eq3A_637 = arith.constant 19 : i32
    %eq3A_638 = vector.broadcast %eq3A_637 : i32 to vector<1x128xi32>
    %eq3A_639 = arith.cmpi eq, %iota3A, %eq3A_638 : vector<1x128xi32>
    %custom_jvp_call3A_640 = arith.constant 0.000000e+00 : f32
    %max3A_641 = vector.broadcast %custom_jvp_call3A_640 : f32 to vector<1x128xf32>
    %max3A_642 = arith.maximumf %reshape3A_633, %max3A_641 : vector<1x128xf32>
    %sub3A_643 = vector.broadcast %custom_jvp_call3A_640 : f32 to vector<1x128xf32>
    %sub3A_644 = arith.subf %reshape3A_633, %sub3A_643 : vector<1x128xf32>
    %ne3A_645 = arith.cmpf one, %sub3A_644, %sub3A_644 : vector<1x128xf32>
    %add3A_646 = vector.broadcast %custom_jvp_call3A_640 : f32 to vector<1x128xf32>
    %add3A_647 = arith.addf %reshape3A_633, %add3A_646 : vector<1x128xf32>
    %abs3A_648 = math.absf %sub3A_644 : vector<1x128xf32>
    %neg3A_649 = arith.constant 0.000000e+00 : f32
    %neg3A_650 = vector.broadcast %neg3A_649 : f32 to vector<1x128xf32>
    %neg3A_651 = arith.subf %neg3A_650, %abs3A_648 : vector<1x128xf32>
    %exp3A_652 = math.exp %neg3A_651 : vector<1x128xf32>
    %log1p3A_653 = math.log1p %exp3A_652 : vector<1x128xf32>
    %add3A_654 = arith.addf %max3A_642, %log1p3A_653 : vector<1x128xf32>
    %select_n3A_655 = arith.select %ne3A_645, %add3A_647, %add3A_654 : vector<1x128xi1>, vector<1x128xf32>
    %jit3A_656 = arith.constant 0.000000e+00 : f32
    %broadcast_in_dim3A_657 = vector.broadcast %jit3A_656 : f32 to vector<1x128xf32>
    %select_n3A_658 = arith.select %eq3A_639, %select_n3A_655, %broadcast_in_dim3A_657 : vector<1x128xi1>, vector<1x128xf32>
    %select_n3A_659 = arith.select %lt3A_636, %reshape3A_633, %select_n3A_658 : vector<1x128xi1>, vector<1x128xf32>
    %swap3A_660 = arith.constant 19 : index
    %swap3A_661 = arith.constant 0 : index
    %swap3A_662 = vector.load %arg2[%swap3A_660, %swap3A_661] : memref<128x128xf32, #tpu.memory_space<vmem>>, vector<1x128xf32>
    tpu.vector_store %arg2[%swap3A_660, %swap3A_661], %select_n3A_659 {strides = array<i32>} : memref<128x128xf32, #tpu.memory_space<vmem>>, vector<1x128xf32>,
    %get3A_663 = arith.constant 0 : index
    %get3A_664 = arith.constant 210 : index
    %get3A_665 = vector.load %arg0[%get3A_663, %get3A_664] : memref<1x8384xf32, #tpu.memory_space<vmem>>, vector<1x128xf32>
    %get3A_666 = vector.shape_cast %get3A_665 : vector<1x128xf32> to vector<128xf32>
    %reshape3A_667 = vector.shape_cast %get3A_666 : vector<128xf32> to vector<1x128xf32>
    %lt3A_668 = arith.constant 20 : i32
    %lt3A_669 = vector.broadcast %lt3A_668 : i32 to vector<1x128xi32>
    %lt3A_670 = arith.cmpi slt, %iota3A, %lt3A_669 : vector<1x128xi32>
    %eq3A_671 = arith.constant 20 : i32
    %eq3A_672 = vector.broadcast %eq3A_671 : i32 to vector<1x128xi32>
    %eq3A_673 = arith.cmpi eq, %iota3A, %eq3A_672 : vector<1x128xi32>
    %custom_jvp_call3A_674 = arith.constant 0.000000e+00 : f32
    %max3A_675 = vector.broadcast %custom_jvp_call3A_674 : f32 to vector<1x128xf32>
    %max3A_676 = arith.maximumf %reshape3A_667, %max3A_675 : vector<1x128xf32>
    %sub3A_677 = vector.broadcast %custom_jvp_call3A_674 : f32 to vector<1x128xf32>
    %sub3A_678 = arith.subf %reshape3A_667, %sub3A_677 : vector<1x128xf32>
    %ne3A_679 = arith.cmpf one, %sub3A_678, %sub3A_678 : vector<1x128xf32>
    %add3A_680 = vector.broadcast %custom_jvp_call3A_674 : f32 to vector<1x128xf32>
    %add3A_681 = arith.addf %reshape3A_667, %add3A_680 : vector<1x128xf32>
    %abs3A_682 = math.absf %sub3A_678 : vector<1x128xf32>
    %neg3A_683 = arith.constant 0.000000e+00 : f32
    %neg3A_684 = vector.broadcast %neg3A_683 : f32 to vector<1x128xf32>
    %neg3A_685 = arith.subf %neg3A_684, %abs3A_682 : vector<1x128xf32>
    %exp3A_686 = math.exp %neg3A_685 : vector<1x128xf32>
    %log1p3A_687 = math.log1p %exp3A_686 : vector<1x128xf32>
    %add3A_688 = arith.addf %max3A_676, %log1p3A_687 : vector<1x128xf32>
    %select_n3A_689 = arith.select %ne3A_679, %add3A_681, %add3A_688 : vector<1x128xi1>, vector<1x128xf32>
    %jit3A_690 = arith.constant 0.000000e+00 : f32
    %broadcast_in_dim3A_691 = vector.broadcast %jit3A_690 : f32 to vector<1x128xf32>
    %select_n3A_692 = arith.select %eq3A_673, %select_n3A_689, %broadcast_in_dim3A_691 : vector<1x128xi1>, vector<1x128xf32>
    %select_n3A_693 = arith.select %lt3A_670, %reshape3A_667, %select_n3A_692 : vector<1x128xi1>, vector<1x128xf32>
    %swap3A_694 = arith.constant 20 : index
    %swap3A_695 = arith.constant 0 : index
    %swap3A_696 = vector.load %arg2[%swap3A_694, %swap3A_695] : memref<128x128xf32, #tpu.memory_space<vmem>>, vector<1x128xf32>
    tpu.vector_store %arg2[%swap3A_694, %swap3A_695], %select_n3A_693 {strides = array<i32>} : memref<128x128xf32, #tpu.memory_space<vmem>>, vector<1x128xf32>,
    %get3A_697 = arith.constant 0 : index
    %get3A_698 = arith.constant 231 : index
    %get3A_699 = vector.load %arg0[%get3A_697, %get3A_698] : memref<1x8384xf32, #tpu.memory_space<vmem>>, vector<1x128xf32>
    %get3A_700 = vector.shape_cast %get3A_699 : vector<1x128xf32> to vector<128xf32>
    %reshape3A_701 = vector.shape_cast %get3A_700 : vector<128xf32> to vector<1x128xf32>
    %lt3A_702 = arith.constant 21 : i32
    %lt3A_703 = vector.broadcast %lt3A_702 : i32 to vector<1x128xi32>
    %lt3A_704 = arith.cmpi slt, %iota3A, %lt3A_703 : vector<1x128xi32>
    %eq3A_705 = arith.constant 21 : i32
    %eq3A_706 = vector.broadcast %eq3A_705 : i32 to vector<1x128xi32>
    %eq3A_707 = arith.cmpi eq, %iota3A, %eq3A_706 : vector<1x128xi32>
    %custom_jvp_call3A_708 = arith.constant 0.000000e+00 : f32
    %max3A_709 = vector.broadcast %custom_jvp_call3A_708 : f32 to vector<1x128xf32>
    %max3A_710 = arith.maximumf %reshape3A_701, %max3A_709 : vector<1x128xf32>
    %sub3A_711 = vector.broadcast %custom_jvp_call3A_708 : f32 to vector<1x128xf32>
    %sub3A_712 = arith.subf %reshape3A_701, %sub3A_711 : vector<1x128xf32>
    %ne3A_713 = arith.cmpf one, %sub3A_712, %sub3A_712 : vector<1x128xf32>
    %add3A_714 = vector.broadcast %custom_jvp_call3A_708 : f32 to vector<1x128xf32>
    %add3A_715 = arith.addf %reshape3A_701, %add3A_714 : vector<1x128xf32>
    %abs3A_716 = math.absf %sub3A_712 : vector<1x128xf32>
    %neg3A_717 = arith.constant 0.000000e+00 : f32
    %neg3A_718 = vector.broadcast %neg3A_717 : f32 to vector<1x128xf32>
    %neg3A_719 = arith.subf %neg3A_718, %abs3A_716 : vector<1x128xf32>
    %exp3A_720 = math.exp %neg3A_719 : vector<1x128xf32>
    %log1p3A_721 = math.log1p %exp3A_720 : vector<1x128xf32>
    %add3A_722 = arith.addf %max3A_710, %log1p3A_721 : vector<1x128xf32>
    %select_n3A_723 = arith.select %ne3A_713, %add3A_715, %add3A_722 : vector<1x128xi1>, vector<1x128xf32>
    %jit3A_724 = arith.constant 0.000000e+00 : f32
    %broadcast_in_dim3A_725 = vector.broadcast %jit3A_724 : f32 to vector<1x128xf32>
    %select_n3A_726 = arith.select %eq3A_707, %select_n3A_723, %broadcast_in_dim3A_725 : vector<1x128xi1>, vector<1x128xf32>
    %select_n3A_727 = arith.select %lt3A_704, %reshape3A_701, %select_n3A_726 : vector<1x128xi1>, vector<1x128xf32>
    %swap3A_728 = arith.constant 21 : index
    %swap3A_729 = arith.constant 0 : index
    %swap3A_730 = vector.load %arg2[%swap3A_728, %swap3A_729] : memref<128x128xf32, #tpu.memory_space<vmem>>, vector<1x128xf32>
    tpu.vector_store %arg2[%swap3A_728, %swap3A_729], %select_n3A_727 {strides = array<i32>} : memref<128x128xf32, #tpu.memory_space<vmem>>, vector<1x128xf32>,
    %get3A_731 = arith.constant 0 : index
    %get3A_732 = arith.constant 253 : index
    %get3A_733 = vector.load %arg0[%get3A_731, %get3A_732] : memref<1x8384xf32, #tpu.memory_space<vmem>>, vector<1x128xf32>
    %get3A_734 = vector.shape_cast %get3A_733 : vector<1x128xf32> to vector<128xf32>
    %reshape3A_735 = vector.shape_cast %get3A_734 : vector<128xf32> to vector<1x128xf32>
    %lt3A_736 = arith.constant 22 : i32
    %lt3A_737 = vector.broadcast %lt3A_736 : i32 to vector<1x128xi32>
    %lt3A_738 = arith.cmpi slt, %iota3A, %lt3A_737 : vector<1x128xi32>
    %eq3A_739 = arith.constant 22 : i32
    %eq3A_740 = vector.broadcast %eq3A_739 : i32 to vector<1x128xi32>
    %eq3A_741 = arith.cmpi eq, %iota3A, %eq3A_740 : vector<1x128xi32>
    %custom_jvp_call3A_742 = arith.constant 0.000000e+00 : f32
    %max3A_743 = vector.broadcast %custom_jvp_call3A_742 : f32 to vector<1x128xf32>
    %max3A_744 = arith.maximumf %reshape3A_735, %max3A_743 : vector<1x128xf32>
    %sub3A_745 = vector.broadcast %custom_jvp_call3A_742 : f32 to vector<1x128xf32>
    %sub3A_746 = arith.subf %reshape3A_735, %sub3A_745 : vector<1x128xf32>
    %ne3A_747 = arith.cmpf one, %sub3A_746, %sub3A_746 : vector<1x128xf32>
    %add3A_748 = vector.broadcast %custom_jvp_call3A_742 : f32 to vector<1x128xf32>
    %add3A_749 = arith.addf %reshape3A_735, %add3A_748 : vector<1x128xf32>
    %abs3A_750 = math.absf %sub3A_746 : vector<1x128xf32>
    %neg3A_751 = arith.constant 0.000000e+00 : f32
    %neg3A_752 = vector.broadcast %neg3A_751 : f32 to vector<1x128xf32>
    %neg3A_753 = arith.subf %neg3A_752, %abs3A_750 : vector<1x128xf32>
    %exp3A_754 = math.exp %neg3A_753 : vector<1x128xf32>
    %log1p3A_755 = math.log1p %exp3A_754 : vector<1x128xf32>
    %add3A_756 = arith.addf %max3A_744, %log1p3A_755 : vector<1x128xf32>
    %select_n3A_757 = arith.select %ne3A_747, %add3A_749, %add3A_756 : vector<1x128xi1>, vector<1x128xf32>
    %jit3A_758 = arith.constant 0.000000e+00 : f32
    %broadcast_in_dim3A_759 = vector.broadcast %jit3A_758 : f32 to vector<1x128xf32>
    %select_n3A_760 = arith.select %eq3A_741, %select_n3A_757, %broadcast_in_dim3A_759 : vector<1x128xi1>, vector<1x128xf32>
    %select_n3A_761 = arith.select %lt3A_738, %reshape3A_735, %select_n3A_760 : vector<1x128xi1>, vector<1x128xf32>
    %swap3A_762 = arith.constant 22 : index
    %swap3A_763 = arith.constant 0 : index
    %swap3A_764 = vector.load %arg2[%swap3A_762, %swap3A_763] : memref<128x128xf32, #tpu.memory_space<vmem>>, vector<1x128xf32>
    tpu.vector_store %arg2[%swap3A_762, %swap3A_763], %select_n3A_761 {strides = array<i32>} : memref<128x128xf32, #tpu.memory_space<vmem>>, vector<1x128xf32>,
    %get3A_765 = arith.constant 0 : index
    %get3A_766 = arith.constant 276 : index
    %get3A_767 = vector.load %arg0[%get3A_765, %get3A_766] : memref<1x8384xf32, #tpu.memory_space<vmem>>, vector<1x128xf32>
    %get3A_768 = vector.shape_cast %get3A_767 : vector<1x128xf32> to vector<128xf32>
    %reshape3A_769 = vector.shape_cast %get3A_768 : vector<128xf32> to vector<1x128xf32>
    %lt3A_770 = arith.constant 23 : i32
    %lt3A_771 = vector.broadcast %lt3A_770 : i32 to vector<1x128xi32>
    %lt3A_772 = arith.cmpi slt, %iota3A, %lt3A_771 : vector<1x128xi32>
    %eq3A_773 = arith.constant 23 : i32
    %eq3A_774 = vector.broadcast %eq3A_773 : i32 to vector<1x128xi32>
    %eq3A_775 = arith.cmpi eq, %iota3A, %eq3A_774 : vector<1x128xi32>
    %custom_jvp_call3A_776 = arith.constant 0.000000e+00 : f32
    %max3A_777 = vector.broadcast %custom_jvp_call3A_776 : f32 to vector<1x128xf32>
    %max3A_778 = arith.maximumf %reshape3A_769, %max3A_777 : vector<1x128xf32>
    %sub3A_779 = vector.broadcast %custom_jvp_call3A_776 : f32 to vector<1x128xf32>
    %sub3A_780 = arith.subf %reshape3A_769, %sub3A_779 : vector<1x128xf32>
    %ne3A_781 = arith.cmpf one, %sub3A_780, %sub3A_780 : vector<1x128xf32>
    %add3A_782 = vector.broadcast %custom_jvp_call3A_776 : f32 to vector<1x128xf32>
    %add3A_783 = arith.addf %reshape3A_769, %add3A_782 : vector<1x128xf32>
    %abs3A_784 = math.absf %sub3A_780 : vector<1x128xf32>
    %neg3A_785 = arith.constant 0.000000e+00 : f32
    %neg3A_786 = vector.broadcast %neg3A_785 : f32 to vector<1x128xf32>
    %neg3A_787 = arith.subf %neg3A_786, %abs3A_784 : vector<1x128xf32>
    %exp3A_788 = math.exp %neg3A_787 : vector<1x128xf32>
    %log1p3A_789 = math.log1p %exp3A_788 : vector<1x128xf32>
    %add3A_790 = arith.addf %max3A_778, %log1p3A_789 : vector<1x128xf32>
    %select_n3A_791 = arith.select %ne3A_781, %add3A_783, %add3A_790 : vector<1x128xi1>, vector<1x128xf32>
    %jit3A_792 = arith.constant 0.000000e+00 : f32
    %broadcast_in_dim3A_793 = vector.broadcast %jit3A_792 : f32 to vector<1x128xf32>
    %select_n3A_794 = arith.select %eq3A_775, %select_n3A_791, %broadcast_in_dim3A_793 : vector<1x128xi1>, vector<1x128xf32>
    %select_n3A_795 = arith.select %lt3A_772, %reshape3A_769, %select_n3A_794 : vector<1x128xi1>, vector<1x128xf32>
    %swap3A_796 = arith.constant 23 : index
    %swap3A_797 = arith.constant 0 : index
    %swap3A_798 = vector.load %arg2[%swap3A_796, %swap3A_797] : memref<128x128xf32, #tpu.memory_space<vmem>>, vector<1x128xf32>
    tpu.vector_store %arg2[%swap3A_796, %swap3A_797], %select_n3A_795 {strides = array<i32>} : memref<128x128xf32, #tpu.memory_space<vmem>>, vector<1x128xf32>,
    %get3A_799 = arith.constant 0 : index
    %get3A_800 = arith.constant 300 : index
    %get3A_801 = vector.load %arg0[%get3A_799, %get3A_800] : memref<1x8384xf32, #tpu.memory_space<vmem>>, vector<1x128xf32>
    %get3A_802 = vector.shape_cast %get3A_801 : vector<1x128xf32> to vector<128xf32>
    %reshape3A_803 = vector.shape_cast %get3A_802 : vector<128xf32> to vector<1x128xf32>
    %lt3A_804 = arith.constant 24 : i32
    %lt3A_805 = vector.broadcast %lt3A_804 : i32 to vector<1x128xi32>
    %lt3A_806 = arith.cmpi slt, %iota3A, %lt3A_805 : vector<1x128xi32>
    %eq3A_807 = arith.constant 24 : i32
    %eq3A_808 = vector.broadcast %eq3A_807 : i32 to vector<1x128xi32>
    %eq3A_809 = arith.cmpi eq, %iota3A, %eq3A_808 : vector<1x128xi32>
    %custom_jvp_call3A_810 = arith.constant 0.000000e+00 : f32
    %max3A_811 = vector.broadcast %custom_jvp_call3A_810 : f32 to vector<1x128xf32>
    %max3A_812 = arith.maximumf %reshape3A_803, %max3A_811 : vector<1x128xf32>
    %sub3A_813 = vector.broadcast %custom_jvp_call3A_810 : f32 to vector<1x128xf32>
    %sub3A_814 = arith.subf %reshape3A_803, %sub3A_813 : vector<1x128xf32>
    %ne3A_815 = arith.cmpf one, %sub3A_814, %sub3A_814 : vector<1x128xf32>
    %add3A_816 = vector.broadcast %custom_jvp_call3A_810 : f32 to vector<1x128xf32>
    %add3A_817 = arith.addf %reshape3A_803, %add3A_816 : vector<1x128xf32>
    %abs3A_818 = math.absf %sub3A_814 : vector<1x128xf32>
    %neg3A_819 = arith.constant 0.000000e+00 : f32
    %neg3A_820 = vector.broadcast %neg3A_819 : f32 to vector<1x128xf32>
    %neg3A_821 = arith.subf %neg3A_820, %abs3A_818 : vector<1x128xf32>
    %exp3A_822 = math.exp %neg3A_821 : vector<1x128xf32>
    %log1p3A_823 = math.log1p %exp3A_822 : vector<1x128xf32>
    %add3A_824 = arith.addf %max3A_812, %log1p3A_823 : vector<1x128xf32>
    %select_n3A_825 = arith.select %ne3A_815, %add3A_817, %add3A_824 : vector<1x128xi1>, vector<1x128xf32>
    %jit3A_826 = arith.constant 0.000000e+00 : f32
    %broadcast_in_dim3A_827 = vector.broadcast %jit3A_826 : f32 to vector<1x128xf32>
    %select_n3A_828 = arith.select %eq3A_809, %select_n3A_825, %broadcast_in_dim3A_827 : vector<1x128xi1>, vector<1x128xf32>
    %select_n3A_829 = arith.select %lt3A_806, %reshape3A_803, %select_n3A_828 : vector<1x128xi1>, vector<1x128xf32>
    %swap3A_830 = arith.constant 24 : index
    %swap3A_831 = arith.constant 0 : index
    %swap3A_832 = vector.load %arg2[%swap3A_830, %swap3A_831] : memref<128x128xf32, #tpu.memory_space<vmem>>, vector<1x128xf32>
    tpu.vector_store %arg2[%swap3A_830, %swap3A_831], %select_n3A_829 {strides = array<i32>} : memref<128x128xf32, #tpu.memory_space<vmem>>, vector<1x128xf32>,
    %get3A_833 = arith.constant 0 : index
    %get3A_834 = arith.constant 325 : index
    %get3A_835 = vector.load %arg0[%get3A_833, %get3A_834] : memref<1x8384xf32, #tpu.memory_space<vmem>>, vector<1x128xf32>
    %get3A_836 = vector.shape_cast %get3A_835 : vector<1x128xf32> to vector<128xf32>
    %reshape3A_837 = vector.shape_cast %get3A_836 : vector<128xf32> to vector<1x128xf32>
    %lt3A_838 = arith.constant 25 : i32
    %lt3A_839 = vector.broadcast %lt3A_838 : i32 to vector<1x128xi32>
    %lt3A_840 = arith.cmpi slt, %iota3A, %lt3A_839 : vector<1x128xi32>
    %eq3A_841 = arith.constant 25 : i32
    %eq3A_842 = vector.broadcast %eq3A_841 : i32 to vector<1x128xi32>
    %eq3A_843 = arith.cmpi eq, %iota3A, %eq3A_842 : vector<1x128xi32>
    %custom_jvp_call3A_844 = arith.constant 0.000000e+00 : f32
    %max3A_845 = vector.broadcast %custom_jvp_call3A_844 : f32 to vector<1x128xf32>
    %max3A_846 = arith.maximumf %reshape3A_837, %max3A_845 : vector<1x128xf32>
    %sub3A_847 = vector.broadcast %custom_jvp_call3A_844 : f32 to vector<1x128xf32>
    %sub3A_848 = arith.subf %reshape3A_837, %sub3A_847 : vector<1x128xf32>
    %ne3A_849 = arith.cmpf one, %sub3A_848, %sub3A_848 : vector<1x128xf32>
    %add3A_850 = vector.broadcast %custom_jvp_call3A_844 : f32 to vector<1x128xf32>
    %add3A_851 = arith.addf %reshape3A_837, %add3A_850 : vector<1x128xf32>
    %abs3A_852 = math.absf %sub3A_848 : vector<1x128xf32>
    %neg3A_853 = arith.constant 0.000000e+00 : f32
    %neg3A_854 = vector.broadcast %neg3A_853 : f32 to vector<1x128xf32>
    %neg3A_855 = arith.subf %neg3A_854, %abs3A_852 : vector<1x128xf32>
    %exp3A_856 = math.exp %neg3A_855 : vector<1x128xf32>
    %log1p3A_857 = math.log1p %exp3A_856 : vector<1x128xf32>
    %add3A_858 = arith.addf %max3A_846, %log1p3A_857 : vector<1x128xf32>
    %select_n3A_859 = arith.select %ne3A_849, %add3A_851, %add3A_858 : vector<1x128xi1>, vector<1x128xf32>
    %jit3A_860 = arith.constant 0.000000e+00 : f32
    %broadcast_in_dim3A_861 = vector.broadcast %jit3A_860 : f32 to vector<1x128xf32>
    %select_n3A_862 = arith.select %eq3A_843, %select_n3A_859, %broadcast_in_dim3A_861 : vector<1x128xi1>, vector<1x128xf32>
    %select_n3A_863 = arith.select %lt3A_840, %reshape3A_837, %select_n3A_862 : vector<1x128xi1>, vector<1x128xf32>
    %swap3A_864 = arith.constant 25 : index
    %swap3A_865 = arith.constant 0 : index
    %swap3A_866 = vector.load %arg2[%swap3A_864, %swap3A_865] : memref<128x128xf32, #tpu.memory_space<vmem>>, vector<1x128xf32>
    tpu.vector_store %arg2[%swap3A_864, %swap3A_865], %select_n3A_863 {strides = array<i32>} : memref<128x128xf32, #tpu.memory_space<vmem>>, vector<1x128xf32>,
    %get3A_867 = arith.constant 0 : index
    %get3A_868 = arith.constant 351 : index
    %get3A_869 = vector.load %arg0[%get3A_867, %get3A_868] : memref<1x8384xf32, #tpu.memory_space<vmem>>, vector<1x128xf32>
    %get3A_870 = vector.shape_cast %get3A_869 : vector<1x128xf32> to vector<128xf32>
    %reshape3A_871 = vector.shape_cast %get3A_870 : vector<128xf32> to vector<1x128xf32>
    %lt3A_872 = arith.constant 26 : i32
    %lt3A_873 = vector.broadcast %lt3A_872 : i32 to vector<1x128xi32>
    %lt3A_874 = arith.cmpi slt, %iota3A, %lt3A_873 : vector<1x128xi32>
    %eq3A_875 = arith.constant 26 : i32
    %eq3A_876 = vector.broadcast %eq3A_875 : i32 to vector<1x128xi32>
    %eq3A_877 = arith.cmpi eq, %iota3A, %eq3A_876 : vector<1x128xi32>
    %custom_jvp_call3A_878 = arith.constant 0.000000e+00 : f32
    %max3A_879 = vector.broadcast %custom_jvp_call3A_878 : f32 to vector<1x128xf32>
    %max3A_880 = arith.maximumf %reshape3A_871, %max3A_879 : vector<1x128xf32>
    %sub3A_881 = vector.broadcast %custom_jvp_call3A_878 : f32 to vector<1x128xf32>
    %sub3A_882 = arith.subf %reshape3A_871, %sub3A_881 : vector<1x128xf32>
    %ne3A_883 = arith.cmpf one, %sub3A_882, %sub3A_882 : vector<1x128xf32>
    %add3A_884 = vector.broadcast %custom_jvp_call3A_878 : f32 to vector<1x128xf32>
    %add3A_885 = arith.addf %reshape3A_871, %add3A_884 : vector<1x128xf32>
    %abs3A_886 = math.absf %sub3A_882 : vector<1x128xf32>
    %neg3A_887 = arith.constant 0.000000e+00 : f32
    %neg3A_888 = vector.broadcast %neg3A_887 : f32 to vector<1x128xf32>
    %neg3A_889 = arith.subf %neg3A_888, %abs3A_886 : vector<1x128xf32>
    %exp3A_890 = math.exp %neg3A_889 : vector<1x128xf32>
    %log1p3A_891 = math.log1p %exp3A_890 : vector<1x128xf32>
    %add3A_892 = arith.addf %max3A_880, %log1p3A_891 : vector<1x128xf32>
    %select_n3A_893 = arith.select %ne3A_883, %add3A_885, %add3A_892 : vector<1x128xi1>, vector<1x128xf32>
    %jit3A_894 = arith.constant 0.000000e+00 : f32
    %broadcast_in_dim3A_895 = vector.broadcast %jit3A_894 : f32 to vector<1x128xf32>
    %select_n3A_896 = arith.select %eq3A_877, %select_n3A_893, %broadcast_in_dim3A_895 : vector<1x128xi1>, vector<1x128xf32>
    %select_n3A_897 = arith.select %lt3A_874, %reshape3A_871, %select_n3A_896 : vector<1x128xi1>, vector<1x128xf32>
    %swap3A_898 = arith.constant 26 : index
    %swap3A_899 = arith.constant 0 : index
    %swap3A_900 = vector.load %arg2[%swap3A_898, %swap3A_899] : memref<128x128xf32, #tpu.memory_space<vmem>>, vector<1x128xf32>
    tpu.vector_store %arg2[%swap3A_898, %swap3A_899], %select_n3A_897 {strides = array<i32>} : memref<128x128xf32, #tpu.memory_space<vmem>>, vector<1x128xf32>,
    %get3A_901 = arith.constant 0 : index
    %get3A_902 = arith.constant 378 : index
    %get3A_903 = vector.load %arg0[%get3A_901, %get3A_902] : memref<1x8384xf32, #tpu.memory_space<vmem>>, vector<1x128xf32>
    %get3A_904 = vector.shape_cast %get3A_903 : vector<1x128xf32> to vector<128xf32>
    %reshape3A_905 = vector.shape_cast %get3A_904 : vector<128xf32> to vector<1x128xf32>
    %lt3A_906 = arith.constant 27 : i32
    %lt3A_907 = vector.broadcast %lt3A_906 : i32 to vector<1x128xi32>
    %lt3A_908 = arith.cmpi slt, %iota3A, %lt3A_907 : vector<1x128xi32>
    %eq3A_909 = arith.constant 27 : i32
    %eq3A_910 = vector.broadcast %eq3A_909 : i32 to vector<1x128xi32>
    %eq3A_911 = arith.cmpi eq, %iota3A, %eq3A_910 : vector<1x128xi32>
    %custom_jvp_call3A_912 = arith.constant 0.000000e+00 : f32
    %max3A_913 = vector.broadcast %custom_jvp_call3A_912 : f32 to vector<1x128xf32>
    %max3A_914 = arith.maximumf %reshape3A_905, %max3A_913 : vector<1x128xf32>
    %sub3A_915 = vector.broadcast %custom_jvp_call3A_912 : f32 to vector<1x128xf32>
    %sub3A_916 = arith.subf %reshape3A_905, %sub3A_915 : vector<1x128xf32>
    %ne3A_917 = arith.cmpf one, %sub3A_916, %sub3A_916 : vector<1x128xf32>
    %add3A_918 = vector.broadcast %custom_jvp_call3A_912 : f32 to vector<1x128xf32>
    %add3A_919 = arith.addf %reshape3A_905, %add3A_918 : vector<1x128xf32>
    %abs3A_920 = math.absf %sub3A_916 : vector<1x128xf32>
    %neg3A_921 = arith.constant 0.000000e+00 : f32
    %neg3A_922 = vector.broadcast %neg3A_921 : f32 to vector<1x128xf32>
    %neg3A_923 = arith.subf %neg3A_922, %abs3A_920 : vector<1x128xf32>
    %exp3A_924 = math.exp %neg3A_923 : vector<1x128xf32>
    %log1p3A_925 = math.log1p %exp3A_924 : vector<1x128xf32>
    %add3A_926 = arith.addf %max3A_914, %log1p3A_925 : vector<1x128xf32>
    %select_n3A_927 = arith.select %ne3A_917, %add3A_919, %add3A_926 : vector<1x128xi1>, vector<1x128xf32>
    %jit3A_928 = arith.constant 0.000000e+00 : f32
    %broadcast_in_dim3A_929 = vector.broadcast %jit3A_928 : f32 to vector<1x128xf32>
    %select_n3A_930 = arith.select %eq3A_911, %select_n3A_927, %broadcast_in_dim3A_929 : vector<1x128xi1>, vector<1x128xf32>
    %select_n3A_931 = arith.select %lt3A_908, %reshape3A_905, %select_n3A_930 : vector<1x128xi1>, vector<1x128xf32>
    %swap3A_932 = arith.constant 27 : index
    %swap3A_933 = arith.constant 0 : index
    %swap3A_934 = vector.load %arg2[%swap3A_932, %swap3A_933] : memref<128x128xf32, #tpu.memory_space<vmem>>, vector<1x128xf32>
    tpu.vector_store %arg2[%swap3A_932, %swap3A_933], %select_n3A_931 {strides = array<i32>} : memref<128x128xf32, #tpu.memory_space<vmem>>, vector<1x128xf32>,
    %get3A_935 = arith.constant 0 : index
    %get3A_936 = arith.constant 406 : index
    %get3A_937 = vector.load %arg0[%get3A_935, %get3A_936] : memref<1x8384xf32, #tpu.memory_space<vmem>>, vector<1x128xf32>
    %get3A_938 = vector.shape_cast %get3A_937 : vector<1x128xf32> to vector<128xf32>
    %reshape3A_939 = vector.shape_cast %get3A_938 : vector<128xf32> to vector<1x128xf32>
    %lt3A_940 = arith.constant 28 : i32
    %lt3A_941 = vector.broadcast %lt3A_940 : i32 to vector<1x128xi32>
    %lt3A_942 = arith.cmpi slt, %iota3A, %lt3A_941 : vector<1x128xi32>
    %eq3A_943 = arith.constant 28 : i32
    %eq3A_944 = vector.broadcast %eq3A_943 : i32 to vector<1x128xi32>
    %eq3A_945 = arith.cmpi eq, %iota3A, %eq3A_944 : vector<1x128xi32>
    %custom_jvp_call3A_946 = arith.constant 0.000000e+00 : f32
    %max3A_947 = vector.broadcast %custom_jvp_call3A_946 : f32 to vector<1x128xf32>
    %max3A_948 = arith.maximumf %reshape3A_939, %max3A_947 : vector<1x128xf32>
    %sub3A_949 = vector.broadcast %custom_jvp_call3A_946 : f32 to vector<1x128xf32>
    %sub3A_950 = arith.subf %reshape3A_939, %sub3A_949 : vector<1x128xf32>
    %ne3A_951 = arith.cmpf one, %sub3A_950, %sub3A_950 : vector<1x128xf32>
    %add3A_952 = vector.broadcast %custom_jvp_call3A_946 : f32 to vector<1x128xf32>
    %add3A_953 = arith.addf %reshape3A_939, %add3A_952 : vector<1x128xf32>
    %abs3A_954 = math.absf %sub3A_950 : vector<1x128xf32>
    %neg3A_955 = arith.constant 0.000000e+00 : f32
    %neg3A_956 = vector.broadcast %neg3A_955 : f32 to vector<1x128xf32>
    %neg3A_957 = arith.subf %neg3A_956, %abs3A_954 : vector<1x128xf32>
    %exp3A_958 = math.exp %neg3A_957 : vector<1x128xf32>
    %log1p3A_959 = math.log1p %exp3A_958 : vector<1x128xf32>
    %add3A_960 = arith.addf %max3A_948, %log1p3A_959 : vector<1x128xf32>
    %select_n3A_961 = arith.select %ne3A_951, %add3A_953, %add3A_960 : vector<1x128xi1>, vector<1x128xf32>
    %jit3A_962 = arith.constant 0.000000e+00 : f32
    %broadcast_in_dim3A_963 = vector.broadcast %jit3A_962 : f32 to vector<1x128xf32>
    %select_n3A_964 = arith.select %eq3A_945, %select_n3A_961, %broadcast_in_dim3A_963 : vector<1x128xi1>, vector<1x128xf32>
    %select_n3A_965 = arith.select %lt3A_942, %reshape3A_939, %select_n3A_964 : vector<1x128xi1>, vector<1x128xf32>
    %swap3A_966 = arith.constant 28 : index
    %swap3A_967 = arith.constant 0 : index
    %swap3A_968 = vector.load %arg2[%swap3A_966, %swap3A_967] : memref<128x128xf32, #tpu.memory_space<vmem>>, vector<1x128xf32>
    tpu.vector_store %arg2[%swap3A_966, %swap3A_967], %select_n3A_965 {strides = array<i32>} : memref<128x128xf32, #tpu.memory_space<vmem>>, vector<1x128xf32>,
    %get3A_969 = arith.constant 0 : index
    %get3A_970 = arith.constant 435 : index
    %get3A_971 = vector.load %arg0[%get3A_969, %get3A_970] : memref<1x8384xf32, #tpu.memory_space<vmem>>, vector<1x128xf32>
    %get3A_972 = vector.shape_cast %get3A_971 : vector<1x128xf32> to vector<128xf32>
    %reshape3A_973 = vector.shape_cast %get3A_972 : vector<128xf32> to vector<1x128xf32>
    %lt3A_974 = arith.constant 29 : i32
    %lt3A_975 = vector.broadcast %lt3A_974 : i32 to vector<1x128xi32>
    %lt3A_976 = arith.cmpi slt, %iota3A, %lt3A_975 : vector<1x128xi32>
    %eq3A_977 = arith.constant 29 : i32
    %eq3A_978 = vector.broadcast %eq3A_977 : i32 to vector<1x128xi32>
    %eq3A_979 = arith.cmpi eq, %iota3A, %eq3A_978 : vector<1x128xi32>
    %custom_jvp_call3A_980 = arith.constant 0.000000e+00 : f32
    %max3A_981 = vector.broadcast %custom_jvp_call3A_980 : f32 to vector<1x128xf32>
    %max3A_982 = arith.maximumf %reshape3A_973, %max3A_981 : vector<1x128xf32>
    %sub3A_983 = vector.broadcast %custom_jvp_call3A_980 : f32 to vector<1x128xf32>
    %sub3A_984 = arith.subf %reshape3A_973, %sub3A_983 : vector<1x128xf32>
    %ne3A_985 = arith.cmpf one, %sub3A_984, %sub3A_984 : vector<1x128xf32>
    %add3A_986 = vector.broadcast %custom_jvp_call3A_980 : f32 to vector<1x128xf32>
    %add3A_987 = arith.addf %reshape3A_973, %add3A_986 : vector<1x128xf32>
    %abs3A_988 = math.absf %sub3A_984 : vector<1x128xf32>
    %neg3A_989 = arith.constant 0.000000e+00 : f32
    %neg3A_990 = vector.broadcast %neg3A_989 : f32 to vector<1x128xf32>
    %neg3A_991 = arith.subf %neg3A_990, %abs3A_988 : vector<1x128xf32>
    %exp3A_992 = math.exp %neg3A_991 : vector<1x128xf32>
    %log1p3A_993 = math.log1p %exp3A_992 : vector<1x128xf32>
    %add3A_994 = arith.addf %max3A_982, %log1p3A_993 : vector<1x128xf32>
    %select_n3A_995 = arith.select %ne3A_985, %add3A_987, %add3A_994 : vector<1x128xi1>, vector<1x128xf32>
    %jit3A_996 = arith.constant 0.000000e+00 : f32
    %broadcast_in_dim3A_997 = vector.broadcast %jit3A_996 : f32 to vector<1x128xf32>
    %select_n3A_998 = arith.select %eq3A_979, %select_n3A_995, %broadcast_in_dim3A_997 : vector<1x128xi1>, vector<1x128xf32>
    %select_n3A_999 = arith.select %lt3A_976, %reshape3A_973, %select_n3A_998 : vector<1x128xi1>, vector<1x128xf32>
    %swap3A_1000 = arith.constant 29 : index
    %swap3A_1001 = arith.constant 0 : index
    %swap3A_1002 = vector.load %arg2[%swap3A_1000, %swap3A_1001] : memref<128x128xf32, #tpu.memory_space<vmem>>, vector<1x128xf32>
    tpu.vector_store %arg2[%swap3A_1000, %swap3A_1001], %select_n3A_999 {strides = array<i32>} : memref<128x128xf32, #tpu.memory_space<vmem>>, vector<1x128xf32>,
    %get3A_1003 = arith.constant 0 : index
    %get3A_1004 = arith.constant 465 : index
    %get3A_1005 = vector.load %arg0[%get3A_1003, %get3A_1004] : memref<1x8384xf32, #tpu.memory_space<vmem>>, vector<1x128xf32>
    %get3A_1006 = vector.shape_cast %get3A_1005 : vector<1x128xf32> to vector<128xf32>
    %reshape3A_1007 = vector.shape_cast %get3A_1006 : vector<128xf32> to vector<1x128xf32>
    %lt3A_1008 = arith.constant 30 : i32
    %lt3A_1009 = vector.broadcast %lt3A_1008 : i32 to vector<1x128xi32>
    %lt3A_1010 = arith.cmpi slt, %iota3A, %lt3A_1009 : vector<1x128xi32>
    %eq3A_1011 = arith.constant 30 : i32
    %eq3A_1012 = vector.broadcast %eq3A_1011 : i32 to vector<1x128xi32>
    %eq3A_1013 = arith.cmpi eq, %iota3A, %eq3A_1012 : vector<1x128xi32>
    %custom_jvp_call3A_1014 = arith.constant 0.000000e+00 : f32
    %max3A_1015 = vector.broadcast %custom_jvp_call3A_1014 : f32 to vector<1x128xf32>
    %max3A_1016 = arith.maximumf %reshape3A_1007, %max3A_1015 : vector<1x128xf32>
    %sub3A_1017 = vector.broadcast %custom_jvp_call3A_1014 : f32 to vector<1x128xf32>
    %sub3A_1018 = arith.subf %reshape3A_1007, %sub3A_1017 : vector<1x128xf32>
    %ne3A_1019 = arith.cmpf one, %sub3A_1018, %sub3A_1018 : vector<1x128xf32>
    %add3A_1020 = vector.broadcast %custom_jvp_call3A_1014 : f32 to vector<1x128xf32>
    %add3A_1021 = arith.addf %reshape3A_1007, %add3A_1020 : vector<1x128xf32>
    %abs3A_1022 = math.absf %sub3A_1018 : vector<1x128xf32>
    %neg3A_1023 = arith.constant 0.000000e+00 : f32
    %neg3A_1024 = vector.broadcast %neg3A_1023 : f32 to vector<1x128xf32>
    %neg3A_1025 = arith.subf %neg3A_1024, %abs3A_1022 : vector<1x128xf32>
    %exp3A_1026 = math.exp %neg3A_1025 : vector<1x128xf32>
    %log1p3A_1027 = math.log1p %exp3A_1026 : vector<1x128xf32>
    %add3A_1028 = arith.addf %max3A_1016, %log1p3A_1027 : vector<1x128xf32>
    %select_n3A_1029 = arith.select %ne3A_1019, %add3A_1021, %add3A_1028 : vector<1x128xi1>, vector<1x128xf32>
    %jit3A_1030 = arith.constant 0.000000e+00 : f32
    %broadcast_in_dim3A_1031 = vector.broadcast %jit3A_1030 : f32 to vector<1x128xf32>
    %select_n3A_1032 = arith.select %eq3A_1013, %select_n3A_1029, %broadcast_in_dim3A_1031 : vector<1x128xi1>, vector<1x128xf32>
    %select_n3A_1033 = arith.select %lt3A_1010, %reshape3A_1007, %select_n3A_1032 : vector<1x128xi1>, vector<1x128xf32>
    %swap3A_1034 = arith.constant 30 : index
    %swap3A_1035 = arith.constant 0 : index
    %swap3A_1036 = vector.load %arg2[%swap3A_1034, %swap3A_1035] : memref<128x128xf32, #tpu.memory_space<vmem>>, vector<1x128xf32>
    tpu.vector_store %arg2[%swap3A_1034, %swap3A_1035], %select_n3A_1033 {strides = array<i32>} : memref<128x128xf32, #tpu.memory_space<vmem>>, vector<1x128xf32>,
    %get3A_1037 = arith.constant 0 : index
    %get3A_1038 = arith.constant 496 : index
    %get3A_1039 = vector.load %arg0[%get3A_1037, %get3A_1038] : memref<1x8384xf32, #tpu.memory_space<vmem>>, vector<1x128xf32>
    %get3A_1040 = vector.shape_cast %get3A_1039 : vector<1x128xf32> to vector<128xf32>
    %reshape3A_1041 = vector.shape_cast %get3A_1040 : vector<128xf32> to vector<1x128xf32>
    %lt3A_1042 = arith.constant 31 : i32
    %lt3A_1043 = vector.broadcast %lt3A_1042 : i32 to vector<1x128xi32>
    %lt3A_1044 = arith.cmpi slt, %iota3A, %lt3A_1043 : vector<1x128xi32>
    %eq3A_1045 = arith.constant 31 : i32
    %eq3A_1046 = vector.broadcast %eq3A_1045 : i32 to vector<1x128xi32>
    %eq3A_1047 = arith.cmpi eq, %iota3A, %eq3A_1046 : vector<1x128xi32>
    %custom_jvp_call3A_1048 = arith.constant 0.000000e+00 : f32
    %max3A_1049 = vector.broadcast %custom_jvp_call3A_1048 : f32 to vector<1x128xf32>
    %max3A_1050 = arith.maximumf %reshape3A_1041, %max3A_1049 : vector<1x128xf32>
    %sub3A_1051 = vector.broadcast %custom_jvp_call3A_1048 : f32 to vector<1x128xf32>
    %sub3A_1052 = arith.subf %reshape3A_1041, %sub3A_1051 : vector<1x128xf32>
    %ne3A_1053 = arith.cmpf one, %sub3A_1052, %sub3A_1052 : vector<1x128xf32>
    %add3A_1054 = vector.broadcast %custom_jvp_call3A_1048 : f32 to vector<1x128xf32>
    %add3A_1055 = arith.addf %reshape3A_1041, %add3A_1054 : vector<1x128xf32>
    %abs3A_1056 = math.absf %sub3A_1052 : vector<1x128xf32>
    %neg3A_1057 = arith.constant 0.000000e+00 : f32
    %neg3A_1058 = vector.broadcast %neg3A_1057 : f32 to vector<1x128xf32>
    %neg3A_1059 = arith.subf %neg3A_1058, %abs3A_1056 : vector<1x128xf32>
    %exp3A_1060 = math.exp %neg3A_1059 : vector<1x128xf32>
    %log1p3A_1061 = math.log1p %exp3A_1060 : vector<1x128xf32>
    %add3A_1062 = arith.addf %max3A_1050, %log1p3A_1061 : vector<1x128xf32>
    %select_n3A_1063 = arith.select %ne3A_1053, %add3A_1055, %add3A_1062 : vector<1x128xi1>, vector<1x128xf32>
    %jit3A_1064 = arith.constant 0.000000e+00 : f32
    %broadcast_in_dim3A_1065 = vector.broadcast %jit3A_1064 : f32 to vector<1x128xf32>
    %select_n3A_1066 = arith.select %eq3A_1047, %select_n3A_1063, %broadcast_in_dim3A_1065 : vector<1x128xi1>, vector<1x128xf32>
    %select_n3A_1067 = arith.select %lt3A_1044, %reshape3A_1041, %select_n3A_1066 : vector<1x128xi1>, vector<1x128xf32>
    %swap3A_1068 = arith.constant 31 : index
    %swap3A_1069 = arith.constant 0 : index
    %swap3A_1070 = vector.load %arg2[%swap3A_1068, %swap3A_1069] : memref<128x128xf32, #tpu.memory_space<vmem>>, vector<1x128xf32>
    tpu.vector_store %arg2[%swap3A_1068, %swap3A_1069], %select_n3A_1067 {strides = array<i32>} : memref<128x128xf32, #tpu.memory_space<vmem>>, vector<1x128xf32>,
    %get3A_1071 = arith.constant 0 : index
    %get3A_1072 = arith.constant 528 : index
    %get3A_1073 = vector.load %arg0[%get3A_1071, %get3A_1072] : memref<1x8384xf32, #tpu.memory_space<vmem>>, vector<1x128xf32>
    %get3A_1074 = vector.shape_cast %get3A_1073 : vector<1x128xf32> to vector<128xf32>
    %reshape3A_1075 = vector.shape_cast %get3A_1074 : vector<128xf32> to vector<1x128xf32>
    %lt3A_1076 = arith.constant 32 : i32
    %lt3A_1077 = vector.broadcast %lt3A_1076 : i32 to vector<1x128xi32>
    %lt3A_1078 = arith.cmpi slt, %iota3A, %lt3A_1077 : vector<1x128xi32>
    %eq3A_1079 = arith.constant 32 : i32
    %eq3A_1080 = vector.broadcast %eq3A_1079 : i32 to vector<1x128xi32>
    %eq3A_1081 = arith.cmpi eq, %iota3A, %eq3A_1080 : vector<1x128xi32>
    %custom_jvp_call3A_1082 = arith.constant 0.000000e+00 : f32
    %max3A_1083 = vector.broadcast %custom_jvp_call3A_1082 : f32 to vector<1x128xf32>
    %max3A_1084 = arith.maximumf %reshape3A_1075, %max3A_1083 : vector<1x128xf32>
    %sub3A_1085 = vector.broadcast %custom_jvp_call3A_1082 : f32 to vector<1x128xf32>
    %sub3A_1086 = arith.subf %reshape3A_1075, %sub3A_1085 : vector<1x128xf32>
    %ne3A_1087 = arith.cmpf one, %sub3A_1086, %sub3A_1086 : vector<1x128xf32>
    %add3A_1088 = vector.broadcast %custom_jvp_call3A_1082 : f32 to vector<1x128xf32>
    %add3A_1089 = arith.addf %reshape3A_1075, %add3A_1088 : vector<1x128xf32>
    %abs3A_1090 = math.absf %sub3A_1086 : vector<1x128xf32>
    %neg3A_1091 = arith.constant 0.000000e+00 : f32
    %neg3A_1092 = vector.broadcast %neg3A_1091 : f32 to vector<1x128xf32>
    %neg3A_1093 = arith.subf %neg3A_1092, %abs3A_1090 : vector<1x128xf32>
    %exp3A_1094 = math.exp %neg3A_1093 : vector<1x128xf32>
    %log1p3A_1095 = math.log1p %exp3A_1094 : vector<1x128xf32>
    %add3A_1096 = arith.addf %max3A_1084, %log1p3A_1095 : vector<1x128xf32>
    %select_n3A_1097 = arith.select %ne3A_1087, %add3A_1089, %add3A_1096 : vector<1x128xi1>, vector<1x128xf32>
    %jit3A_1098 = arith.constant 0.000000e+00 : f32
    %broadcast_in_dim3A_1099 = vector.broadcast %jit3A_1098 : f32 to vector<1x128xf32>
    %select_n3A_1100 = arith.select %eq3A_1081, %select_n3A_1097, %broadcast_in_dim3A_1099 : vector<1x128xi1>, vector<1x128xf32>
    %select_n3A_1101 = arith.select %lt3A_1078, %reshape3A_1075, %select_n3A_1100 : vector<1x128xi1>, vector<1x128xf32>
    %swap3A_1102 = arith.constant 32 : index
    %swap3A_1103 = arith.constant 0 : index
    %swap3A_1104 = vector.load %arg2[%swap3A_1102, %swap3A_1103] : memref<128x128xf32, #tpu.memory_space<vmem>>, vector<1x128xf32>
    tpu.vector_store %arg2[%swap3A_1102, %swap3A_1103], %select_n3A_1101 {strides = array<i32>} : memref<128x128xf32, #tpu.memory_space<vmem>>, vector<1x128xf32>,
    %get3A_1105 = arith.constant 0 : index
    %get3A_1106 = arith.constant 561 : index
    %get3A_1107 = vector.load %arg0[%get3A_1105, %get3A_1106] : memref<1x8384xf32, #tpu.memory_space<vmem>>, vector<1x128xf32>
    %get3A_1108 = vector.shape_cast %get3A_1107 : vector<1x128xf32> to vector<128xf32>
    %reshape3A_1109 = vector.shape_cast %get3A_1108 : vector<128xf32> to vector<1x128xf32>
    %lt3A_1110 = arith.constant 33 : i32
    %lt3A_1111 = vector.broadcast %lt3A_1110 : i32 to vector<1x128xi32>
    %lt3A_1112 = arith.cmpi slt, %iota3A, %lt3A_1111 : vector<1x128xi32>
    %eq3A_1113 = arith.constant 33 : i32
    %eq3A_1114 = vector.broadcast %eq3A_1113 : i32 to vector<1x128xi32>
    %eq3A_1115 = arith.cmpi eq, %iota3A, %eq3A_1114 : vector<1x128xi32>
    %custom_jvp_call3A_1116 = arith.constant 0.000000e+00 : f32
    %max3A_1117 = vector.broadcast %custom_jvp_call3A_1116 : f32 to vector<1x128xf32>
    %max3A_1118 = arith.maximumf %reshape3A_1109, %max3A_1117 : vector<1x128xf32>
    %sub3A_1119 = vector.broadcast %custom_jvp_call3A_1116 : f32 to vector<1x128xf32>
    %sub3A_1120 = arith.subf %reshape3A_1109, %sub3A_1119 : vector<1x128xf32>
    %ne3A_1121 = arith.cmpf one, %sub3A_1120, %sub3A_1120 : vector<1x128xf32>
    %add3A_1122 = vector.broadcast %custom_jvp_call3A_1116 : f32 to vector<1x128xf32>
    %add3A_1123 = arith.addf %reshape3A_1109, %add3A_1122 : vector<1x128xf32>
    %abs3A_1124 = math.absf %sub3A_1120 : vector<1x128xf32>
    %neg3A_1125 = arith.constant 0.000000e+00 : f32
    %neg3A_1126 = vector.broadcast %neg3A_1125 : f32 to vector<1x128xf32>
    %neg3A_1127 = arith.subf %neg3A_1126, %abs3A_1124 : vector<1x128xf32>
    %exp3A_1128 = math.exp %neg3A_1127 : vector<1x128xf32>
    %log1p3A_1129 = math.log1p %exp3A_1128 : vector<1x128xf32>
    %add3A_1130 = arith.addf %max3A_1118, %log1p3A_1129 : vector<1x128xf32>
    %select_n3A_1131 = arith.select %ne3A_1121, %add3A_1123, %add3A_1130 : vector<1x128xi1>, vector<1x128xf32>
    %jit3A_1132 = arith.constant 0.000000e+00 : f32
    %broadcast_in_dim3A_1133 = vector.broadcast %jit3A_1132 : f32 to vector<1x128xf32>
    %select_n3A_1134 = arith.select %eq3A_1115, %select_n3A_1131, %broadcast_in_dim3A_1133 : vector<1x128xi1>, vector<1x128xf32>
    %select_n3A_1135 = arith.select %lt3A_1112, %reshape3A_1109, %select_n3A_1134 : vector<1x128xi1>, vector<1x128xf32>
    %swap3A_1136 = arith.constant 33 : index
    %swap3A_1137 = arith.constant 0 : index
    %swap3A_1138 = vector.load %arg2[%swap3A_1136, %swap3A_1137] : memref<128x128xf32, #tpu.memory_space<vmem>>, vector<1x128xf32>
    tpu.vector_store %arg2[%swap3A_1136, %swap3A_1137], %select_n3A_1135 {strides = array<i32>} : memref<128x128xf32, #tpu.memory_space<vmem>>, vector<1x128xf32>,
    %get3A_1139 = arith.constant 0 : index
    %get3A_1140 = arith.constant 595 : index
    %get3A_1141 = vector.load %arg0[%get3A_1139, %get3A_1140] : memref<1x8384xf32, #tpu.memory_space<vmem>>, vector<1x128xf32>
    %get3A_1142 = vector.shape_cast %get3A_1141 : vector<1x128xf32> to vector<128xf32>
    %reshape3A_1143 = vector.shape_cast %get3A_1142 : vector<128xf32> to vector<1x128xf32>
    %lt3A_1144 = arith.constant 34 : i32
    %lt3A_1145 = vector.broadcast %lt3A_1144 : i32 to vector<1x128xi32>
    %lt3A_1146 = arith.cmpi slt, %iota3A, %lt3A_1145 : vector<1x128xi32>
    %eq3A_1147 = arith.constant 34 : i32
    %eq3A_1148 = vector.broadcast %eq3A_1147 : i32 to vector<1x128xi32>
    %eq3A_1149 = arith.cmpi eq, %iota3A, %eq3A_1148 : vector<1x128xi32>
    %custom_jvp_call3A_1150 = arith.constant 0.000000e+00 : f32
    %max3A_1151 = vector.broadcast %custom_jvp_call3A_1150 : f32 to vector<1x128xf32>
    %max3A_1152 = arith.maximumf %reshape3A_1143, %max3A_1151 : vector<1x128xf32>
    %sub3A_1153 = vector.broadcast %custom_jvp_call3A_1150 : f32 to vector<1x128xf32>
    %sub3A_1154 = arith.subf %reshape3A_1143, %sub3A_1153 : vector<1x128xf32>
    %ne3A_1155 = arith.cmpf one, %sub3A_1154, %sub3A_1154 : vector<1x128xf32>
    %add3A_1156 = vector.broadcast %custom_jvp_call3A_1150 : f32 to vector<1x128xf32>
    %add3A_1157 = arith.addf %reshape3A_1143, %add3A_1156 : vector<1x128xf32>
    %abs3A_1158 = math.absf %sub3A_1154 : vector<1x128xf32>
    %neg3A_1159 = arith.constant 0.000000e+00 : f32
    %neg3A_1160 = vector.broadcast %neg3A_1159 : f32 to vector<1x128xf32>
    %neg3A_1161 = arith.subf %neg3A_1160, %abs3A_1158 : vector<1x128xf32>
    %exp3A_1162 = math.exp %neg3A_1161 : vector<1x128xf32>
    %log1p3A_1163 = math.log1p %exp3A_1162 : vector<1x128xf32>
    %add3A_1164 = arith.addf %max3A_1152, %log1p3A_1163 : vector<1x128xf32>
    %select_n3A_1165 = arith.select %ne3A_1155, %add3A_1157, %add3A_1164 : vector<1x128xi1>, vector<1x128xf32>
    %jit3A_1166 = arith.constant 0.000000e+00 : f32
    %broadcast_in_dim3A_1167 = vector.broadcast %jit3A_1166 : f32 to vector<1x128xf32>
    %select_n3A_1168 = arith.select %eq3A_1149, %select_n3A_1165, %broadcast_in_dim3A_1167 : vector<1x128xi1>, vector<1x128xf32>
    %select_n3A_1169 = arith.select %lt3A_1146, %reshape3A_1143, %select_n3A_1168 : vector<1x128xi1>, vector<1x128xf32>
    %swap3A_1170 = arith.constant 34 : index
    %swap3A_1171 = arith.constant 0 : index
    %swap3A_1172 = vector.load %arg2[%swap3A_1170, %swap3A_1171] : memref<128x128xf32, #tpu.memory_space<vmem>>, vector<1x128xf32>
    tpu.vector_store %arg2[%swap3A_1170, %swap3A_1171], %select_n3A_1169 {strides = array<i32>} : memref<128x128xf32, #tpu.memory_space<vmem>>, vector<1x128xf32>,
    %get3A_1173 = arith.constant 0 : index
    %get3A_1174 = arith.constant 630 : index
    %get3A_1175 = vector.load %arg0[%get3A_1173, %get3A_1174] : memref<1x8384xf32, #tpu.memory_space<vmem>>, vector<1x128xf32>
    %get3A_1176 = vector.shape_cast %get3A_1175 : vector<1x128xf32> to vector<128xf32>
    %reshape3A_1177 = vector.shape_cast %get3A_1176 : vector<128xf32> to vector<1x128xf32>
    %lt3A_1178 = arith.constant 35 : i32
    %lt3A_1179 = vector.broadcast %lt3A_1178 : i32 to vector<1x128xi32>
    %lt3A_1180 = arith.cmpi slt, %iota3A, %lt3A_1179 : vector<1x128xi32>
    %eq3A_1181 = arith.constant 35 : i32
    %eq3A_1182 = vector.broadcast %eq3A_1181 : i32 to vector<1x128xi32>
    %eq3A_1183 = arith.cmpi eq, %iota3A, %eq3A_1182 : vector<1x128xi32>
    %custom_jvp_call3A_1184 = arith.constant 0.000000e+00 : f32
    %max3A_1185 = vector.broadcast %custom_jvp_call3A_1184 : f32 to vector<1x128xf32>
    %max3A_1186 = arith.maximumf %reshape3A_1177, %max3A_1185 : vector<1x128xf32>
    %sub3A_1187 = vector.broadcast %custom_jvp_call3A_1184 : f32 to vector<1x128xf32>
    %sub3A_1188 = arith.subf %reshape3A_1177, %sub3A_1187 : vector<1x128xf32>
    %ne3A_1189 = arith.cmpf one, %sub3A_1188, %sub3A_1188 : vector<1x128xf32>
    %add3A_1190 = vector.broadcast %custom_jvp_call3A_1184 : f32 to vector<1x128xf32>
    %add3A_1191 = arith.addf %reshape3A_1177, %add3A_1190 : vector<1x128xf32>
    %abs3A_1192 = math.absf %sub3A_1188 : vector<1x128xf32>
    %neg3A_1193 = arith.constant 0.000000e+00 : f32
    %neg3A_1194 = vector.broadcast %neg3A_1193 : f32 to vector<1x128xf32>
    %neg3A_1195 = arith.subf %neg3A_1194, %abs3A_1192 : vector<1x128xf32>
    %exp3A_1196 = math.exp %neg3A_1195 : vector<1x128xf32>
    %log1p3A_1197 = math.log1p %exp3A_1196 : vector<1x128xf32>
    %add3A_1198 = arith.addf %max3A_1186, %log1p3A_1197 : vector<1x128xf32>
    %select_n3A_1199 = arith.select %ne3A_1189, %add3A_1191, %add3A_1198 : vector<1x128xi1>, vector<1x128xf32>
    %jit3A_1200 = arith.constant 0.000000e+00 : f32
    %broadcast_in_dim3A_1201 = vector.broadcast %jit3A_1200 : f32 to vector<1x128xf32>
    %select_n3A_1202 = arith.select %eq3A_1183, %select_n3A_1199, %broadcast_in_dim3A_1201 : vector<1x128xi1>, vector<1x128xf32>
    %select_n3A_1203 = arith.select %lt3A_1180, %reshape3A_1177, %select_n3A_1202 : vector<1x128xi1>, vector<1x128xf32>
    %swap3A_1204 = arith.constant 35 : index
    %swap3A_1205 = arith.constant 0 : index
    %swap3A_1206 = vector.load %arg2[%swap3A_1204, %swap3A_1205] : memref<128x128xf32, #tpu.memory_space<vmem>>, vector<1x128xf32>
    tpu.vector_store %arg2[%swap3A_1204, %swap3A_1205], %select_n3A_1203 {strides = array<i32>} : memref<128x128xf32, #tpu.memory_space<vmem>>, vector<1x128xf32>,
    %get3A_1207 = arith.constant 0 : index
    %get3A_1208 = arith.constant 666 : index
    %get3A_1209 = vector.load %arg0[%get3A_1207, %get3A_1208] : memref<1x8384xf32, #tpu.memory_space<vmem>>, vector<1x128xf32>
    %get3A_1210 = vector.shape_cast %get3A_1209 : vector<1x128xf32> to vector<128xf32>
    %reshape3A_1211 = vector.shape_cast %get3A_1210 : vector<128xf32> to vector<1x128xf32>
    %lt3A_1212 = arith.constant 36 : i32
    %lt3A_1213 = vector.broadcast %lt3A_1212 : i32 to vector<1x128xi32>
    %lt3A_1214 = arith.cmpi slt, %iota3A, %lt3A_1213 : vector<1x128xi32>
    %eq3A_1215 = arith.constant 36 : i32
    %eq3A_1216 = vector.broadcast %eq3A_1215 : i32 to vector<1x128xi32>
    %eq3A_1217 = arith.cmpi eq, %iota3A, %eq3A_1216 : vector<1x128xi32>
    %custom_jvp_call3A_1218 = arith.constant 0.000000e+00 : f32
    %max3A_1219 = vector.broadcast %custom_jvp_call3A_1218 : f32 to vector<1x128xf32>
    %max3A_1220 = arith.maximumf %reshape3A_1211, %max3A_1219 : vector<1x128xf32>
    %sub3A_1221 = vector.broadcast %custom_jvp_call3A_1218 : f32 to vector<1x128xf32>
    %sub3A_1222 = arith.subf %reshape3A_1211, %sub3A_1221 : vector<1x128xf32>
    %ne3A_1223 = arith.cmpf one, %sub3A_1222, %sub3A_1222 : vector<1x128xf32>
    %add3A_1224 = vector.broadcast %custom_jvp_call3A_1218 : f32 to vector<1x128xf32>
    %add3A_1225 = arith.addf %reshape3A_1211, %add3A_1224 : vector<1x128xf32>
    %abs3A_1226 = math.absf %sub3A_1222 : vector<1x128xf32>
    %neg3A_1227 = arith.constant 0.000000e+00 : f32
    %neg3A_1228 = vector.broadcast %neg3A_1227 : f32 to vector<1x128xf32>
    %neg3A_1229 = arith.subf %neg3A_1228, %abs3A_1226 : vector<1x128xf32>
    %exp3A_1230 = math.exp %neg3A_1229 : vector<1x128xf32>
    %log1p3A_1231 = math.log1p %exp3A_1230 : vector<1x128xf32>
    %add3A_1232 = arith.addf %max3A_1220, %log1p3A_1231 : vector<1x128xf32>
    %select_n3A_1233 = arith.select %ne3A_1223, %add3A_1225, %add3A_1232 : vector<1x128xi1>, vector<1x128xf32>
    %jit3A_1234 = arith.constant 0.000000e+00 : f32
    %broadcast_in_dim3A_1235 = vector.broadcast %jit3A_1234 : f32 to vector<1x128xf32>
    %select_n3A_1236 = arith.select %eq3A_1217, %select_n3A_1233, %broadcast_in_dim3A_1235 : vector<1x128xi1>, vector<1x128xf32>
    %select_n3A_1237 = arith.select %lt3A_1214, %reshape3A_1211, %select_n3A_1236 : vector<1x128xi1>, vector<1x128xf32>
    %swap3A_1238 = arith.constant 36 : index
    %swap3A_1239 = arith.constant 0 : index
    %swap3A_1240 = vector.load %arg2[%swap3A_1238, %swap3A_1239] : memref<128x128xf32, #tpu.memory_space<vmem>>, vector<1x128xf32>
    tpu.vector_store %arg2[%swap3A_1238, %swap3A_1239], %select_n3A_1237 {strides = array<i32>} : memref<128x128xf32, #tpu.memory_space<vmem>>, vector<1x128xf32>,
    %get3A_1241 = arith.constant 0 : index
    %get3A_1242 = arith.constant 703 : index
    %get3A_1243 = vector.load %arg0[%get3A_1241, %get3A_1242] : memref<1x8384xf32, #tpu.memory_space<vmem>>, vector<1x128xf32>
    %get3A_1244 = vector.shape_cast %get3A_1243 : vector<1x128xf32> to vector<128xf32>
    %reshape3A_1245 = vector.shape_cast %get3A_1244 : vector<128xf32> to vector<1x128xf32>
    %lt3A_1246 = arith.constant 37 : i32
    %lt3A_1247 = vector.broadcast %lt3A_1246 : i32 to vector<1x128xi32>
    %lt3A_1248 = arith.cmpi slt, %iota3A, %lt3A_1247 : vector<1x128xi32>
    %eq3A_1249 = arith.constant 37 : i32
    %eq3A_1250 = vector.broadcast %eq3A_1249 : i32 to vector<1x128xi32>
    %eq3A_1251 = arith.cmpi eq, %iota3A, %eq3A_1250 : vector<1x128xi32>
    %custom_jvp_call3A_1252 = arith.constant 0.000000e+00 : f32
    %max3A_1253 = vector.broadcast %custom_jvp_call3A_1252 : f32 to vector<1x128xf32>
    %max3A_1254 = arith.maximumf %reshape3A_1245, %max3A_1253 : vector<1x128xf32>
    %sub3A_1255 = vector.broadcast %custom_jvp_call3A_1252 : f32 to vector<1x128xf32>
    %sub3A_1256 = arith.subf %reshape3A_1245, %sub3A_1255 : vector<1x128xf32>
    %ne3A_1257 = arith.cmpf one, %sub3A_1256, %sub3A_1256 : vector<1x128xf32>
    %add3A_1258 = vector.broadcast %custom_jvp_call3A_1252 : f32 to vector<1x128xf32>
    %add3A_1259 = arith.addf %reshape3A_1245, %add3A_1258 : vector<1x128xf32>
    %abs3A_1260 = math.absf %sub3A_1256 : vector<1x128xf32>
    %neg3A_1261 = arith.constant 0.000000e+00 : f32
    %neg3A_1262 = vector.broadcast %neg3A_1261 : f32 to vector<1x128xf32>
    %neg3A_1263 = arith.subf %neg3A_1262, %abs3A_1260 : vector<1x128xf32>
    %exp3A_1264 = math.exp %neg3A_1263 : vector<1x128xf32>
    %log1p3A_1265 = math.log1p %exp3A_1264 : vector<1x128xf32>
    %add3A_1266 = arith.addf %max3A_1254, %log1p3A_1265 : vector<1x128xf32>
    %select_n3A_1267 = arith.select %ne3A_1257, %add3A_1259, %add3A_1266 : vector<1x128xi1>, vector<1x128xf32>
    %jit3A_1268 = arith.constant 0.000000e+00 : f32
    %broadcast_in_dim3A_1269 = vector.broadcast %jit3A_1268 : f32 to vector<1x128xf32>
    %select_n3A_1270 = arith.select %eq3A_1251, %select_n3A_1267, %broadcast_in_dim3A_1269 : vector<1x128xi1>, vector<1x128xf32>
    %select_n3A_1271 = arith.select %lt3A_1248, %reshape3A_1245, %select_n3A_1270 : vector<1x128xi1>, vector<1x128xf32>
    %swap3A_1272 = arith.constant 37 : index
    %swap3A_1273 = arith.constant 0 : index
    %swap3A_1274 = vector.load %arg2[%swap3A_1272, %swap3A_1273] : memref<128x128xf32, #tpu.memory_space<vmem>>, vector<1x128xf32>
    tpu.vector_store %arg2[%swap3A_1272, %swap3A_1273], %select_n3A_1271 {strides = array<i32>} : memref<128x128xf32, #tpu.memory_space<vmem>>, vector<1x128xf32>,
    %get3A_1275 = arith.constant 0 : index
    %get3A_1276 = arith.constant 741 : index
    %get3A_1277 = vector.load %arg0[%get3A_1275, %get3A_1276] : memref<1x8384xf32, #tpu.memory_space<vmem>>, vector<1x128xf32>
    %get3A_1278 = vector.shape_cast %get3A_1277 : vector<1x128xf32> to vector<128xf32>
    %reshape3A_1279 = vector.shape_cast %get3A_1278 : vector<128xf32> to vector<1x128xf32>
    %lt3A_1280 = arith.constant 38 : i32
    %lt3A_1281 = vector.broadcast %lt3A_1280 : i32 to vector<1x128xi32>
    %lt3A_1282 = arith.cmpi slt, %iota3A, %lt3A_1281 : vector<1x128xi32>
    %eq3A_1283 = arith.constant 38 : i32
    %eq3A_1284 = vector.broadcast %eq3A_1283 : i32 to vector<1x128xi32>
    %eq3A_1285 = arith.cmpi eq, %iota3A, %eq3A_1284 : vector<1x128xi32>
    %custom_jvp_call3A_1286 = arith.constant 0.000000e+00 : f32
    %max3A_1287 = vector.broadcast %custom_jvp_call3A_1286 : f32 to vector<1x128xf32>
    %max3A_1288 = arith.maximumf %reshape3A_1279, %max3A_1287 : vector<1x128xf32>
    %sub3A_1289 = vector.broadcast %custom_jvp_call3A_1286 : f32 to vector<1x128xf32>
    %sub3A_1290 = arith.subf %reshape3A_1279, %sub3A_1289 : vector<1x128xf32>
    %ne3A_1291 = arith.cmpf one, %sub3A_1290, %sub3A_1290 : vector<1x128xf32>
    %add3A_1292 = vector.broadcast %custom_jvp_call3A_1286 : f32 to vector<1x128xf32>
    %add3A_1293 = arith.addf %reshape3A_1279, %add3A_1292 : vector<1x128xf32>
    %abs3A_1294 = math.absf %sub3A_1290 : vector<1x128xf32>
    %neg3A_1295 = arith.constant 0.000000e+00 : f32
    %neg3A_1296 = vector.broadcast %neg3A_1295 : f32 to vector<1x128xf32>
    %neg3A_1297 = arith.subf %neg3A_1296, %abs3A_1294 : vector<1x128xf32>
    %exp3A_1298 = math.exp %neg3A_1297 : vector<1x128xf32>
    %log1p3A_1299 = math.log1p %exp3A_1298 : vector<1x128xf32>
    %add3A_1300 = arith.addf %max3A_1288, %log1p3A_1299 : vector<1x128xf32>
    %select_n3A_1301 = arith.select %ne3A_1291, %add3A_1293, %add3A_1300 : vector<1x128xi1>, vector<1x128xf32>
    %jit3A_1302 = arith.constant 0.000000e+00 : f32
    %broadcast_in_dim3A_1303 = vector.broadcast %jit3A_1302 : f32 to vector<1x128xf32>
    %select_n3A_1304 = arith.select %eq3A_1285, %select_n3A_1301, %broadcast_in_dim3A_1303 : vector<1x128xi1>, vector<1x128xf32>
    %select_n3A_1305 = arith.select %lt3A_1282, %reshape3A_1279, %select_n3A_1304 : vector<1x128xi1>, vector<1x128xf32>
    %swap3A_1306 = arith.constant 38 : index
    %swap3A_1307 = arith.constant 0 : index
    %swap3A_1308 = vector.load %arg2[%swap3A_1306, %swap3A_1307] : memref<128x128xf32, #tpu.memory_space<vmem>>, vector<1x128xf32>
    tpu.vector_store %arg2[%swap3A_1306, %swap3A_1307], %select_n3A_1305 {strides = array<i32>} : memref<128x128xf32, #tpu.memory_space<vmem>>, vector<1x128xf32>,
    %get3A_1309 = arith.constant 0 : index
    %get3A_1310 = arith.constant 780 : index
    %get3A_1311 = vector.load %arg0[%get3A_1309, %get3A_1310] : memref<1x8384xf32, #tpu.memory_space<vmem>>, vector<1x128xf32>
    %get3A_1312 = vector.shape_cast %get3A_1311 : vector<1x128xf32> to vector<128xf32>
    %reshape3A_1313 = vector.shape_cast %get3A_1312 : vector<128xf32> to vector<1x128xf32>
    %lt3A_1314 = arith.constant 39 : i32
    %lt3A_1315 = vector.broadcast %lt3A_1314 : i32 to vector<1x128xi32>
    %lt3A_1316 = arith.cmpi slt, %iota3A, %lt3A_1315 : vector<1x128xi32>
    %eq3A_1317 = arith.constant 39 : i32
    %eq3A_1318 = vector.broadcast %eq3A_1317 : i32 to vector<1x128xi32>
    %eq3A_1319 = arith.cmpi eq, %iota3A, %eq3A_1318 : vector<1x128xi32>
    %custom_jvp_call3A_1320 = arith.constant 0.000000e+00 : f32
    %max3A_1321 = vector.broadcast %custom_jvp_call3A_1320 : f32 to vector<1x128xf32>
    %max3A_1322 = arith.maximumf %reshape3A_1313, %max3A_1321 : vector<1x128xf32>
    %sub3A_1323 = vector.broadcast %custom_jvp_call3A_1320 : f32 to vector<1x128xf32>
    %sub3A_1324 = arith.subf %reshape3A_1313, %sub3A_1323 : vector<1x128xf32>
    %ne3A_1325 = arith.cmpf one, %sub3A_1324, %sub3A_1324 : vector<1x128xf32>
    %add3A_1326 = vector.broadcast %custom_jvp_call3A_1320 : f32 to vector<1x128xf32>
    %add3A_1327 = arith.addf %reshape3A_1313, %add3A_1326 : vector<1x128xf32>
    %abs3A_1328 = math.absf %sub3A_1324 : vector<1x128xf32>
    %neg3A_1329 = arith.constant 0.000000e+00 : f32
    %neg3A_1330 = vector.broadcast %neg3A_1329 : f32 to vector<1x128xf32>
    %neg3A_1331 = arith.subf %neg3A_1330, %abs3A_1328 : vector<1x128xf32>
    %exp3A_1332 = math.exp %neg3A_1331 : vector<1x128xf32>
    %log1p3A_1333 = math.log1p %exp3A_1332 : vector<1x128xf32>
    %add3A_1334 = arith.addf %max3A_1322, %log1p3A_1333 : vector<1x128xf32>
    %select_n3A_1335 = arith.select %ne3A_1325, %add3A_1327, %add3A_1334 : vector<1x128xi1>, vector<1x128xf32>
    %jit3A_1336 = arith.constant 0.000000e+00 : f32
    %broadcast_in_dim3A_1337 = vector.broadcast %jit3A_1336 : f32 to vector<1x128xf32>
    %select_n3A_1338 = arith.select %eq3A_1319, %select_n3A_1335, %broadcast_in_dim3A_1337 : vector<1x128xi1>, vector<1x128xf32>
    %select_n3A_1339 = arith.select %lt3A_1316, %reshape3A_1313, %select_n3A_1338 : vector<1x128xi1>, vector<1x128xf32>
    %swap3A_1340 = arith.constant 39 : index
    %swap3A_1341 = arith.constant 0 : index
    %swap3A_1342 = vector.load %arg2[%swap3A_1340, %swap3A_1341] : memref<128x128xf32, #tpu.memory_space<vmem>>, vector<1x128xf32>
    tpu.vector_store %arg2[%swap3A_1340, %swap3A_1341], %select_n3A_1339 {strides = array<i32>} : memref<128x128xf32, #tpu.memory_space<vmem>>, vector<1x128xf32>,
    %get3A_1343 = arith.constant 0 : index
    %get3A_1344 = arith.constant 820 : index
    %get3A_1345 = vector.load %arg0[%get3A_1343, %get3A_1344] : memref<1x8384xf32, #tpu.memory_space<vmem>>, vector<1x128xf32>
    %get3A_1346 = vector.shape_cast %get3A_1345 : vector<1x128xf32> to vector<128xf32>
    %reshape3A_1347 = vector.shape_cast %get3A_1346 : vector<128xf32> to vector<1x128xf32>
    %lt3A_1348 = arith.constant 40 : i32
    %lt3A_1349 = vector.broadcast %lt3A_1348 : i32 to vector<1x128xi32>
    %lt3A_1350 = arith.cmpi slt, %iota3A, %lt3A_1349 : vector<1x128xi32>
    %eq3A_1351 = arith.constant 40 : i32
    %eq3A_1352 = vector.broadcast %eq3A_1351 : i32 to vector<1x128xi32>
    %eq3A_1353 = arith.cmpi eq, %iota3A, %eq3A_1352 : vector<1x128xi32>
    %custom_jvp_call3A_1354 = arith.constant 0.000000e+00 : f32
    %max3A_1355 = vector.broadcast %custom_jvp_call3A_1354 : f32 to vector<1x128xf32>
    %max3A_1356 = arith.maximumf %reshape3A_1347, %max3A_1355 : vector<1x128xf32>
    %sub3A_1357 = vector.broadcast %custom_jvp_call3A_1354 : f32 to vector<1x128xf32>
    %sub3A_1358 = arith.subf %reshape3A_1347, %sub3A_1357 : vector<1x128xf32>
    %ne3A_1359 = arith.cmpf one, %sub3A_1358, %sub3A_1358 : vector<1x128xf32>
    %add3A_1360 = vector.broadcast %custom_jvp_call3A_1354 : f32 to vector<1x128xf32>
    %add3A_1361 = arith.addf %reshape3A_1347, %add3A_1360 : vector<1x128xf32>
    %abs3A_1362 = math.absf %sub3A_1358 : vector<1x128xf32>
    %neg3A_1363 = arith.constant 0.000000e+00 : f32
    %neg3A_1364 = vector.broadcast %neg3A_1363 : f32 to vector<1x128xf32>
    %neg3A_1365 = arith.subf %neg3A_1364, %abs3A_1362 : vector<1x128xf32>
    %exp3A_1366 = math.exp %neg3A_1365 : vector<1x128xf32>
    %log1p3A_1367 = math.log1p %exp3A_1366 : vector<1x128xf32>
    %add3A_1368 = arith.addf %max3A_1356, %log1p3A_1367 : vector<1x128xf32>
    %select_n3A_1369 = arith.select %ne3A_1359, %add3A_1361, %add3A_1368 : vector<1x128xi1>, vector<1x128xf32>
    %jit3A_1370 = arith.constant 0.000000e+00 : f32
    %broadcast_in_dim3A_1371 = vector.broadcast %jit3A_1370 : f32 to vector<1x128xf32>
    %select_n3A_1372 = arith.select %eq3A_1353, %select_n3A_1369, %broadcast_in_dim3A_1371 : vector<1x128xi1>, vector<1x128xf32>
    %select_n3A_1373 = arith.select %lt3A_1350, %reshape3A_1347, %select_n3A_1372 : vector<1x128xi1>, vector<1x128xf32>
    %swap3A_1374 = arith.constant 40 : index
    %swap3A_1375 = arith.constant 0 : index
    %swap3A_1376 = vector.load %arg2[%swap3A_1374, %swap3A_1375] : memref<128x128xf32, #tpu.memory_space<vmem>>, vector<1x128xf32>
    tpu.vector_store %arg2[%swap3A_1374, %swap3A_1375], %select_n3A_1373 {strides = array<i32>} : memref<128x128xf32, #tpu.memory_space<vmem>>, vector<1x128xf32>,
    %get3A_1377 = arith.constant 0 : index
    %get3A_1378 = arith.constant 861 : index
    %get3A_1379 = vector.load %arg0[%get3A_1377, %get3A_1378] : memref<1x8384xf32, #tpu.memory_space<vmem>>, vector<1x128xf32>
    %get3A_1380 = vector.shape_cast %get3A_1379 : vector<1x128xf32> to vector<128xf32>
    %reshape3A_1381 = vector.shape_cast %get3A_1380 : vector<128xf32> to vector<1x128xf32>
    %lt3A_1382 = arith.constant 41 : i32
    %lt3A_1383 = vector.broadcast %lt3A_1382 : i32 to vector<1x128xi32>
    %lt3A_1384 = arith.cmpi slt, %iota3A, %lt3A_1383 : vector<1x128xi32>
    %eq3A_1385 = arith.constant 41 : i32
    %eq3A_1386 = vector.broadcast %eq3A_1385 : i32 to vector<1x128xi32>
    %eq3A_1387 = arith.cmpi eq, %iota3A, %eq3A_1386 : vector<1x128xi32>
    %custom_jvp_call3A_1388 = arith.constant 0.000000e+00 : f32
    %max3A_1389 = vector.broadcast %custom_jvp_call3A_1388 : f32 to vector<1x128xf32>
    %max3A_1390 = arith.maximumf %reshape3A_1381, %max3A_1389 : vector<1x128xf32>
    %sub3A_1391 = vector.broadcast %custom_jvp_call3A_1388 : f32 to vector<1x128xf32>
    %sub3A_1392 = arith.subf %reshape3A_1381, %sub3A_1391 : vector<1x128xf32>
    %ne3A_1393 = arith.cmpf one, %sub3A_1392, %sub3A_1392 : vector<1x128xf32>
    %add3A_1394 = vector.broadcast %custom_jvp_call3A_1388 : f32 to vector<1x128xf32>
    %add3A_1395 = arith.addf %reshape3A_1381, %add3A_1394 : vector<1x128xf32>
    %abs3A_1396 = math.absf %sub3A_1392 : vector<1x128xf32>
    %neg3A_1397 = arith.constant 0.000000e+00 : f32
    %neg3A_1398 = vector.broadcast %neg3A_1397 : f32 to vector<1x128xf32>
    %neg3A_1399 = arith.subf %neg3A_1398, %abs3A_1396 : vector<1x128xf32>
    %exp3A_1400 = math.exp %neg3A_1399 : vector<1x128xf32>
    %log1p3A_1401 = math.log1p %exp3A_1400 : vector<1x128xf32>
    %add3A_1402 = arith.addf %max3A_1390, %log1p3A_1401 : vector<1x128xf32>
    %select_n3A_1403 = arith.select %ne3A_1393, %add3A_1395, %add3A_1402 : vector<1x128xi1>, vector<1x128xf32>
    %jit3A_1404 = arith.constant 0.000000e+00 : f32
    %broadcast_in_dim3A_1405 = vector.broadcast %jit3A_1404 : f32 to vector<1x128xf32>
    %select_n3A_1406 = arith.select %eq3A_1387, %select_n3A_1403, %broadcast_in_dim3A_1405 : vector<1x128xi1>, vector<1x128xf32>
    %select_n3A_1407 = arith.select %lt3A_1384, %reshape3A_1381, %select_n3A_1406 : vector<1x128xi1>, vector<1x128xf32>
    %swap3A_1408 = arith.constant 41 : index
    %swap3A_1409 = arith.constant 0 : index
    %swap3A_1410 = vector.load %arg2[%swap3A_1408, %swap3A_1409] : memref<128x128xf32, #tpu.memory_space<vmem>>, vector<1x128xf32>
    tpu.vector_store %arg2[%swap3A_1408, %swap3A_1409], %select_n3A_1407 {strides = array<i32>} : memref<128x128xf32, #tpu.memory_space<vmem>>, vector<1x128xf32>,
    %get3A_1411 = arith.constant 0 : index
    %get3A_1412 = arith.constant 903 : index
    %get3A_1413 = vector.load %arg0[%get3A_1411, %get3A_1412] : memref<1x8384xf32, #tpu.memory_space<vmem>>, vector<1x128xf32>
    %get3A_1414 = vector.shape_cast %get3A_1413 : vector<1x128xf32> to vector<128xf32>
    %reshape3A_1415 = vector.shape_cast %get3A_1414 : vector<128xf32> to vector<1x128xf32>
    %lt3A_1416 = arith.constant 42 : i32
    %lt3A_1417 = vector.broadcast %lt3A_1416 : i32 to vector<1x128xi32>
    %lt3A_1418 = arith.cmpi slt, %iota3A, %lt3A_1417 : vector<1x128xi32>
    %eq3A_1419 = arith.constant 42 : i32
    %eq3A_1420 = vector.broadcast %eq3A_1419 : i32 to vector<1x128xi32>
    %eq3A_1421 = arith.cmpi eq, %iota3A, %eq3A_1420 : vector<1x128xi32>
    %custom_jvp_call3A_1422 = arith.constant 0.000000e+00 : f32
    %max3A_1423 = vector.broadcast %custom_jvp_call3A_1422 : f32 to vector<1x128xf32>
    %max3A_1424 = arith.maximumf %reshape3A_1415, %max3A_1423 : vector<1x128xf32>
    %sub3A_1425 = vector.broadcast %custom_jvp_call3A_1422 : f32 to vector<1x128xf32>
    %sub3A_1426 = arith.subf %reshape3A_1415, %sub3A_1425 : vector<1x128xf32>
    %ne3A_1427 = arith.cmpf one, %sub3A_1426, %sub3A_1426 : vector<1x128xf32>
    %add3A_1428 = vector.broadcast %custom_jvp_call3A_1422 : f32 to vector<1x128xf32>
    %add3A_1429 = arith.addf %reshape3A_1415, %add3A_1428 : vector<1x128xf32>
    %abs3A_1430 = math.absf %sub3A_1426 : vector<1x128xf32>
    %neg3A_1431 = arith.constant 0.000000e+00 : f32
    %neg3A_1432 = vector.broadcast %neg3A_1431 : f32 to vector<1x128xf32>
    %neg3A_1433 = arith.subf %neg3A_1432, %abs3A_1430 : vector<1x128xf32>
    %exp3A_1434 = math.exp %neg3A_1433 : vector<1x128xf32>
    %log1p3A_1435 = math.log1p %exp3A_1434 : vector<1x128xf32>
    %add3A_1436 = arith.addf %max3A_1424, %log1p3A_1435 : vector<1x128xf32>
    %select_n3A_1437 = arith.select %ne3A_1427, %add3A_1429, %add3A_1436 : vector<1x128xi1>, vector<1x128xf32>
    %jit3A_1438 = arith.constant 0.000000e+00 : f32
    %broadcast_in_dim3A_1439 = vector.broadcast %jit3A_1438 : f32 to vector<1x128xf32>
    %select_n3A_1440 = arith.select %eq3A_1421, %select_n3A_1437, %broadcast_in_dim3A_1439 : vector<1x128xi1>, vector<1x128xf32>
    %select_n3A_1441 = arith.select %lt3A_1418, %reshape3A_1415, %select_n3A_1440 : vector<1x128xi1>, vector<1x128xf32>
    %swap3A_1442 = arith.constant 42 : index
    %swap3A_1443 = arith.constant 0 : index
    %swap3A_1444 = vector.load %arg2[%swap3A_1442, %swap3A_1443] : memref<128x128xf32, #tpu.memory_space<vmem>>, vector<1x128xf32>
    tpu.vector_store %arg2[%swap3A_1442, %swap3A_1443], %select_n3A_1441 {strides = array<i32>} : memref<128x128xf32, #tpu.memory_space<vmem>>, vector<1x128xf32>,
    %get3A_1445 = arith.constant 0 : index
    %get3A_1446 = arith.constant 946 : index
    %get3A_1447 = vector.load %arg0[%get3A_1445, %get3A_1446] : memref<1x8384xf32, #tpu.memory_space<vmem>>, vector<1x128xf32>
    %get3A_1448 = vector.shape_cast %get3A_1447 : vector<1x128xf32> to vector<128xf32>
    %reshape3A_1449 = vector.shape_cast %get3A_1448 : vector<128xf32> to vector<1x128xf32>
    %lt3A_1450 = arith.constant 43 : i32
    %lt3A_1451 = vector.broadcast %lt3A_1450 : i32 to vector<1x128xi32>
    %lt3A_1452 = arith.cmpi slt, %iota3A, %lt3A_1451 : vector<1x128xi32>
    %eq3A_1453 = arith.constant 43 : i32
    %eq3A_1454 = vector.broadcast %eq3A_1453 : i32 to vector<1x128xi32>
    %eq3A_1455 = arith.cmpi eq, %iota3A, %eq3A_1454 : vector<1x128xi32>
    %custom_jvp_call3A_1456 = arith.constant 0.000000e+00 : f32
    %max3A_1457 = vector.broadcast %custom_jvp_call3A_1456 : f32 to vector<1x128xf32>
    %max3A_1458 = arith.maximumf %reshape3A_1449, %max3A_1457 : vector<1x128xf32>
    %sub3A_1459 = vector.broadcast %custom_jvp_call3A_1456 : f32 to vector<1x128xf32>
    %sub3A_1460 = arith.subf %reshape3A_1449, %sub3A_1459 : vector<1x128xf32>
    %ne3A_1461 = arith.cmpf one, %sub3A_1460, %sub3A_1460 : vector<1x128xf32>
    %add3A_1462 = vector.broadcast %custom_jvp_call3A_1456 : f32 to vector<1x128xf32>
    %add3A_1463 = arith.addf %reshape3A_1449, %add3A_1462 : vector<1x128xf32>
    %abs3A_1464 = math.absf %sub3A_1460 : vector<1x128xf32>
    %neg3A_1465 = arith.constant 0.000000e+00 : f32
    %neg3A_1466 = vector.broadcast %neg3A_1465 : f32 to vector<1x128xf32>
    %neg3A_1467 = arith.subf %neg3A_1466, %abs3A_1464 : vector<1x128xf32>
    %exp3A_1468 = math.exp %neg3A_1467 : vector<1x128xf32>
    %log1p3A_1469 = math.log1p %exp3A_1468 : vector<1x128xf32>
    %add3A_1470 = arith.addf %max3A_1458, %log1p3A_1469 : vector<1x128xf32>
    %select_n3A_1471 = arith.select %ne3A_1461, %add3A_1463, %add3A_1470 : vector<1x128xi1>, vector<1x128xf32>
    %jit3A_1472 = arith.constant 0.000000e+00 : f32
    %broadcast_in_dim3A_1473 = vector.broadcast %jit3A_1472 : f32 to vector<1x128xf32>
    %select_n3A_1474 = arith.select %eq3A_1455, %select_n3A_1471, %broadcast_in_dim3A_1473 : vector<1x128xi1>, vector<1x128xf32>
    %select_n3A_1475 = arith.select %lt3A_1452, %reshape3A_1449, %select_n3A_1474 : vector<1x128xi1>, vector<1x128xf32>
    %swap3A_1476 = arith.constant 43 : index
    %swap3A_1477 = arith.constant 0 : index
    %swap3A_1478 = vector.load %arg2[%swap3A_1476, %swap3A_1477] : memref<128x128xf32, #tpu.memory_space<vmem>>, vector<1x128xf32>
    tpu.vector_store %arg2[%swap3A_1476, %swap3A_1477], %select_n3A_1475 {strides = array<i32>} : memref<128x128xf32, #tpu.memory_space<vmem>>, vector<1x128xf32>,
    %get3A_1479 = arith.constant 0 : index
    %get3A_1480 = arith.constant 990 : index
    %get3A_1481 = vector.load %arg0[%get3A_1479, %get3A_1480] : memref<1x8384xf32, #tpu.memory_space<vmem>>, vector<1x128xf32>
    %get3A_1482 = vector.shape_cast %get3A_1481 : vector<1x128xf32> to vector<128xf32>
    %reshape3A_1483 = vector.shape_cast %get3A_1482 : vector<128xf32> to vector<1x128xf32>
    %lt3A_1484 = arith.constant 44 : i32
    %lt3A_1485 = vector.broadcast %lt3A_1484 : i32 to vector<1x128xi32>
    %lt3A_1486 = arith.cmpi slt, %iota3A, %lt3A_1485 : vector<1x128xi32>
    %eq3A_1487 = arith.constant 44 : i32
    %eq3A_1488 = vector.broadcast %eq3A_1487 : i32 to vector<1x128xi32>
    %eq3A_1489 = arith.cmpi eq, %iota3A, %eq3A_1488 : vector<1x128xi32>
    %custom_jvp_call3A_1490 = arith.constant 0.000000e+00 : f32
    %max3A_1491 = vector.broadcast %custom_jvp_call3A_1490 : f32 to vector<1x128xf32>
    %max3A_1492 = arith.maximumf %reshape3A_1483, %max3A_1491 : vector<1x128xf32>
    %sub3A_1493 = vector.broadcast %custom_jvp_call3A_1490 : f32 to vector<1x128xf32>
    %sub3A_1494 = arith.subf %reshape3A_1483, %sub3A_1493 : vector<1x128xf32>
    %ne3A_1495 = arith.cmpf one, %sub3A_1494, %sub3A_1494 : vector<1x128xf32>
    %add3A_1496 = vector.broadcast %custom_jvp_call3A_1490 : f32 to vector<1x128xf32>
    %add3A_1497 = arith.addf %reshape3A_1483, %add3A_1496 : vector<1x128xf32>
    %abs3A_1498 = math.absf %sub3A_1494 : vector<1x128xf32>
    %neg3A_1499 = arith.constant 0.000000e+00 : f32
    %neg3A_1500 = vector.broadcast %neg3A_1499 : f32 to vector<1x128xf32>
    %neg3A_1501 = arith.subf %neg3A_1500, %abs3A_1498 : vector<1x128xf32>
    %exp3A_1502 = math.exp %neg3A_1501 : vector<1x128xf32>
    %log1p3A_1503 = math.log1p %exp3A_1502 : vector<1x128xf32>
    %add3A_1504 = arith.addf %max3A_1492, %log1p3A_1503 : vector<1x128xf32>
    %select_n3A_1505 = arith.select %ne3A_1495, %add3A_1497, %add3A_1504 : vector<1x128xi1>, vector<1x128xf32>
    %jit3A_1506 = arith.constant 0.000000e+00 : f32
    %broadcast_in_dim3A_1507 = vector.broadcast %jit3A_1506 : f32 to vector<1x128xf32>
    %select_n3A_1508 = arith.select %eq3A_1489, %select_n3A_1505, %broadcast_in_dim3A_1507 : vector<1x128xi1>, vector<1x128xf32>
    %select_n3A_1509 = arith.select %lt3A_1486, %reshape3A_1483, %select_n3A_1508 : vector<1x128xi1>, vector<1x128xf32>
    %swap3A_1510 = arith.constant 44 : index
    %swap3A_1511 = arith.constant 0 : index
    %swap3A_1512 = vector.load %arg2[%swap3A_1510, %swap3A_1511] : memref<128x128xf32, #tpu.memory_space<vmem>>, vector<1x128xf32>
    tpu.vector_store %arg2[%swap3A_1510, %swap3A_1511], %select_n3A_1509 {strides = array<i32>} : memref<128x128xf32, #tpu.memory_space<vmem>>, vector<1x128xf32>,
    %get3A_1513 = arith.constant 0 : index
    %get3A_1514 = arith.constant 1035 : index
    %get3A_1515 = vector.load %arg0[%get3A_1513, %get3A_1514] : memref<1x8384xf32, #tpu.memory_space<vmem>>, vector<1x128xf32>
    %get3A_1516 = vector.shape_cast %get3A_1515 : vector<1x128xf32> to vector<128xf32>
    %reshape3A_1517 = vector.shape_cast %get3A_1516 : vector<128xf32> to vector<1x128xf32>
    %lt3A_1518 = arith.constant 45 : i32
    %lt3A_1519 = vector.broadcast %lt3A_1518 : i32 to vector<1x128xi32>
    %lt3A_1520 = arith.cmpi slt, %iota3A, %lt3A_1519 : vector<1x128xi32>
    %eq3A_1521 = arith.constant 45 : i32
    %eq3A_1522 = vector.broadcast %eq3A_1521 : i32 to vector<1x128xi32>
    %eq3A_1523 = arith.cmpi eq, %iota3A, %eq3A_1522 : vector<1x128xi32>
    %custom_jvp_call3A_1524 = arith.constant 0.000000e+00 : f32
    %max3A_1525 = vector.broadcast %custom_jvp_call3A_1524 : f32 to vector<1x128xf32>
    %max3A_1526 = arith.maximumf %reshape3A_1517, %max3A_1525 : vector<1x128xf32>
    %sub3A_1527 = vector.broadcast %custom_jvp_call3A_1524 : f32 to vector<1x128xf32>
    %sub3A_1528 = arith.subf %reshape3A_1517, %sub3A_1527 : vector<1x128xf32>
    %ne3A_1529 = arith.cmpf one, %sub3A_1528, %sub3A_1528 : vector<1x128xf32>
    %add3A_1530 = vector.broadcast %custom_jvp_call3A_1524 : f32 to vector<1x128xf32>
    %add3A_1531 = arith.addf %reshape3A_1517, %add3A_1530 : vector<1x128xf32>
    %abs3A_1532 = math.absf %sub3A_1528 : vector<1x128xf32>
    %neg3A_1533 = arith.constant 0.000000e+00 : f32
    %neg3A_1534 = vector.broadcast %neg3A_1533 : f32 to vector<1x128xf32>
    %neg3A_1535 = arith.subf %neg3A_1534, %abs3A_1532 : vector<1x128xf32>
    %exp3A_1536 = math.exp %neg3A_1535 : vector<1x128xf32>
    %log1p3A_1537 = math.log1p %exp3A_1536 : vector<1x128xf32>
    %add3A_1538 = arith.addf %max3A_1526, %log1p3A_1537 : vector<1x128xf32>
    %select_n3A_1539 = arith.select %ne3A_1529, %add3A_1531, %add3A_1538 : vector<1x128xi1>, vector<1x128xf32>
    %jit3A_1540 = arith.constant 0.000000e+00 : f32
    %broadcast_in_dim3A_1541 = vector.broadcast %jit3A_1540 : f32 to vector<1x128xf32>
    %select_n3A_1542 = arith.select %eq3A_1523, %select_n3A_1539, %broadcast_in_dim3A_1541 : vector<1x128xi1>, vector<1x128xf32>
    %select_n3A_1543 = arith.select %lt3A_1520, %reshape3A_1517, %select_n3A_1542 : vector<1x128xi1>, vector<1x128xf32>
    %swap3A_1544 = arith.constant 45 : index
    %swap3A_1545 = arith.constant 0 : index
    %swap3A_1546 = vector.load %arg2[%swap3A_1544, %swap3A_1545] : memref<128x128xf32, #tpu.memory_space<vmem>>, vector<1x128xf32>
    tpu.vector_store %arg2[%swap3A_1544, %swap3A_1545], %select_n3A_1543 {strides = array<i32>} : memref<128x128xf32, #tpu.memory_space<vmem>>, vector<1x128xf32>,
    %get3A_1547 = arith.constant 0 : index
    %get3A_1548 = arith.constant 1081 : index
    %get3A_1549 = vector.load %arg0[%get3A_1547, %get3A_1548] : memref<1x8384xf32, #tpu.memory_space<vmem>>, vector<1x128xf32>
    %get3A_1550 = vector.shape_cast %get3A_1549 : vector<1x128xf32> to vector<128xf32>
    %reshape3A_1551 = vector.shape_cast %get3A_1550 : vector<128xf32> to vector<1x128xf32>
    %lt3A_1552 = arith.constant 46 : i32
    %lt3A_1553 = vector.broadcast %lt3A_1552 : i32 to vector<1x128xi32>
    %lt3A_1554 = arith.cmpi slt, %iota3A, %lt3A_1553 : vector<1x128xi32>
    %eq3A_1555 = arith.constant 46 : i32
    %eq3A_1556 = vector.broadcast %eq3A_1555 : i32 to vector<1x128xi32>
    %eq3A_1557 = arith.cmpi eq, %iota3A, %eq3A_1556 : vector<1x128xi32>
    %custom_jvp_call3A_1558 = arith.constant 0.000000e+00 : f32
    %max3A_1559 = vector.broadcast %custom_jvp_call3A_1558 : f32 to vector<1x128xf32>
    %max3A_1560 = arith.maximumf %reshape3A_1551, %max3A_1559 : vector<1x128xf32>
    %sub3A_1561 = vector.broadcast %custom_jvp_call3A_1558 : f32 to vector<1x128xf32>
    %sub3A_1562 = arith.subf %reshape3A_1551, %sub3A_1561 : vector<1x128xf32>
    %ne3A_1563 = arith.cmpf one, %sub3A_1562, %sub3A_1562 : vector<1x128xf32>
    %add3A_1564 = vector.broadcast %custom_jvp_call3A_1558 : f32 to vector<1x128xf32>
    %add3A_1565 = arith.addf %reshape3A_1551, %add3A_1564 : vector<1x128xf32>
    %abs3A_1566 = math.absf %sub3A_1562 : vector<1x128xf32>
    %neg3A_1567 = arith.constant 0.000000e+00 : f32
    %neg3A_1568 = vector.broadcast %neg3A_1567 : f32 to vector<1x128xf32>
    %neg3A_1569 = arith.subf %neg3A_1568, %abs3A_1566 : vector<1x128xf32>
    %exp3A_1570 = math.exp %neg3A_1569 : vector<1x128xf32>
    %log1p3A_1571 = math.log1p %exp3A_1570 : vector<1x128xf32>
    %add3A_1572 = arith.addf %max3A_1560, %log1p3A_1571 : vector<1x128xf32>
    %select_n3A_1573 = arith.select %ne3A_1563, %add3A_1565, %add3A_1572 : vector<1x128xi1>, vector<1x128xf32>
    %jit3A_1574 = arith.constant 0.000000e+00 : f32
    %broadcast_in_dim3A_1575 = vector.broadcast %jit3A_1574 : f32 to vector<1x128xf32>
    %select_n3A_1576 = arith.select %eq3A_1557, %select_n3A_1573, %broadcast_in_dim3A_1575 : vector<1x128xi1>, vector<1x128xf32>
    %select_n3A_1577 = arith.select %lt3A_1554, %reshape3A_1551, %select_n3A_1576 : vector<1x128xi1>, vector<1x128xf32>
    %swap3A_1578 = arith.constant 46 : index
    %swap3A_1579 = arith.constant 0 : index
    %swap3A_1580 = vector.load %arg2[%swap3A_1578, %swap3A_1579] : memref<128x128xf32, #tpu.memory_space<vmem>>, vector<1x128xf32>
    tpu.vector_store %arg2[%swap3A_1578, %swap3A_1579], %select_n3A_1577 {strides = array<i32>} : memref<128x128xf32, #tpu.memory_space<vmem>>, vector<1x128xf32>,
    %get3A_1581 = arith.constant 0 : index
    %get3A_1582 = arith.constant 1128 : index
    %get3A_1583 = vector.load %arg0[%get3A_1581, %get3A_1582] : memref<1x8384xf32, #tpu.memory_space<vmem>>, vector<1x128xf32>
    %get3A_1584 = vector.shape_cast %get3A_1583 : vector<1x128xf32> to vector<128xf32>
    %reshape3A_1585 = vector.shape_cast %get3A_1584 : vector<128xf32> to vector<1x128xf32>
    %lt3A_1586 = arith.constant 47 : i32
    %lt3A_1587 = vector.broadcast %lt3A_1586 : i32 to vector<1x128xi32>
    %lt3A_1588 = arith.cmpi slt, %iota3A, %lt3A_1587 : vector<1x128xi32>
    %eq3A_1589 = arith.constant 47 : i32
    %eq3A_1590 = vector.broadcast %eq3A_1589 : i32 to vector<1x128xi32>
    %eq3A_1591 = arith.cmpi eq, %iota3A, %eq3A_1590 : vector<1x128xi32>
    %custom_jvp_call3A_1592 = arith.constant 0.000000e+00 : f32
    %max3A_1593 = vector.broadcast %custom_jvp_call3A_1592 : f32 to vector<1x128xf32>
    %max3A_1594 = arith.maximumf %reshape3A_1585, %max3A_1593 : vector<1x128xf32>
    %sub3A_1595 = vector.broadcast %custom_jvp_call3A_1592 : f32 to vector<1x128xf32>
    %sub3A_1596 = arith.subf %reshape3A_1585, %sub3A_1595 : vector<1x128xf32>
    %ne3A_1597 = arith.cmpf one, %sub3A_1596, %sub3A_1596 : vector<1x128xf32>
    %add3A_1598 = vector.broadcast %custom_jvp_call3A_1592 : f32 to vector<1x128xf32>
    %add3A_1599 = arith.addf %reshape3A_1585, %add3A_1598 : vector<1x128xf32>
    %abs3A_1600 = math.absf %sub3A_1596 : vector<1x128xf32>
    %neg3A_1601 = arith.constant 0.000000e+00 : f32
    %neg3A_1602 = vector.broadcast %neg3A_1601 : f32 to vector<1x128xf32>
    %neg3A_1603 = arith.subf %neg3A_1602, %abs3A_1600 : vector<1x128xf32>
    %exp3A_1604 = math.exp %neg3A_1603 : vector<1x128xf32>
    %log1p3A_1605 = math.log1p %exp3A_1604 : vector<1x128xf32>
    %add3A_1606 = arith.addf %max3A_1594, %log1p3A_1605 : vector<1x128xf32>
    %select_n3A_1607 = arith.select %ne3A_1597, %add3A_1599, %add3A_1606 : vector<1x128xi1>, vector<1x128xf32>
    %jit3A_1608 = arith.constant 0.000000e+00 : f32
    %broadcast_in_dim3A_1609 = vector.broadcast %jit3A_1608 : f32 to vector<1x128xf32>
    %select_n3A_1610 = arith.select %eq3A_1591, %select_n3A_1607, %broadcast_in_dim3A_1609 : vector<1x128xi1>, vector<1x128xf32>
    %select_n3A_1611 = arith.select %lt3A_1588, %reshape3A_1585, %select_n3A_1610 : vector<1x128xi1>, vector<1x128xf32>
    %swap3A_1612 = arith.constant 47 : index
    %swap3A_1613 = arith.constant 0 : index
    %swap3A_1614 = vector.load %arg2[%swap3A_1612, %swap3A_1613] : memref<128x128xf32, #tpu.memory_space<vmem>>, vector<1x128xf32>
    tpu.vector_store %arg2[%swap3A_1612, %swap3A_1613], %select_n3A_1611 {strides = array<i32>} : memref<128x128xf32, #tpu.memory_space<vmem>>, vector<1x128xf32>,
    %get3A_1615 = arith.constant 0 : index
    %get3A_1616 = arith.constant 1176 : index
    %get3A_1617 = vector.load %arg0[%get3A_1615, %get3A_1616] : memref<1x8384xf32, #tpu.memory_space<vmem>>, vector<1x128xf32>
    %get3A_1618 = vector.shape_cast %get3A_1617 : vector<1x128xf32> to vector<128xf32>
    %reshape3A_1619 = vector.shape_cast %get3A_1618 : vector<128xf32> to vector<1x128xf32>
    %lt3A_1620 = arith.constant 48 : i32
    %lt3A_1621 = vector.broadcast %lt3A_1620 : i32 to vector<1x128xi32>
    %lt3A_1622 = arith.cmpi slt, %iota3A, %lt3A_1621 : vector<1x128xi32>
    %eq3A_1623 = arith.constant 48 : i32
    %eq3A_1624 = vector.broadcast %eq3A_1623 : i32 to vector<1x128xi32>
    %eq3A_1625 = arith.cmpi eq, %iota3A, %eq3A_1624 : vector<1x128xi32>
    %custom_jvp_call3A_1626 = arith.constant 0.000000e+00 : f32
    %max3A_1627 = vector.broadcast %custom_jvp_call3A_1626 : f32 to vector<1x128xf32>
    %max3A_1628 = arith.maximumf %reshape3A_1619, %max3A_1627 : vector<1x128xf32>
    %sub3A_1629 = vector.broadcast %custom_jvp_call3A_1626 : f32 to vector<1x128xf32>
    %sub3A_1630 = arith.subf %reshape3A_1619, %sub3A_1629 : vector<1x128xf32>
    %ne3A_1631 = arith.cmpf one, %sub3A_1630, %sub3A_1630 : vector<1x128xf32>
    %add3A_1632 = vector.broadcast %custom_jvp_call3A_1626 : f32 to vector<1x128xf32>
    %add3A_1633 = arith.addf %reshape3A_1619, %add3A_1632 : vector<1x128xf32>
    %abs3A_1634 = math.absf %sub3A_1630 : vector<1x128xf32>
    %neg3A_1635 = arith.constant 0.000000e+00 : f32
    %neg3A_1636 = vector.broadcast %neg3A_1635 : f32 to vector<1x128xf32>
    %neg3A_1637 = arith.subf %neg3A_1636, %abs3A_1634 : vector<1x128xf32>
    %exp3A_1638 = math.exp %neg3A_1637 : vector<1x128xf32>
    %log1p3A_1639 = math.log1p %exp3A_1638 : vector<1x128xf32>
    %add3A_1640 = arith.addf %max3A_1628, %log1p3A_1639 : vector<1x128xf32>
    %select_n3A_1641 = arith.select %ne3A_1631, %add3A_1633, %add3A_1640 : vector<1x128xi1>, vector<1x128xf32>
    %jit3A_1642 = arith.constant 0.000000e+00 : f32
    %broadcast_in_dim3A_1643 = vector.broadcast %jit3A_1642 : f32 to vector<1x128xf32>
    %select_n3A_1644 = arith.select %eq3A_1625, %select_n3A_1641, %broadcast_in_dim3A_1643 : vector<1x128xi1>, vector<1x128xf32>
    %select_n3A_1645 = arith.select %lt3A_1622, %reshape3A_1619, %select_n3A_1644 : vector<1x128xi1>, vector<1x128xf32>
    %swap3A_1646 = arith.constant 48 : index
    %swap3A_1647 = arith.constant 0 : index
    %swap3A_1648 = vector.load %arg2[%swap3A_1646, %swap3A_1647] : memref<128x128xf32, #tpu.memory_space<vmem>>, vector<1x128xf32>
    tpu.vector_store %arg2[%swap3A_1646, %swap3A_1647], %select_n3A_1645 {strides = array<i32>} : memref<128x128xf32, #tpu.memory_space<vmem>>, vector<1x128xf32>,
    %get3A_1649 = arith.constant 0 : index
    %get3A_1650 = arith.constant 1225 : index
    %get3A_1651 = vector.load %arg0[%get3A_1649, %get3A_1650] : memref<1x8384xf32, #tpu.memory_space<vmem>>, vector<1x128xf32>
    %get3A_1652 = vector.shape_cast %get3A_1651 : vector<1x128xf32> to vector<128xf32>
    %reshape3A_1653 = vector.shape_cast %get3A_1652 : vector<128xf32> to vector<1x128xf32>
    %lt3A_1654 = arith.constant 49 : i32
    %lt3A_1655 = vector.broadcast %lt3A_1654 : i32 to vector<1x128xi32>
    %lt3A_1656 = arith.cmpi slt, %iota3A, %lt3A_1655 : vector<1x128xi32>
    %eq3A_1657 = arith.constant 49 : i32
    %eq3A_1658 = vector.broadcast %eq3A_1657 : i32 to vector<1x128xi32>
    %eq3A_1659 = arith.cmpi eq, %iota3A, %eq3A_1658 : vector<1x128xi32>
    %custom_jvp_call3A_1660 = arith.constant 0.000000e+00 : f32
    %max3A_1661 = vector.broadcast %custom_jvp_call3A_1660 : f32 to vector<1x128xf32>
    %max3A_1662 = arith.maximumf %reshape3A_1653, %max3A_1661 : vector<1x128xf32>
    %sub3A_1663 = vector.broadcast %custom_jvp_call3A_1660 : f32 to vector<1x128xf32>
    %sub3A_1664 = arith.subf %reshape3A_1653, %sub3A_1663 : vector<1x128xf32>
    %ne3A_1665 = arith.cmpf one, %sub3A_1664, %sub3A_1664 : vector<1x128xf32>
    %add3A_1666 = vector.broadcast %custom_jvp_call3A_1660 : f32 to vector<1x128xf32>
    %add3A_1667 = arith.addf %reshape3A_1653, %add3A_1666 : vector<1x128xf32>
    %abs3A_1668 = math.absf %sub3A_1664 : vector<1x128xf32>
    %neg3A_1669 = arith.constant 0.000000e+00 : f32
    %neg3A_1670 = vector.broadcast %neg3A_1669 : f32 to vector<1x128xf32>
    %neg3A_1671 = arith.subf %neg3A_1670, %abs3A_1668 : vector<1x128xf32>
    %exp3A_1672 = math.exp %neg3A_1671 : vector<1x128xf32>
    %log1p3A_1673 = math.log1p %exp3A_1672 : vector<1x128xf32>
    %add3A_1674 = arith.addf %max3A_1662, %log1p3A_1673 : vector<1x128xf32>
    %select_n3A_1675 = arith.select %ne3A_1665, %add3A_1667, %add3A_1674 : vector<1x128xi1>, vector<1x128xf32>
    %jit3A_1676 = arith.constant 0.000000e+00 : f32
    %broadcast_in_dim3A_1677 = vector.broadcast %jit3A_1676 : f32 to vector<1x128xf32>
    %select_n3A_1678 = arith.select %eq3A_1659, %select_n3A_1675, %broadcast_in_dim3A_1677 : vector<1x128xi1>, vector<1x128xf32>
    %select_n3A_1679 = arith.select %lt3A_1656, %reshape3A_1653, %select_n3A_1678 : vector<1x128xi1>, vector<1x128xf32>
    %swap3A_1680 = arith.constant 49 : index
    %swap3A_1681 = arith.constant 0 : index
    %swap3A_1682 = vector.load %arg2[%swap3A_1680, %swap3A_1681] : memref<128x128xf32, #tpu.memory_space<vmem>>, vector<1x128xf32>
    tpu.vector_store %arg2[%swap3A_1680, %swap3A_1681], %select_n3A_1679 {strides = array<i32>} : memref<128x128xf32, #tpu.memory_space<vmem>>, vector<1x128xf32>,
    %get3A_1683 = arith.constant 0 : index
    %get3A_1684 = arith.constant 1275 : index
    %get3A_1685 = vector.load %arg0[%get3A_1683, %get3A_1684] : memref<1x8384xf32, #tpu.memory_space<vmem>>, vector<1x128xf32>
    %get3A_1686 = vector.shape_cast %get3A_1685 : vector<1x128xf32> to vector<128xf32>
    %reshape3A_1687 = vector.shape_cast %get3A_1686 : vector<128xf32> to vector<1x128xf32>
    %lt3A_1688 = arith.constant 50 : i32
    %lt3A_1689 = vector.broadcast %lt3A_1688 : i32 to vector<1x128xi32>
    %lt3A_1690 = arith.cmpi slt, %iota3A, %lt3A_1689 : vector<1x128xi32>
    %eq3A_1691 = arith.constant 50 : i32
    %eq3A_1692 = vector.broadcast %eq3A_1691 : i32 to vector<1x128xi32>
    %eq3A_1693 = arith.cmpi eq, %iota3A, %eq3A_1692 : vector<1x128xi32>
    %custom_jvp_call3A_1694 = arith.constant 0.000000e+00 : f32
    %max3A_1695 = vector.broadcast %custom_jvp_call3A_1694 : f32 to vector<1x128xf32>
    %max3A_1696 = arith.maximumf %reshape3A_1687, %max3A_1695 : vector<1x128xf32>
    %sub3A_1697 = vector.broadcast %custom_jvp_call3A_1694 : f32 to vector<1x128xf32>
    %sub3A_1698 = arith.subf %reshape3A_1687, %sub3A_1697 : vector<1x128xf32>
    %ne3A_1699 = arith.cmpf one, %sub3A_1698, %sub3A_1698 : vector<1x128xf32>
    %add3A_1700 = vector.broadcast %custom_jvp_call3A_1694 : f32 to vector<1x128xf32>
    %add3A_1701 = arith.addf %reshape3A_1687, %add3A_1700 : vector<1x128xf32>
    %abs3A_1702 = math.absf %sub3A_1698 : vector<1x128xf32>
    %neg3A_1703 = arith.constant 0.000000e+00 : f32
    %neg3A_1704 = vector.broadcast %neg3A_1703 : f32 to vector<1x128xf32>
    %neg3A_1705 = arith.subf %neg3A_1704, %abs3A_1702 : vector<1x128xf32>
    %exp3A_1706 = math.exp %neg3A_1705 : vector<1x128xf32>
    %log1p3A_1707 = math.log1p %exp3A_1706 : vector<1x128xf32>
    %add3A_1708 = arith.addf %max3A_1696, %log1p3A_1707 : vector<1x128xf32>
    %select_n3A_1709 = arith.select %ne3A_1699, %add3A_1701, %add3A_1708 : vector<1x128xi1>, vector<1x128xf32>
    %jit3A_1710 = arith.constant 0.000000e+00 : f32
    %broadcast_in_dim3A_1711 = vector.broadcast %jit3A_1710 : f32 to vector<1x128xf32>
    %select_n3A_1712 = arith.select %eq3A_1693, %select_n3A_1709, %broadcast_in_dim3A_1711 : vector<1x128xi1>, vector<1x128xf32>
    %select_n3A_1713 = arith.select %lt3A_1690, %reshape3A_1687, %select_n3A_1712 : vector<1x128xi1>, vector<1x128xf32>
    %swap3A_1714 = arith.constant 50 : index
    %swap3A_1715 = arith.constant 0 : index
    %swap3A_1716 = vector.load %arg2[%swap3A_1714, %swap3A_1715] : memref<128x128xf32, #tpu.memory_space<vmem>>, vector<1x128xf32>
    tpu.vector_store %arg2[%swap3A_1714, %swap3A_1715], %select_n3A_1713 {strides = array<i32>} : memref<128x128xf32, #tpu.memory_space<vmem>>, vector<1x128xf32>,
    %get3A_1717 = arith.constant 0 : index
    %get3A_1718 = arith.constant 1326 : index
    %get3A_1719 = vector.load %arg0[%get3A_1717, %get3A_1718] : memref<1x8384xf32, #tpu.memory_space<vmem>>, vector<1x128xf32>
    %get3A_1720 = vector.shape_cast %get3A_1719 : vector<1x128xf32> to vector<128xf32>
    %reshape3A_1721 = vector.shape_cast %get3A_1720 : vector<128xf32> to vector<1x128xf32>
    %lt3A_1722 = arith.constant 51 : i32
    %lt3A_1723 = vector.broadcast %lt3A_1722 : i32 to vector<1x128xi32>
    %lt3A_1724 = arith.cmpi slt, %iota3A, %lt3A_1723 : vector<1x128xi32>
    %eq3A_1725 = arith.constant 51 : i32
    %eq3A_1726 = vector.broadcast %eq3A_1725 : i32 to vector<1x128xi32>
    %eq3A_1727 = arith.cmpi eq, %iota3A, %eq3A_1726 : vector<1x128xi32>
    %custom_jvp_call3A_1728 = arith.constant 0.000000e+00 : f32
    %max3A_1729 = vector.broadcast %custom_jvp_call3A_1728 : f32 to vector<1x128xf32>
    %max3A_1730 = arith.maximumf %reshape3A_1721, %max3A_1729 : vector<1x128xf32>
    %sub3A_1731 = vector.broadcast %custom_jvp_call3A_1728 : f32 to vector<1x128xf32>
    %sub3A_1732 = arith.subf %reshape3A_1721, %sub3A_1731 : vector<1x128xf32>
    %ne3A_1733 = arith.cmpf one, %sub3A_1732, %sub3A_1732 : vector<1x128xf32>
    %add3A_1734 = vector.broadcast %custom_jvp_call3A_1728 : f32 to vector<1x128xf32>
    %add3A_1735 = arith.addf %reshape3A_1721, %add3A_1734 : vector<1x128xf32>
    %abs3A_1736 = math.absf %sub3A_1732 : vector<1x128xf32>
    %neg3A_1737 = arith.constant 0.000000e+00 : f32
    %neg3A_1738 = vector.broadcast %neg3A_1737 : f32 to vector<1x128xf32>
    %neg3A_1739 = arith.subf %neg3A_1738, %abs3A_1736 : vector<1x128xf32>
    %exp3A_1740 = math.exp %neg3A_1739 : vector<1x128xf32>
    %log1p3A_1741 = math.log1p %exp3A_1740 : vector<1x128xf32>
    %add3A_1742 = arith.addf %max3A_1730, %log1p3A_1741 : vector<1x128xf32>
    %select_n3A_1743 = arith.select %ne3A_1733, %add3A_1735, %add3A_1742 : vector<1x128xi1>, vector<1x128xf32>
    %jit3A_1744 = arith.constant 0.000000e+00 : f32
    %broadcast_in_dim3A_1745 = vector.broadcast %jit3A_1744 : f32 to vector<1x128xf32>
    %select_n3A_1746 = arith.select %eq3A_1727, %select_n3A_1743, %broadcast_in_dim3A_1745 : vector<1x128xi1>, vector<1x128xf32>
    %select_n3A_1747 = arith.select %lt3A_1724, %reshape3A_1721, %select_n3A_1746 : vector<1x128xi1>, vector<1x128xf32>
    %swap3A_1748 = arith.constant 51 : index
    %swap3A_1749 = arith.constant 0 : index
    %swap3A_1750 = vector.load %arg2[%swap3A_1748, %swap3A_1749] : memref<128x128xf32, #tpu.memory_space<vmem>>, vector<1x128xf32>
    tpu.vector_store %arg2[%swap3A_1748, %swap3A_1749], %select_n3A_1747 {strides = array<i32>} : memref<128x128xf32, #tpu.memory_space<vmem>>, vector<1x128xf32>,
    %get3A_1751 = arith.constant 0 : index
    %get3A_1752 = arith.constant 1378 : index
    %get3A_1753 = vector.load %arg0[%get3A_1751, %get3A_1752] : memref<1x8384xf32, #tpu.memory_space<vmem>>, vector<1x128xf32>
    %get3A_1754 = vector.shape_cast %get3A_1753 : vector<1x128xf32> to vector<128xf32>
    %reshape3A_1755 = vector.shape_cast %get3A_1754 : vector<128xf32> to vector<1x128xf32>
    %lt3A_1756 = arith.constant 52 : i32
    %lt3A_1757 = vector.broadcast %lt3A_1756 : i32 to vector<1x128xi32>
    %lt3A_1758 = arith.cmpi slt, %iota3A, %lt3A_1757 : vector<1x128xi32>
    %eq3A_1759 = arith.constant 52 : i32
    %eq3A_1760 = vector.broadcast %eq3A_1759 : i32 to vector<1x128xi32>
    %eq3A_1761 = arith.cmpi eq, %iota3A, %eq3A_1760 : vector<1x128xi32>
    %custom_jvp_call3A_1762 = arith.constant 0.000000e+00 : f32
    %max3A_1763 = vector.broadcast %custom_jvp_call3A_1762 : f32 to vector<1x128xf32>
    %max3A_1764 = arith.maximumf %reshape3A_1755, %max3A_1763 : vector<1x128xf32>
    %sub3A_1765 = vector.broadcast %custom_jvp_call3A_1762 : f32 to vector<1x128xf32>
    %sub3A_1766 = arith.subf %reshape3A_1755, %sub3A_1765 : vector<1x128xf32>
    %ne3A_1767 = arith.cmpf one, %sub3A_1766, %sub3A_1766 : vector<1x128xf32>
    %add3A_1768 = vector.broadcast %custom_jvp_call3A_1762 : f32 to vector<1x128xf32>
    %add3A_1769 = arith.addf %reshape3A_1755, %add3A_1768 : vector<1x128xf32>
    %abs3A_1770 = math.absf %sub3A_1766 : vector<1x128xf32>
    %neg3A_1771 = arith.constant 0.000000e+00 : f32
    %neg3A_1772 = vector.broadcast %neg3A_1771 : f32 to vector<1x128xf32>
    %neg3A_1773 = arith.subf %neg3A_1772, %abs3A_1770 : vector<1x128xf32>
    %exp3A_1774 = math.exp %neg3A_1773 : vector<1x128xf32>
    %log1p3A_1775 = math.log1p %exp3A_1774 : vector<1x128xf32>
    %add3A_1776 = arith.addf %max3A_1764, %log1p3A_1775 : vector<1x128xf32>
    %select_n3A_1777 = arith.select %ne3A_1767, %add3A_1769, %add3A_1776 : vector<1x128xi1>, vector<1x128xf32>
    %jit3A_1778 = arith.constant 0.000000e+00 : f32
    %broadcast_in_dim3A_1779 = vector.broadcast %jit3A_1778 : f32 to vector<1x128xf32>
    %select_n3A_1780 = arith.select %eq3A_1761, %select_n3A_1777, %broadcast_in_dim3A_1779 : vector<1x128xi1>, vector<1x128xf32>
    %select_n3A_1781 = arith.select %lt3A_1758, %reshape3A_1755, %select_n3A_1780 : vector<1x128xi1>, vector<1x128xf32>
    %swap3A_1782 = arith.constant 52 : index
    %swap3A_1783 = arith.constant 0 : index
    %swap3A_1784 = vector.load %arg2[%swap3A_1782, %swap3A_1783] : memref<128x128xf32, #tpu.memory_space<vmem>>, vector<1x128xf32>
    tpu.vector_store %arg2[%swap3A_1782, %swap3A_1783], %select_n3A_1781 {strides = array<i32>} : memref<128x128xf32, #tpu.memory_space<vmem>>, vector<1x128xf32>,
    %get3A_1785 = arith.constant 0 : index
    %get3A_1786 = arith.constant 1431 : index
    %get3A_1787 = vector.load %arg0[%get3A_1785, %get3A_1786] : memref<1x8384xf32, #tpu.memory_space<vmem>>, vector<1x128xf32>
    %get3A_1788 = vector.shape_cast %get3A_1787 : vector<1x128xf32> to vector<128xf32>
    %reshape3A_1789 = vector.shape_cast %get3A_1788 : vector<128xf32> to vector<1x128xf32>
    %lt3A_1790 = arith.constant 53 : i32
    %lt3A_1791 = vector.broadcast %lt3A_1790 : i32 to vector<1x128xi32>
    %lt3A_1792 = arith.cmpi slt, %iota3A, %lt3A_1791 : vector<1x128xi32>
    %eq3A_1793 = arith.constant 53 : i32
    %eq3A_1794 = vector.broadcast %eq3A_1793 : i32 to vector<1x128xi32>
    %eq3A_1795 = arith.cmpi eq, %iota3A, %eq3A_1794 : vector<1x128xi32>
    %custom_jvp_call3A_1796 = arith.constant 0.000000e+00 : f32
    %max3A_1797 = vector.broadcast %custom_jvp_call3A_1796 : f32 to vector<1x128xf32>
    %max3A_1798 = arith.maximumf %reshape3A_1789, %max3A_1797 : vector<1x128xf32>
    %sub3A_1799 = vector.broadcast %custom_jvp_call3A_1796 : f32 to vector<1x128xf32>
    %sub3A_1800 = arith.subf %reshape3A_1789, %sub3A_1799 : vector<1x128xf32>
    %ne3A_1801 = arith.cmpf one, %sub3A_1800, %sub3A_1800 : vector<1x128xf32>
    %add3A_1802 = vector.broadcast %custom_jvp_call3A_1796 : f32 to vector<1x128xf32>
    %add3A_1803 = arith.addf %reshape3A_1789, %add3A_1802 : vector<1x128xf32>
    %abs3A_1804 = math.absf %sub3A_1800 : vector<1x128xf32>
    %neg3A_1805 = arith.constant 0.000000e+00 : f32
    %neg3A_1806 = vector.broadcast %neg3A_1805 : f32 to vector<1x128xf32>
    %neg3A_1807 = arith.subf %neg3A_1806, %abs3A_1804 : vector<1x128xf32>
    %exp3A_1808 = math.exp %neg3A_1807 : vector<1x128xf32>
    %log1p3A_1809 = math.log1p %exp3A_1808 : vector<1x128xf32>
    %add3A_1810 = arith.addf %max3A_1798, %log1p3A_1809 : vector<1x128xf32>
    %select_n3A_1811 = arith.select %ne3A_1801, %add3A_1803, %add3A_1810 : vector<1x128xi1>, vector<1x128xf32>
    %jit3A_1812 = arith.constant 0.000000e+00 : f32
    %broadcast_in_dim3A_1813 = vector.broadcast %jit3A_1812 : f32 to vector<1x128xf32>
    %select_n3A_1814 = arith.select %eq3A_1795, %select_n3A_1811, %broadcast_in_dim3A_1813 : vector<1x128xi1>, vector<1x128xf32>
    %select_n3A_1815 = arith.select %lt3A_1792, %reshape3A_1789, %select_n3A_1814 : vector<1x128xi1>, vector<1x128xf32>
    %swap3A_1816 = arith.constant 53 : index
    %swap3A_1817 = arith.constant 0 : index
    %swap3A_1818 = vector.load %arg2[%swap3A_1816, %swap3A_1817] : memref<128x128xf32, #tpu.memory_space<vmem>>, vector<1x128xf32>
    tpu.vector_store %arg2[%swap3A_1816, %swap3A_1817], %select_n3A_1815 {strides = array<i32>} : memref<128x128xf32, #tpu.memory_space<vmem>>, vector<1x128xf32>,
    %get3A_1819 = arith.constant 0 : index
    %get3A_1820 = arith.constant 1485 : index
    %get3A_1821 = vector.load %arg0[%get3A_1819, %get3A_1820] : memref<1x8384xf32, #tpu.memory_space<vmem>>, vector<1x128xf32>
    %get3A_1822 = vector.shape_cast %get3A_1821 : vector<1x128xf32> to vector<128xf32>
    %reshape3A_1823 = vector.shape_cast %get3A_1822 : vector<128xf32> to vector<1x128xf32>
    %lt3A_1824 = arith.constant 54 : i32
    %lt3A_1825 = vector.broadcast %lt3A_1824 : i32 to vector<1x128xi32>
    %lt3A_1826 = arith.cmpi slt, %iota3A, %lt3A_1825 : vector<1x128xi32>
    %eq3A_1827 = arith.constant 54 : i32
    %eq3A_1828 = vector.broadcast %eq3A_1827 : i32 to vector<1x128xi32>
    %eq3A_1829 = arith.cmpi eq, %iota3A, %eq3A_1828 : vector<1x128xi32>
    %custom_jvp_call3A_1830 = arith.constant 0.000000e+00 : f32
    %max3A_1831 = vector.broadcast %custom_jvp_call3A_1830 : f32 to vector<1x128xf32>
    %max3A_1832 = arith.maximumf %reshape3A_1823, %max3A_1831 : vector<1x128xf32>
    %sub3A_1833 = vector.broadcast %custom_jvp_call3A_1830 : f32 to vector<1x128xf32>
    %sub3A_1834 = arith.subf %reshape3A_1823, %sub3A_1833 : vector<1x128xf32>
    %ne3A_1835 = arith.cmpf one, %sub3A_1834, %sub3A_1834 : vector<1x128xf32>
    %add3A_1836 = vector.broadcast %custom_jvp_call3A_1830 : f32 to vector<1x128xf32>
    %add3A_1837 = arith.addf %reshape3A_1823, %add3A_1836 : vector<1x128xf32>
    %abs3A_1838 = math.absf %sub3A_1834 : vector<1x128xf32>
    %neg3A_1839 = arith.constant 0.000000e+00 : f32
    %neg3A_1840 = vector.broadcast %neg3A_1839 : f32 to vector<1x128xf32>
    %neg3A_1841 = arith.subf %neg3A_1840, %abs3A_1838 : vector<1x128xf32>
    %exp3A_1842 = math.exp %neg3A_1841 : vector<1x128xf32>
    %log1p3A_1843 = math.log1p %exp3A_1842 : vector<1x128xf32>
    %add3A_1844 = arith.addf %max3A_1832, %log1p3A_1843 : vector<1x128xf32>
    %select_n3A_1845 = arith.select %ne3A_1835, %add3A_1837, %add3A_1844 : vector<1x128xi1>, vector<1x128xf32>
    %jit3A_1846 = arith.constant 0.000000e+00 : f32
    %broadcast_in_dim3A_1847 = vector.broadcast %jit3A_1846 : f32 to vector<1x128xf32>
    %select_n3A_1848 = arith.select %eq3A_1829, %select_n3A_1845, %broadcast_in_dim3A_1847 : vector<1x128xi1>, vector<1x128xf32>
    %select_n3A_1849 = arith.select %lt3A_1826, %reshape3A_1823, %select_n3A_1848 : vector<1x128xi1>, vector<1x128xf32>
    %swap3A_1850 = arith.constant 54 : index
    %swap3A_1851 = arith.constant 0 : index
    %swap3A_1852 = vector.load %arg2[%swap3A_1850, %swap3A_1851] : memref<128x128xf32, #tpu.memory_space<vmem>>, vector<1x128xf32>
    tpu.vector_store %arg2[%swap3A_1850, %swap3A_1851], %select_n3A_1849 {strides = array<i32>} : memref<128x128xf32, #tpu.memory_space<vmem>>, vector<1x128xf32>,
    %get3A_1853 = arith.constant 0 : index
    %get3A_1854 = arith.constant 1540 : index
    %get3A_1855 = vector.load %arg0[%get3A_1853, %get3A_1854] : memref<1x8384xf32, #tpu.memory_space<vmem>>, vector<1x128xf32>
    %get3A_1856 = vector.shape_cast %get3A_1855 : vector<1x128xf32> to vector<128xf32>
    %reshape3A_1857 = vector.shape_cast %get3A_1856 : vector<128xf32> to vector<1x128xf32>
    %lt3A_1858 = arith.constant 55 : i32
    %lt3A_1859 = vector.broadcast %lt3A_1858 : i32 to vector<1x128xi32>
    %lt3A_1860 = arith.cmpi slt, %iota3A, %lt3A_1859 : vector<1x128xi32>
    %eq3A_1861 = arith.constant 55 : i32
    %eq3A_1862 = vector.broadcast %eq3A_1861 : i32 to vector<1x128xi32>
    %eq3A_1863 = arith.cmpi eq, %iota3A, %eq3A_1862 : vector<1x128xi32>
    %custom_jvp_call3A_1864 = arith.constant 0.000000e+00 : f32
    %max3A_1865 = vector.broadcast %custom_jvp_call3A_1864 : f32 to vector<1x128xf32>
    %max3A_1866 = arith.maximumf %reshape3A_1857, %max3A_1865 : vector<1x128xf32>
    %sub3A_1867 = vector.broadcast %custom_jvp_call3A_1864 : f32 to vector<1x128xf32>
    %sub3A_1868 = arith.subf %reshape3A_1857, %sub3A_1867 : vector<1x128xf32>
    %ne3A_1869 = arith.cmpf one, %sub3A_1868, %sub3A_1868 : vector<1x128xf32>
    %add3A_1870 = vector.broadcast %custom_jvp_call3A_1864 : f32 to vector<1x128xf32>
    %add3A_1871 = arith.addf %reshape3A_1857, %add3A_1870 : vector<1x128xf32>
    %abs3A_1872 = math.absf %sub3A_1868 : vector<1x128xf32>
    %neg3A_1873 = arith.constant 0.000000e+00 : f32
    %neg3A_1874 = vector.broadcast %neg3A_1873 : f32 to vector<1x128xf32>
    %neg3A_1875 = arith.subf %neg3A_1874, %abs3A_1872 : vector<1x128xf32>
    %exp3A_1876 = math.exp %neg3A_1875 : vector<1x128xf32>
    %log1p3A_1877 = math.log1p %exp3A_1876 : vector<1x128xf32>
    %add3A_1878 = arith.addf %max3A_1866, %log1p3A_1877 : vector<1x128xf32>
    %select_n3A_1879 = arith.select %ne3A_1869, %add3A_1871, %add3A_1878 : vector<1x128xi1>, vector<1x128xf32>
    %jit3A_1880 = arith.constant 0.000000e+00 : f32
    %broadcast_in_dim3A_1881 = vector.broadcast %jit3A_1880 : f32 to vector<1x128xf32>
    %select_n3A_1882 = arith.select %eq3A_1863, %select_n3A_1879, %broadcast_in_dim3A_1881 : vector<1x128xi1>, vector<1x128xf32>
    %select_n3A_1883 = arith.select %lt3A_1860, %reshape3A_1857, %select_n3A_1882 : vector<1x128xi1>, vector<1x128xf32>
    %swap3A_1884 = arith.constant 55 : index
    %swap3A_1885 = arith.constant 0 : index
    %swap3A_1886 = vector.load %arg2[%swap3A_1884, %swap3A_1885] : memref<128x128xf32, #tpu.memory_space<vmem>>, vector<1x128xf32>
    tpu.vector_store %arg2[%swap3A_1884, %swap3A_1885], %select_n3A_1883 {strides = array<i32>} : memref<128x128xf32, #tpu.memory_space<vmem>>, vector<1x128xf32>,
    %get3A_1887 = arith.constant 0 : index
    %get3A_1888 = arith.constant 1596 : index
    %get3A_1889 = vector.load %arg0[%get3A_1887, %get3A_1888] : memref<1x8384xf32, #tpu.memory_space<vmem>>, vector<1x128xf32>
    %get3A_1890 = vector.shape_cast %get3A_1889 : vector<1x128xf32> to vector<128xf32>
    %reshape3A_1891 = vector.shape_cast %get3A_1890 : vector<128xf32> to vector<1x128xf32>
    %lt3A_1892 = arith.constant 56 : i32
    %lt3A_1893 = vector.broadcast %lt3A_1892 : i32 to vector<1x128xi32>
    %lt3A_1894 = arith.cmpi slt, %iota3A, %lt3A_1893 : vector<1x128xi32>
    %eq3A_1895 = arith.constant 56 : i32
    %eq3A_1896 = vector.broadcast %eq3A_1895 : i32 to vector<1x128xi32>
    %eq3A_1897 = arith.cmpi eq, %iota3A, %eq3A_1896 : vector<1x128xi32>
    %custom_jvp_call3A_1898 = arith.constant 0.000000e+00 : f32
    %max3A_1899 = vector.broadcast %custom_jvp_call3A_1898 : f32 to vector<1x128xf32>
    %max3A_1900 = arith.maximumf %reshape3A_1891, %max3A_1899 : vector<1x128xf32>
    %sub3A_1901 = vector.broadcast %custom_jvp_call3A_1898 : f32 to vector<1x128xf32>
    %sub3A_1902 = arith.subf %reshape3A_1891, %sub3A_1901 : vector<1x128xf32>
    %ne3A_1903 = arith.cmpf one, %sub3A_1902, %sub3A_1902 : vector<1x128xf32>
    %add3A_1904 = vector.broadcast %custom_jvp_call3A_1898 : f32 to vector<1x128xf32>
    %add3A_1905 = arith.addf %reshape3A_1891, %add3A_1904 : vector<1x128xf32>
    %abs3A_1906 = math.absf %sub3A_1902 : vector<1x128xf32>
    %neg3A_1907 = arith.constant 0.000000e+00 : f32
    %neg3A_1908 = vector.broadcast %neg3A_1907 : f32 to vector<1x128xf32>
    %neg3A_1909 = arith.subf %neg3A_1908, %abs3A_1906 : vector<1x128xf32>
    %exp3A_1910 = math.exp %neg3A_1909 : vector<1x128xf32>
    %log1p3A_1911 = math.log1p %exp3A_1910 : vector<1x128xf32>
    %add3A_1912 = arith.addf %max3A_1900, %log1p3A_1911 : vector<1x128xf32>
    %select_n3A_1913 = arith.select %ne3A_1903, %add3A_1905, %add3A_1912 : vector<1x128xi1>, vector<1x128xf32>
    %jit3A_1914 = arith.constant 0.000000e+00 : f32
    %broadcast_in_dim3A_1915 = vector.broadcast %jit3A_1914 : f32 to vector<1x128xf32>
    %select_n3A_1916 = arith.select %eq3A_1897, %select_n3A_1913, %broadcast_in_dim3A_1915 : vector<1x128xi1>, vector<1x128xf32>
    %select_n3A_1917 = arith.select %lt3A_1894, %reshape3A_1891, %select_n3A_1916 : vector<1x128xi1>, vector<1x128xf32>
    %swap3A_1918 = arith.constant 56 : index
    %swap3A_1919 = arith.constant 0 : index
    %swap3A_1920 = vector.load %arg2[%swap3A_1918, %swap3A_1919] : memref<128x128xf32, #tpu.memory_space<vmem>>, vector<1x128xf32>
    tpu.vector_store %arg2[%swap3A_1918, %swap3A_1919], %select_n3A_1917 {strides = array<i32>} : memref<128x128xf32, #tpu.memory_space<vmem>>, vector<1x128xf32>,
    %get3A_1921 = arith.constant 0 : index
    %get3A_1922 = arith.constant 1653 : index
    %get3A_1923 = vector.load %arg0[%get3A_1921, %get3A_1922] : memref<1x8384xf32, #tpu.memory_space<vmem>>, vector<1x128xf32>
    %get3A_1924 = vector.shape_cast %get3A_1923 : vector<1x128xf32> to vector<128xf32>
    %reshape3A_1925 = vector.shape_cast %get3A_1924 : vector<128xf32> to vector<1x128xf32>
    %lt3A_1926 = arith.constant 57 : i32
    %lt3A_1927 = vector.broadcast %lt3A_1926 : i32 to vector<1x128xi32>
    %lt3A_1928 = arith.cmpi slt, %iota3A, %lt3A_1927 : vector<1x128xi32>
    %eq3A_1929 = arith.constant 57 : i32
    %eq3A_1930 = vector.broadcast %eq3A_1929 : i32 to vector<1x128xi32>
    %eq3A_1931 = arith.cmpi eq, %iota3A, %eq3A_1930 : vector<1x128xi32>
    %custom_jvp_call3A_1932 = arith.constant 0.000000e+00 : f32
    %max3A_1933 = vector.broadcast %custom_jvp_call3A_1932 : f32 to vector<1x128xf32>
    %max3A_1934 = arith.maximumf %reshape3A_1925, %max3A_1933 : vector<1x128xf32>
    %sub3A_1935 = vector.broadcast %custom_jvp_call3A_1932 : f32 to vector<1x128xf32>
    %sub3A_1936 = arith.subf %reshape3A_1925, %sub3A_1935 : vector<1x128xf32>
    %ne3A_1937 = arith.cmpf one, %sub3A_1936, %sub3A_1936 : vector<1x128xf32>
    %add3A_1938 = vector.broadcast %custom_jvp_call3A_1932 : f32 to vector<1x128xf32>
    %add3A_1939 = arith.addf %reshape3A_1925, %add3A_1938 : vector<1x128xf32>
    %abs3A_1940 = math.absf %sub3A_1936 : vector<1x128xf32>
    %neg3A_1941 = arith.constant 0.000000e+00 : f32
    %neg3A_1942 = vector.broadcast %neg3A_1941 : f32 to vector<1x128xf32>
    %neg3A_1943 = arith.subf %neg3A_1942, %abs3A_1940 : vector<1x128xf32>
    %exp3A_1944 = math.exp %neg3A_1943 : vector<1x128xf32>
    %log1p3A_1945 = math.log1p %exp3A_1944 : vector<1x128xf32>
    %add3A_1946 = arith.addf %max3A_1934, %log1p3A_1945 : vector<1x128xf32>
    %select_n3A_1947 = arith.select %ne3A_1937, %add3A_1939, %add3A_1946 : vector<1x128xi1>, vector<1x128xf32>
    %jit3A_1948 = arith.constant 0.000000e+00 : f32
    %broadcast_in_dim3A_1949 = vector.broadcast %jit3A_1948 : f32 to vector<1x128xf32>
    %select_n3A_1950 = arith.select %eq3A_1931, %select_n3A_1947, %broadcast_in_dim3A_1949 : vector<1x128xi1>, vector<1x128xf32>
    %select_n3A_1951 = arith.select %lt3A_1928, %reshape3A_1925, %select_n3A_1950 : vector<1x128xi1>, vector<1x128xf32>
    %swap3A_1952 = arith.constant 57 : index
    %swap3A_1953 = arith.constant 0 : index
    %swap3A_1954 = vector.load %arg2[%swap3A_1952, %swap3A_1953] : memref<128x128xf32, #tpu.memory_space<vmem>>, vector<1x128xf32>
    tpu.vector_store %arg2[%swap3A_1952, %swap3A_1953], %select_n3A_1951 {strides = array<i32>} : memref<128x128xf32, #tpu.memory_space<vmem>>, vector<1x128xf32>,
    %get3A_1955 = arith.constant 0 : index
    %get3A_1956 = arith.constant 1711 : index
    %get3A_1957 = vector.load %arg0[%get3A_1955, %get3A_1956] : memref<1x8384xf32, #tpu.memory_space<vmem>>, vector<1x128xf32>
    %get3A_1958 = vector.shape_cast %get3A_1957 : vector<1x128xf32> to vector<128xf32>
    %reshape3A_1959 = vector.shape_cast %get3A_1958 : vector<128xf32> to vector<1x128xf32>
    %lt3A_1960 = arith.constant 58 : i32
    %lt3A_1961 = vector.broadcast %lt3A_1960 : i32 to vector<1x128xi32>
    %lt3A_1962 = arith.cmpi slt, %iota3A, %lt3A_1961 : vector<1x128xi32>
    %eq3A_1963 = arith.constant 58 : i32
    %eq3A_1964 = vector.broadcast %eq3A_1963 : i32 to vector<1x128xi32>
    %eq3A_1965 = arith.cmpi eq, %iota3A, %eq3A_1964 : vector<1x128xi32>
    %custom_jvp_call3A_1966 = arith.constant 0.000000e+00 : f32
    %max3A_1967 = vector.broadcast %custom_jvp_call3A_1966 : f32 to vector<1x128xf32>
    %max3A_1968 = arith.maximumf %reshape3A_1959, %max3A_1967 : vector<1x128xf32>
    %sub3A_1969 = vector.broadcast %custom_jvp_call3A_1966 : f32 to vector<1x128xf32>
    %sub3A_1970 = arith.subf %reshape3A_1959, %sub3A_1969 : vector<1x128xf32>
    %ne3A_1971 = arith.cmpf one, %sub3A_1970, %sub3A_1970 : vector<1x128xf32>
    %add3A_1972 = vector.broadcast %custom_jvp_call3A_1966 : f32 to vector<1x128xf32>
    %add3A_1973 = arith.addf %reshape3A_1959, %add3A_1972 : vector<1x128xf32>
    %abs3A_1974 = math.absf %sub3A_1970 : vector<1x128xf32>
    %neg3A_1975 = arith.constant 0.000000e+00 : f32
    %neg3A_1976 = vector.broadcast %neg3A_1975 : f32 to vector<1x128xf32>
    %neg3A_1977 = arith.subf %neg3A_1976, %abs3A_1974 : vector<1x128xf32>
    %exp3A_1978 = math.exp %neg3A_1977 : vector<1x128xf32>
    %log1p3A_1979 = math.log1p %exp3A_1978 : vector<1x128xf32>
    %add3A_1980 = arith.addf %max3A_1968, %log1p3A_1979 : vector<1x128xf32>
    %select_n3A_1981 = arith.select %ne3A_1971, %add3A_1973, %add3A_1980 : vector<1x128xi1>, vector<1x128xf32>
    %jit3A_1982 = arith.constant 0.000000e+00 : f32
    %broadcast_in_dim3A_1983 = vector.broadcast %jit3A_1982 : f32 to vector<1x128xf32>
    %select_n3A_1984 = arith.select %eq3A_1965, %select_n3A_1981, %broadcast_in_dim3A_1983 : vector<1x128xi1>, vector<1x128xf32>
    %select_n3A_1985 = arith.select %lt3A_1962, %reshape3A_1959, %select_n3A_1984 : vector<1x128xi1>, vector<1x128xf32>
    %swap3A_1986 = arith.constant 58 : index
    %swap3A_1987 = arith.constant 0 : index
    %swap3A_1988 = vector.load %arg2[%swap3A_1986, %swap3A_1987] : memref<128x128xf32, #tpu.memory_space<vmem>>, vector<1x128xf32>
    tpu.vector_store %arg2[%swap3A_1986, %swap3A_1987], %select_n3A_1985 {strides = array<i32>} : memref<128x128xf32, #tpu.memory_space<vmem>>, vector<1x128xf32>,
    %get3A_1989 = arith.constant 0 : index
    %get3A_1990 = arith.constant 1770 : index
    %get3A_1991 = vector.load %arg0[%get3A_1989, %get3A_1990] : memref<1x8384xf32, #tpu.memory_space<vmem>>, vector<1x128xf32>
    %get3A_1992 = vector.shape_cast %get3A_1991 : vector<1x128xf32> to vector<128xf32>
    %reshape3A_1993 = vector.shape_cast %get3A_1992 : vector<128xf32> to vector<1x128xf32>
    %lt3A_1994 = arith.constant 59 : i32
    %lt3A_1995 = vector.broadcast %lt3A_1994 : i32 to vector<1x128xi32>
    %lt3A_1996 = arith.cmpi slt, %iota3A, %lt3A_1995 : vector<1x128xi32>
    %eq3A_1997 = arith.constant 59 : i32
    %eq3A_1998 = vector.broadcast %eq3A_1997 : i32 to vector<1x128xi32>
    %eq3A_1999 = arith.cmpi eq, %iota3A, %eq3A_1998 : vector<1x128xi32>
    %custom_jvp_call3A_2000 = arith.constant 0.000000e+00 : f32
    %max3A_2001 = vector.broadcast %custom_jvp_call3A_2000 : f32 to vector<1x128xf32>
    %max3A_2002 = arith.maximumf %reshape3A_1993, %max3A_2001 : vector<1x128xf32>
    %sub3A_2003 = vector.broadcast %custom_jvp_call3A_2000 : f32 to vector<1x128xf32>
    %sub3A_2004 = arith.subf %reshape3A_1993, %sub3A_2003 : vector<1x128xf32>
    %ne3A_2005 = arith.cmpf one, %sub3A_2004, %sub3A_2004 : vector<1x128xf32>
    %add3A_2006 = vector.broadcast %custom_jvp_call3A_2000 : f32 to vector<1x128xf32>
    %add3A_2007 = arith.addf %reshape3A_1993, %add3A_2006 : vector<1x128xf32>
    %abs3A_2008 = math.absf %sub3A_2004 : vector<1x128xf32>
    %neg3A_2009 = arith.constant 0.000000e+00 : f32
    %neg3A_2010 = vector.broadcast %neg3A_2009 : f32 to vector<1x128xf32>
    %neg3A_2011 = arith.subf %neg3A_2010, %abs3A_2008 : vector<1x128xf32>
    %exp3A_2012 = math.exp %neg3A_2011 : vector<1x128xf32>
    %log1p3A_2013 = math.log1p %exp3A_2012 : vector<1x128xf32>
    %add3A_2014 = arith.addf %max3A_2002, %log1p3A_2013 : vector<1x128xf32>
    %select_n3A_2015 = arith.select %ne3A_2005, %add3A_2007, %add3A_2014 : vector<1x128xi1>, vector<1x128xf32>
    %jit3A_2016 = arith.constant 0.000000e+00 : f32
    %broadcast_in_dim3A_2017 = vector.broadcast %jit3A_2016 : f32 to vector<1x128xf32>
    %select_n3A_2018 = arith.select %eq3A_1999, %select_n3A_2015, %broadcast_in_dim3A_2017 : vector<1x128xi1>, vector<1x128xf32>
    %select_n3A_2019 = arith.select %lt3A_1996, %reshape3A_1993, %select_n3A_2018 : vector<1x128xi1>, vector<1x128xf32>
    %swap3A_2020 = arith.constant 59 : index
    %swap3A_2021 = arith.constant 0 : index
    %swap3A_2022 = vector.load %arg2[%swap3A_2020, %swap3A_2021] : memref<128x128xf32, #tpu.memory_space<vmem>>, vector<1x128xf32>
    tpu.vector_store %arg2[%swap3A_2020, %swap3A_2021], %select_n3A_2019 {strides = array<i32>} : memref<128x128xf32, #tpu.memory_space<vmem>>, vector<1x128xf32>,
    %get3A_2023 = arith.constant 0 : index
    %get3A_2024 = arith.constant 1830 : index
    %get3A_2025 = vector.load %arg0[%get3A_2023, %get3A_2024] : memref<1x8384xf32, #tpu.memory_space<vmem>>, vector<1x128xf32>
    %get3A_2026 = vector.shape_cast %get3A_2025 : vector<1x128xf32> to vector<128xf32>
    %reshape3A_2027 = vector.shape_cast %get3A_2026 : vector<128xf32> to vector<1x128xf32>
    %lt3A_2028 = arith.constant 60 : i32
    %lt3A_2029 = vector.broadcast %lt3A_2028 : i32 to vector<1x128xi32>
    %lt3A_2030 = arith.cmpi slt, %iota3A, %lt3A_2029 : vector<1x128xi32>
    %eq3A_2031 = arith.constant 60 : i32
    %eq3A_2032 = vector.broadcast %eq3A_2031 : i32 to vector<1x128xi32>
    %eq3A_2033 = arith.cmpi eq, %iota3A, %eq3A_2032 : vector<1x128xi32>
    %custom_jvp_call3A_2034 = arith.constant 0.000000e+00 : f32
    %max3A_2035 = vector.broadcast %custom_jvp_call3A_2034 : f32 to vector<1x128xf32>
    %max3A_2036 = arith.maximumf %reshape3A_2027, %max3A_2035 : vector<1x128xf32>
    %sub3A_2037 = vector.broadcast %custom_jvp_call3A_2034 : f32 to vector<1x128xf32>
    %sub3A_2038 = arith.subf %reshape3A_2027, %sub3A_2037 : vector<1x128xf32>
    %ne3A_2039 = arith.cmpf one, %sub3A_2038, %sub3A_2038 : vector<1x128xf32>
    %add3A_2040 = vector.broadcast %custom_jvp_call3A_2034 : f32 to vector<1x128xf32>
    %add3A_2041 = arith.addf %reshape3A_2027, %add3A_2040 : vector<1x128xf32>
    %abs3A_2042 = math.absf %sub3A_2038 : vector<1x128xf32>
    %neg3A_2043 = arith.constant 0.000000e+00 : f32
    %neg3A_2044 = vector.broadcast %neg3A_2043 : f32 to vector<1x128xf32>
    %neg3A_2045 = arith.subf %neg3A_2044, %abs3A_2042 : vector<1x128xf32>
    %exp3A_2046 = math.exp %neg3A_2045 : vector<1x128xf32>
    %log1p3A_2047 = math.log1p %exp3A_2046 : vector<1x128xf32>
    %add3A_2048 = arith.addf %max3A_2036, %log1p3A_2047 : vector<1x128xf32>
    %select_n3A_2049 = arith.select %ne3A_2039, %add3A_2041, %add3A_2048 : vector<1x128xi1>, vector<1x128xf32>
    %jit3A_2050 = arith.constant 0.000000e+00 : f32
    %broadcast_in_dim3A_2051 = vector.broadcast %jit3A_2050 : f32 to vector<1x128xf32>
    %select_n3A_2052 = arith.select %eq3A_2033, %select_n3A_2049, %broadcast_in_dim3A_2051 : vector<1x128xi1>, vector<1x128xf32>
    %select_n3A_2053 = arith.select %lt3A_2030, %reshape3A_2027, %select_n3A_2052 : vector<1x128xi1>, vector<1x128xf32>
    %swap3A_2054 = arith.constant 60 : index
    %swap3A_2055 = arith.constant 0 : index
    %swap3A_2056 = vector.load %arg2[%swap3A_2054, %swap3A_2055] : memref<128x128xf32, #tpu.memory_space<vmem>>, vector<1x128xf32>
    tpu.vector_store %arg2[%swap3A_2054, %swap3A_2055], %select_n3A_2053 {strides = array<i32>} : memref<128x128xf32, #tpu.memory_space<vmem>>, vector<1x128xf32>,
    %get3A_2057 = arith.constant 0 : index
    %get3A_2058 = arith.constant 1891 : index
    %get3A_2059 = vector.load %arg0[%get3A_2057, %get3A_2058] : memref<1x8384xf32, #tpu.memory_space<vmem>>, vector<1x128xf32>
    %get3A_2060 = vector.shape_cast %get3A_2059 : vector<1x128xf32> to vector<128xf32>
    %reshape3A_2061 = vector.shape_cast %get3A_2060 : vector<128xf32> to vector<1x128xf32>
    %lt3A_2062 = arith.constant 61 : i32
    %lt3A_2063 = vector.broadcast %lt3A_2062 : i32 to vector<1x128xi32>
    %lt3A_2064 = arith.cmpi slt, %iota3A, %lt3A_2063 : vector<1x128xi32>
    %eq3A_2065 = arith.constant 61 : i32
    %eq3A_2066 = vector.broadcast %eq3A_2065 : i32 to vector<1x128xi32>
    %eq3A_2067 = arith.cmpi eq, %iota3A, %eq3A_2066 : vector<1x128xi32>
    %custom_jvp_call3A_2068 = arith.constant 0.000000e+00 : f32
    %max3A_2069 = vector.broadcast %custom_jvp_call3A_2068 : f32 to vector<1x128xf32>
    %max3A_2070 = arith.maximumf %reshape3A_2061, %max3A_2069 : vector<1x128xf32>
    %sub3A_2071 = vector.broadcast %custom_jvp_call3A_2068 : f32 to vector<1x128xf32>
    %sub3A_2072 = arith.subf %reshape3A_2061, %sub3A_2071 : vector<1x128xf32>
    %ne3A_2073 = arith.cmpf one, %sub3A_2072, %sub3A_2072 : vector<1x128xf32>
    %add3A_2074 = vector.broadcast %custom_jvp_call3A_2068 : f32 to vector<1x128xf32>
    %add3A_2075 = arith.addf %reshape3A_2061, %add3A_2074 : vector<1x128xf32>
    %abs3A_2076 = math.absf %sub3A_2072 : vector<1x128xf32>
    %neg3A_2077 = arith.constant 0.000000e+00 : f32
    %neg3A_2078 = vector.broadcast %neg3A_2077 : f32 to vector<1x128xf32>
    %neg3A_2079 = arith.subf %neg3A_2078, %abs3A_2076 : vector<1x128xf32>
    %exp3A_2080 = math.exp %neg3A_2079 : vector<1x128xf32>
    %log1p3A_2081 = math.log1p %exp3A_2080 : vector<1x128xf32>
    %add3A_2082 = arith.addf %max3A_2070, %log1p3A_2081 : vector<1x128xf32>
    %select_n3A_2083 = arith.select %ne3A_2073, %add3A_2075, %add3A_2082 : vector<1x128xi1>, vector<1x128xf32>
    %jit3A_2084 = arith.constant 0.000000e+00 : f32
    %broadcast_in_dim3A_2085 = vector.broadcast %jit3A_2084 : f32 to vector<1x128xf32>
    %select_n3A_2086 = arith.select %eq3A_2067, %select_n3A_2083, %broadcast_in_dim3A_2085 : vector<1x128xi1>, vector<1x128xf32>
    %select_n3A_2087 = arith.select %lt3A_2064, %reshape3A_2061, %select_n3A_2086 : vector<1x128xi1>, vector<1x128xf32>
    %swap3A_2088 = arith.constant 61 : index
    %swap3A_2089 = arith.constant 0 : index
    %swap3A_2090 = vector.load %arg2[%swap3A_2088, %swap3A_2089] : memref<128x128xf32, #tpu.memory_space<vmem>>, vector<1x128xf32>
    tpu.vector_store %arg2[%swap3A_2088, %swap3A_2089], %select_n3A_2087 {strides = array<i32>} : memref<128x128xf32, #tpu.memory_space<vmem>>, vector<1x128xf32>,
    %get3A_2091 = arith.constant 0 : index
    %get3A_2092 = arith.constant 1953 : index
    %get3A_2093 = vector.load %arg0[%get3A_2091, %get3A_2092] : memref<1x8384xf32, #tpu.memory_space<vmem>>, vector<1x128xf32>
    %get3A_2094 = vector.shape_cast %get3A_2093 : vector<1x128xf32> to vector<128xf32>
    %reshape3A_2095 = vector.shape_cast %get3A_2094 : vector<128xf32> to vector<1x128xf32>
    %lt3A_2096 = arith.constant 62 : i32
    %lt3A_2097 = vector.broadcast %lt3A_2096 : i32 to vector<1x128xi32>
    %lt3A_2098 = arith.cmpi slt, %iota3A, %lt3A_2097 : vector<1x128xi32>
    %eq3A_2099 = arith.constant 62 : i32
    %eq3A_2100 = vector.broadcast %eq3A_2099 : i32 to vector<1x128xi32>
    %eq3A_2101 = arith.cmpi eq, %iota3A, %eq3A_2100 : vector<1x128xi32>
    %custom_jvp_call3A_2102 = arith.constant 0.000000e+00 : f32
    %max3A_2103 = vector.broadcast %custom_jvp_call3A_2102 : f32 to vector<1x128xf32>
    %max3A_2104 = arith.maximumf %reshape3A_2095, %max3A_2103 : vector<1x128xf32>
    %sub3A_2105 = vector.broadcast %custom_jvp_call3A_2102 : f32 to vector<1x128xf32>
    %sub3A_2106 = arith.subf %reshape3A_2095, %sub3A_2105 : vector<1x128xf32>
    %ne3A_2107 = arith.cmpf one, %sub3A_2106, %sub3A_2106 : vector<1x128xf32>
    %add3A_2108 = vector.broadcast %custom_jvp_call3A_2102 : f32 to vector<1x128xf32>
    %add3A_2109 = arith.addf %reshape3A_2095, %add3A_2108 : vector<1x128xf32>
    %abs3A_2110 = math.absf %sub3A_2106 : vector<1x128xf32>
    %neg3A_2111 = arith.constant 0.000000e+00 : f32
    %neg3A_2112 = vector.broadcast %neg3A_2111 : f32 to vector<1x128xf32>
    %neg3A_2113 = arith.subf %neg3A_2112, %abs3A_2110 : vector<1x128xf32>
    %exp3A_2114 = math.exp %neg3A_2113 : vector<1x128xf32>
    %log1p3A_2115 = math.log1p %exp3A_2114 : vector<1x128xf32>
    %add3A_2116 = arith.addf %max3A_2104, %log1p3A_2115 : vector<1x128xf32>
    %select_n3A_2117 = arith.select %ne3A_2107, %add3A_2109, %add3A_2116 : vector<1x128xi1>, vector<1x128xf32>
    %jit3A_2118 = arith.constant 0.000000e+00 : f32
    %broadcast_in_dim3A_2119 = vector.broadcast %jit3A_2118 : f32 to vector<1x128xf32>
    %select_n3A_2120 = arith.select %eq3A_2101, %select_n3A_2117, %broadcast_in_dim3A_2119 : vector<1x128xi1>, vector<1x128xf32>
    %select_n3A_2121 = arith.select %lt3A_2098, %reshape3A_2095, %select_n3A_2120 : vector<1x128xi1>, vector<1x128xf32>
    %swap3A_2122 = arith.constant 62 : index
    %swap3A_2123 = arith.constant 0 : index
    %swap3A_2124 = vector.load %arg2[%swap3A_2122, %swap3A_2123] : memref<128x128xf32, #tpu.memory_space<vmem>>, vector<1x128xf32>
    tpu.vector_store %arg2[%swap3A_2122, %swap3A_2123], %select_n3A_2121 {strides = array<i32>} : memref<128x128xf32, #tpu.memory_space<vmem>>, vector<1x128xf32>,
    %get3A_2125 = arith.constant 0 : index
    %get3A_2126 = arith.constant 2016 : index
    %get3A_2127 = vector.load %arg0[%get3A_2125, %get3A_2126] : memref<1x8384xf32, #tpu.memory_space<vmem>>, vector<1x128xf32>
    %get3A_2128 = vector.shape_cast %get3A_2127 : vector<1x128xf32> to vector<128xf32>
    %reshape3A_2129 = vector.shape_cast %get3A_2128 : vector<128xf32> to vector<1x128xf32>
    %lt3A_2130 = arith.constant 63 : i32
    %lt3A_2131 = vector.broadcast %lt3A_2130 : i32 to vector<1x128xi32>
    %lt3A_2132 = arith.cmpi slt, %iota3A, %lt3A_2131 : vector<1x128xi32>
    %eq3A_2133 = arith.constant 63 : i32
    %eq3A_2134 = vector.broadcast %eq3A_2133 : i32 to vector<1x128xi32>
    %eq3A_2135 = arith.cmpi eq, %iota3A, %eq3A_2134 : vector<1x128xi32>
    %custom_jvp_call3A_2136 = arith.constant 0.000000e+00 : f32
    %max3A_2137 = vector.broadcast %custom_jvp_call3A_2136 : f32 to vector<1x128xf32>
    %max3A_2138 = arith.maximumf %reshape3A_2129, %max3A_2137 : vector<1x128xf32>
    %sub3A_2139 = vector.broadcast %custom_jvp_call3A_2136 : f32 to vector<1x128xf32>
    %sub3A_2140 = arith.subf %reshape3A_2129, %sub3A_2139 : vector<1x128xf32>
    %ne3A_2141 = arith.cmpf one, %sub3A_2140, %sub3A_2140 : vector<1x128xf32>
    %add3A_2142 = vector.broadcast %custom_jvp_call3A_2136 : f32 to vector<1x128xf32>
    %add3A_2143 = arith.addf %reshape3A_2129, %add3A_2142 : vector<1x128xf32>
    %abs3A_2144 = math.absf %sub3A_2140 : vector<1x128xf32>
    %neg3A_2145 = arith.constant 0.000000e+00 : f32
    %neg3A_2146 = vector.broadcast %neg3A_2145 : f32 to vector<1x128xf32>
    %neg3A_2147 = arith.subf %neg3A_2146, %abs3A_2144 : vector<1x128xf32>
    %exp3A_2148 = math.exp %neg3A_2147 : vector<1x128xf32>
    %log1p3A_2149 = math.log1p %exp3A_2148 : vector<1x128xf32>
    %add3A_2150 = arith.addf %max3A_2138, %log1p3A_2149 : vector<1x128xf32>
    %select_n3A_2151 = arith.select %ne3A_2141, %add3A_2143, %add3A_2150 : vector<1x128xi1>, vector<1x128xf32>
    %jit3A_2152 = arith.constant 0.000000e+00 : f32
    %broadcast_in_dim3A_2153 = vector.broadcast %jit3A_2152 : f32 to vector<1x128xf32>
    %select_n3A_2154 = arith.select %eq3A_2135, %select_n3A_2151, %broadcast_in_dim3A_2153 : vector<1x128xi1>, vector<1x128xf32>
    %select_n3A_2155 = arith.select %lt3A_2132, %reshape3A_2129, %select_n3A_2154 : vector<1x128xi1>, vector<1x128xf32>
    %swap3A_2156 = arith.constant 63 : index
    %swap3A_2157 = arith.constant 0 : index
    %swap3A_2158 = vector.load %arg2[%swap3A_2156, %swap3A_2157] : memref<128x128xf32, #tpu.memory_space<vmem>>, vector<1x128xf32>
    tpu.vector_store %arg2[%swap3A_2156, %swap3A_2157], %select_n3A_2155 {strides = array<i32>} : memref<128x128xf32, #tpu.memory_space<vmem>>, vector<1x128xf32>,
    %get3A_2159 = arith.constant 0 : index
    %get3A_2160 = arith.constant 2080 : index
    %get3A_2161 = vector.load %arg0[%get3A_2159, %get3A_2160] : memref<1x8384xf32, #tpu.memory_space<vmem>>, vector<1x128xf32>
    %get3A_2162 = vector.shape_cast %get3A_2161 : vector<1x128xf32> to vector<128xf32>
    %reshape3A_2163 = vector.shape_cast %get3A_2162 : vector<128xf32> to vector<1x128xf32>
    %lt3A_2164 = arith.constant 64 : i32
    %lt3A_2165 = vector.broadcast %lt3A_2164 : i32 to vector<1x128xi32>
    %lt3A_2166 = arith.cmpi slt, %iota3A, %lt3A_2165 : vector<1x128xi32>
    %eq3A_2167 = arith.constant 64 : i32
    %eq3A_2168 = vector.broadcast %eq3A_2167 : i32 to vector<1x128xi32>
    %eq3A_2169 = arith.cmpi eq, %iota3A, %eq3A_2168 : vector<1x128xi32>
    %custom_jvp_call3A_2170 = arith.constant 0.000000e+00 : f32
    %max3A_2171 = vector.broadcast %custom_jvp_call3A_2170 : f32 to vector<1x128xf32>
    %max3A_2172 = arith.maximumf %reshape3A_2163, %max3A_2171 : vector<1x128xf32>
    %sub3A_2173 = vector.broadcast %custom_jvp_call3A_2170 : f32 to vector<1x128xf32>
    %sub3A_2174 = arith.subf %reshape3A_2163, %sub3A_2173 : vector<1x128xf32>
    %ne3A_2175 = arith.cmpf one, %sub3A_2174, %sub3A_2174 : vector<1x128xf32>
    %add3A_2176 = vector.broadcast %custom_jvp_call3A_2170 : f32 to vector<1x128xf32>
    %add3A_2177 = arith.addf %reshape3A_2163, %add3A_2176 : vector<1x128xf32>
    %abs3A_2178 = math.absf %sub3A_2174 : vector<1x128xf32>
    %neg3A_2179 = arith.constant 0.000000e+00 : f32
    %neg3A_2180 = vector.broadcast %neg3A_2179 : f32 to vector<1x128xf32>
    %neg3A_2181 = arith.subf %neg3A_2180, %abs3A_2178 : vector<1x128xf32>
    %exp3A_2182 = math.exp %neg3A_2181 : vector<1x128xf32>
    %log1p3A_2183 = math.log1p %exp3A_2182 : vector<1x128xf32>
    %add3A_2184 = arith.addf %max3A_2172, %log1p3A_2183 : vector<1x128xf32>
    %select_n3A_2185 = arith.select %ne3A_2175, %add3A_2177, %add3A_2184 : vector<1x128xi1>, vector<1x128xf32>
    %jit3A_2186 = arith.constant 0.000000e+00 : f32
    %broadcast_in_dim3A_2187 = vector.broadcast %jit3A_2186 : f32 to vector<1x128xf32>
    %select_n3A_2188 = arith.select %eq3A_2169, %select_n3A_2185, %broadcast_in_dim3A_2187 : vector<1x128xi1>, vector<1x128xf32>
    %select_n3A_2189 = arith.select %lt3A_2166, %reshape3A_2163, %select_n3A_2188 : vector<1x128xi1>, vector<1x128xf32>
    %swap3A_2190 = arith.constant 64 : index
    %swap3A_2191 = arith.constant 0 : index
    %swap3A_2192 = vector.load %arg2[%swap3A_2190, %swap3A_2191] : memref<128x128xf32, #tpu.memory_space<vmem>>, vector<1x128xf32>
    tpu.vector_store %arg2[%swap3A_2190, %swap3A_2191], %select_n3A_2189 {strides = array<i32>} : memref<128x128xf32, #tpu.memory_space<vmem>>, vector<1x128xf32>,
    %get3A_2193 = arith.constant 0 : index
    %get3A_2194 = arith.constant 2145 : index
    %get3A_2195 = vector.load %arg0[%get3A_2193, %get3A_2194] : memref<1x8384xf32, #tpu.memory_space<vmem>>, vector<1x128xf32>
    %get3A_2196 = vector.shape_cast %get3A_2195 : vector<1x128xf32> to vector<128xf32>
    %reshape3A_2197 = vector.shape_cast %get3A_2196 : vector<128xf32> to vector<1x128xf32>
    %lt3A_2198 = arith.constant 65 : i32
    %lt3A_2199 = vector.broadcast %lt3A_2198 : i32 to vector<1x128xi32>
    %lt3A_2200 = arith.cmpi slt, %iota3A, %lt3A_2199 : vector<1x128xi32>
    %eq3A_2201 = arith.constant 65 : i32
    %eq3A_2202 = vector.broadcast %eq3A_2201 : i32 to vector<1x128xi32>
    %eq3A_2203 = arith.cmpi eq, %iota3A, %eq3A_2202 : vector<1x128xi32>
    %custom_jvp_call3A_2204 = arith.constant 0.000000e+00 : f32
    %max3A_2205 = vector.broadcast %custom_jvp_call3A_2204 : f32 to vector<1x128xf32>
    %max3A_2206 = arith.maximumf %reshape3A_2197, %max3A_2205 : vector<1x128xf32>
    %sub3A_2207 = vector.broadcast %custom_jvp_call3A_2204 : f32 to vector<1x128xf32>
    %sub3A_2208 = arith.subf %reshape3A_2197, %sub3A_2207 : vector<1x128xf32>
    %ne3A_2209 = arith.cmpf one, %sub3A_2208, %sub3A_2208 : vector<1x128xf32>
    %add3A_2210 = vector.broadcast %custom_jvp_call3A_2204 : f32 to vector<1x128xf32>
    %add3A_2211 = arith.addf %reshape3A_2197, %add3A_2210 : vector<1x128xf32>
    %abs3A_2212 = math.absf %sub3A_2208 : vector<1x128xf32>
    %neg3A_2213 = arith.constant 0.000000e+00 : f32
    %neg3A_2214 = vector.broadcast %neg3A_2213 : f32 to vector<1x128xf32>
    %neg3A_2215 = arith.subf %neg3A_2214, %abs3A_2212 : vector<1x128xf32>
    %exp3A_2216 = math.exp %neg3A_2215 : vector<1x128xf32>
    %log1p3A_2217 = math.log1p %exp3A_2216 : vector<1x128xf32>
    %add3A_2218 = arith.addf %max3A_2206, %log1p3A_2217 : vector<1x128xf32>
    %select_n3A_2219 = arith.select %ne3A_2209, %add3A_2211, %add3A_2218 : vector<1x128xi1>, vector<1x128xf32>
    %jit3A_2220 = arith.constant 0.000000e+00 : f32
    %broadcast_in_dim3A_2221 = vector.broadcast %jit3A_2220 : f32 to vector<1x128xf32>
    %select_n3A_2222 = arith.select %eq3A_2203, %select_n3A_2219, %broadcast_in_dim3A_2221 : vector<1x128xi1>, vector<1x128xf32>
    %select_n3A_2223 = arith.select %lt3A_2200, %reshape3A_2197, %select_n3A_2222 : vector<1x128xi1>, vector<1x128xf32>
    %swap3A_2224 = arith.constant 65 : index
    %swap3A_2225 = arith.constant 0 : index
    %swap3A_2226 = vector.load %arg2[%swap3A_2224, %swap3A_2225] : memref<128x128xf32, #tpu.memory_space<vmem>>, vector<1x128xf32>
    tpu.vector_store %arg2[%swap3A_2224, %swap3A_2225], %select_n3A_2223 {strides = array<i32>} : memref<128x128xf32, #tpu.memory_space<vmem>>, vector<1x128xf32>,
    %get3A_2227 = arith.constant 0 : index
    %get3A_2228 = arith.constant 2211 : index
    %get3A_2229 = vector.load %arg0[%get3A_2227, %get3A_2228] : memref<1x8384xf32, #tpu.memory_space<vmem>>, vector<1x128xf32>
    %get3A_2230 = vector.shape_cast %get3A_2229 : vector<1x128xf32> to vector<128xf32>
    %reshape3A_2231 = vector.shape_cast %get3A_2230 : vector<128xf32> to vector<1x128xf32>
    %lt3A_2232 = arith.constant 66 : i32
    %lt3A_2233 = vector.broadcast %lt3A_2232 : i32 to vector<1x128xi32>
    %lt3A_2234 = arith.cmpi slt, %iota3A, %lt3A_2233 : vector<1x128xi32>
    %eq3A_2235 = arith.constant 66 : i32
    %eq3A_2236 = vector.broadcast %eq3A_2235 : i32 to vector<1x128xi32>
    %eq3A_2237 = arith.cmpi eq, %iota3A, %eq3A_2236 : vector<1x128xi32>
    %custom_jvp_call3A_2238 = arith.constant 0.000000e+00 : f32
    %max3A_2239 = vector.broadcast %custom_jvp_call3A_2238 : f32 to vector<1x128xf32>
    %max3A_2240 = arith.maximumf %reshape3A_2231, %max3A_2239 : vector<1x128xf32>
    %sub3A_2241 = vector.broadcast %custom_jvp_call3A_2238 : f32 to vector<1x128xf32>
    %sub3A_2242 = arith.subf %reshape3A_2231, %sub3A_2241 : vector<1x128xf32>
    %ne3A_2243 = arith.cmpf one, %sub3A_2242, %sub3A_2242 : vector<1x128xf32>
    %add3A_2244 = vector.broadcast %custom_jvp_call3A_2238 : f32 to vector<1x128xf32>
    %add3A_2245 = arith.addf %reshape3A_2231, %add3A_2244 : vector<1x128xf32>
    %abs3A_2246 = math.absf %sub3A_2242 : vector<1x128xf32>
    %neg3A_2247 = arith.constant 0.000000e+00 : f32
    %neg3A_2248 = vector.broadcast %neg3A_2247 : f32 to vector<1x128xf32>
    %neg3A_2249 = arith.subf %neg3A_2248, %abs3A_2246 : vector<1x128xf32>
    %exp3A_2250 = math.exp %neg3A_2249 : vector<1x128xf32>
    %log1p3A_2251 = math.log1p %exp3A_2250 : vector<1x128xf32>
    %add3A_2252 = arith.addf %max3A_2240, %log1p3A_2251 : vector<1x128xf32>
    %select_n3A_2253 = arith.select %ne3A_2243, %add3A_2245, %add3A_2252 : vector<1x128xi1>, vector<1x128xf32>
    %jit3A_2254 = arith.constant 0.000000e+00 : f32
    %broadcast_in_dim3A_2255 = vector.broadcast %jit3A_2254 : f32 to vector<1x128xf32>
    %select_n3A_2256 = arith.select %eq3A_2237, %select_n3A_2253, %broadcast_in_dim3A_2255 : vector<1x128xi1>, vector<1x128xf32>
    %select_n3A_2257 = arith.select %lt3A_2234, %reshape3A_2231, %select_n3A_2256 : vector<1x128xi1>, vector<1x128xf32>
    %swap3A_2258 = arith.constant 66 : index
    %swap3A_2259 = arith.constant 0 : index
    %swap3A_2260 = vector.load %arg2[%swap3A_2258, %swap3A_2259] : memref<128x128xf32, #tpu.memory_space<vmem>>, vector<1x128xf32>
    tpu.vector_store %arg2[%swap3A_2258, %swap3A_2259], %select_n3A_2257 {strides = array<i32>} : memref<128x128xf32, #tpu.memory_space<vmem>>, vector<1x128xf32>,
    %get3A_2261 = arith.constant 0 : index
    %get3A_2262 = arith.constant 2278 : index
    %get3A_2263 = vector.load %arg0[%get3A_2261, %get3A_2262] : memref<1x8384xf32, #tpu.memory_space<vmem>>, vector<1x128xf32>
    %get3A_2264 = vector.shape_cast %get3A_2263 : vector<1x128xf32> to vector<128xf32>
    %reshape3A_2265 = vector.shape_cast %get3A_2264 : vector<128xf32> to vector<1x128xf32>
    %lt3A_2266 = arith.constant 67 : i32
    %lt3A_2267 = vector.broadcast %lt3A_2266 : i32 to vector<1x128xi32>
    %lt3A_2268 = arith.cmpi slt, %iota3A, %lt3A_2267 : vector<1x128xi32>
    %eq3A_2269 = arith.constant 67 : i32
    %eq3A_2270 = vector.broadcast %eq3A_2269 : i32 to vector<1x128xi32>
    %eq3A_2271 = arith.cmpi eq, %iota3A, %eq3A_2270 : vector<1x128xi32>
    %custom_jvp_call3A_2272 = arith.constant 0.000000e+00 : f32
    %max3A_2273 = vector.broadcast %custom_jvp_call3A_2272 : f32 to vector<1x128xf32>
    %max3A_2274 = arith.maximumf %reshape3A_2265, %max3A_2273 : vector<1x128xf32>
    %sub3A_2275 = vector.broadcast %custom_jvp_call3A_2272 : f32 to vector<1x128xf32>
    %sub3A_2276 = arith.subf %reshape3A_2265, %sub3A_2275 : vector<1x128xf32>
    %ne3A_2277 = arith.cmpf one, %sub3A_2276, %sub3A_2276 : vector<1x128xf32>
    %add3A_2278 = vector.broadcast %custom_jvp_call3A_2272 : f32 to vector<1x128xf32>
    %add3A_2279 = arith.addf %reshape3A_2265, %add3A_2278 : vector<1x128xf32>
    %abs3A_2280 = math.absf %sub3A_2276 : vector<1x128xf32>
    %neg3A_2281 = arith.constant 0.000000e+00 : f32
    %neg3A_2282 = vector.broadcast %neg3A_2281 : f32 to vector<1x128xf32>
    %neg3A_2283 = arith.subf %neg3A_2282, %abs3A_2280 : vector<1x128xf32>
    %exp3A_2284 = math.exp %neg3A_2283 : vector<1x128xf32>
    %log1p3A_2285 = math.log1p %exp3A_2284 : vector<1x128xf32>
    %add3A_2286 = arith.addf %max3A_2274, %log1p3A_2285 : vector<1x128xf32>
    %select_n3A_2287 = arith.select %ne3A_2277, %add3A_2279, %add3A_2286 : vector<1x128xi1>, vector<1x128xf32>
    %jit3A_2288 = arith.constant 0.000000e+00 : f32
    %broadcast_in_dim3A_2289 = vector.broadcast %jit3A_2288 : f32 to vector<1x128xf32>
    %select_n3A_2290 = arith.select %eq3A_2271, %select_n3A_2287, %broadcast_in_dim3A_2289 : vector<1x128xi1>, vector<1x128xf32>
    %select_n3A_2291 = arith.select %lt3A_2268, %reshape3A_2265, %select_n3A_2290 : vector<1x128xi1>, vector<1x128xf32>
    %swap3A_2292 = arith.constant 67 : index
    %swap3A_2293 = arith.constant 0 : index
    %swap3A_2294 = vector.load %arg2[%swap3A_2292, %swap3A_2293] : memref<128x128xf32, #tpu.memory_space<vmem>>, vector<1x128xf32>
    tpu.vector_store %arg2[%swap3A_2292, %swap3A_2293], %select_n3A_2291 {strides = array<i32>} : memref<128x128xf32, #tpu.memory_space<vmem>>, vector<1x128xf32>,
    %get3A_2295 = arith.constant 0 : index
    %get3A_2296 = arith.constant 2346 : index
    %get3A_2297 = vector.load %arg0[%get3A_2295, %get3A_2296] : memref<1x8384xf32, #tpu.memory_space<vmem>>, vector<1x128xf32>
    %get3A_2298 = vector.shape_cast %get3A_2297 : vector<1x128xf32> to vector<128xf32>
    %reshape3A_2299 = vector.shape_cast %get3A_2298 : vector<128xf32> to vector<1x128xf32>
    %lt3A_2300 = arith.constant 68 : i32
    %lt3A_2301 = vector.broadcast %lt3A_2300 : i32 to vector<1x128xi32>
    %lt3A_2302 = arith.cmpi slt, %iota3A, %lt3A_2301 : vector<1x128xi32>
    %eq3A_2303 = arith.constant 68 : i32
    %eq3A_2304 = vector.broadcast %eq3A_2303 : i32 to vector<1x128xi32>
    %eq3A_2305 = arith.cmpi eq, %iota3A, %eq3A_2304 : vector<1x128xi32>
    %custom_jvp_call3A_2306 = arith.constant 0.000000e+00 : f32
    %max3A_2307 = vector.broadcast %custom_jvp_call3A_2306 : f32 to vector<1x128xf32>
    %max3A_2308 = arith.maximumf %reshape3A_2299, %max3A_2307 : vector<1x128xf32>
    %sub3A_2309 = vector.broadcast %custom_jvp_call3A_2306 : f32 to vector<1x128xf32>
    %sub3A_2310 = arith.subf %reshape3A_2299, %sub3A_2309 : vector<1x128xf32>
    %ne3A_2311 = arith.cmpf one, %sub3A_2310, %sub3A_2310 : vector<1x128xf32>
    %add3A_2312 = vector.broadcast %custom_jvp_call3A_2306 : f32 to vector<1x128xf32>
    %add3A_2313 = arith.addf %reshape3A_2299, %add3A_2312 : vector<1x128xf32>
    %abs3A_2314 = math.absf %sub3A_2310 : vector<1x128xf32>
    %neg3A_2315 = arith.constant 0.000000e+00 : f32
    %neg3A_2316 = vector.broadcast %neg3A_2315 : f32 to vector<1x128xf32>
    %neg3A_2317 = arith.subf %neg3A_2316, %abs3A_2314 : vector<1x128xf32>
    %exp3A_2318 = math.exp %neg3A_2317 : vector<1x128xf32>
    %log1p3A_2319 = math.log1p %exp3A_2318 : vector<1x128xf32>
    %add3A_2320 = arith.addf %max3A_2308, %log1p3A_2319 : vector<1x128xf32>
    %select_n3A_2321 = arith.select %ne3A_2311, %add3A_2313, %add3A_2320 : vector<1x128xi1>, vector<1x128xf32>
    %jit3A_2322 = arith.constant 0.000000e+00 : f32
    %broadcast_in_dim3A_2323 = vector.broadcast %jit3A_2322 : f32 to vector<1x128xf32>
    %select_n3A_2324 = arith.select %eq3A_2305, %select_n3A_2321, %broadcast_in_dim3A_2323 : vector<1x128xi1>, vector<1x128xf32>
    %select_n3A_2325 = arith.select %lt3A_2302, %reshape3A_2299, %select_n3A_2324 : vector<1x128xi1>, vector<1x128xf32>
    %swap3A_2326 = arith.constant 68 : index
    %swap3A_2327 = arith.constant 0 : index
    %swap3A_2328 = vector.load %arg2[%swap3A_2326, %swap3A_2327] : memref<128x128xf32, #tpu.memory_space<vmem>>, vector<1x128xf32>
    tpu.vector_store %arg2[%swap3A_2326, %swap3A_2327], %select_n3A_2325 {strides = array<i32>} : memref<128x128xf32, #tpu.memory_space<vmem>>, vector<1x128xf32>,
    %get3A_2329 = arith.constant 0 : index
    %get3A_2330 = arith.constant 2415 : index
    %get3A_2331 = vector.load %arg0[%get3A_2329, %get3A_2330] : memref<1x8384xf32, #tpu.memory_space<vmem>>, vector<1x128xf32>
    %get3A_2332 = vector.shape_cast %get3A_2331 : vector<1x128xf32> to vector<128xf32>
    %reshape3A_2333 = vector.shape_cast %get3A_2332 : vector<128xf32> to vector<1x128xf32>
    %lt3A_2334 = arith.constant 69 : i32
    %lt3A_2335 = vector.broadcast %lt3A_2334 : i32 to vector<1x128xi32>
    %lt3A_2336 = arith.cmpi slt, %iota3A, %lt3A_2335 : vector<1x128xi32>
    %eq3A_2337 = arith.constant 69 : i32
    %eq3A_2338 = vector.broadcast %eq3A_2337 : i32 to vector<1x128xi32>
    %eq3A_2339 = arith.cmpi eq, %iota3A, %eq3A_2338 : vector<1x128xi32>
    %custom_jvp_call3A_2340 = arith.constant 0.000000e+00 : f32
    %max3A_2341 = vector.broadcast %custom_jvp_call3A_2340 : f32 to vector<1x128xf32>
    %max3A_2342 = arith.maximumf %reshape3A_2333, %max3A_2341 : vector<1x128xf32>
    %sub3A_2343 = vector.broadcast %custom_jvp_call3A_2340 : f32 to vector<1x128xf32>
    %sub3A_2344 = arith.subf %reshape3A_2333, %sub3A_2343 : vector<1x128xf32>
    %ne3A_2345 = arith.cmpf one, %sub3A_2344, %sub3A_2344 : vector<1x128xf32>
    %add3A_2346 = vector.broadcast %custom_jvp_call3A_2340 : f32 to vector<1x128xf32>
    %add3A_2347 = arith.addf %reshape3A_2333, %add3A_2346 : vector<1x128xf32>
    %abs3A_2348 = math.absf %sub3A_2344 : vector<1x128xf32>
    %neg3A_2349 = arith.constant 0.000000e+00 : f32
    %neg3A_2350 = vector.broadcast %neg3A_2349 : f32 to vector<1x128xf32>
    %neg3A_2351 = arith.subf %neg3A_2350, %abs3A_2348 : vector<1x128xf32>
    %exp3A_2352 = math.exp %neg3A_2351 : vector<1x128xf32>
    %log1p3A_2353 = math.log1p %exp3A_2352 : vector<1x128xf32>
    %add3A_2354 = arith.addf %max3A_2342, %log1p3A_2353 : vector<1x128xf32>
    %select_n3A_2355 = arith.select %ne3A_2345, %add3A_2347, %add3A_2354 : vector<1x128xi1>, vector<1x128xf32>
    %jit3A_2356 = arith.constant 0.000000e+00 : f32
    %broadcast_in_dim3A_2357 = vector.broadcast %jit3A_2356 : f32 to vector<1x128xf32>
    %select_n3A_2358 = arith.select %eq3A_2339, %select_n3A_2355, %broadcast_in_dim3A_2357 : vector<1x128xi1>, vector<1x128xf32>
    %select_n3A_2359 = arith.select %lt3A_2336, %reshape3A_2333, %select_n3A_2358 : vector<1x128xi1>, vector<1x128xf32>
    %swap3A_2360 = arith.constant 69 : index
    %swap3A_2361 = arith.constant 0 : index
    %swap3A_2362 = vector.load %arg2[%swap3A_2360, %swap3A_2361] : memref<128x128xf32, #tpu.memory_space<vmem>>, vector<1x128xf32>
    tpu.vector_store %arg2[%swap3A_2360, %swap3A_2361], %select_n3A_2359 {strides = array<i32>} : memref<128x128xf32, #tpu.memory_space<vmem>>, vector<1x128xf32>,
    %get3A_2363 = arith.constant 0 : index
    %get3A_2364 = arith.constant 2485 : index
    %get3A_2365 = vector.load %arg0[%get3A_2363, %get3A_2364] : memref<1x8384xf32, #tpu.memory_space<vmem>>, vector<1x128xf32>
    %get3A_2366 = vector.shape_cast %get3A_2365 : vector<1x128xf32> to vector<128xf32>
    %reshape3A_2367 = vector.shape_cast %get3A_2366 : vector<128xf32> to vector<1x128xf32>
    %lt3A_2368 = arith.constant 70 : i32
    %lt3A_2369 = vector.broadcast %lt3A_2368 : i32 to vector<1x128xi32>
    %lt3A_2370 = arith.cmpi slt, %iota3A, %lt3A_2369 : vector<1x128xi32>
    %eq3A_2371 = arith.constant 70 : i32
    %eq3A_2372 = vector.broadcast %eq3A_2371 : i32 to vector<1x128xi32>
    %eq3A_2373 = arith.cmpi eq, %iota3A, %eq3A_2372 : vector<1x128xi32>
    %custom_jvp_call3A_2374 = arith.constant 0.000000e+00 : f32
    %max3A_2375 = vector.broadcast %custom_jvp_call3A_2374 : f32 to vector<1x128xf32>
    %max3A_2376 = arith.maximumf %reshape3A_2367, %max3A_2375 : vector<1x128xf32>
    %sub3A_2377 = vector.broadcast %custom_jvp_call3A_2374 : f32 to vector<1x128xf32>
    %sub3A_2378 = arith.subf %reshape3A_2367, %sub3A_2377 : vector<1x128xf32>
    %ne3A_2379 = arith.cmpf one, %sub3A_2378, %sub3A_2378 : vector<1x128xf32>
    %add3A_2380 = vector.broadcast %custom_jvp_call3A_2374 : f32 to vector<1x128xf32>
    %add3A_2381 = arith.addf %reshape3A_2367, %add3A_2380 : vector<1x128xf32>
    %abs3A_2382 = math.absf %sub3A_2378 : vector<1x128xf32>
    %neg3A_2383 = arith.constant 0.000000e+00 : f32
    %neg3A_2384 = vector.broadcast %neg3A_2383 : f32 to vector<1x128xf32>
    %neg3A_2385 = arith.subf %neg3A_2384, %abs3A_2382 : vector<1x128xf32>
    %exp3A_2386 = math.exp %neg3A_2385 : vector<1x128xf32>
    %log1p3A_2387 = math.log1p %exp3A_2386 : vector<1x128xf32>
    %add3A_2388 = arith.addf %max3A_2376, %log1p3A_2387 : vector<1x128xf32>
    %select_n3A_2389 = arith.select %ne3A_2379, %add3A_2381, %add3A_2388 : vector<1x128xi1>, vector<1x128xf32>
    %jit3A_2390 = arith.constant 0.000000e+00 : f32
    %broadcast_in_dim3A_2391 = vector.broadcast %jit3A_2390 : f32 to vector<1x128xf32>
    %select_n3A_2392 = arith.select %eq3A_2373, %select_n3A_2389, %broadcast_in_dim3A_2391 : vector<1x128xi1>, vector<1x128xf32>
    %select_n3A_2393 = arith.select %lt3A_2370, %reshape3A_2367, %select_n3A_2392 : vector<1x128xi1>, vector<1x128xf32>
    %swap3A_2394 = arith.constant 70 : index
    %swap3A_2395 = arith.constant 0 : index
    %swap3A_2396 = vector.load %arg2[%swap3A_2394, %swap3A_2395] : memref<128x128xf32, #tpu.memory_space<vmem>>, vector<1x128xf32>
    tpu.vector_store %arg2[%swap3A_2394, %swap3A_2395], %select_n3A_2393 {strides = array<i32>} : memref<128x128xf32, #tpu.memory_space<vmem>>, vector<1x128xf32>,
    %get3A_2397 = arith.constant 0 : index
    %get3A_2398 = arith.constant 2556 : index
    %get3A_2399 = vector.load %arg0[%get3A_2397, %get3A_2398] : memref<1x8384xf32, #tpu.memory_space<vmem>>, vector<1x128xf32>
    %get3A_2400 = vector.shape_cast %get3A_2399 : vector<1x128xf32> to vector<128xf32>
    %reshape3A_2401 = vector.shape_cast %get3A_2400 : vector<128xf32> to vector<1x128xf32>
    %lt3A_2402 = arith.constant 71 : i32
    %lt3A_2403 = vector.broadcast %lt3A_2402 : i32 to vector<1x128xi32>
    %lt3A_2404 = arith.cmpi slt, %iota3A, %lt3A_2403 : vector<1x128xi32>
    %eq3A_2405 = arith.constant 71 : i32
    %eq3A_2406 = vector.broadcast %eq3A_2405 : i32 to vector<1x128xi32>
    %eq3A_2407 = arith.cmpi eq, %iota3A, %eq3A_2406 : vector<1x128xi32>
    %custom_jvp_call3A_2408 = arith.constant 0.000000e+00 : f32
    %max3A_2409 = vector.broadcast %custom_jvp_call3A_2408 : f32 to vector<1x128xf32>
    %max3A_2410 = arith.maximumf %reshape3A_2401, %max3A_2409 : vector<1x128xf32>
    %sub3A_2411 = vector.broadcast %custom_jvp_call3A_2408 : f32 to vector<1x128xf32>
    %sub3A_2412 = arith.subf %reshape3A_2401, %sub3A_2411 : vector<1x128xf32>
    %ne3A_2413 = arith.cmpf one, %sub3A_2412, %sub3A_2412 : vector<1x128xf32>
    %add3A_2414 = vector.broadcast %custom_jvp_call3A_2408 : f32 to vector<1x128xf32>
    %add3A_2415 = arith.addf %reshape3A_2401, %add3A_2414 : vector<1x128xf32>
    %abs3A_2416 = math.absf %sub3A_2412 : vector<1x128xf32>
    %neg3A_2417 = arith.constant 0.000000e+00 : f32
    %neg3A_2418 = vector.broadcast %neg3A_2417 : f32 to vector<1x128xf32>
    %neg3A_2419 = arith.subf %neg3A_2418, %abs3A_2416 : vector<1x128xf32>
    %exp3A_2420 = math.exp %neg3A_2419 : vector<1x128xf32>
    %log1p3A_2421 = math.log1p %exp3A_2420 : vector<1x128xf32>
    %add3A_2422 = arith.addf %max3A_2410, %log1p3A_2421 : vector<1x128xf32>
    %select_n3A_2423 = arith.select %ne3A_2413, %add3A_2415, %add3A_2422 : vector<1x128xi1>, vector<1x128xf32>
    %jit3A_2424 = arith.constant 0.000000e+00 : f32
    %broadcast_in_dim3A_2425 = vector.broadcast %jit3A_2424 : f32 to vector<1x128xf32>
    %select_n3A_2426 = arith.select %eq3A_2407, %select_n3A_2423, %broadcast_in_dim3A_2425 : vector<1x128xi1>, vector<1x128xf32>
    %select_n3A_2427 = arith.select %lt3A_2404, %reshape3A_2401, %select_n3A_2426 : vector<1x128xi1>, vector<1x128xf32>
    %swap3A_2428 = arith.constant 71 : index
    %swap3A_2429 = arith.constant 0 : index
    %swap3A_2430 = vector.load %arg2[%swap3A_2428, %swap3A_2429] : memref<128x128xf32, #tpu.memory_space<vmem>>, vector<1x128xf32>
    tpu.vector_store %arg2[%swap3A_2428, %swap3A_2429], %select_n3A_2427 {strides = array<i32>} : memref<128x128xf32, #tpu.memory_space<vmem>>, vector<1x128xf32>,
    %get3A_2431 = arith.constant 0 : index
    %get3A_2432 = arith.constant 2628 : index
    %get3A_2433 = vector.load %arg0[%get3A_2431, %get3A_2432] : memref<1x8384xf32, #tpu.memory_space<vmem>>, vector<1x128xf32>
    %get3A_2434 = vector.shape_cast %get3A_2433 : vector<1x128xf32> to vector<128xf32>
    %reshape3A_2435 = vector.shape_cast %get3A_2434 : vector<128xf32> to vector<1x128xf32>
    %lt3A_2436 = arith.constant 72 : i32
    %lt3A_2437 = vector.broadcast %lt3A_2436 : i32 to vector<1x128xi32>
    %lt3A_2438 = arith.cmpi slt, %iota3A, %lt3A_2437 : vector<1x128xi32>
    %eq3A_2439 = arith.constant 72 : i32
    %eq3A_2440 = vector.broadcast %eq3A_2439 : i32 to vector<1x128xi32>
    %eq3A_2441 = arith.cmpi eq, %iota3A, %eq3A_2440 : vector<1x128xi32>
    %custom_jvp_call3A_2442 = arith.constant 0.000000e+00 : f32
    %max3A_2443 = vector.broadcast %custom_jvp_call3A_2442 : f32 to vector<1x128xf32>
    %max3A_2444 = arith.maximumf %reshape3A_2435, %max3A_2443 : vector<1x128xf32>
    %sub3A_2445 = vector.broadcast %custom_jvp_call3A_2442 : f32 to vector<1x128xf32>
    %sub3A_2446 = arith.subf %reshape3A_2435, %sub3A_2445 : vector<1x128xf32>
    %ne3A_2447 = arith.cmpf one, %sub3A_2446, %sub3A_2446 : vector<1x128xf32>
    %add3A_2448 = vector.broadcast %custom_jvp_call3A_2442 : f32 to vector<1x128xf32>
    %add3A_2449 = arith.addf %reshape3A_2435, %add3A_2448 : vector<1x128xf32>
    %abs3A_2450 = math.absf %sub3A_2446 : vector<1x128xf32>
    %neg3A_2451 = arith.constant 0.000000e+00 : f32
    %neg3A_2452 = vector.broadcast %neg3A_2451 : f32 to vector<1x128xf32>
    %neg3A_2453 = arith.subf %neg3A_2452, %abs3A_2450 : vector<1x128xf32>
    %exp3A_2454 = math.exp %neg3A_2453 : vector<1x128xf32>
    %log1p3A_2455 = math.log1p %exp3A_2454 : vector<1x128xf32>
    %add3A_2456 = arith.addf %max3A_2444, %log1p3A_2455 : vector<1x128xf32>
    %select_n3A_2457 = arith.select %ne3A_2447, %add3A_2449, %add3A_2456 : vector<1x128xi1>, vector<1x128xf32>
    %jit3A_2458 = arith.constant 0.000000e+00 : f32
    %broadcast_in_dim3A_2459 = vector.broadcast %jit3A_2458 : f32 to vector<1x128xf32>
    %select_n3A_2460 = arith.select %eq3A_2441, %select_n3A_2457, %broadcast_in_dim3A_2459 : vector<1x128xi1>, vector<1x128xf32>
    %select_n3A_2461 = arith.select %lt3A_2438, %reshape3A_2435, %select_n3A_2460 : vector<1x128xi1>, vector<1x128xf32>
    %swap3A_2462 = arith.constant 72 : index
    %swap3A_2463 = arith.constant 0 : index
    %swap3A_2464 = vector.load %arg2[%swap3A_2462, %swap3A_2463] : memref<128x128xf32, #tpu.memory_space<vmem>>, vector<1x128xf32>
    tpu.vector_store %arg2[%swap3A_2462, %swap3A_2463], %select_n3A_2461 {strides = array<i32>} : memref<128x128xf32, #tpu.memory_space<vmem>>, vector<1x128xf32>,
    %get3A_2465 = arith.constant 0 : index
    %get3A_2466 = arith.constant 2701 : index
    %get3A_2467 = vector.load %arg0[%get3A_2465, %get3A_2466] : memref<1x8384xf32, #tpu.memory_space<vmem>>, vector<1x128xf32>
    %get3A_2468 = vector.shape_cast %get3A_2467 : vector<1x128xf32> to vector<128xf32>
    %reshape3A_2469 = vector.shape_cast %get3A_2468 : vector<128xf32> to vector<1x128xf32>
    %lt3A_2470 = arith.constant 73 : i32
    %lt3A_2471 = vector.broadcast %lt3A_2470 : i32 to vector<1x128xi32>
    %lt3A_2472 = arith.cmpi slt, %iota3A, %lt3A_2471 : vector<1x128xi32>
    %eq3A_2473 = arith.constant 73 : i32
    %eq3A_2474 = vector.broadcast %eq3A_2473 : i32 to vector<1x128xi32>
    %eq3A_2475 = arith.cmpi eq, %iota3A, %eq3A_2474 : vector<1x128xi32>
    %custom_jvp_call3A_2476 = arith.constant 0.000000e+00 : f32
    %max3A_2477 = vector.broadcast %custom_jvp_call3A_2476 : f32 to vector<1x128xf32>
    %max3A_2478 = arith.maximumf %reshape3A_2469, %max3A_2477 : vector<1x128xf32>
    %sub3A_2479 = vector.broadcast %custom_jvp_call3A_2476 : f32 to vector<1x128xf32>
    %sub3A_2480 = arith.subf %reshape3A_2469, %sub3A_2479 : vector<1x128xf32>
    %ne3A_2481 = arith.cmpf one, %sub3A_2480, %sub3A_2480 : vector<1x128xf32>
    %add3A_2482 = vector.broadcast %custom_jvp_call3A_2476 : f32 to vector<1x128xf32>
    %add3A_2483 = arith.addf %reshape3A_2469, %add3A_2482 : vector<1x128xf32>
    %abs3A_2484 = math.absf %sub3A_2480 : vector<1x128xf32>
    %neg3A_2485 = arith.constant 0.000000e+00 : f32
    %neg3A_2486 = vector.broadcast %neg3A_2485 : f32 to vector<1x128xf32>
    %neg3A_2487 = arith.subf %neg3A_2486, %abs3A_2484 : vector<1x128xf32>
    %exp3A_2488 = math.exp %neg3A_2487 : vector<1x128xf32>
    %log1p3A_2489 = math.log1p %exp3A_2488 : vector<1x128xf32>
    %add3A_2490 = arith.addf %max3A_2478, %log1p3A_2489 : vector<1x128xf32>
    %select_n3A_2491 = arith.select %ne3A_2481, %add3A_2483, %add3A_2490 : vector<1x128xi1>, vector<1x128xf32>
    %jit3A_2492 = arith.constant 0.000000e+00 : f32
    %broadcast_in_dim3A_2493 = vector.broadcast %jit3A_2492 : f32 to vector<1x128xf32>
    %select_n3A_2494 = arith.select %eq3A_2475, %select_n3A_2491, %broadcast_in_dim3A_2493 : vector<1x128xi1>, vector<1x128xf32>
    %select_n3A_2495 = arith.select %lt3A_2472, %reshape3A_2469, %select_n3A_2494 : vector<1x128xi1>, vector<1x128xf32>
    %swap3A_2496 = arith.constant 73 : index
    %swap3A_2497 = arith.constant 0 : index
    %swap3A_2498 = vector.load %arg2[%swap3A_2496, %swap3A_2497] : memref<128x128xf32, #tpu.memory_space<vmem>>, vector<1x128xf32>
    tpu.vector_store %arg2[%swap3A_2496, %swap3A_2497], %select_n3A_2495 {strides = array<i32>} : memref<128x128xf32, #tpu.memory_space<vmem>>, vector<1x128xf32>,
    %get3A_2499 = arith.constant 0 : index
    %get3A_2500 = arith.constant 2775 : index
    %get3A_2501 = vector.load %arg0[%get3A_2499, %get3A_2500] : memref<1x8384xf32, #tpu.memory_space<vmem>>, vector<1x128xf32>
    %get3A_2502 = vector.shape_cast %get3A_2501 : vector<1x128xf32> to vector<128xf32>
    %reshape3A_2503 = vector.shape_cast %get3A_2502 : vector<128xf32> to vector<1x128xf32>
    %lt3A_2504 = arith.constant 74 : i32
    %lt3A_2505 = vector.broadcast %lt3A_2504 : i32 to vector<1x128xi32>
    %lt3A_2506 = arith.cmpi slt, %iota3A, %lt3A_2505 : vector<1x128xi32>
    %eq3A_2507 = arith.constant 74 : i32
    %eq3A_2508 = vector.broadcast %eq3A_2507 : i32 to vector<1x128xi32>
    %eq3A_2509 = arith.cmpi eq, %iota3A, %eq3A_2508 : vector<1x128xi32>
    %custom_jvp_call3A_2510 = arith.constant 0.000000e+00 : f32
    %max3A_2511 = vector.broadcast %custom_jvp_call3A_2510 : f32 to vector<1x128xf32>
    %max3A_2512 = arith.maximumf %reshape3A_2503, %max3A_2511 : vector<1x128xf32>
    %sub3A_2513 = vector.broadcast %custom_jvp_call3A_2510 : f32 to vector<1x128xf32>
    %sub3A_2514 = arith.subf %reshape3A_2503, %sub3A_2513 : vector<1x128xf32>
    %ne3A_2515 = arith.cmpf one, %sub3A_2514, %sub3A_2514 : vector<1x128xf32>
    %add3A_2516 = vector.broadcast %custom_jvp_call3A_2510 : f32 to vector<1x128xf32>
    %add3A_2517 = arith.addf %reshape3A_2503, %add3A_2516 : vector<1x128xf32>
    %abs3A_2518 = math.absf %sub3A_2514 : vector<1x128xf32>
    %neg3A_2519 = arith.constant 0.000000e+00 : f32
    %neg3A_2520 = vector.broadcast %neg3A_2519 : f32 to vector<1x128xf32>
    %neg3A_2521 = arith.subf %neg3A_2520, %abs3A_2518 : vector<1x128xf32>
    %exp3A_2522 = math.exp %neg3A_2521 : vector<1x128xf32>
    %log1p3A_2523 = math.log1p %exp3A_2522 : vector<1x128xf32>
    %add3A_2524 = arith.addf %max3A_2512, %log1p3A_2523 : vector<1x128xf32>
    %select_n3A_2525 = arith.select %ne3A_2515, %add3A_2517, %add3A_2524 : vector<1x128xi1>, vector<1x128xf32>
    %jit3A_2526 = arith.constant 0.000000e+00 : f32
    %broadcast_in_dim3A_2527 = vector.broadcast %jit3A_2526 : f32 to vector<1x128xf32>
    %select_n3A_2528 = arith.select %eq3A_2509, %select_n3A_2525, %broadcast_in_dim3A_2527 : vector<1x128xi1>, vector<1x128xf32>
    %select_n3A_2529 = arith.select %lt3A_2506, %reshape3A_2503, %select_n3A_2528 : vector<1x128xi1>, vector<1x128xf32>
    %swap3A_2530 = arith.constant 74 : index
    %swap3A_2531 = arith.constant 0 : index
    %swap3A_2532 = vector.load %arg2[%swap3A_2530, %swap3A_2531] : memref<128x128xf32, #tpu.memory_space<vmem>>, vector<1x128xf32>
    tpu.vector_store %arg2[%swap3A_2530, %swap3A_2531], %select_n3A_2529 {strides = array<i32>} : memref<128x128xf32, #tpu.memory_space<vmem>>, vector<1x128xf32>,
    %get3A_2533 = arith.constant 0 : index
    %get3A_2534 = arith.constant 2850 : index
    %get3A_2535 = vector.load %arg0[%get3A_2533, %get3A_2534] : memref<1x8384xf32, #tpu.memory_space<vmem>>, vector<1x128xf32>
    %get3A_2536 = vector.shape_cast %get3A_2535 : vector<1x128xf32> to vector<128xf32>
    %reshape3A_2537 = vector.shape_cast %get3A_2536 : vector<128xf32> to vector<1x128xf32>
    %lt3A_2538 = arith.constant 75 : i32
    %lt3A_2539 = vector.broadcast %lt3A_2538 : i32 to vector<1x128xi32>
    %lt3A_2540 = arith.cmpi slt, %iota3A, %lt3A_2539 : vector<1x128xi32>
    %eq3A_2541 = arith.constant 75 : i32
    %eq3A_2542 = vector.broadcast %eq3A_2541 : i32 to vector<1x128xi32>
    %eq3A_2543 = arith.cmpi eq, %iota3A, %eq3A_2542 : vector<1x128xi32>
    %custom_jvp_call3A_2544 = arith.constant 0.000000e+00 : f32
    %max3A_2545 = vector.broadcast %custom_jvp_call3A_2544 : f32 to vector<1x128xf32>
    %max3A_2546 = arith.maximumf %reshape3A_2537, %max3A_2545 : vector<1x128xf32>
    %sub3A_2547 = vector.broadcast %custom_jvp_call3A_2544 : f32 to vector<1x128xf32>
    %sub3A_2548 = arith.subf %reshape3A_2537, %sub3A_2547 : vector<1x128xf32>
    %ne3A_2549 = arith.cmpf one, %sub3A_2548, %sub3A_2548 : vector<1x128xf32>
    %add3A_2550 = vector.broadcast %custom_jvp_call3A_2544 : f32 to vector<1x128xf32>
    %add3A_2551 = arith.addf %reshape3A_2537, %add3A_2550 : vector<1x128xf32>
    %abs3A_2552 = math.absf %sub3A_2548 : vector<1x128xf32>
    %neg3A_2553 = arith.constant 0.000000e+00 : f32
    %neg3A_2554 = vector.broadcast %neg3A_2553 : f32 to vector<1x128xf32>
    %neg3A_2555 = arith.subf %neg3A_2554, %abs3A_2552 : vector<1x128xf32>
    %exp3A_2556 = math.exp %neg3A_2555 : vector<1x128xf32>
    %log1p3A_2557 = math.log1p %exp3A_2556 : vector<1x128xf32>
    %add3A_2558 = arith.addf %max3A_2546, %log1p3A_2557 : vector<1x128xf32>
    %select_n3A_2559 = arith.select %ne3A_2549, %add3A_2551, %add3A_2558 : vector<1x128xi1>, vector<1x128xf32>
    %jit3A_2560 = arith.constant 0.000000e+00 : f32
    %broadcast_in_dim3A_2561 = vector.broadcast %jit3A_2560 : f32 to vector<1x128xf32>
    %select_n3A_2562 = arith.select %eq3A_2543, %select_n3A_2559, %broadcast_in_dim3A_2561 : vector<1x128xi1>, vector<1x128xf32>
    %select_n3A_2563 = arith.select %lt3A_2540, %reshape3A_2537, %select_n3A_2562 : vector<1x128xi1>, vector<1x128xf32>
    %swap3A_2564 = arith.constant 75 : index
    %swap3A_2565 = arith.constant 0 : index
    %swap3A_2566 = vector.load %arg2[%swap3A_2564, %swap3A_2565] : memref<128x128xf32, #tpu.memory_space<vmem>>, vector<1x128xf32>
    tpu.vector_store %arg2[%swap3A_2564, %swap3A_2565], %select_n3A_2563 {strides = array<i32>} : memref<128x128xf32, #tpu.memory_space<vmem>>, vector<1x128xf32>,
    %get3A_2567 = arith.constant 0 : index
    %get3A_2568 = arith.constant 2926 : index
    %get3A_2569 = vector.load %arg0[%get3A_2567, %get3A_2568] : memref<1x8384xf32, #tpu.memory_space<vmem>>, vector<1x128xf32>
    %get3A_2570 = vector.shape_cast %get3A_2569 : vector<1x128xf32> to vector<128xf32>
    %reshape3A_2571 = vector.shape_cast %get3A_2570 : vector<128xf32> to vector<1x128xf32>
    %lt3A_2572 = arith.constant 76 : i32
    %lt3A_2573 = vector.broadcast %lt3A_2572 : i32 to vector<1x128xi32>
    %lt3A_2574 = arith.cmpi slt, %iota3A, %lt3A_2573 : vector<1x128xi32>
    %eq3A_2575 = arith.constant 76 : i32
    %eq3A_2576 = vector.broadcast %eq3A_2575 : i32 to vector<1x128xi32>
    %eq3A_2577 = arith.cmpi eq, %iota3A, %eq3A_2576 : vector<1x128xi32>
    %custom_jvp_call3A_2578 = arith.constant 0.000000e+00 : f32
    %max3A_2579 = vector.broadcast %custom_jvp_call3A_2578 : f32 to vector<1x128xf32>
    %max3A_2580 = arith.maximumf %reshape3A_2571, %max3A_2579 : vector<1x128xf32>
    %sub3A_2581 = vector.broadcast %custom_jvp_call3A_2578 : f32 to vector<1x128xf32>
    %sub3A_2582 = arith.subf %reshape3A_2571, %sub3A_2581 : vector<1x128xf32>
    %ne3A_2583 = arith.cmpf one, %sub3A_2582, %sub3A_2582 : vector<1x128xf32>
    %add3A_2584 = vector.broadcast %custom_jvp_call3A_2578 : f32 to vector<1x128xf32>
    %add3A_2585 = arith.addf %reshape3A_2571, %add3A_2584 : vector<1x128xf32>
    %abs3A_2586 = math.absf %sub3A_2582 : vector<1x128xf32>
    %neg3A_2587 = arith.constant 0.000000e+00 : f32
    %neg3A_2588 = vector.broadcast %neg3A_2587 : f32 to vector<1x128xf32>
    %neg3A_2589 = arith.subf %neg3A_2588, %abs3A_2586 : vector<1x128xf32>
    %exp3A_2590 = math.exp %neg3A_2589 : vector<1x128xf32>
    %log1p3A_2591 = math.log1p %exp3A_2590 : vector<1x128xf32>
    %add3A_2592 = arith.addf %max3A_2580, %log1p3A_2591 : vector<1x128xf32>
    %select_n3A_2593 = arith.select %ne3A_2583, %add3A_2585, %add3A_2592 : vector<1x128xi1>, vector<1x128xf32>
    %jit3A_2594 = arith.constant 0.000000e+00 : f32
    %broadcast_in_dim3A_2595 = vector.broadcast %jit3A_2594 : f32 to vector<1x128xf32>
    %select_n3A_2596 = arith.select %eq3A_2577, %select_n3A_2593, %broadcast_in_dim3A_2595 : vector<1x128xi1>, vector<1x128xf32>
    %select_n3A_2597 = arith.select %lt3A_2574, %reshape3A_2571, %select_n3A_2596 : vector<1x128xi1>, vector<1x128xf32>
    %swap3A_2598 = arith.constant 76 : index
    %swap3A_2599 = arith.constant 0 : index
    %swap3A_2600 = vector.load %arg2[%swap3A_2598, %swap3A_2599] : memref<128x128xf32, #tpu.memory_space<vmem>>, vector<1x128xf32>
    tpu.vector_store %arg2[%swap3A_2598, %swap3A_2599], %select_n3A_2597 {strides = array<i32>} : memref<128x128xf32, #tpu.memory_space<vmem>>, vector<1x128xf32>,
    %get3A_2601 = arith.constant 0 : index
    %get3A_2602 = arith.constant 3003 : index
    %get3A_2603 = vector.load %arg0[%get3A_2601, %get3A_2602] : memref<1x8384xf32, #tpu.memory_space<vmem>>, vector<1x128xf32>
    %get3A_2604 = vector.shape_cast %get3A_2603 : vector<1x128xf32> to vector<128xf32>
    %reshape3A_2605 = vector.shape_cast %get3A_2604 : vector<128xf32> to vector<1x128xf32>
    %lt3A_2606 = arith.constant 77 : i32
    %lt3A_2607 = vector.broadcast %lt3A_2606 : i32 to vector<1x128xi32>
    %lt3A_2608 = arith.cmpi slt, %iota3A, %lt3A_2607 : vector<1x128xi32>
    %eq3A_2609 = arith.constant 77 : i32
    %eq3A_2610 = vector.broadcast %eq3A_2609 : i32 to vector<1x128xi32>
    %eq3A_2611 = arith.cmpi eq, %iota3A, %eq3A_2610 : vector<1x128xi32>
    %custom_jvp_call3A_2612 = arith.constant 0.000000e+00 : f32
    %max3A_2613 = vector.broadcast %custom_jvp_call3A_2612 : f32 to vector<1x128xf32>
    %max3A_2614 = arith.maximumf %reshape3A_2605, %max3A_2613 : vector<1x128xf32>
    %sub3A_2615 = vector.broadcast %custom_jvp_call3A_2612 : f32 to vector<1x128xf32>
    %sub3A_2616 = arith.subf %reshape3A_2605, %sub3A_2615 : vector<1x128xf32>
    %ne3A_2617 = arith.cmpf one, %sub3A_2616, %sub3A_2616 : vector<1x128xf32>
    %add3A_2618 = vector.broadcast %custom_jvp_call3A_2612 : f32 to vector<1x128xf32>
    %add3A_2619 = arith.addf %reshape3A_2605, %add3A_2618 : vector<1x128xf32>
    %abs3A_2620 = math.absf %sub3A_2616 : vector<1x128xf32>
    %neg3A_2621 = arith.constant 0.000000e+00 : f32
    %neg3A_2622 = vector.broadcast %neg3A_2621 : f32 to vector<1x128xf32>
    %neg3A_2623 = arith.subf %neg3A_2622, %abs3A_2620 : vector<1x128xf32>
    %exp3A_2624 = math.exp %neg3A_2623 : vector<1x128xf32>
    %log1p3A_2625 = math.log1p %exp3A_2624 : vector<1x128xf32>
    %add3A_2626 = arith.addf %max3A_2614, %log1p3A_2625 : vector<1x128xf32>
    %select_n3A_2627 = arith.select %ne3A_2617, %add3A_2619, %add3A_2626 : vector<1x128xi1>, vector<1x128xf32>
    %jit3A_2628 = arith.constant 0.000000e+00 : f32
    %broadcast_in_dim3A_2629 = vector.broadcast %jit3A_2628 : f32 to vector<1x128xf32>
    %select_n3A_2630 = arith.select %eq3A_2611, %select_n3A_2627, %broadcast_in_dim3A_2629 : vector<1x128xi1>, vector<1x128xf32>
    %select_n3A_2631 = arith.select %lt3A_2608, %reshape3A_2605, %select_n3A_2630 : vector<1x128xi1>, vector<1x128xf32>
    %swap3A_2632 = arith.constant 77 : index
    %swap3A_2633 = arith.constant 0 : index
    %swap3A_2634 = vector.load %arg2[%swap3A_2632, %swap3A_2633] : memref<128x128xf32, #tpu.memory_space<vmem>>, vector<1x128xf32>
    tpu.vector_store %arg2[%swap3A_2632, %swap3A_2633], %select_n3A_2631 {strides = array<i32>} : memref<128x128xf32, #tpu.memory_space<vmem>>, vector<1x128xf32>,
    %get3A_2635 = arith.constant 0 : index
    %get3A_2636 = arith.constant 3081 : index
    %get3A_2637 = vector.load %arg0[%get3A_2635, %get3A_2636] : memref<1x8384xf32, #tpu.memory_space<vmem>>, vector<1x128xf32>
    %get3A_2638 = vector.shape_cast %get3A_2637 : vector<1x128xf32> to vector<128xf32>
    %reshape3A_2639 = vector.shape_cast %get3A_2638 : vector<128xf32> to vector<1x128xf32>
    %lt3A_2640 = arith.constant 78 : i32
    %lt3A_2641 = vector.broadcast %lt3A_2640 : i32 to vector<1x128xi32>
    %lt3A_2642 = arith.cmpi slt, %iota3A, %lt3A_2641 : vector<1x128xi32>
    %eq3A_2643 = arith.constant 78 : i32
    %eq3A_2644 = vector.broadcast %eq3A_2643 : i32 to vector<1x128xi32>
    %eq3A_2645 = arith.cmpi eq, %iota3A, %eq3A_2644 : vector<1x128xi32>
    %custom_jvp_call3A_2646 = arith.constant 0.000000e+00 : f32
    %max3A_2647 = vector.broadcast %custom_jvp_call3A_2646 : f32 to vector<1x128xf32>
    %max3A_2648 = arith.maximumf %reshape3A_2639, %max3A_2647 : vector<1x128xf32>
    %sub3A_2649 = vector.broadcast %custom_jvp_call3A_2646 : f32 to vector<1x128xf32>
    %sub3A_2650 = arith.subf %reshape3A_2639, %sub3A_2649 : vector<1x128xf32>
    %ne3A_2651 = arith.cmpf one, %sub3A_2650, %sub3A_2650 : vector<1x128xf32>
    %add3A_2652 = vector.broadcast %custom_jvp_call3A_2646 : f32 to vector<1x128xf32>
    %add3A_2653 = arith.addf %reshape3A_2639, %add3A_2652 : vector<1x128xf32>
    %abs3A_2654 = math.absf %sub3A_2650 : vector<1x128xf32>
    %neg3A_2655 = arith.constant 0.000000e+00 : f32
    %neg3A_2656 = vector.broadcast %neg3A_2655 : f32 to vector<1x128xf32>
    %neg3A_2657 = arith.subf %neg3A_2656, %abs3A_2654 : vector<1x128xf32>
    %exp3A_2658 = math.exp %neg3A_2657 : vector<1x128xf32>
    %log1p3A_2659 = math.log1p %exp3A_2658 : vector<1x128xf32>
    %add3A_2660 = arith.addf %max3A_2648, %log1p3A_2659 : vector<1x128xf32>
    %select_n3A_2661 = arith.select %ne3A_2651, %add3A_2653, %add3A_2660 : vector<1x128xi1>, vector<1x128xf32>
    %jit3A_2662 = arith.constant 0.000000e+00 : f32
    %broadcast_in_dim3A_2663 = vector.broadcast %jit3A_2662 : f32 to vector<1x128xf32>
    %select_n3A_2664 = arith.select %eq3A_2645, %select_n3A_2661, %broadcast_in_dim3A_2663 : vector<1x128xi1>, vector<1x128xf32>
    %select_n3A_2665 = arith.select %lt3A_2642, %reshape3A_2639, %select_n3A_2664 : vector<1x128xi1>, vector<1x128xf32>
    %swap3A_2666 = arith.constant 78 : index
    %swap3A_2667 = arith.constant 0 : index
    %swap3A_2668 = vector.load %arg2[%swap3A_2666, %swap3A_2667] : memref<128x128xf32, #tpu.memory_space<vmem>>, vector<1x128xf32>
    tpu.vector_store %arg2[%swap3A_2666, %swap3A_2667], %select_n3A_2665 {strides = array<i32>} : memref<128x128xf32, #tpu.memory_space<vmem>>, vector<1x128xf32>,
    %get3A_2669 = arith.constant 0 : index
    %get3A_2670 = arith.constant 3160 : index
    %get3A_2671 = vector.load %arg0[%get3A_2669, %get3A_2670] : memref<1x8384xf32, #tpu.memory_space<vmem>>, vector<1x128xf32>
    %get3A_2672 = vector.shape_cast %get3A_2671 : vector<1x128xf32> to vector<128xf32>
    %reshape3A_2673 = vector.shape_cast %get3A_2672 : vector<128xf32> to vector<1x128xf32>
    %lt3A_2674 = arith.constant 79 : i32
    %lt3A_2675 = vector.broadcast %lt3A_2674 : i32 to vector<1x128xi32>
    %lt3A_2676 = arith.cmpi slt, %iota3A, %lt3A_2675 : vector<1x128xi32>
    %eq3A_2677 = arith.constant 79 : i32
    %eq3A_2678 = vector.broadcast %eq3A_2677 : i32 to vector<1x128xi32>
    %eq3A_2679 = arith.cmpi eq, %iota3A, %eq3A_2678 : vector<1x128xi32>
    %custom_jvp_call3A_2680 = arith.constant 0.000000e+00 : f32
    %max3A_2681 = vector.broadcast %custom_jvp_call3A_2680 : f32 to vector<1x128xf32>
    %max3A_2682 = arith.maximumf %reshape3A_2673, %max3A_2681 : vector<1x128xf32>
    %sub3A_2683 = vector.broadcast %custom_jvp_call3A_2680 : f32 to vector<1x128xf32>
    %sub3A_2684 = arith.subf %reshape3A_2673, %sub3A_2683 : vector<1x128xf32>
    %ne3A_2685 = arith.cmpf one, %sub3A_2684, %sub3A_2684 : vector<1x128xf32>
    %add3A_2686 = vector.broadcast %custom_jvp_call3A_2680 : f32 to vector<1x128xf32>
    %add3A_2687 = arith.addf %reshape3A_2673, %add3A_2686 : vector<1x128xf32>
    %abs3A_2688 = math.absf %sub3A_2684 : vector<1x128xf32>
    %neg3A_2689 = arith.constant 0.000000e+00 : f32
    %neg3A_2690 = vector.broadcast %neg3A_2689 : f32 to vector<1x128xf32>
    %neg3A_2691 = arith.subf %neg3A_2690, %abs3A_2688 : vector<1x128xf32>
    %exp3A_2692 = math.exp %neg3A_2691 : vector<1x128xf32>
    %log1p3A_2693 = math.log1p %exp3A_2692 : vector<1x128xf32>
    %add3A_2694 = arith.addf %max3A_2682, %log1p3A_2693 : vector<1x128xf32>
    %select_n3A_2695 = arith.select %ne3A_2685, %add3A_2687, %add3A_2694 : vector<1x128xi1>, vector<1x128xf32>
    %jit3A_2696 = arith.constant 0.000000e+00 : f32
    %broadcast_in_dim3A_2697 = vector.broadcast %jit3A_2696 : f32 to vector<1x128xf32>
    %select_n3A_2698 = arith.select %eq3A_2679, %select_n3A_2695, %broadcast_in_dim3A_2697 : vector<1x128xi1>, vector<1x128xf32>
    %select_n3A_2699 = arith.select %lt3A_2676, %reshape3A_2673, %select_n3A_2698 : vector<1x128xi1>, vector<1x128xf32>
    %swap3A_2700 = arith.constant 79 : index
    %swap3A_2701 = arith.constant 0 : index
    %swap3A_2702 = vector.load %arg2[%swap3A_2700, %swap3A_2701] : memref<128x128xf32, #tpu.memory_space<vmem>>, vector<1x128xf32>
    tpu.vector_store %arg2[%swap3A_2700, %swap3A_2701], %select_n3A_2699 {strides = array<i32>} : memref<128x128xf32, #tpu.memory_space<vmem>>, vector<1x128xf32>,
    %get3A_2703 = arith.constant 0 : index
    %get3A_2704 = arith.constant 3240 : index
    %get3A_2705 = vector.load %arg0[%get3A_2703, %get3A_2704] : memref<1x8384xf32, #tpu.memory_space<vmem>>, vector<1x128xf32>
    %get3A_2706 = vector.shape_cast %get3A_2705 : vector<1x128xf32> to vector<128xf32>
    %reshape3A_2707 = vector.shape_cast %get3A_2706 : vector<128xf32> to vector<1x128xf32>
    %lt3A_2708 = arith.constant 80 : i32
    %lt3A_2709 = vector.broadcast %lt3A_2708 : i32 to vector<1x128xi32>
    %lt3A_2710 = arith.cmpi slt, %iota3A, %lt3A_2709 : vector<1x128xi32>
    %eq3A_2711 = arith.constant 80 : i32
    %eq3A_2712 = vector.broadcast %eq3A_2711 : i32 to vector<1x128xi32>
    %eq3A_2713 = arith.cmpi eq, %iota3A, %eq3A_2712 : vector<1x128xi32>
    %custom_jvp_call3A_2714 = arith.constant 0.000000e+00 : f32
    %max3A_2715 = vector.broadcast %custom_jvp_call3A_2714 : f32 to vector<1x128xf32>
    %max3A_2716 = arith.maximumf %reshape3A_2707, %max3A_2715 : vector<1x128xf32>
    %sub3A_2717 = vector.broadcast %custom_jvp_call3A_2714 : f32 to vector<1x128xf32>
    %sub3A_2718 = arith.subf %reshape3A_2707, %sub3A_2717 : vector<1x128xf32>
    %ne3A_2719 = arith.cmpf one, %sub3A_2718, %sub3A_2718 : vector<1x128xf32>
    %add3A_2720 = vector.broadcast %custom_jvp_call3A_2714 : f32 to vector<1x128xf32>
    %add3A_2721 = arith.addf %reshape3A_2707, %add3A_2720 : vector<1x128xf32>
    %abs3A_2722 = math.absf %sub3A_2718 : vector<1x128xf32>
    %neg3A_2723 = arith.constant 0.000000e+00 : f32
    %neg3A_2724 = vector.broadcast %neg3A_2723 : f32 to vector<1x128xf32>
    %neg3A_2725 = arith.subf %neg3A_2724, %abs3A_2722 : vector<1x128xf32>
    %exp3A_2726 = math.exp %neg3A_2725 : vector<1x128xf32>
    %log1p3A_2727 = math.log1p %exp3A_2726 : vector<1x128xf32>
    %add3A_2728 = arith.addf %max3A_2716, %log1p3A_2727 : vector<1x128xf32>
    %select_n3A_2729 = arith.select %ne3A_2719, %add3A_2721, %add3A_2728 : vector<1x128xi1>, vector<1x128xf32>
    %jit3A_2730 = arith.constant 0.000000e+00 : f32
    %broadcast_in_dim3A_2731 = vector.broadcast %jit3A_2730 : f32 to vector<1x128xf32>
    %select_n3A_2732 = arith.select %eq3A_2713, %select_n3A_2729, %broadcast_in_dim3A_2731 : vector<1x128xi1>, vector<1x128xf32>
    %select_n3A_2733 = arith.select %lt3A_2710, %reshape3A_2707, %select_n3A_2732 : vector<1x128xi1>, vector<1x128xf32>
    %swap3A_2734 = arith.constant 80 : index
    %swap3A_2735 = arith.constant 0 : index
    %swap3A_2736 = vector.load %arg2[%swap3A_2734, %swap3A_2735] : memref<128x128xf32, #tpu.memory_space<vmem>>, vector<1x128xf32>
    tpu.vector_store %arg2[%swap3A_2734, %swap3A_2735], %select_n3A_2733 {strides = array<i32>} : memref<128x128xf32, #tpu.memory_space<vmem>>, vector<1x128xf32>,
    %get3A_2737 = arith.constant 0 : index
    %get3A_2738 = arith.constant 3321 : index
    %get3A_2739 = vector.load %arg0[%get3A_2737, %get3A_2738] : memref<1x8384xf32, #tpu.memory_space<vmem>>, vector<1x128xf32>
    %get3A_2740 = vector.shape_cast %get3A_2739 : vector<1x128xf32> to vector<128xf32>
    %reshape3A_2741 = vector.shape_cast %get3A_2740 : vector<128xf32> to vector<1x128xf32>
    %lt3A_2742 = arith.constant 81 : i32
    %lt3A_2743 = vector.broadcast %lt3A_2742 : i32 to vector<1x128xi32>
    %lt3A_2744 = arith.cmpi slt, %iota3A, %lt3A_2743 : vector<1x128xi32>
    %eq3A_2745 = arith.constant 81 : i32
    %eq3A_2746 = vector.broadcast %eq3A_2745 : i32 to vector<1x128xi32>
    %eq3A_2747 = arith.cmpi eq, %iota3A, %eq3A_2746 : vector<1x128xi32>
    %custom_jvp_call3A_2748 = arith.constant 0.000000e+00 : f32
    %max3A_2749 = vector.broadcast %custom_jvp_call3A_2748 : f32 to vector<1x128xf32>
    %max3A_2750 = arith.maximumf %reshape3A_2741, %max3A_2749 : vector<1x128xf32>
    %sub3A_2751 = vector.broadcast %custom_jvp_call3A_2748 : f32 to vector<1x128xf32>
    %sub3A_2752 = arith.subf %reshape3A_2741, %sub3A_2751 : vector<1x128xf32>
    %ne3A_2753 = arith.cmpf one, %sub3A_2752, %sub3A_2752 : vector<1x128xf32>
    %add3A_2754 = vector.broadcast %custom_jvp_call3A_2748 : f32 to vector<1x128xf32>
    %add3A_2755 = arith.addf %reshape3A_2741, %add3A_2754 : vector<1x128xf32>
    %abs3A_2756 = math.absf %sub3A_2752 : vector<1x128xf32>
    %neg3A_2757 = arith.constant 0.000000e+00 : f32
    %neg3A_2758 = vector.broadcast %neg3A_2757 : f32 to vector<1x128xf32>
    %neg3A_2759 = arith.subf %neg3A_2758, %abs3A_2756 : vector<1x128xf32>
    %exp3A_2760 = math.exp %neg3A_2759 : vector<1x128xf32>
    %log1p3A_2761 = math.log1p %exp3A_2760 : vector<1x128xf32>
    %add3A_2762 = arith.addf %max3A_2750, %log1p3A_2761 : vector<1x128xf32>
    %select_n3A_2763 = arith.select %ne3A_2753, %add3A_2755, %add3A_2762 : vector<1x128xi1>, vector<1x128xf32>
    %jit3A_2764 = arith.constant 0.000000e+00 : f32
    %broadcast_in_dim3A_2765 = vector.broadcast %jit3A_2764 : f32 to vector<1x128xf32>
    %select_n3A_2766 = arith.select %eq3A_2747, %select_n3A_2763, %broadcast_in_dim3A_2765 : vector<1x128xi1>, vector<1x128xf32>
    %select_n3A_2767 = arith.select %lt3A_2744, %reshape3A_2741, %select_n3A_2766 : vector<1x128xi1>, vector<1x128xf32>
    %swap3A_2768 = arith.constant 81 : index
    %swap3A_2769 = arith.constant 0 : index
    %swap3A_2770 = vector.load %arg2[%swap3A_2768, %swap3A_2769] : memref<128x128xf32, #tpu.memory_space<vmem>>, vector<1x128xf32>
    tpu.vector_store %arg2[%swap3A_2768, %swap3A_2769], %select_n3A_2767 {strides = array<i32>} : memref<128x128xf32, #tpu.memory_space<vmem>>, vector<1x128xf32>,
    %get3A_2771 = arith.constant 0 : index
    %get3A_2772 = arith.constant 3403 : index
    %get3A_2773 = vector.load %arg0[%get3A_2771, %get3A_2772] : memref<1x8384xf32, #tpu.memory_space<vmem>>, vector<1x128xf32>
    %get3A_2774 = vector.shape_cast %get3A_2773 : vector<1x128xf32> to vector<128xf32>
    %reshape3A_2775 = vector.shape_cast %get3A_2774 : vector<128xf32> to vector<1x128xf32>
    %lt3A_2776 = arith.constant 82 : i32
    %lt3A_2777 = vector.broadcast %lt3A_2776 : i32 to vector<1x128xi32>
    %lt3A_2778 = arith.cmpi slt, %iota3A, %lt3A_2777 : vector<1x128xi32>
    %eq3A_2779 = arith.constant 82 : i32
    %eq3A_2780 = vector.broadcast %eq3A_2779 : i32 to vector<1x128xi32>
    %eq3A_2781 = arith.cmpi eq, %iota3A, %eq3A_2780 : vector<1x128xi32>
    %custom_jvp_call3A_2782 = arith.constant 0.000000e+00 : f32
    %max3A_2783 = vector.broadcast %custom_jvp_call3A_2782 : f32 to vector<1x128xf32>
    %max3A_2784 = arith.maximumf %reshape3A_2775, %max3A_2783 : vector<1x128xf32>
    %sub3A_2785 = vector.broadcast %custom_jvp_call3A_2782 : f32 to vector<1x128xf32>
    %sub3A_2786 = arith.subf %reshape3A_2775, %sub3A_2785 : vector<1x128xf32>
    %ne3A_2787 = arith.cmpf one, %sub3A_2786, %sub3A_2786 : vector<1x128xf32>
    %add3A_2788 = vector.broadcast %custom_jvp_call3A_2782 : f32 to vector<1x128xf32>
    %add3A_2789 = arith.addf %reshape3A_2775, %add3A_2788 : vector<1x128xf32>
    %abs3A_2790 = math.absf %sub3A_2786 : vector<1x128xf32>
    %neg3A_2791 = arith.constant 0.000000e+00 : f32
    %neg3A_2792 = vector.broadcast %neg3A_2791 : f32 to vector<1x128xf32>
    %neg3A_2793 = arith.subf %neg3A_2792, %abs3A_2790 : vector<1x128xf32>
    %exp3A_2794 = math.exp %neg3A_2793 : vector<1x128xf32>
    %log1p3A_2795 = math.log1p %exp3A_2794 : vector<1x128xf32>
    %add3A_2796 = arith.addf %max3A_2784, %log1p3A_2795 : vector<1x128xf32>
    %select_n3A_2797 = arith.select %ne3A_2787, %add3A_2789, %add3A_2796 : vector<1x128xi1>, vector<1x128xf32>
    %jit3A_2798 = arith.constant 0.000000e+00 : f32
    %broadcast_in_dim3A_2799 = vector.broadcast %jit3A_2798 : f32 to vector<1x128xf32>
    %select_n3A_2800 = arith.select %eq3A_2781, %select_n3A_2797, %broadcast_in_dim3A_2799 : vector<1x128xi1>, vector<1x128xf32>
    %select_n3A_2801 = arith.select %lt3A_2778, %reshape3A_2775, %select_n3A_2800 : vector<1x128xi1>, vector<1x128xf32>
    %swap3A_2802 = arith.constant 82 : index
    %swap3A_2803 = arith.constant 0 : index
    %swap3A_2804 = vector.load %arg2[%swap3A_2802, %swap3A_2803] : memref<128x128xf32, #tpu.memory_space<vmem>>, vector<1x128xf32>
    tpu.vector_store %arg2[%swap3A_2802, %swap3A_2803], %select_n3A_2801 {strides = array<i32>} : memref<128x128xf32, #tpu.memory_space<vmem>>, vector<1x128xf32>,
    %get3A_2805 = arith.constant 0 : index
    %get3A_2806 = arith.constant 3486 : index
    %get3A_2807 = vector.load %arg0[%get3A_2805, %get3A_2806] : memref<1x8384xf32, #tpu.memory_space<vmem>>, vector<1x128xf32>
    %get3A_2808 = vector.shape_cast %get3A_2807 : vector<1x128xf32> to vector<128xf32>
    %reshape3A_2809 = vector.shape_cast %get3A_2808 : vector<128xf32> to vector<1x128xf32>
    %lt3A_2810 = arith.constant 83 : i32
    %lt3A_2811 = vector.broadcast %lt3A_2810 : i32 to vector<1x128xi32>
    %lt3A_2812 = arith.cmpi slt, %iota3A, %lt3A_2811 : vector<1x128xi32>
    %eq3A_2813 = arith.constant 83 : i32
    %eq3A_2814 = vector.broadcast %eq3A_2813 : i32 to vector<1x128xi32>
    %eq3A_2815 = arith.cmpi eq, %iota3A, %eq3A_2814 : vector<1x128xi32>
    %custom_jvp_call3A_2816 = arith.constant 0.000000e+00 : f32
    %max3A_2817 = vector.broadcast %custom_jvp_call3A_2816 : f32 to vector<1x128xf32>
    %max3A_2818 = arith.maximumf %reshape3A_2809, %max3A_2817 : vector<1x128xf32>
    %sub3A_2819 = vector.broadcast %custom_jvp_call3A_2816 : f32 to vector<1x128xf32>
    %sub3A_2820 = arith.subf %reshape3A_2809, %sub3A_2819 : vector<1x128xf32>
    %ne3A_2821 = arith.cmpf one, %sub3A_2820, %sub3A_2820 : vector<1x128xf32>
    %add3A_2822 = vector.broadcast %custom_jvp_call3A_2816 : f32 to vector<1x128xf32>
    %add3A_2823 = arith.addf %reshape3A_2809, %add3A_2822 : vector<1x128xf32>
    %abs3A_2824 = math.absf %sub3A_2820 : vector<1x128xf32>
    %neg3A_2825 = arith.constant 0.000000e+00 : f32
    %neg3A_2826 = vector.broadcast %neg3A_2825 : f32 to vector<1x128xf32>
    %neg3A_2827 = arith.subf %neg3A_2826, %abs3A_2824 : vector<1x128xf32>
    %exp3A_2828 = math.exp %neg3A_2827 : vector<1x128xf32>
    %log1p3A_2829 = math.log1p %exp3A_2828 : vector<1x128xf32>
    %add3A_2830 = arith.addf %max3A_2818, %log1p3A_2829 : vector<1x128xf32>
    %select_n3A_2831 = arith.select %ne3A_2821, %add3A_2823, %add3A_2830 : vector<1x128xi1>, vector<1x128xf32>
    %jit3A_2832 = arith.constant 0.000000e+00 : f32
    %broadcast_in_dim3A_2833 = vector.broadcast %jit3A_2832 : f32 to vector<1x128xf32>
    %select_n3A_2834 = arith.select %eq3A_2815, %select_n3A_2831, %broadcast_in_dim3A_2833 : vector<1x128xi1>, vector<1x128xf32>
    %select_n3A_2835 = arith.select %lt3A_2812, %reshape3A_2809, %select_n3A_2834 : vector<1x128xi1>, vector<1x128xf32>
    %swap3A_2836 = arith.constant 83 : index
    %swap3A_2837 = arith.constant 0 : index
    %swap3A_2838 = vector.load %arg2[%swap3A_2836, %swap3A_2837] : memref<128x128xf32, #tpu.memory_space<vmem>>, vector<1x128xf32>
    tpu.vector_store %arg2[%swap3A_2836, %swap3A_2837], %select_n3A_2835 {strides = array<i32>} : memref<128x128xf32, #tpu.memory_space<vmem>>, vector<1x128xf32>,
    %get3A_2839 = arith.constant 0 : index
    %get3A_2840 = arith.constant 3570 : index
    %get3A_2841 = vector.load %arg0[%get3A_2839, %get3A_2840] : memref<1x8384xf32, #tpu.memory_space<vmem>>, vector<1x128xf32>
    %get3A_2842 = vector.shape_cast %get3A_2841 : vector<1x128xf32> to vector<128xf32>
    %reshape3A_2843 = vector.shape_cast %get3A_2842 : vector<128xf32> to vector<1x128xf32>
    %lt3A_2844 = arith.constant 84 : i32
    %lt3A_2845 = vector.broadcast %lt3A_2844 : i32 to vector<1x128xi32>
    %lt3A_2846 = arith.cmpi slt, %iota3A, %lt3A_2845 : vector<1x128xi32>
    %eq3A_2847 = arith.constant 84 : i32
    %eq3A_2848 = vector.broadcast %eq3A_2847 : i32 to vector<1x128xi32>
    %eq3A_2849 = arith.cmpi eq, %iota3A, %eq3A_2848 : vector<1x128xi32>
    %custom_jvp_call3A_2850 = arith.constant 0.000000e+00 : f32
    %max3A_2851 = vector.broadcast %custom_jvp_call3A_2850 : f32 to vector<1x128xf32>
    %max3A_2852 = arith.maximumf %reshape3A_2843, %max3A_2851 : vector<1x128xf32>
    %sub3A_2853 = vector.broadcast %custom_jvp_call3A_2850 : f32 to vector<1x128xf32>
    %sub3A_2854 = arith.subf %reshape3A_2843, %sub3A_2853 : vector<1x128xf32>
    %ne3A_2855 = arith.cmpf one, %sub3A_2854, %sub3A_2854 : vector<1x128xf32>
    %add3A_2856 = vector.broadcast %custom_jvp_call3A_2850 : f32 to vector<1x128xf32>
    %add3A_2857 = arith.addf %reshape3A_2843, %add3A_2856 : vector<1x128xf32>
    %abs3A_2858 = math.absf %sub3A_2854 : vector<1x128xf32>
    %neg3A_2859 = arith.constant 0.000000e+00 : f32
    %neg3A_2860 = vector.broadcast %neg3A_2859 : f32 to vector<1x128xf32>
    %neg3A_2861 = arith.subf %neg3A_2860, %abs3A_2858 : vector<1x128xf32>
    %exp3A_2862 = math.exp %neg3A_2861 : vector<1x128xf32>
    %log1p3A_2863 = math.log1p %exp3A_2862 : vector<1x128xf32>
    %add3A_2864 = arith.addf %max3A_2852, %log1p3A_2863 : vector<1x128xf32>
    %select_n3A_2865 = arith.select %ne3A_2855, %add3A_2857, %add3A_2864 : vector<1x128xi1>, vector<1x128xf32>
    %jit3A_2866 = arith.constant 0.000000e+00 : f32
    %broadcast_in_dim3A_2867 = vector.broadcast %jit3A_2866 : f32 to vector<1x128xf32>
    %select_n3A_2868 = arith.select %eq3A_2849, %select_n3A_2865, %broadcast_in_dim3A_2867 : vector<1x128xi1>, vector<1x128xf32>
    %select_n3A_2869 = arith.select %lt3A_2846, %reshape3A_2843, %select_n3A_2868 : vector<1x128xi1>, vector<1x128xf32>
    %swap3A_2870 = arith.constant 84 : index
    %swap3A_2871 = arith.constant 0 : index
    %swap3A_2872 = vector.load %arg2[%swap3A_2870, %swap3A_2871] : memref<128x128xf32, #tpu.memory_space<vmem>>, vector<1x128xf32>
    tpu.vector_store %arg2[%swap3A_2870, %swap3A_2871], %select_n3A_2869 {strides = array<i32>} : memref<128x128xf32, #tpu.memory_space<vmem>>, vector<1x128xf32>,
    %get3A_2873 = arith.constant 0 : index
    %get3A_2874 = arith.constant 3655 : index
    %get3A_2875 = vector.load %arg0[%get3A_2873, %get3A_2874] : memref<1x8384xf32, #tpu.memory_space<vmem>>, vector<1x128xf32>
    %get3A_2876 = vector.shape_cast %get3A_2875 : vector<1x128xf32> to vector<128xf32>
    %reshape3A_2877 = vector.shape_cast %get3A_2876 : vector<128xf32> to vector<1x128xf32>
    %lt3A_2878 = arith.constant 85 : i32
    %lt3A_2879 = vector.broadcast %lt3A_2878 : i32 to vector<1x128xi32>
    %lt3A_2880 = arith.cmpi slt, %iota3A, %lt3A_2879 : vector<1x128xi32>
    %eq3A_2881 = arith.constant 85 : i32
    %eq3A_2882 = vector.broadcast %eq3A_2881 : i32 to vector<1x128xi32>
    %eq3A_2883 = arith.cmpi eq, %iota3A, %eq3A_2882 : vector<1x128xi32>
    %custom_jvp_call3A_2884 = arith.constant 0.000000e+00 : f32
    %max3A_2885 = vector.broadcast %custom_jvp_call3A_2884 : f32 to vector<1x128xf32>
    %max3A_2886 = arith.maximumf %reshape3A_2877, %max3A_2885 : vector<1x128xf32>
    %sub3A_2887 = vector.broadcast %custom_jvp_call3A_2884 : f32 to vector<1x128xf32>
    %sub3A_2888 = arith.subf %reshape3A_2877, %sub3A_2887 : vector<1x128xf32>
    %ne3A_2889 = arith.cmpf one, %sub3A_2888, %sub3A_2888 : vector<1x128xf32>
    %add3A_2890 = vector.broadcast %custom_jvp_call3A_2884 : f32 to vector<1x128xf32>
    %add3A_2891 = arith.addf %reshape3A_2877, %add3A_2890 : vector<1x128xf32>
    %abs3A_2892 = math.absf %sub3A_2888 : vector<1x128xf32>
    %neg3A_2893 = arith.constant 0.000000e+00 : f32
    %neg3A_2894 = vector.broadcast %neg3A_2893 : f32 to vector<1x128xf32>
    %neg3A_2895 = arith.subf %neg3A_2894, %abs3A_2892 : vector<1x128xf32>
    %exp3A_2896 = math.exp %neg3A_2895 : vector<1x128xf32>
    %log1p3A_2897 = math.log1p %exp3A_2896 : vector<1x128xf32>
    %add3A_2898 = arith.addf %max3A_2886, %log1p3A_2897 : vector<1x128xf32>
    %select_n3A_2899 = arith.select %ne3A_2889, %add3A_2891, %add3A_2898 : vector<1x128xi1>, vector<1x128xf32>
    %jit3A_2900 = arith.constant 0.000000e+00 : f32
    %broadcast_in_dim3A_2901 = vector.broadcast %jit3A_2900 : f32 to vector<1x128xf32>
    %select_n3A_2902 = arith.select %eq3A_2883, %select_n3A_2899, %broadcast_in_dim3A_2901 : vector<1x128xi1>, vector<1x128xf32>
    %select_n3A_2903 = arith.select %lt3A_2880, %reshape3A_2877, %select_n3A_2902 : vector<1x128xi1>, vector<1x128xf32>
    %swap3A_2904 = arith.constant 85 : index
    %swap3A_2905 = arith.constant 0 : index
    %swap3A_2906 = vector.load %arg2[%swap3A_2904, %swap3A_2905] : memref<128x128xf32, #tpu.memory_space<vmem>>, vector<1x128xf32>
    tpu.vector_store %arg2[%swap3A_2904, %swap3A_2905], %select_n3A_2903 {strides = array<i32>} : memref<128x128xf32, #tpu.memory_space<vmem>>, vector<1x128xf32>,
    %get3A_2907 = arith.constant 0 : index
    %get3A_2908 = arith.constant 3741 : index
    %get3A_2909 = vector.load %arg0[%get3A_2907, %get3A_2908] : memref<1x8384xf32, #tpu.memory_space<vmem>>, vector<1x128xf32>
    %get3A_2910 = vector.shape_cast %get3A_2909 : vector<1x128xf32> to vector<128xf32>
    %reshape3A_2911 = vector.shape_cast %get3A_2910 : vector<128xf32> to vector<1x128xf32>
    %lt3A_2912 = arith.constant 86 : i32
    %lt3A_2913 = vector.broadcast %lt3A_2912 : i32 to vector<1x128xi32>
    %lt3A_2914 = arith.cmpi slt, %iota3A, %lt3A_2913 : vector<1x128xi32>
    %eq3A_2915 = arith.constant 86 : i32
    %eq3A_2916 = vector.broadcast %eq3A_2915 : i32 to vector<1x128xi32>
    %eq3A_2917 = arith.cmpi eq, %iota3A, %eq3A_2916 : vector<1x128xi32>
    %custom_jvp_call3A_2918 = arith.constant 0.000000e+00 : f32
    %max3A_2919 = vector.broadcast %custom_jvp_call3A_2918 : f32 to vector<1x128xf32>
    %max3A_2920 = arith.maximumf %reshape3A_2911, %max3A_2919 : vector<1x128xf32>
    %sub3A_2921 = vector.broadcast %custom_jvp_call3A_2918 : f32 to vector<1x128xf32>
    %sub3A_2922 = arith.subf %reshape3A_2911, %sub3A_2921 : vector<1x128xf32>
    %ne3A_2923 = arith.cmpf one, %sub3A_2922, %sub3A_2922 : vector<1x128xf32>
    %add3A_2924 = vector.broadcast %custom_jvp_call3A_2918 : f32 to vector<1x128xf32>
    %add3A_2925 = arith.addf %reshape3A_2911, %add3A_2924 : vector<1x128xf32>
    %abs3A_2926 = math.absf %sub3A_2922 : vector<1x128xf32>
    %neg3A_2927 = arith.constant 0.000000e+00 : f32
    %neg3A_2928 = vector.broadcast %neg3A_2927 : f32 to vector<1x128xf32>
    %neg3A_2929 = arith.subf %neg3A_2928, %abs3A_2926 : vector<1x128xf32>
    %exp3A_2930 = math.exp %neg3A_2929 : vector<1x128xf32>
    %log1p3A_2931 = math.log1p %exp3A_2930 : vector<1x128xf32>
    %add3A_2932 = arith.addf %max3A_2920, %log1p3A_2931 : vector<1x128xf32>
    %select_n3A_2933 = arith.select %ne3A_2923, %add3A_2925, %add3A_2932 : vector<1x128xi1>, vector<1x128xf32>
    %jit3A_2934 = arith.constant 0.000000e+00 : f32
    %broadcast_in_dim3A_2935 = vector.broadcast %jit3A_2934 : f32 to vector<1x128xf32>
    %select_n3A_2936 = arith.select %eq3A_2917, %select_n3A_2933, %broadcast_in_dim3A_2935 : vector<1x128xi1>, vector<1x128xf32>
    %select_n3A_2937 = arith.select %lt3A_2914, %reshape3A_2911, %select_n3A_2936 : vector<1x128xi1>, vector<1x128xf32>
    %swap3A_2938 = arith.constant 86 : index
    %swap3A_2939 = arith.constant 0 : index
    %swap3A_2940 = vector.load %arg2[%swap3A_2938, %swap3A_2939] : memref<128x128xf32, #tpu.memory_space<vmem>>, vector<1x128xf32>
    tpu.vector_store %arg2[%swap3A_2938, %swap3A_2939], %select_n3A_2937 {strides = array<i32>} : memref<128x128xf32, #tpu.memory_space<vmem>>, vector<1x128xf32>,
    %get3A_2941 = arith.constant 0 : index
    %get3A_2942 = arith.constant 3828 : index
    %get3A_2943 = vector.load %arg0[%get3A_2941, %get3A_2942] : memref<1x8384xf32, #tpu.memory_space<vmem>>, vector<1x128xf32>
    %get3A_2944 = vector.shape_cast %get3A_2943 : vector<1x128xf32> to vector<128xf32>
    %reshape3A_2945 = vector.shape_cast %get3A_2944 : vector<128xf32> to vector<1x128xf32>
    %lt3A_2946 = arith.constant 87 : i32
    %lt3A_2947 = vector.broadcast %lt3A_2946 : i32 to vector<1x128xi32>
    %lt3A_2948 = arith.cmpi slt, %iota3A, %lt3A_2947 : vector<1x128xi32>
    %eq3A_2949 = arith.constant 87 : i32
    %eq3A_2950 = vector.broadcast %eq3A_2949 : i32 to vector<1x128xi32>
    %eq3A_2951 = arith.cmpi eq, %iota3A, %eq3A_2950 : vector<1x128xi32>
    %custom_jvp_call3A_2952 = arith.constant 0.000000e+00 : f32
    %max3A_2953 = vector.broadcast %custom_jvp_call3A_2952 : f32 to vector<1x128xf32>
    %max3A_2954 = arith.maximumf %reshape3A_2945, %max3A_2953 : vector<1x128xf32>
    %sub3A_2955 = vector.broadcast %custom_jvp_call3A_2952 : f32 to vector<1x128xf32>
    %sub3A_2956 = arith.subf %reshape3A_2945, %sub3A_2955 : vector<1x128xf32>
    %ne3A_2957 = arith.cmpf one, %sub3A_2956, %sub3A_2956 : vector<1x128xf32>
    %add3A_2958 = vector.broadcast %custom_jvp_call3A_2952 : f32 to vector<1x128xf32>
    %add3A_2959 = arith.addf %reshape3A_2945, %add3A_2958 : vector<1x128xf32>
    %abs3A_2960 = math.absf %sub3A_2956 : vector<1x128xf32>
    %neg3A_2961 = arith.constant 0.000000e+00 : f32
    %neg3A_2962 = vector.broadcast %neg3A_2961 : f32 to vector<1x128xf32>
    %neg3A_2963 = arith.subf %neg3A_2962, %abs3A_2960 : vector<1x128xf32>
    %exp3A_2964 = math.exp %neg3A_2963 : vector<1x128xf32>
    %log1p3A_2965 = math.log1p %exp3A_2964 : vector<1x128xf32>
    %add3A_2966 = arith.addf %max3A_2954, %log1p3A_2965 : vector<1x128xf32>
    %select_n3A_2967 = arith.select %ne3A_2957, %add3A_2959, %add3A_2966 : vector<1x128xi1>, vector<1x128xf32>
    %jit3A_2968 = arith.constant 0.000000e+00 : f32
    %broadcast_in_dim3A_2969 = vector.broadcast %jit3A_2968 : f32 to vector<1x128xf32>
    %select_n3A_2970 = arith.select %eq3A_2951, %select_n3A_2967, %broadcast_in_dim3A_2969 : vector<1x128xi1>, vector<1x128xf32>
    %select_n3A_2971 = arith.select %lt3A_2948, %reshape3A_2945, %select_n3A_2970 : vector<1x128xi1>, vector<1x128xf32>
    %swap3A_2972 = arith.constant 87 : index
    %swap3A_2973 = arith.constant 0 : index
    %swap3A_2974 = vector.load %arg2[%swap3A_2972, %swap3A_2973] : memref<128x128xf32, #tpu.memory_space<vmem>>, vector<1x128xf32>
    tpu.vector_store %arg2[%swap3A_2972, %swap3A_2973], %select_n3A_2971 {strides = array<i32>} : memref<128x128xf32, #tpu.memory_space<vmem>>, vector<1x128xf32>,
    %get3A_2975 = arith.constant 0 : index
    %get3A_2976 = arith.constant 3916 : index
    %get3A_2977 = vector.load %arg0[%get3A_2975, %get3A_2976] : memref<1x8384xf32, #tpu.memory_space<vmem>>, vector<1x128xf32>
    %get3A_2978 = vector.shape_cast %get3A_2977 : vector<1x128xf32> to vector<128xf32>
    %reshape3A_2979 = vector.shape_cast %get3A_2978 : vector<128xf32> to vector<1x128xf32>
    %lt3A_2980 = arith.constant 88 : i32
    %lt3A_2981 = vector.broadcast %lt3A_2980 : i32 to vector<1x128xi32>
    %lt3A_2982 = arith.cmpi slt, %iota3A, %lt3A_2981 : vector<1x128xi32>
    %eq3A_2983 = arith.constant 88 : i32
    %eq3A_2984 = vector.broadcast %eq3A_2983 : i32 to vector<1x128xi32>
    %eq3A_2985 = arith.cmpi eq, %iota3A, %eq3A_2984 : vector<1x128xi32>
    %custom_jvp_call3A_2986 = arith.constant 0.000000e+00 : f32
    %max3A_2987 = vector.broadcast %custom_jvp_call3A_2986 : f32 to vector<1x128xf32>
    %max3A_2988 = arith.maximumf %reshape3A_2979, %max3A_2987 : vector<1x128xf32>
    %sub3A_2989 = vector.broadcast %custom_jvp_call3A_2986 : f32 to vector<1x128xf32>
    %sub3A_2990 = arith.subf %reshape3A_2979, %sub3A_2989 : vector<1x128xf32>
    %ne3A_2991 = arith.cmpf one, %sub3A_2990, %sub3A_2990 : vector<1x128xf32>
    %add3A_2992 = vector.broadcast %custom_jvp_call3A_2986 : f32 to vector<1x128xf32>
    %add3A_2993 = arith.addf %reshape3A_2979, %add3A_2992 : vector<1x128xf32>
    %abs3A_2994 = math.absf %sub3A_2990 : vector<1x128xf32>
    %neg3A_2995 = arith.constant 0.000000e+00 : f32
    %neg3A_2996 = vector.broadcast %neg3A_2995 : f32 to vector<1x128xf32>
    %neg3A_2997 = arith.subf %neg3A_2996, %abs3A_2994 : vector<1x128xf32>
    %exp3A_2998 = math.exp %neg3A_2997 : vector<1x128xf32>
    %log1p3A_2999 = math.log1p %exp3A_2998 : vector<1x128xf32>
    %add3A_3000 = arith.addf %max3A_2988, %log1p3A_2999 : vector<1x128xf32>
    %select_n3A_3001 = arith.select %ne3A_2991, %add3A_2993, %add3A_3000 : vector<1x128xi1>, vector<1x128xf32>
    %jit3A_3002 = arith.constant 0.000000e+00 : f32
    %broadcast_in_dim3A_3003 = vector.broadcast %jit3A_3002 : f32 to vector<1x128xf32>
    %select_n3A_3004 = arith.select %eq3A_2985, %select_n3A_3001, %broadcast_in_dim3A_3003 : vector<1x128xi1>, vector<1x128xf32>
    %select_n3A_3005 = arith.select %lt3A_2982, %reshape3A_2979, %select_n3A_3004 : vector<1x128xi1>, vector<1x128xf32>
    %swap3A_3006 = arith.constant 88 : index
    %swap3A_3007 = arith.constant 0 : index
    %swap3A_3008 = vector.load %arg2[%swap3A_3006, %swap3A_3007] : memref<128x128xf32, #tpu.memory_space<vmem>>, vector<1x128xf32>
    tpu.vector_store %arg2[%swap3A_3006, %swap3A_3007], %select_n3A_3005 {strides = array<i32>} : memref<128x128xf32, #tpu.memory_space<vmem>>, vector<1x128xf32>,
    %get3A_3009 = arith.constant 0 : index
    %get3A_3010 = arith.constant 4005 : index
    %get3A_3011 = vector.load %arg0[%get3A_3009, %get3A_3010] : memref<1x8384xf32, #tpu.memory_space<vmem>>, vector<1x128xf32>
    %get3A_3012 = vector.shape_cast %get3A_3011 : vector<1x128xf32> to vector<128xf32>
    %reshape3A_3013 = vector.shape_cast %get3A_3012 : vector<128xf32> to vector<1x128xf32>
    %lt3A_3014 = arith.constant 89 : i32
    %lt3A_3015 = vector.broadcast %lt3A_3014 : i32 to vector<1x128xi32>
    %lt3A_3016 = arith.cmpi slt, %iota3A, %lt3A_3015 : vector<1x128xi32>
    %eq3A_3017 = arith.constant 89 : i32
    %eq3A_3018 = vector.broadcast %eq3A_3017 : i32 to vector<1x128xi32>
    %eq3A_3019 = arith.cmpi eq, %iota3A, %eq3A_3018 : vector<1x128xi32>
    %custom_jvp_call3A_3020 = arith.constant 0.000000e+00 : f32
    %max3A_3021 = vector.broadcast %custom_jvp_call3A_3020 : f32 to vector<1x128xf32>
    %max3A_3022 = arith.maximumf %reshape3A_3013, %max3A_3021 : vector<1x128xf32>
    %sub3A_3023 = vector.broadcast %custom_jvp_call3A_3020 : f32 to vector<1x128xf32>
    %sub3A_3024 = arith.subf %reshape3A_3013, %sub3A_3023 : vector<1x128xf32>
    %ne3A_3025 = arith.cmpf one, %sub3A_3024, %sub3A_3024 : vector<1x128xf32>
    %add3A_3026 = vector.broadcast %custom_jvp_call3A_3020 : f32 to vector<1x128xf32>
    %add3A_3027 = arith.addf %reshape3A_3013, %add3A_3026 : vector<1x128xf32>
    %abs3A_3028 = math.absf %sub3A_3024 : vector<1x128xf32>
    %neg3A_3029 = arith.constant 0.000000e+00 : f32
    %neg3A_3030 = vector.broadcast %neg3A_3029 : f32 to vector<1x128xf32>
    %neg3A_3031 = arith.subf %neg3A_3030, %abs3A_3028 : vector<1x128xf32>
    %exp3A_3032 = math.exp %neg3A_3031 : vector<1x128xf32>
    %log1p3A_3033 = math.log1p %exp3A_3032 : vector<1x128xf32>
    %add3A_3034 = arith.addf %max3A_3022, %log1p3A_3033 : vector<1x128xf32>
    %select_n3A_3035 = arith.select %ne3A_3025, %add3A_3027, %add3A_3034 : vector<1x128xi1>, vector<1x128xf32>
    %jit3A_3036 = arith.constant 0.000000e+00 : f32
    %broadcast_in_dim3A_3037 = vector.broadcast %jit3A_3036 : f32 to vector<1x128xf32>
    %select_n3A_3038 = arith.select %eq3A_3019, %select_n3A_3035, %broadcast_in_dim3A_3037 : vector<1x128xi1>, vector<1x128xf32>
    %select_n3A_3039 = arith.select %lt3A_3016, %reshape3A_3013, %select_n3A_3038 : vector<1x128xi1>, vector<1x128xf32>
    %swap3A_3040 = arith.constant 89 : index
    %swap3A_3041 = arith.constant 0 : index
    %swap3A_3042 = vector.load %arg2[%swap3A_3040, %swap3A_3041] : memref<128x128xf32, #tpu.memory_space<vmem>>, vector<1x128xf32>
    tpu.vector_store %arg2[%swap3A_3040, %swap3A_3041], %select_n3A_3039 {strides = array<i32>} : memref<128x128xf32, #tpu.memory_space<vmem>>, vector<1x128xf32>,
    %get3A_3043 = arith.constant 0 : index
    %get3A_3044 = arith.constant 4095 : index
    %get3A_3045 = vector.load %arg0[%get3A_3043, %get3A_3044] : memref<1x8384xf32, #tpu.memory_space<vmem>>, vector<1x128xf32>
    %get3A_3046 = vector.shape_cast %get3A_3045 : vector<1x128xf32> to vector<128xf32>
    %reshape3A_3047 = vector.shape_cast %get3A_3046 : vector<128xf32> to vector<1x128xf32>
    %lt3A_3048 = arith.constant 90 : i32
    %lt3A_3049 = vector.broadcast %lt3A_3048 : i32 to vector<1x128xi32>
    %lt3A_3050 = arith.cmpi slt, %iota3A, %lt3A_3049 : vector<1x128xi32>
    %eq3A_3051 = arith.constant 90 : i32
    %eq3A_3052 = vector.broadcast %eq3A_3051 : i32 to vector<1x128xi32>
    %eq3A_3053 = arith.cmpi eq, %iota3A, %eq3A_3052 : vector<1x128xi32>
    %custom_jvp_call3A_3054 = arith.constant 0.000000e+00 : f32
    %max3A_3055 = vector.broadcast %custom_jvp_call3A_3054 : f32 to vector<1x128xf32>
    %max3A_3056 = arith.maximumf %reshape3A_3047, %max3A_3055 : vector<1x128xf32>
    %sub3A_3057 = vector.broadcast %custom_jvp_call3A_3054 : f32 to vector<1x128xf32>
    %sub3A_3058 = arith.subf %reshape3A_3047, %sub3A_3057 : vector<1x128xf32>
    %ne3A_3059 = arith.cmpf one, %sub3A_3058, %sub3A_3058 : vector<1x128xf32>
    %add3A_3060 = vector.broadcast %custom_jvp_call3A_3054 : f32 to vector<1x128xf32>
    %add3A_3061 = arith.addf %reshape3A_3047, %add3A_3060 : vector<1x128xf32>
    %abs3A_3062 = math.absf %sub3A_3058 : vector<1x128xf32>
    %neg3A_3063 = arith.constant 0.000000e+00 : f32
    %neg3A_3064 = vector.broadcast %neg3A_3063 : f32 to vector<1x128xf32>
    %neg3A_3065 = arith.subf %neg3A_3064, %abs3A_3062 : vector<1x128xf32>
    %exp3A_3066 = math.exp %neg3A_3065 : vector<1x128xf32>
    %log1p3A_3067 = math.log1p %exp3A_3066 : vector<1x128xf32>
    %add3A_3068 = arith.addf %max3A_3056, %log1p3A_3067 : vector<1x128xf32>
    %select_n3A_3069 = arith.select %ne3A_3059, %add3A_3061, %add3A_3068 : vector<1x128xi1>, vector<1x128xf32>
    %jit3A_3070 = arith.constant 0.000000e+00 : f32
    %broadcast_in_dim3A_3071 = vector.broadcast %jit3A_3070 : f32 to vector<1x128xf32>
    %select_n3A_3072 = arith.select %eq3A_3053, %select_n3A_3069, %broadcast_in_dim3A_3071 : vector<1x128xi1>, vector<1x128xf32>
    %select_n3A_3073 = arith.select %lt3A_3050, %reshape3A_3047, %select_n3A_3072 : vector<1x128xi1>, vector<1x128xf32>
    %swap3A_3074 = arith.constant 90 : index
    %swap3A_3075 = arith.constant 0 : index
    %swap3A_3076 = vector.load %arg2[%swap3A_3074, %swap3A_3075] : memref<128x128xf32, #tpu.memory_space<vmem>>, vector<1x128xf32>
    tpu.vector_store %arg2[%swap3A_3074, %swap3A_3075], %select_n3A_3073 {strides = array<i32>} : memref<128x128xf32, #tpu.memory_space<vmem>>, vector<1x128xf32>,
    %get3A_3077 = arith.constant 0 : index
    %get3A_3078 = arith.constant 4186 : index
    %get3A_3079 = vector.load %arg0[%get3A_3077, %get3A_3078] : memref<1x8384xf32, #tpu.memory_space<vmem>>, vector<1x128xf32>
    %get3A_3080 = vector.shape_cast %get3A_3079 : vector<1x128xf32> to vector<128xf32>
    %reshape3A_3081 = vector.shape_cast %get3A_3080 : vector<128xf32> to vector<1x128xf32>
    %lt3A_3082 = arith.constant 91 : i32
    %lt3A_3083 = vector.broadcast %lt3A_3082 : i32 to vector<1x128xi32>
    %lt3A_3084 = arith.cmpi slt, %iota3A, %lt3A_3083 : vector<1x128xi32>
    %eq3A_3085 = arith.constant 91 : i32
    %eq3A_3086 = vector.broadcast %eq3A_3085 : i32 to vector<1x128xi32>
    %eq3A_3087 = arith.cmpi eq, %iota3A, %eq3A_3086 : vector<1x128xi32>
    %custom_jvp_call3A_3088 = arith.constant 0.000000e+00 : f32
    %max3A_3089 = vector.broadcast %custom_jvp_call3A_3088 : f32 to vector<1x128xf32>
    %max3A_3090 = arith.maximumf %reshape3A_3081, %max3A_3089 : vector<1x128xf32>
    %sub3A_3091 = vector.broadcast %custom_jvp_call3A_3088 : f32 to vector<1x128xf32>
    %sub3A_3092 = arith.subf %reshape3A_3081, %sub3A_3091 : vector<1x128xf32>
    %ne3A_3093 = arith.cmpf one, %sub3A_3092, %sub3A_3092 : vector<1x128xf32>
    %add3A_3094 = vector.broadcast %custom_jvp_call3A_3088 : f32 to vector<1x128xf32>
    %add3A_3095 = arith.addf %reshape3A_3081, %add3A_3094 : vector<1x128xf32>
    %abs3A_3096 = math.absf %sub3A_3092 : vector<1x128xf32>
    %neg3A_3097 = arith.constant 0.000000e+00 : f32
    %neg3A_3098 = vector.broadcast %neg3A_3097 : f32 to vector<1x128xf32>
    %neg3A_3099 = arith.subf %neg3A_3098, %abs3A_3096 : vector<1x128xf32>
    %exp3A_3100 = math.exp %neg3A_3099 : vector<1x128xf32>
    %log1p3A_3101 = math.log1p %exp3A_3100 : vector<1x128xf32>
    %add3A_3102 = arith.addf %max3A_3090, %log1p3A_3101 : vector<1x128xf32>
    %select_n3A_3103 = arith.select %ne3A_3093, %add3A_3095, %add3A_3102 : vector<1x128xi1>, vector<1x128xf32>
    %jit3A_3104 = arith.constant 0.000000e+00 : f32
    %broadcast_in_dim3A_3105 = vector.broadcast %jit3A_3104 : f32 to vector<1x128xf32>
    %select_n3A_3106 = arith.select %eq3A_3087, %select_n3A_3103, %broadcast_in_dim3A_3105 : vector<1x128xi1>, vector<1x128xf32>
    %select_n3A_3107 = arith.select %lt3A_3084, %reshape3A_3081, %select_n3A_3106 : vector<1x128xi1>, vector<1x128xf32>
    %swap3A_3108 = arith.constant 91 : index
    %swap3A_3109 = arith.constant 0 : index
    %swap3A_3110 = vector.load %arg2[%swap3A_3108, %swap3A_3109] : memref<128x128xf32, #tpu.memory_space<vmem>>, vector<1x128xf32>
    tpu.vector_store %arg2[%swap3A_3108, %swap3A_3109], %select_n3A_3107 {strides = array<i32>} : memref<128x128xf32, #tpu.memory_space<vmem>>, vector<1x128xf32>,
    %get3A_3111 = arith.constant 0 : index
    %get3A_3112 = arith.constant 4278 : index
    %get3A_3113 = vector.load %arg0[%get3A_3111, %get3A_3112] : memref<1x8384xf32, #tpu.memory_space<vmem>>, vector<1x128xf32>
    %get3A_3114 = vector.shape_cast %get3A_3113 : vector<1x128xf32> to vector<128xf32>
    %reshape3A_3115 = vector.shape_cast %get3A_3114 : vector<128xf32> to vector<1x128xf32>
    %lt3A_3116 = arith.constant 92 : i32
    %lt3A_3117 = vector.broadcast %lt3A_3116 : i32 to vector<1x128xi32>
    %lt3A_3118 = arith.cmpi slt, %iota3A, %lt3A_3117 : vector<1x128xi32>
    %eq3A_3119 = arith.constant 92 : i32
    %eq3A_3120 = vector.broadcast %eq3A_3119 : i32 to vector<1x128xi32>
    %eq3A_3121 = arith.cmpi eq, %iota3A, %eq3A_3120 : vector<1x128xi32>
    %custom_jvp_call3A_3122 = arith.constant 0.000000e+00 : f32
    %max3A_3123 = vector.broadcast %custom_jvp_call3A_3122 : f32 to vector<1x128xf32>
    %max3A_3124 = arith.maximumf %reshape3A_3115, %max3A_3123 : vector<1x128xf32>
    %sub3A_3125 = vector.broadcast %custom_jvp_call3A_3122 : f32 to vector<1x128xf32>
    %sub3A_3126 = arith.subf %reshape3A_3115, %sub3A_3125 : vector<1x128xf32>
    %ne3A_3127 = arith.cmpf one, %sub3A_3126, %sub3A_3126 : vector<1x128xf32>
    %add3A_3128 = vector.broadcast %custom_jvp_call3A_3122 : f32 to vector<1x128xf32>
    %add3A_3129 = arith.addf %reshape3A_3115, %add3A_3128 : vector<1x128xf32>
    %abs3A_3130 = math.absf %sub3A_3126 : vector<1x128xf32>
    %neg3A_3131 = arith.constant 0.000000e+00 : f32
    %neg3A_3132 = vector.broadcast %neg3A_3131 : f32 to vector<1x128xf32>
    %neg3A_3133 = arith.subf %neg3A_3132, %abs3A_3130 : vector<1x128xf32>
    %exp3A_3134 = math.exp %neg3A_3133 : vector<1x128xf32>
    %log1p3A_3135 = math.log1p %exp3A_3134 : vector<1x128xf32>
    %add3A_3136 = arith.addf %max3A_3124, %log1p3A_3135 : vector<1x128xf32>
    %select_n3A_3137 = arith.select %ne3A_3127, %add3A_3129, %add3A_3136 : vector<1x128xi1>, vector<1x128xf32>
    %jit3A_3138 = arith.constant 0.000000e+00 : f32
    %broadcast_in_dim3A_3139 = vector.broadcast %jit3A_3138 : f32 to vector<1x128xf32>
    %select_n3A_3140 = arith.select %eq3A_3121, %select_n3A_3137, %broadcast_in_dim3A_3139 : vector<1x128xi1>, vector<1x128xf32>
    %select_n3A_3141 = arith.select %lt3A_3118, %reshape3A_3115, %select_n3A_3140 : vector<1x128xi1>, vector<1x128xf32>
    %swap3A_3142 = arith.constant 92 : index
    %swap3A_3143 = arith.constant 0 : index
    %swap3A_3144 = vector.load %arg2[%swap3A_3142, %swap3A_3143] : memref<128x128xf32, #tpu.memory_space<vmem>>, vector<1x128xf32>
    tpu.vector_store %arg2[%swap3A_3142, %swap3A_3143], %select_n3A_3141 {strides = array<i32>} : memref<128x128xf32, #tpu.memory_space<vmem>>, vector<1x128xf32>,
    %get3A_3145 = arith.constant 0 : index
    %get3A_3146 = arith.constant 4371 : index
    %get3A_3147 = vector.load %arg0[%get3A_3145, %get3A_3146] : memref<1x8384xf32, #tpu.memory_space<vmem>>, vector<1x128xf32>
    %get3A_3148 = vector.shape_cast %get3A_3147 : vector<1x128xf32> to vector<128xf32>
    %reshape3A_3149 = vector.shape_cast %get3A_3148 : vector<128xf32> to vector<1x128xf32>
    %lt3A_3150 = arith.constant 93 : i32
    %lt3A_3151 = vector.broadcast %lt3A_3150 : i32 to vector<1x128xi32>
    %lt3A_3152 = arith.cmpi slt, %iota3A, %lt3A_3151 : vector<1x128xi32>
    %eq3A_3153 = arith.constant 93 : i32
    %eq3A_3154 = vector.broadcast %eq3A_3153 : i32 to vector<1x128xi32>
    %eq3A_3155 = arith.cmpi eq, %iota3A, %eq3A_3154 : vector<1x128xi32>
    %custom_jvp_call3A_3156 = arith.constant 0.000000e+00 : f32
    %max3A_3157 = vector.broadcast %custom_jvp_call3A_3156 : f32 to vector<1x128xf32>
    %max3A_3158 = arith.maximumf %reshape3A_3149, %max3A_3157 : vector<1x128xf32>
    %sub3A_3159 = vector.broadcast %custom_jvp_call3A_3156 : f32 to vector<1x128xf32>
    %sub3A_3160 = arith.subf %reshape3A_3149, %sub3A_3159 : vector<1x128xf32>
    %ne3A_3161 = arith.cmpf one, %sub3A_3160, %sub3A_3160 : vector<1x128xf32>
    %add3A_3162 = vector.broadcast %custom_jvp_call3A_3156 : f32 to vector<1x128xf32>
    %add3A_3163 = arith.addf %reshape3A_3149, %add3A_3162 : vector<1x128xf32>
    %abs3A_3164 = math.absf %sub3A_3160 : vector<1x128xf32>
    %neg3A_3165 = arith.constant 0.000000e+00 : f32
    %neg3A_3166 = vector.broadcast %neg3A_3165 : f32 to vector<1x128xf32>
    %neg3A_3167 = arith.subf %neg3A_3166, %abs3A_3164 : vector<1x128xf32>
    %exp3A_3168 = math.exp %neg3A_3167 : vector<1x128xf32>
    %log1p3A_3169 = math.log1p %exp3A_3168 : vector<1x128xf32>
    %add3A_3170 = arith.addf %max3A_3158, %log1p3A_3169 : vector<1x128xf32>
    %select_n3A_3171 = arith.select %ne3A_3161, %add3A_3163, %add3A_3170 : vector<1x128xi1>, vector<1x128xf32>
    %jit3A_3172 = arith.constant 0.000000e+00 : f32
    %broadcast_in_dim3A_3173 = vector.broadcast %jit3A_3172 : f32 to vector<1x128xf32>
    %select_n3A_3174 = arith.select %eq3A_3155, %select_n3A_3171, %broadcast_in_dim3A_3173 : vector<1x128xi1>, vector<1x128xf32>
    %select_n3A_3175 = arith.select %lt3A_3152, %reshape3A_3149, %select_n3A_3174 : vector<1x128xi1>, vector<1x128xf32>
    %swap3A_3176 = arith.constant 93 : index
    %swap3A_3177 = arith.constant 0 : index
    %swap3A_3178 = vector.load %arg2[%swap3A_3176, %swap3A_3177] : memref<128x128xf32, #tpu.memory_space<vmem>>, vector<1x128xf32>
    tpu.vector_store %arg2[%swap3A_3176, %swap3A_3177], %select_n3A_3175 {strides = array<i32>} : memref<128x128xf32, #tpu.memory_space<vmem>>, vector<1x128xf32>,
    %get3A_3179 = arith.constant 0 : index
    %get3A_3180 = arith.constant 4465 : index
    %get3A_3181 = vector.load %arg0[%get3A_3179, %get3A_3180] : memref<1x8384xf32, #tpu.memory_space<vmem>>, vector<1x128xf32>
    %get3A_3182 = vector.shape_cast %get3A_3181 : vector<1x128xf32> to vector<128xf32>
    %reshape3A_3183 = vector.shape_cast %get3A_3182 : vector<128xf32> to vector<1x128xf32>
    %lt3A_3184 = arith.constant 94 : i32
    %lt3A_3185 = vector.broadcast %lt3A_3184 : i32 to vector<1x128xi32>
    %lt3A_3186 = arith.cmpi slt, %iota3A, %lt3A_3185 : vector<1x128xi32>
    %eq3A_3187 = arith.constant 94 : i32
    %eq3A_3188 = vector.broadcast %eq3A_3187 : i32 to vector<1x128xi32>
    %eq3A_3189 = arith.cmpi eq, %iota3A, %eq3A_3188 : vector<1x128xi32>
    %custom_jvp_call3A_3190 = arith.constant 0.000000e+00 : f32
    %max3A_3191 = vector.broadcast %custom_jvp_call3A_3190 : f32 to vector<1x128xf32>
    %max3A_3192 = arith.maximumf %reshape3A_3183, %max3A_3191 : vector<1x128xf32>
    %sub3A_3193 = vector.broadcast %custom_jvp_call3A_3190 : f32 to vector<1x128xf32>
    %sub3A_3194 = arith.subf %reshape3A_3183, %sub3A_3193 : vector<1x128xf32>
    %ne3A_3195 = arith.cmpf one, %sub3A_3194, %sub3A_3194 : vector<1x128xf32>
    %add3A_3196 = vector.broadcast %custom_jvp_call3A_3190 : f32 to vector<1x128xf32>
    %add3A_3197 = arith.addf %reshape3A_3183, %add3A_3196 : vector<1x128xf32>
    %abs3A_3198 = math.absf %sub3A_3194 : vector<1x128xf32>
    %neg3A_3199 = arith.constant 0.000000e+00 : f32
    %neg3A_3200 = vector.broadcast %neg3A_3199 : f32 to vector<1x128xf32>
    %neg3A_3201 = arith.subf %neg3A_3200, %abs3A_3198 : vector<1x128xf32>
    %exp3A_3202 = math.exp %neg3A_3201 : vector<1x128xf32>
    %log1p3A_3203 = math.log1p %exp3A_3202 : vector<1x128xf32>
    %add3A_3204 = arith.addf %max3A_3192, %log1p3A_3203 : vector<1x128xf32>
    %select_n3A_3205 = arith.select %ne3A_3195, %add3A_3197, %add3A_3204 : vector<1x128xi1>, vector<1x128xf32>
    %jit3A_3206 = arith.constant 0.000000e+00 : f32
    %broadcast_in_dim3A_3207 = vector.broadcast %jit3A_3206 : f32 to vector<1x128xf32>
    %select_n3A_3208 = arith.select %eq3A_3189, %select_n3A_3205, %broadcast_in_dim3A_3207 : vector<1x128xi1>, vector<1x128xf32>
    %select_n3A_3209 = arith.select %lt3A_3186, %reshape3A_3183, %select_n3A_3208 : vector<1x128xi1>, vector<1x128xf32>
    %swap3A_3210 = arith.constant 94 : index
    %swap3A_3211 = arith.constant 0 : index
    %swap3A_3212 = vector.load %arg2[%swap3A_3210, %swap3A_3211] : memref<128x128xf32, #tpu.memory_space<vmem>>, vector<1x128xf32>
    tpu.vector_store %arg2[%swap3A_3210, %swap3A_3211], %select_n3A_3209 {strides = array<i32>} : memref<128x128xf32, #tpu.memory_space<vmem>>, vector<1x128xf32>,
    %get3A_3213 = arith.constant 0 : index
    %get3A_3214 = arith.constant 4560 : index
    %get3A_3215 = vector.load %arg0[%get3A_3213, %get3A_3214] : memref<1x8384xf32, #tpu.memory_space<vmem>>, vector<1x128xf32>
    %get3A_3216 = vector.shape_cast %get3A_3215 : vector<1x128xf32> to vector<128xf32>
    %reshape3A_3217 = vector.shape_cast %get3A_3216 : vector<128xf32> to vector<1x128xf32>
    %lt3A_3218 = arith.constant 95 : i32
    %lt3A_3219 = vector.broadcast %lt3A_3218 : i32 to vector<1x128xi32>
    %lt3A_3220 = arith.cmpi slt, %iota3A, %lt3A_3219 : vector<1x128xi32>
    %eq3A_3221 = arith.constant 95 : i32
    %eq3A_3222 = vector.broadcast %eq3A_3221 : i32 to vector<1x128xi32>
    %eq3A_3223 = arith.cmpi eq, %iota3A, %eq3A_3222 : vector<1x128xi32>
    %custom_jvp_call3A_3224 = arith.constant 0.000000e+00 : f32
    %max3A_3225 = vector.broadcast %custom_jvp_call3A_3224 : f32 to vector<1x128xf32>
    %max3A_3226 = arith.maximumf %reshape3A_3217, %max3A_3225 : vector<1x128xf32>
    %sub3A_3227 = vector.broadcast %custom_jvp_call3A_3224 : f32 to vector<1x128xf32>
    %sub3A_3228 = arith.subf %reshape3A_3217, %sub3A_3227 : vector<1x128xf32>
    %ne3A_3229 = arith.cmpf one, %sub3A_3228, %sub3A_3228 : vector<1x128xf32>
    %add3A_3230 = vector.broadcast %custom_jvp_call3A_3224 : f32 to vector<1x128xf32>
    %add3A_3231 = arith.addf %reshape3A_3217, %add3A_3230 : vector<1x128xf32>
    %abs3A_3232 = math.absf %sub3A_3228 : vector<1x128xf32>
    %neg3A_3233 = arith.constant 0.000000e+00 : f32
    %neg3A_3234 = vector.broadcast %neg3A_3233 : f32 to vector<1x128xf32>
    %neg3A_3235 = arith.subf %neg3A_3234, %abs3A_3232 : vector<1x128xf32>
    %exp3A_3236 = math.exp %neg3A_3235 : vector<1x128xf32>
    %log1p3A_3237 = math.log1p %exp3A_3236 : vector<1x128xf32>
    %add3A_3238 = arith.addf %max3A_3226, %log1p3A_3237 : vector<1x128xf32>
    %select_n3A_3239 = arith.select %ne3A_3229, %add3A_3231, %add3A_3238 : vector<1x128xi1>, vector<1x128xf32>
    %jit3A_3240 = arith.constant 0.000000e+00 : f32
    %broadcast_in_dim3A_3241 = vector.broadcast %jit3A_3240 : f32 to vector<1x128xf32>
    %select_n3A_3242 = arith.select %eq3A_3223, %select_n3A_3239, %broadcast_in_dim3A_3241 : vector<1x128xi1>, vector<1x128xf32>
    %select_n3A_3243 = arith.select %lt3A_3220, %reshape3A_3217, %select_n3A_3242 : vector<1x128xi1>, vector<1x128xf32>
    %swap3A_3244 = arith.constant 95 : index
    %swap3A_3245 = arith.constant 0 : index
    %swap3A_3246 = vector.load %arg2[%swap3A_3244, %swap3A_3245] : memref<128x128xf32, #tpu.memory_space<vmem>>, vector<1x128xf32>
    tpu.vector_store %arg2[%swap3A_3244, %swap3A_3245], %select_n3A_3243 {strides = array<i32>} : memref<128x128xf32, #tpu.memory_space<vmem>>, vector<1x128xf32>,
    %get3A_3247 = arith.constant 0 : index
    %get3A_3248 = arith.constant 4656 : index
    %get3A_3249 = vector.load %arg0[%get3A_3247, %get3A_3248] : memref<1x8384xf32, #tpu.memory_space<vmem>>, vector<1x128xf32>
    %get3A_3250 = vector.shape_cast %get3A_3249 : vector<1x128xf32> to vector<128xf32>
    %reshape3A_3251 = vector.shape_cast %get3A_3250 : vector<128xf32> to vector<1x128xf32>
    %lt3A_3252 = arith.constant 96 : i32
    %lt3A_3253 = vector.broadcast %lt3A_3252 : i32 to vector<1x128xi32>
    %lt3A_3254 = arith.cmpi slt, %iota3A, %lt3A_3253 : vector<1x128xi32>
    %eq3A_3255 = arith.constant 96 : i32
    %eq3A_3256 = vector.broadcast %eq3A_3255 : i32 to vector<1x128xi32>
    %eq3A_3257 = arith.cmpi eq, %iota3A, %eq3A_3256 : vector<1x128xi32>
    %custom_jvp_call3A_3258 = arith.constant 0.000000e+00 : f32
    %max3A_3259 = vector.broadcast %custom_jvp_call3A_3258 : f32 to vector<1x128xf32>
    %max3A_3260 = arith.maximumf %reshape3A_3251, %max3A_3259 : vector<1x128xf32>
    %sub3A_3261 = vector.broadcast %custom_jvp_call3A_3258 : f32 to vector<1x128xf32>
    %sub3A_3262 = arith.subf %reshape3A_3251, %sub3A_3261 : vector<1x128xf32>
    %ne3A_3263 = arith.cmpf one, %sub3A_3262, %sub3A_3262 : vector<1x128xf32>
    %add3A_3264 = vector.broadcast %custom_jvp_call3A_3258 : f32 to vector<1x128xf32>
    %add3A_3265 = arith.addf %reshape3A_3251, %add3A_3264 : vector<1x128xf32>
    %abs3A_3266 = math.absf %sub3A_3262 : vector<1x128xf32>
    %neg3A_3267 = arith.constant 0.000000e+00 : f32
    %neg3A_3268 = vector.broadcast %neg3A_3267 : f32 to vector<1x128xf32>
    %neg3A_3269 = arith.subf %neg3A_3268, %abs3A_3266 : vector<1x128xf32>
    %exp3A_3270 = math.exp %neg3A_3269 : vector<1x128xf32>
    %log1p3A_3271 = math.log1p %exp3A_3270 : vector<1x128xf32>
    %add3A_3272 = arith.addf %max3A_3260, %log1p3A_3271 : vector<1x128xf32>
    %select_n3A_3273 = arith.select %ne3A_3263, %add3A_3265, %add3A_3272 : vector<1x128xi1>, vector<1x128xf32>
    %jit3A_3274 = arith.constant 0.000000e+00 : f32
    %broadcast_in_dim3A_3275 = vector.broadcast %jit3A_3274 : f32 to vector<1x128xf32>
    %select_n3A_3276 = arith.select %eq3A_3257, %select_n3A_3273, %broadcast_in_dim3A_3275 : vector<1x128xi1>, vector<1x128xf32>
    %select_n3A_3277 = arith.select %lt3A_3254, %reshape3A_3251, %select_n3A_3276 : vector<1x128xi1>, vector<1x128xf32>
    %swap3A_3278 = arith.constant 96 : index
    %swap3A_3279 = arith.constant 0 : index
    %swap3A_3280 = vector.load %arg2[%swap3A_3278, %swap3A_3279] : memref<128x128xf32, #tpu.memory_space<vmem>>, vector<1x128xf32>
    tpu.vector_store %arg2[%swap3A_3278, %swap3A_3279], %select_n3A_3277 {strides = array<i32>} : memref<128x128xf32, #tpu.memory_space<vmem>>, vector<1x128xf32>,
    %get3A_3281 = arith.constant 0 : index
    %get3A_3282 = arith.constant 4753 : index
    %get3A_3283 = vector.load %arg0[%get3A_3281, %get3A_3282] : memref<1x8384xf32, #tpu.memory_space<vmem>>, vector<1x128xf32>
    %get3A_3284 = vector.shape_cast %get3A_3283 : vector<1x128xf32> to vector<128xf32>
    %reshape3A_3285 = vector.shape_cast %get3A_3284 : vector<128xf32> to vector<1x128xf32>
    %lt3A_3286 = arith.constant 97 : i32
    %lt3A_3287 = vector.broadcast %lt3A_3286 : i32 to vector<1x128xi32>
    %lt3A_3288 = arith.cmpi slt, %iota3A, %lt3A_3287 : vector<1x128xi32>
    %eq3A_3289 = arith.constant 97 : i32
    %eq3A_3290 = vector.broadcast %eq3A_3289 : i32 to vector<1x128xi32>
    %eq3A_3291 = arith.cmpi eq, %iota3A, %eq3A_3290 : vector<1x128xi32>
    %custom_jvp_call3A_3292 = arith.constant 0.000000e+00 : f32
    %max3A_3293 = vector.broadcast %custom_jvp_call3A_3292 : f32 to vector<1x128xf32>
    %max3A_3294 = arith.maximumf %reshape3A_3285, %max3A_3293 : vector<1x128xf32>
    %sub3A_3295 = vector.broadcast %custom_jvp_call3A_3292 : f32 to vector<1x128xf32>
    %sub3A_3296 = arith.subf %reshape3A_3285, %sub3A_3295 : vector<1x128xf32>
    %ne3A_3297 = arith.cmpf one, %sub3A_3296, %sub3A_3296 : vector<1x128xf32>
    %add3A_3298 = vector.broadcast %custom_jvp_call3A_3292 : f32 to vector<1x128xf32>
    %add3A_3299 = arith.addf %reshape3A_3285, %add3A_3298 : vector<1x128xf32>
    %abs3A_3300 = math.absf %sub3A_3296 : vector<1x128xf32>
    %neg3A_3301 = arith.constant 0.000000e+00 : f32
    %neg3A_3302 = vector.broadcast %neg3A_3301 : f32 to vector<1x128xf32>
    %neg3A_3303 = arith.subf %neg3A_3302, %abs3A_3300 : vector<1x128xf32>
    %exp3A_3304 = math.exp %neg3A_3303 : vector<1x128xf32>
    %log1p3A_3305 = math.log1p %exp3A_3304 : vector<1x128xf32>
    %add3A_3306 = arith.addf %max3A_3294, %log1p3A_3305 : vector<1x128xf32>
    %select_n3A_3307 = arith.select %ne3A_3297, %add3A_3299, %add3A_3306 : vector<1x128xi1>, vector<1x128xf32>
    %jit3A_3308 = arith.constant 0.000000e+00 : f32
    %broadcast_in_dim3A_3309 = vector.broadcast %jit3A_3308 : f32 to vector<1x128xf32>
    %select_n3A_3310 = arith.select %eq3A_3291, %select_n3A_3307, %broadcast_in_dim3A_3309 : vector<1x128xi1>, vector<1x128xf32>
    %select_n3A_3311 = arith.select %lt3A_3288, %reshape3A_3285, %select_n3A_3310 : vector<1x128xi1>, vector<1x128xf32>
    %swap3A_3312 = arith.constant 97 : index
    %swap3A_3313 = arith.constant 0 : index
    %swap3A_3314 = vector.load %arg2[%swap3A_3312, %swap3A_3313] : memref<128x128xf32, #tpu.memory_space<vmem>>, vector<1x128xf32>
    tpu.vector_store %arg2[%swap3A_3312, %swap3A_3313], %select_n3A_3311 {strides = array<i32>} : memref<128x128xf32, #tpu.memory_space<vmem>>, vector<1x128xf32>,
    %get3A_3315 = arith.constant 0 : index
    %get3A_3316 = arith.constant 4851 : index
    %get3A_3317 = vector.load %arg0[%get3A_3315, %get3A_3316] : memref<1x8384xf32, #tpu.memory_space<vmem>>, vector<1x128xf32>
    %get3A_3318 = vector.shape_cast %get3A_3317 : vector<1x128xf32> to vector<128xf32>
    %reshape3A_3319 = vector.shape_cast %get3A_3318 : vector<128xf32> to vector<1x128xf32>
    %lt3A_3320 = arith.constant 98 : i32
    %lt3A_3321 = vector.broadcast %lt3A_3320 : i32 to vector<1x128xi32>
    %lt3A_3322 = arith.cmpi slt, %iota3A, %lt3A_3321 : vector<1x128xi32>
    %eq3A_3323 = arith.constant 98 : i32
    %eq3A_3324 = vector.broadcast %eq3A_3323 : i32 to vector<1x128xi32>
    %eq3A_3325 = arith.cmpi eq, %iota3A, %eq3A_3324 : vector<1x128xi32>
    %custom_jvp_call3A_3326 = arith.constant 0.000000e+00 : f32
    %max3A_3327 = vector.broadcast %custom_jvp_call3A_3326 : f32 to vector<1x128xf32>
    %max3A_3328 = arith.maximumf %reshape3A_3319, %max3A_3327 : vector<1x128xf32>
    %sub3A_3329 = vector.broadcast %custom_jvp_call3A_3326 : f32 to vector<1x128xf32>
    %sub3A_3330 = arith.subf %reshape3A_3319, %sub3A_3329 : vector<1x128xf32>
    %ne3A_3331 = arith.cmpf one, %sub3A_3330, %sub3A_3330 : vector<1x128xf32>
    %add3A_3332 = vector.broadcast %custom_jvp_call3A_3326 : f32 to vector<1x128xf32>
    %add3A_3333 = arith.addf %reshape3A_3319, %add3A_3332 : vector<1x128xf32>
    %abs3A_3334 = math.absf %sub3A_3330 : vector<1x128xf32>
    %neg3A_3335 = arith.constant 0.000000e+00 : f32
    %neg3A_3336 = vector.broadcast %neg3A_3335 : f32 to vector<1x128xf32>
    %neg3A_3337 = arith.subf %neg3A_3336, %abs3A_3334 : vector<1x128xf32>
    %exp3A_3338 = math.exp %neg3A_3337 : vector<1x128xf32>
    %log1p3A_3339 = math.log1p %exp3A_3338 : vector<1x128xf32>
    %add3A_3340 = arith.addf %max3A_3328, %log1p3A_3339 : vector<1x128xf32>
    %select_n3A_3341 = arith.select %ne3A_3331, %add3A_3333, %add3A_3340 : vector<1x128xi1>, vector<1x128xf32>
    %jit3A_3342 = arith.constant 0.000000e+00 : f32
    %broadcast_in_dim3A_3343 = vector.broadcast %jit3A_3342 : f32 to vector<1x128xf32>
    %select_n3A_3344 = arith.select %eq3A_3325, %select_n3A_3341, %broadcast_in_dim3A_3343 : vector<1x128xi1>, vector<1x128xf32>
    %select_n3A_3345 = arith.select %lt3A_3322, %reshape3A_3319, %select_n3A_3344 : vector<1x128xi1>, vector<1x128xf32>
    %swap3A_3346 = arith.constant 98 : index
    %swap3A_3347 = arith.constant 0 : index
    %swap3A_3348 = vector.load %arg2[%swap3A_3346, %swap3A_3347] : memref<128x128xf32, #tpu.memory_space<vmem>>, vector<1x128xf32>
    tpu.vector_store %arg2[%swap3A_3346, %swap3A_3347], %select_n3A_3345 {strides = array<i32>} : memref<128x128xf32, #tpu.memory_space<vmem>>, vector<1x128xf32>,
    %get3A_3349 = arith.constant 0 : index
    %get3A_3350 = arith.constant 4950 : index
    %get3A_3351 = vector.load %arg0[%get3A_3349, %get3A_3350] : memref<1x8384xf32, #tpu.memory_space<vmem>>, vector<1x128xf32>
    %get3A_3352 = vector.shape_cast %get3A_3351 : vector<1x128xf32> to vector<128xf32>
    %reshape3A_3353 = vector.shape_cast %get3A_3352 : vector<128xf32> to vector<1x128xf32>
    %lt3A_3354 = arith.constant 99 : i32
    %lt3A_3355 = vector.broadcast %lt3A_3354 : i32 to vector<1x128xi32>
    %lt3A_3356 = arith.cmpi slt, %iota3A, %lt3A_3355 : vector<1x128xi32>
    %eq3A_3357 = arith.constant 99 : i32
    %eq3A_3358 = vector.broadcast %eq3A_3357 : i32 to vector<1x128xi32>
    %eq3A_3359 = arith.cmpi eq, %iota3A, %eq3A_3358 : vector<1x128xi32>
    %custom_jvp_call3A_3360 = arith.constant 0.000000e+00 : f32
    %max3A_3361 = vector.broadcast %custom_jvp_call3A_3360 : f32 to vector<1x128xf32>
    %max3A_3362 = arith.maximumf %reshape3A_3353, %max3A_3361 : vector<1x128xf32>
    %sub3A_3363 = vector.broadcast %custom_jvp_call3A_3360 : f32 to vector<1x128xf32>
    %sub3A_3364 = arith.subf %reshape3A_3353, %sub3A_3363 : vector<1x128xf32>
    %ne3A_3365 = arith.cmpf one, %sub3A_3364, %sub3A_3364 : vector<1x128xf32>
    %add3A_3366 = vector.broadcast %custom_jvp_call3A_3360 : f32 to vector<1x128xf32>
    %add3A_3367 = arith.addf %reshape3A_3353, %add3A_3366 : vector<1x128xf32>
    %abs3A_3368 = math.absf %sub3A_3364 : vector<1x128xf32>
    %neg3A_3369 = arith.constant 0.000000e+00 : f32
    %neg3A_3370 = vector.broadcast %neg3A_3369 : f32 to vector<1x128xf32>
    %neg3A_3371 = arith.subf %neg3A_3370, %abs3A_3368 : vector<1x128xf32>
    %exp3A_3372 = math.exp %neg3A_3371 : vector<1x128xf32>
    %log1p3A_3373 = math.log1p %exp3A_3372 : vector<1x128xf32>
    %add3A_3374 = arith.addf %max3A_3362, %log1p3A_3373 : vector<1x128xf32>
    %select_n3A_3375 = arith.select %ne3A_3365, %add3A_3367, %add3A_3374 : vector<1x128xi1>, vector<1x128xf32>
    %jit3A_3376 = arith.constant 0.000000e+00 : f32
    %broadcast_in_dim3A_3377 = vector.broadcast %jit3A_3376 : f32 to vector<1x128xf32>
    %select_n3A_3378 = arith.select %eq3A_3359, %select_n3A_3375, %broadcast_in_dim3A_3377 : vector<1x128xi1>, vector<1x128xf32>
    %select_n3A_3379 = arith.select %lt3A_3356, %reshape3A_3353, %select_n3A_3378 : vector<1x128xi1>, vector<1x128xf32>
    %swap3A_3380 = arith.constant 99 : index
    %swap3A_3381 = arith.constant 0 : index
    %swap3A_3382 = vector.load %arg2[%swap3A_3380, %swap3A_3381] : memref<128x128xf32, #tpu.memory_space<vmem>>, vector<1x128xf32>
    tpu.vector_store %arg2[%swap3A_3380, %swap3A_3381], %select_n3A_3379 {strides = array<i32>} : memref<128x128xf32, #tpu.memory_space<vmem>>, vector<1x128xf32>,
    %get3A_3383 = arith.constant 0 : index
    %get3A_3384 = arith.constant 5050 : index
    %get3A_3385 = vector.load %arg0[%get3A_3383, %get3A_3384] : memref<1x8384xf32, #tpu.memory_space<vmem>>, vector<1x128xf32>
    %get3A_3386 = vector.shape_cast %get3A_3385 : vector<1x128xf32> to vector<128xf32>
    %reshape3A_3387 = vector.shape_cast %get3A_3386 : vector<128xf32> to vector<1x128xf32>
    %lt3A_3388 = arith.constant 100 : i32
    %lt3A_3389 = vector.broadcast %lt3A_3388 : i32 to vector<1x128xi32>
    %lt3A_3390 = arith.cmpi slt, %iota3A, %lt3A_3389 : vector<1x128xi32>
    %eq3A_3391 = arith.constant 100 : i32
    %eq3A_3392 = vector.broadcast %eq3A_3391 : i32 to vector<1x128xi32>
    %eq3A_3393 = arith.cmpi eq, %iota3A, %eq3A_3392 : vector<1x128xi32>
    %custom_jvp_call3A_3394 = arith.constant 0.000000e+00 : f32
    %max3A_3395 = vector.broadcast %custom_jvp_call3A_3394 : f32 to vector<1x128xf32>
    %max3A_3396 = arith.maximumf %reshape3A_3387, %max3A_3395 : vector<1x128xf32>
    %sub3A_3397 = vector.broadcast %custom_jvp_call3A_3394 : f32 to vector<1x128xf32>
    %sub3A_3398 = arith.subf %reshape3A_3387, %sub3A_3397 : vector<1x128xf32>
    %ne3A_3399 = arith.cmpf one, %sub3A_3398, %sub3A_3398 : vector<1x128xf32>
    %add3A_3400 = vector.broadcast %custom_jvp_call3A_3394 : f32 to vector<1x128xf32>
    %add3A_3401 = arith.addf %reshape3A_3387, %add3A_3400 : vector<1x128xf32>
    %abs3A_3402 = math.absf %sub3A_3398 : vector<1x128xf32>
    %neg3A_3403 = arith.constant 0.000000e+00 : f32
    %neg3A_3404 = vector.broadcast %neg3A_3403 : f32 to vector<1x128xf32>
    %neg3A_3405 = arith.subf %neg3A_3404, %abs3A_3402 : vector<1x128xf32>
    %exp3A_3406 = math.exp %neg3A_3405 : vector<1x128xf32>
    %log1p3A_3407 = math.log1p %exp3A_3406 : vector<1x128xf32>
    %add3A_3408 = arith.addf %max3A_3396, %log1p3A_3407 : vector<1x128xf32>
    %select_n3A_3409 = arith.select %ne3A_3399, %add3A_3401, %add3A_3408 : vector<1x128xi1>, vector<1x128xf32>
    %jit3A_3410 = arith.constant 0.000000e+00 : f32
    %broadcast_in_dim3A_3411 = vector.broadcast %jit3A_3410 : f32 to vector<1x128xf32>
    %select_n3A_3412 = arith.select %eq3A_3393, %select_n3A_3409, %broadcast_in_dim3A_3411 : vector<1x128xi1>, vector<1x128xf32>
    %select_n3A_3413 = arith.select %lt3A_3390, %reshape3A_3387, %select_n3A_3412 : vector<1x128xi1>, vector<1x128xf32>
    %swap3A_3414 = arith.constant 100 : index
    %swap3A_3415 = arith.constant 0 : index
    %swap3A_3416 = vector.load %arg2[%swap3A_3414, %swap3A_3415] : memref<128x128xf32, #tpu.memory_space<vmem>>, vector<1x128xf32>
    tpu.vector_store %arg2[%swap3A_3414, %swap3A_3415], %select_n3A_3413 {strides = array<i32>} : memref<128x128xf32, #tpu.memory_space<vmem>>, vector<1x128xf32>,
    %get3A_3417 = arith.constant 0 : index
    %get3A_3418 = arith.constant 5151 : index
    %get3A_3419 = vector.load %arg0[%get3A_3417, %get3A_3418] : memref<1x8384xf32, #tpu.memory_space<vmem>>, vector<1x128xf32>
    %get3A_3420 = vector.shape_cast %get3A_3419 : vector<1x128xf32> to vector<128xf32>
    %reshape3A_3421 = vector.shape_cast %get3A_3420 : vector<128xf32> to vector<1x128xf32>
    %lt3A_3422 = arith.constant 101 : i32
    %lt3A_3423 = vector.broadcast %lt3A_3422 : i32 to vector<1x128xi32>
    %lt3A_3424 = arith.cmpi slt, %iota3A, %lt3A_3423 : vector<1x128xi32>
    %eq3A_3425 = arith.constant 101 : i32
    %eq3A_3426 = vector.broadcast %eq3A_3425 : i32 to vector<1x128xi32>
    %eq3A_3427 = arith.cmpi eq, %iota3A, %eq3A_3426 : vector<1x128xi32>
    %custom_jvp_call3A_3428 = arith.constant 0.000000e+00 : f32
    %max3A_3429 = vector.broadcast %custom_jvp_call3A_3428 : f32 to vector<1x128xf32>
    %max3A_3430 = arith.maximumf %reshape3A_3421, %max3A_3429 : vector<1x128xf32>
    %sub3A_3431 = vector.broadcast %custom_jvp_call3A_3428 : f32 to vector<1x128xf32>
    %sub3A_3432 = arith.subf %reshape3A_3421, %sub3A_3431 : vector<1x128xf32>
    %ne3A_3433 = arith.cmpf one, %sub3A_3432, %sub3A_3432 : vector<1x128xf32>
    %add3A_3434 = vector.broadcast %custom_jvp_call3A_3428 : f32 to vector<1x128xf32>
    %add3A_3435 = arith.addf %reshape3A_3421, %add3A_3434 : vector<1x128xf32>
    %abs3A_3436 = math.absf %sub3A_3432 : vector<1x128xf32>
    %neg3A_3437 = arith.constant 0.000000e+00 : f32
    %neg3A_3438 = vector.broadcast %neg3A_3437 : f32 to vector<1x128xf32>
    %neg3A_3439 = arith.subf %neg3A_3438, %abs3A_3436 : vector<1x128xf32>
    %exp3A_3440 = math.exp %neg3A_3439 : vector<1x128xf32>
    %log1p3A_3441 = math.log1p %exp3A_3440 : vector<1x128xf32>
    %add3A_3442 = arith.addf %max3A_3430, %log1p3A_3441 : vector<1x128xf32>
    %select_n3A_3443 = arith.select %ne3A_3433, %add3A_3435, %add3A_3442 : vector<1x128xi1>, vector<1x128xf32>
    %jit3A_3444 = arith.constant 0.000000e+00 : f32
    %broadcast_in_dim3A_3445 = vector.broadcast %jit3A_3444 : f32 to vector<1x128xf32>
    %select_n3A_3446 = arith.select %eq3A_3427, %select_n3A_3443, %broadcast_in_dim3A_3445 : vector<1x128xi1>, vector<1x128xf32>
    %select_n3A_3447 = arith.select %lt3A_3424, %reshape3A_3421, %select_n3A_3446 : vector<1x128xi1>, vector<1x128xf32>
    %swap3A_3448 = arith.constant 101 : index
    %swap3A_3449 = arith.constant 0 : index
    %swap3A_3450 = vector.load %arg2[%swap3A_3448, %swap3A_3449] : memref<128x128xf32, #tpu.memory_space<vmem>>, vector<1x128xf32>
    tpu.vector_store %arg2[%swap3A_3448, %swap3A_3449], %select_n3A_3447 {strides = array<i32>} : memref<128x128xf32, #tpu.memory_space<vmem>>, vector<1x128xf32>,
    %get3A_3451 = arith.constant 0 : index
    %get3A_3452 = arith.constant 5253 : index
    %get3A_3453 = vector.load %arg0[%get3A_3451, %get3A_3452] : memref<1x8384xf32, #tpu.memory_space<vmem>>, vector<1x128xf32>
    %get3A_3454 = vector.shape_cast %get3A_3453 : vector<1x128xf32> to vector<128xf32>
    %reshape3A_3455 = vector.shape_cast %get3A_3454 : vector<128xf32> to vector<1x128xf32>
    %lt3A_3456 = arith.constant 102 : i32
    %lt3A_3457 = vector.broadcast %lt3A_3456 : i32 to vector<1x128xi32>
    %lt3A_3458 = arith.cmpi slt, %iota3A, %lt3A_3457 : vector<1x128xi32>
    %eq3A_3459 = arith.constant 102 : i32
    %eq3A_3460 = vector.broadcast %eq3A_3459 : i32 to vector<1x128xi32>
    %eq3A_3461 = arith.cmpi eq, %iota3A, %eq3A_3460 : vector<1x128xi32>
    %custom_jvp_call3A_3462 = arith.constant 0.000000e+00 : f32
    %max3A_3463 = vector.broadcast %custom_jvp_call3A_3462 : f32 to vector<1x128xf32>
    %max3A_3464 = arith.maximumf %reshape3A_3455, %max3A_3463 : vector<1x128xf32>
    %sub3A_3465 = vector.broadcast %custom_jvp_call3A_3462 : f32 to vector<1x128xf32>
    %sub3A_3466 = arith.subf %reshape3A_3455, %sub3A_3465 : vector<1x128xf32>
    %ne3A_3467 = arith.cmpf one, %sub3A_3466, %sub3A_3466 : vector<1x128xf32>
    %add3A_3468 = vector.broadcast %custom_jvp_call3A_3462 : f32 to vector<1x128xf32>
    %add3A_3469 = arith.addf %reshape3A_3455, %add3A_3468 : vector<1x128xf32>
    %abs3A_3470 = math.absf %sub3A_3466 : vector<1x128xf32>
    %neg3A_3471 = arith.constant 0.000000e+00 : f32
    %neg3A_3472 = vector.broadcast %neg3A_3471 : f32 to vector<1x128xf32>
    %neg3A_3473 = arith.subf %neg3A_3472, %abs3A_3470 : vector<1x128xf32>
    %exp3A_3474 = math.exp %neg3A_3473 : vector<1x128xf32>
    %log1p3A_3475 = math.log1p %exp3A_3474 : vector<1x128xf32>
    %add3A_3476 = arith.addf %max3A_3464, %log1p3A_3475 : vector<1x128xf32>
    %select_n3A_3477 = arith.select %ne3A_3467, %add3A_3469, %add3A_3476 : vector<1x128xi1>, vector<1x128xf32>
    %jit3A_3478 = arith.constant 0.000000e+00 : f32
    %broadcast_in_dim3A_3479 = vector.broadcast %jit3A_3478 : f32 to vector<1x128xf32>
    %select_n3A_3480 = arith.select %eq3A_3461, %select_n3A_3477, %broadcast_in_dim3A_3479 : vector<1x128xi1>, vector<1x128xf32>
    %select_n3A_3481 = arith.select %lt3A_3458, %reshape3A_3455, %select_n3A_3480 : vector<1x128xi1>, vector<1x128xf32>
    %swap3A_3482 = arith.constant 102 : index
    %swap3A_3483 = arith.constant 0 : index
    %swap3A_3484 = vector.load %arg2[%swap3A_3482, %swap3A_3483] : memref<128x128xf32, #tpu.memory_space<vmem>>, vector<1x128xf32>
    tpu.vector_store %arg2[%swap3A_3482, %swap3A_3483], %select_n3A_3481 {strides = array<i32>} : memref<128x128xf32, #tpu.memory_space<vmem>>, vector<1x128xf32>,
    %get3A_3485 = arith.constant 0 : index
    %get3A_3486 = arith.constant 5356 : index
    %get3A_3487 = vector.load %arg0[%get3A_3485, %get3A_3486] : memref<1x8384xf32, #tpu.memory_space<vmem>>, vector<1x128xf32>
    %get3A_3488 = vector.shape_cast %get3A_3487 : vector<1x128xf32> to vector<128xf32>
    %reshape3A_3489 = vector.shape_cast %get3A_3488 : vector<128xf32> to vector<1x128xf32>
    %lt3A_3490 = arith.constant 103 : i32
    %lt3A_3491 = vector.broadcast %lt3A_3490 : i32 to vector<1x128xi32>
    %lt3A_3492 = arith.cmpi slt, %iota3A, %lt3A_3491 : vector<1x128xi32>
    %eq3A_3493 = arith.constant 103 : i32
    %eq3A_3494 = vector.broadcast %eq3A_3493 : i32 to vector<1x128xi32>
    %eq3A_3495 = arith.cmpi eq, %iota3A, %eq3A_3494 : vector<1x128xi32>
    %custom_jvp_call3A_3496 = arith.constant 0.000000e+00 : f32
    %max3A_3497 = vector.broadcast %custom_jvp_call3A_3496 : f32 to vector<1x128xf32>
    %max3A_3498 = arith.maximumf %reshape3A_3489, %max3A_3497 : vector<1x128xf32>
    %sub3A_3499 = vector.broadcast %custom_jvp_call3A_3496 : f32 to vector<1x128xf32>
    %sub3A_3500 = arith.subf %reshape3A_3489, %sub3A_3499 : vector<1x128xf32>
    %ne3A_3501 = arith.cmpf one, %sub3A_3500, %sub3A_3500 : vector<1x128xf32>
    %add3A_3502 = vector.broadcast %custom_jvp_call3A_3496 : f32 to vector<1x128xf32>
    %add3A_3503 = arith.addf %reshape3A_3489, %add3A_3502 : vector<1x128xf32>
    %abs3A_3504 = math.absf %sub3A_3500 : vector<1x128xf32>
    %neg3A_3505 = arith.constant 0.000000e+00 : f32
    %neg3A_3506 = vector.broadcast %neg3A_3505 : f32 to vector<1x128xf32>
    %neg3A_3507 = arith.subf %neg3A_3506, %abs3A_3504 : vector<1x128xf32>
    %exp3A_3508 = math.exp %neg3A_3507 : vector<1x128xf32>
    %log1p3A_3509 = math.log1p %exp3A_3508 : vector<1x128xf32>
    %add3A_3510 = arith.addf %max3A_3498, %log1p3A_3509 : vector<1x128xf32>
    %select_n3A_3511 = arith.select %ne3A_3501, %add3A_3503, %add3A_3510 : vector<1x128xi1>, vector<1x128xf32>
    %jit3A_3512 = arith.constant 0.000000e+00 : f32
    %broadcast_in_dim3A_3513 = vector.broadcast %jit3A_3512 : f32 to vector<1x128xf32>
    %select_n3A_3514 = arith.select %eq3A_3495, %select_n3A_3511, %broadcast_in_dim3A_3513 : vector<1x128xi1>, vector<1x128xf32>
    %select_n3A_3515 = arith.select %lt3A_3492, %reshape3A_3489, %select_n3A_3514 : vector<1x128xi1>, vector<1x128xf32>
    %swap3A_3516 = arith.constant 103 : index
    %swap3A_3517 = arith.constant 0 : index
    %swap3A_3518 = vector.load %arg2[%swap3A_3516, %swap3A_3517] : memref<128x128xf32, #tpu.memory_space<vmem>>, vector<1x128xf32>
    tpu.vector_store %arg2[%swap3A_3516, %swap3A_3517], %select_n3A_3515 {strides = array<i32>} : memref<128x128xf32, #tpu.memory_space<vmem>>, vector<1x128xf32>,
    %get3A_3519 = arith.constant 0 : index
    %get3A_3520 = arith.constant 5460 : index
    %get3A_3521 = vector.load %arg0[%get3A_3519, %get3A_3520] : memref<1x8384xf32, #tpu.memory_space<vmem>>, vector<1x128xf32>
    %get3A_3522 = vector.shape_cast %get3A_3521 : vector<1x128xf32> to vector<128xf32>
    %reshape3A_3523 = vector.shape_cast %get3A_3522 : vector<128xf32> to vector<1x128xf32>
    %lt3A_3524 = arith.constant 104 : i32
    %lt3A_3525 = vector.broadcast %lt3A_3524 : i32 to vector<1x128xi32>
    %lt3A_3526 = arith.cmpi slt, %iota3A, %lt3A_3525 : vector<1x128xi32>
    %eq3A_3527 = arith.constant 104 : i32
    %eq3A_3528 = vector.broadcast %eq3A_3527 : i32 to vector<1x128xi32>
    %eq3A_3529 = arith.cmpi eq, %iota3A, %eq3A_3528 : vector<1x128xi32>
    %custom_jvp_call3A_3530 = arith.constant 0.000000e+00 : f32
    %max3A_3531 = vector.broadcast %custom_jvp_call3A_3530 : f32 to vector<1x128xf32>
    %max3A_3532 = arith.maximumf %reshape3A_3523, %max3A_3531 : vector<1x128xf32>
    %sub3A_3533 = vector.broadcast %custom_jvp_call3A_3530 : f32 to vector<1x128xf32>
    %sub3A_3534 = arith.subf %reshape3A_3523, %sub3A_3533 : vector<1x128xf32>
    %ne3A_3535 = arith.cmpf one, %sub3A_3534, %sub3A_3534 : vector<1x128xf32>
    %add3A_3536 = vector.broadcast %custom_jvp_call3A_3530 : f32 to vector<1x128xf32>
    %add3A_3537 = arith.addf %reshape3A_3523, %add3A_3536 : vector<1x128xf32>
    %abs3A_3538 = math.absf %sub3A_3534 : vector<1x128xf32>
    %neg3A_3539 = arith.constant 0.000000e+00 : f32
    %neg3A_3540 = vector.broadcast %neg3A_3539 : f32 to vector<1x128xf32>
    %neg3A_3541 = arith.subf %neg3A_3540, %abs3A_3538 : vector<1x128xf32>
    %exp3A_3542 = math.exp %neg3A_3541 : vector<1x128xf32>
    %log1p3A_3543 = math.log1p %exp3A_3542 : vector<1x128xf32>
    %add3A_3544 = arith.addf %max3A_3532, %log1p3A_3543 : vector<1x128xf32>
    %select_n3A_3545 = arith.select %ne3A_3535, %add3A_3537, %add3A_3544 : vector<1x128xi1>, vector<1x128xf32>
    %jit3A_3546 = arith.constant 0.000000e+00 : f32
    %broadcast_in_dim3A_3547 = vector.broadcast %jit3A_3546 : f32 to vector<1x128xf32>
    %select_n3A_3548 = arith.select %eq3A_3529, %select_n3A_3545, %broadcast_in_dim3A_3547 : vector<1x128xi1>, vector<1x128xf32>
    %select_n3A_3549 = arith.select %lt3A_3526, %reshape3A_3523, %select_n3A_3548 : vector<1x128xi1>, vector<1x128xf32>
    %swap3A_3550 = arith.constant 104 : index
    %swap3A_3551 = arith.constant 0 : index
    %swap3A_3552 = vector.load %arg2[%swap3A_3550, %swap3A_3551] : memref<128x128xf32, #tpu.memory_space<vmem>>, vector<1x128xf32>
    tpu.vector_store %arg2[%swap3A_3550, %swap3A_3551], %select_n3A_3549 {strides = array<i32>} : memref<128x128xf32, #tpu.memory_space<vmem>>, vector<1x128xf32>,
    %get3A_3553 = arith.constant 0 : index
    %get3A_3554 = arith.constant 5565 : index
    %get3A_3555 = vector.load %arg0[%get3A_3553, %get3A_3554] : memref<1x8384xf32, #tpu.memory_space<vmem>>, vector<1x128xf32>
    %get3A_3556 = vector.shape_cast %get3A_3555 : vector<1x128xf32> to vector<128xf32>
    %reshape3A_3557 = vector.shape_cast %get3A_3556 : vector<128xf32> to vector<1x128xf32>
    %lt3A_3558 = arith.constant 105 : i32
    %lt3A_3559 = vector.broadcast %lt3A_3558 : i32 to vector<1x128xi32>
    %lt3A_3560 = arith.cmpi slt, %iota3A, %lt3A_3559 : vector<1x128xi32>
    %eq3A_3561 = arith.constant 105 : i32
    %eq3A_3562 = vector.broadcast %eq3A_3561 : i32 to vector<1x128xi32>
    %eq3A_3563 = arith.cmpi eq, %iota3A, %eq3A_3562 : vector<1x128xi32>
    %custom_jvp_call3A_3564 = arith.constant 0.000000e+00 : f32
    %max3A_3565 = vector.broadcast %custom_jvp_call3A_3564 : f32 to vector<1x128xf32>
    %max3A_3566 = arith.maximumf %reshape3A_3557, %max3A_3565 : vector<1x128xf32>
    %sub3A_3567 = vector.broadcast %custom_jvp_call3A_3564 : f32 to vector<1x128xf32>
    %sub3A_3568 = arith.subf %reshape3A_3557, %sub3A_3567 : vector<1x128xf32>
    %ne3A_3569 = arith.cmpf one, %sub3A_3568, %sub3A_3568 : vector<1x128xf32>
    %add3A_3570 = vector.broadcast %custom_jvp_call3A_3564 : f32 to vector<1x128xf32>
    %add3A_3571 = arith.addf %reshape3A_3557, %add3A_3570 : vector<1x128xf32>
    %abs3A_3572 = math.absf %sub3A_3568 : vector<1x128xf32>
    %neg3A_3573 = arith.constant 0.000000e+00 : f32
    %neg3A_3574 = vector.broadcast %neg3A_3573 : f32 to vector<1x128xf32>
    %neg3A_3575 = arith.subf %neg3A_3574, %abs3A_3572 : vector<1x128xf32>
    %exp3A_3576 = math.exp %neg3A_3575 : vector<1x128xf32>
    %log1p3A_3577 = math.log1p %exp3A_3576 : vector<1x128xf32>
    %add3A_3578 = arith.addf %max3A_3566, %log1p3A_3577 : vector<1x128xf32>
    %select_n3A_3579 = arith.select %ne3A_3569, %add3A_3571, %add3A_3578 : vector<1x128xi1>, vector<1x128xf32>
    %jit3A_3580 = arith.constant 0.000000e+00 : f32
    %broadcast_in_dim3A_3581 = vector.broadcast %jit3A_3580 : f32 to vector<1x128xf32>
    %select_n3A_3582 = arith.select %eq3A_3563, %select_n3A_3579, %broadcast_in_dim3A_3581 : vector<1x128xi1>, vector<1x128xf32>
    %select_n3A_3583 = arith.select %lt3A_3560, %reshape3A_3557, %select_n3A_3582 : vector<1x128xi1>, vector<1x128xf32>
    %swap3A_3584 = arith.constant 105 : index
    %swap3A_3585 = arith.constant 0 : index
    %swap3A_3586 = vector.load %arg2[%swap3A_3584, %swap3A_3585] : memref<128x128xf32, #tpu.memory_space<vmem>>, vector<1x128xf32>
    tpu.vector_store %arg2[%swap3A_3584, %swap3A_3585], %select_n3A_3583 {strides = array<i32>} : memref<128x128xf32, #tpu.memory_space<vmem>>, vector<1x128xf32>,
    %get3A_3587 = arith.constant 0 : index
    %get3A_3588 = arith.constant 5671 : index
    %get3A_3589 = vector.load %arg0[%get3A_3587, %get3A_3588] : memref<1x8384xf32, #tpu.memory_space<vmem>>, vector<1x128xf32>
    %get3A_3590 = vector.shape_cast %get3A_3589 : vector<1x128xf32> to vector<128xf32>
    %reshape3A_3591 = vector.shape_cast %get3A_3590 : vector<128xf32> to vector<1x128xf32>
    %lt3A_3592 = arith.constant 106 : i32
    %lt3A_3593 = vector.broadcast %lt3A_3592 : i32 to vector<1x128xi32>
    %lt3A_3594 = arith.cmpi slt, %iota3A, %lt3A_3593 : vector<1x128xi32>
    %eq3A_3595 = arith.constant 106 : i32
    %eq3A_3596 = vector.broadcast %eq3A_3595 : i32 to vector<1x128xi32>
    %eq3A_3597 = arith.cmpi eq, %iota3A, %eq3A_3596 : vector<1x128xi32>
    %custom_jvp_call3A_3598 = arith.constant 0.000000e+00 : f32
    %max3A_3599 = vector.broadcast %custom_jvp_call3A_3598 : f32 to vector<1x128xf32>
    %max3A_3600 = arith.maximumf %reshape3A_3591, %max3A_3599 : vector<1x128xf32>
    %sub3A_3601 = vector.broadcast %custom_jvp_call3A_3598 : f32 to vector<1x128xf32>
    %sub3A_3602 = arith.subf %reshape3A_3591, %sub3A_3601 : vector<1x128xf32>
    %ne3A_3603 = arith.cmpf one, %sub3A_3602, %sub3A_3602 : vector<1x128xf32>
    %add3A_3604 = vector.broadcast %custom_jvp_call3A_3598 : f32 to vector<1x128xf32>
    %add3A_3605 = arith.addf %reshape3A_3591, %add3A_3604 : vector<1x128xf32>
    %abs3A_3606 = math.absf %sub3A_3602 : vector<1x128xf32>
    %neg3A_3607 = arith.constant 0.000000e+00 : f32
    %neg3A_3608 = vector.broadcast %neg3A_3607 : f32 to vector<1x128xf32>
    %neg3A_3609 = arith.subf %neg3A_3608, %abs3A_3606 : vector<1x128xf32>
    %exp3A_3610 = math.exp %neg3A_3609 : vector<1x128xf32>
    %log1p3A_3611 = math.log1p %exp3A_3610 : vector<1x128xf32>
    %add3A_3612 = arith.addf %max3A_3600, %log1p3A_3611 : vector<1x128xf32>
    %select_n3A_3613 = arith.select %ne3A_3603, %add3A_3605, %add3A_3612 : vector<1x128xi1>, vector<1x128xf32>
    %jit3A_3614 = arith.constant 0.000000e+00 : f32
    %broadcast_in_dim3A_3615 = vector.broadcast %jit3A_3614 : f32 to vector<1x128xf32>
    %select_n3A_3616 = arith.select %eq3A_3597, %select_n3A_3613, %broadcast_in_dim3A_3615 : vector<1x128xi1>, vector<1x128xf32>
    %select_n3A_3617 = arith.select %lt3A_3594, %reshape3A_3591, %select_n3A_3616 : vector<1x128xi1>, vector<1x128xf32>
    %swap3A_3618 = arith.constant 106 : index
    %swap3A_3619 = arith.constant 0 : index
    %swap3A_3620 = vector.load %arg2[%swap3A_3618, %swap3A_3619] : memref<128x128xf32, #tpu.memory_space<vmem>>, vector<1x128xf32>
    tpu.vector_store %arg2[%swap3A_3618, %swap3A_3619], %select_n3A_3617 {strides = array<i32>} : memref<128x128xf32, #tpu.memory_space<vmem>>, vector<1x128xf32>,
    %get3A_3621 = arith.constant 0 : index
    %get3A_3622 = arith.constant 5778 : index
    %get3A_3623 = vector.load %arg0[%get3A_3621, %get3A_3622] : memref<1x8384xf32, #tpu.memory_space<vmem>>, vector<1x128xf32>
    %get3A_3624 = vector.shape_cast %get3A_3623 : vector<1x128xf32> to vector<128xf32>
    %reshape3A_3625 = vector.shape_cast %get3A_3624 : vector<128xf32> to vector<1x128xf32>
    %lt3A_3626 = arith.constant 107 : i32
    %lt3A_3627 = vector.broadcast %lt3A_3626 : i32 to vector<1x128xi32>
    %lt3A_3628 = arith.cmpi slt, %iota3A, %lt3A_3627 : vector<1x128xi32>
    %eq3A_3629 = arith.constant 107 : i32
    %eq3A_3630 = vector.broadcast %eq3A_3629 : i32 to vector<1x128xi32>
    %eq3A_3631 = arith.cmpi eq, %iota3A, %eq3A_3630 : vector<1x128xi32>
    %custom_jvp_call3A_3632 = arith.constant 0.000000e+00 : f32
    %max3A_3633 = vector.broadcast %custom_jvp_call3A_3632 : f32 to vector<1x128xf32>
    %max3A_3634 = arith.maximumf %reshape3A_3625, %max3A_3633 : vector<1x128xf32>
    %sub3A_3635 = vector.broadcast %custom_jvp_call3A_3632 : f32 to vector<1x128xf32>
    %sub3A_3636 = arith.subf %reshape3A_3625, %sub3A_3635 : vector<1x128xf32>
    %ne3A_3637 = arith.cmpf one, %sub3A_3636, %sub3A_3636 : vector<1x128xf32>
    %add3A_3638 = vector.broadcast %custom_jvp_call3A_3632 : f32 to vector<1x128xf32>
    %add3A_3639 = arith.addf %reshape3A_3625, %add3A_3638 : vector<1x128xf32>
    %abs3A_3640 = math.absf %sub3A_3636 : vector<1x128xf32>
    %neg3A_3641 = arith.constant 0.000000e+00 : f32
    %neg3A_3642 = vector.broadcast %neg3A_3641 : f32 to vector<1x128xf32>
    %neg3A_3643 = arith.subf %neg3A_3642, %abs3A_3640 : vector<1x128xf32>
    %exp3A_3644 = math.exp %neg3A_3643 : vector<1x128xf32>
    %log1p3A_3645 = math.log1p %exp3A_3644 : vector<1x128xf32>
    %add3A_3646 = arith.addf %max3A_3634, %log1p3A_3645 : vector<1x128xf32>
    %select_n3A_3647 = arith.select %ne3A_3637, %add3A_3639, %add3A_3646 : vector<1x128xi1>, vector<1x128xf32>
    %jit3A_3648 = arith.constant 0.000000e+00 : f32
    %broadcast_in_dim3A_3649 = vector.broadcast %jit3A_3648 : f32 to vector<1x128xf32>
    %select_n3A_3650 = arith.select %eq3A_3631, %select_n3A_3647, %broadcast_in_dim3A_3649 : vector<1x128xi1>, vector<1x128xf32>
    %select_n3A_3651 = arith.select %lt3A_3628, %reshape3A_3625, %select_n3A_3650 : vector<1x128xi1>, vector<1x128xf32>
    %swap3A_3652 = arith.constant 107 : index
    %swap3A_3653 = arith.constant 0 : index
    %swap3A_3654 = vector.load %arg2[%swap3A_3652, %swap3A_3653] : memref<128x128xf32, #tpu.memory_space<vmem>>, vector<1x128xf32>
    tpu.vector_store %arg2[%swap3A_3652, %swap3A_3653], %select_n3A_3651 {strides = array<i32>} : memref<128x128xf32, #tpu.memory_space<vmem>>, vector<1x128xf32>,
    %get3A_3655 = arith.constant 0 : index
    %get3A_3656 = arith.constant 5886 : index
    %get3A_3657 = vector.load %arg0[%get3A_3655, %get3A_3656] : memref<1x8384xf32, #tpu.memory_space<vmem>>, vector<1x128xf32>
    %get3A_3658 = vector.shape_cast %get3A_3657 : vector<1x128xf32> to vector<128xf32>
    %reshape3A_3659 = vector.shape_cast %get3A_3658 : vector<128xf32> to vector<1x128xf32>
    %lt3A_3660 = arith.constant 108 : i32
    %lt3A_3661 = vector.broadcast %lt3A_3660 : i32 to vector<1x128xi32>
    %lt3A_3662 = arith.cmpi slt, %iota3A, %lt3A_3661 : vector<1x128xi32>
    %eq3A_3663 = arith.constant 108 : i32
    %eq3A_3664 = vector.broadcast %eq3A_3663 : i32 to vector<1x128xi32>
    %eq3A_3665 = arith.cmpi eq, %iota3A, %eq3A_3664 : vector<1x128xi32>
    %custom_jvp_call3A_3666 = arith.constant 0.000000e+00 : f32
    %max3A_3667 = vector.broadcast %custom_jvp_call3A_3666 : f32 to vector<1x128xf32>
    %max3A_3668 = arith.maximumf %reshape3A_3659, %max3A_3667 : vector<1x128xf32>
    %sub3A_3669 = vector.broadcast %custom_jvp_call3A_3666 : f32 to vector<1x128xf32>
    %sub3A_3670 = arith.subf %reshape3A_3659, %sub3A_3669 : vector<1x128xf32>
    %ne3A_3671 = arith.cmpf one, %sub3A_3670, %sub3A_3670 : vector<1x128xf32>
    %add3A_3672 = vector.broadcast %custom_jvp_call3A_3666 : f32 to vector<1x128xf32>
    %add3A_3673 = arith.addf %reshape3A_3659, %add3A_3672 : vector<1x128xf32>
    %abs3A_3674 = math.absf %sub3A_3670 : vector<1x128xf32>
    %neg3A_3675 = arith.constant 0.000000e+00 : f32
    %neg3A_3676 = vector.broadcast %neg3A_3675 : f32 to vector<1x128xf32>
    %neg3A_3677 = arith.subf %neg3A_3676, %abs3A_3674 : vector<1x128xf32>
    %exp3A_3678 = math.exp %neg3A_3677 : vector<1x128xf32>
    %log1p3A_3679 = math.log1p %exp3A_3678 : vector<1x128xf32>
    %add3A_3680 = arith.addf %max3A_3668, %log1p3A_3679 : vector<1x128xf32>
    %select_n3A_3681 = arith.select %ne3A_3671, %add3A_3673, %add3A_3680 : vector<1x128xi1>, vector<1x128xf32>
    %jit3A_3682 = arith.constant 0.000000e+00 : f32
    %broadcast_in_dim3A_3683 = vector.broadcast %jit3A_3682 : f32 to vector<1x128xf32>
    %select_n3A_3684 = arith.select %eq3A_3665, %select_n3A_3681, %broadcast_in_dim3A_3683 : vector<1x128xi1>, vector<1x128xf32>
    %select_n3A_3685 = arith.select %lt3A_3662, %reshape3A_3659, %select_n3A_3684 : vector<1x128xi1>, vector<1x128xf32>
    %swap3A_3686 = arith.constant 108 : index
    %swap3A_3687 = arith.constant 0 : index
    %swap3A_3688 = vector.load %arg2[%swap3A_3686, %swap3A_3687] : memref<128x128xf32, #tpu.memory_space<vmem>>, vector<1x128xf32>
    tpu.vector_store %arg2[%swap3A_3686, %swap3A_3687], %select_n3A_3685 {strides = array<i32>} : memref<128x128xf32, #tpu.memory_space<vmem>>, vector<1x128xf32>,
    %get3A_3689 = arith.constant 0 : index
    %get3A_3690 = arith.constant 5995 : index
    %get3A_3691 = vector.load %arg0[%get3A_3689, %get3A_3690] : memref<1x8384xf32, #tpu.memory_space<vmem>>, vector<1x128xf32>
    %get3A_3692 = vector.shape_cast %get3A_3691 : vector<1x128xf32> to vector<128xf32>
    %reshape3A_3693 = vector.shape_cast %get3A_3692 : vector<128xf32> to vector<1x128xf32>
    %lt3A_3694 = arith.constant 109 : i32
    %lt3A_3695 = vector.broadcast %lt3A_3694 : i32 to vector<1x128xi32>
    %lt3A_3696 = arith.cmpi slt, %iota3A, %lt3A_3695 : vector<1x128xi32>
    %eq3A_3697 = arith.constant 109 : i32
    %eq3A_3698 = vector.broadcast %eq3A_3697 : i32 to vector<1x128xi32>
    %eq3A_3699 = arith.cmpi eq, %iota3A, %eq3A_3698 : vector<1x128xi32>
    %custom_jvp_call3A_3700 = arith.constant 0.000000e+00 : f32
    %max3A_3701 = vector.broadcast %custom_jvp_call3A_3700 : f32 to vector<1x128xf32>
    %max3A_3702 = arith.maximumf %reshape3A_3693, %max3A_3701 : vector<1x128xf32>
    %sub3A_3703 = vector.broadcast %custom_jvp_call3A_3700 : f32 to vector<1x128xf32>
    %sub3A_3704 = arith.subf %reshape3A_3693, %sub3A_3703 : vector<1x128xf32>
    %ne3A_3705 = arith.cmpf one, %sub3A_3704, %sub3A_3704 : vector<1x128xf32>
    %add3A_3706 = vector.broadcast %custom_jvp_call3A_3700 : f32 to vector<1x128xf32>
    %add3A_3707 = arith.addf %reshape3A_3693, %add3A_3706 : vector<1x128xf32>
    %abs3A_3708 = math.absf %sub3A_3704 : vector<1x128xf32>
    %neg3A_3709 = arith.constant 0.000000e+00 : f32
    %neg3A_3710 = vector.broadcast %neg3A_3709 : f32 to vector<1x128xf32>
    %neg3A_3711 = arith.subf %neg3A_3710, %abs3A_3708 : vector<1x128xf32>
    %exp3A_3712 = math.exp %neg3A_3711 : vector<1x128xf32>
    %log1p3A_3713 = math.log1p %exp3A_3712 : vector<1x128xf32>
    %add3A_3714 = arith.addf %max3A_3702, %log1p3A_3713 : vector<1x128xf32>
    %select_n3A_3715 = arith.select %ne3A_3705, %add3A_3707, %add3A_3714 : vector<1x128xi1>, vector<1x128xf32>
    %jit3A_3716 = arith.constant 0.000000e+00 : f32
    %broadcast_in_dim3A_3717 = vector.broadcast %jit3A_3716 : f32 to vector<1x128xf32>
    %select_n3A_3718 = arith.select %eq3A_3699, %select_n3A_3715, %broadcast_in_dim3A_3717 : vector<1x128xi1>, vector<1x128xf32>
    %select_n3A_3719 = arith.select %lt3A_3696, %reshape3A_3693, %select_n3A_3718 : vector<1x128xi1>, vector<1x128xf32>
    %swap3A_3720 = arith.constant 109 : index
    %swap3A_3721 = arith.constant 0 : index
    %swap3A_3722 = vector.load %arg2[%swap3A_3720, %swap3A_3721] : memref<128x128xf32, #tpu.memory_space<vmem>>, vector<1x128xf32>
    tpu.vector_store %arg2[%swap3A_3720, %swap3A_3721], %select_n3A_3719 {strides = array<i32>} : memref<128x128xf32, #tpu.memory_space<vmem>>, vector<1x128xf32>,
    %get3A_3723 = arith.constant 0 : index
    %get3A_3724 = arith.constant 6105 : index
    %get3A_3725 = vector.load %arg0[%get3A_3723, %get3A_3724] : memref<1x8384xf32, #tpu.memory_space<vmem>>, vector<1x128xf32>
    %get3A_3726 = vector.shape_cast %get3A_3725 : vector<1x128xf32> to vector<128xf32>
    %reshape3A_3727 = vector.shape_cast %get3A_3726 : vector<128xf32> to vector<1x128xf32>
    %lt3A_3728 = arith.constant 110 : i32
    %lt3A_3729 = vector.broadcast %lt3A_3728 : i32 to vector<1x128xi32>
    %lt3A_3730 = arith.cmpi slt, %iota3A, %lt3A_3729 : vector<1x128xi32>
    %eq3A_3731 = arith.constant 110 : i32
    %eq3A_3732 = vector.broadcast %eq3A_3731 : i32 to vector<1x128xi32>
    %eq3A_3733 = arith.cmpi eq, %iota3A, %eq3A_3732 : vector<1x128xi32>
    %custom_jvp_call3A_3734 = arith.constant 0.000000e+00 : f32
    %max3A_3735 = vector.broadcast %custom_jvp_call3A_3734 : f32 to vector<1x128xf32>
    %max3A_3736 = arith.maximumf %reshape3A_3727, %max3A_3735 : vector<1x128xf32>
    %sub3A_3737 = vector.broadcast %custom_jvp_call3A_3734 : f32 to vector<1x128xf32>
    %sub3A_3738 = arith.subf %reshape3A_3727, %sub3A_3737 : vector<1x128xf32>
    %ne3A_3739 = arith.cmpf one, %sub3A_3738, %sub3A_3738 : vector<1x128xf32>
    %add3A_3740 = vector.broadcast %custom_jvp_call3A_3734 : f32 to vector<1x128xf32>
    %add3A_3741 = arith.addf %reshape3A_3727, %add3A_3740 : vector<1x128xf32>
    %abs3A_3742 = math.absf %sub3A_3738 : vector<1x128xf32>
    %neg3A_3743 = arith.constant 0.000000e+00 : f32
    %neg3A_3744 = vector.broadcast %neg3A_3743 : f32 to vector<1x128xf32>
    %neg3A_3745 = arith.subf %neg3A_3744, %abs3A_3742 : vector<1x128xf32>
    %exp3A_3746 = math.exp %neg3A_3745 : vector<1x128xf32>
    %log1p3A_3747 = math.log1p %exp3A_3746 : vector<1x128xf32>
    %add3A_3748 = arith.addf %max3A_3736, %log1p3A_3747 : vector<1x128xf32>
    %select_n3A_3749 = arith.select %ne3A_3739, %add3A_3741, %add3A_3748 : vector<1x128xi1>, vector<1x128xf32>
    %jit3A_3750 = arith.constant 0.000000e+00 : f32
    %broadcast_in_dim3A_3751 = vector.broadcast %jit3A_3750 : f32 to vector<1x128xf32>
    %select_n3A_3752 = arith.select %eq3A_3733, %select_n3A_3749, %broadcast_in_dim3A_3751 : vector<1x128xi1>, vector<1x128xf32>
    %select_n3A_3753 = arith.select %lt3A_3730, %reshape3A_3727, %select_n3A_3752 : vector<1x128xi1>, vector<1x128xf32>
    %swap3A_3754 = arith.constant 110 : index
    %swap3A_3755 = arith.constant 0 : index
    %swap3A_3756 = vector.load %arg2[%swap3A_3754, %swap3A_3755] : memref<128x128xf32, #tpu.memory_space<vmem>>, vector<1x128xf32>
    tpu.vector_store %arg2[%swap3A_3754, %swap3A_3755], %select_n3A_3753 {strides = array<i32>} : memref<128x128xf32, #tpu.memory_space<vmem>>, vector<1x128xf32>,
    %get3A_3757 = arith.constant 0 : index
    %get3A_3758 = arith.constant 6216 : index
    %get3A_3759 = vector.load %arg0[%get3A_3757, %get3A_3758] : memref<1x8384xf32, #tpu.memory_space<vmem>>, vector<1x128xf32>
    %get3A_3760 = vector.shape_cast %get3A_3759 : vector<1x128xf32> to vector<128xf32>
    %reshape3A_3761 = vector.shape_cast %get3A_3760 : vector<128xf32> to vector<1x128xf32>
    %lt3A_3762 = arith.constant 111 : i32
    %lt3A_3763 = vector.broadcast %lt3A_3762 : i32 to vector<1x128xi32>
    %lt3A_3764 = arith.cmpi slt, %iota3A, %lt3A_3763 : vector<1x128xi32>
    %eq3A_3765 = arith.constant 111 : i32
    %eq3A_3766 = vector.broadcast %eq3A_3765 : i32 to vector<1x128xi32>
    %eq3A_3767 = arith.cmpi eq, %iota3A, %eq3A_3766 : vector<1x128xi32>
    %custom_jvp_call3A_3768 = arith.constant 0.000000e+00 : f32
    %max3A_3769 = vector.broadcast %custom_jvp_call3A_3768 : f32 to vector<1x128xf32>
    %max3A_3770 = arith.maximumf %reshape3A_3761, %max3A_3769 : vector<1x128xf32>
    %sub3A_3771 = vector.broadcast %custom_jvp_call3A_3768 : f32 to vector<1x128xf32>
    %sub3A_3772 = arith.subf %reshape3A_3761, %sub3A_3771 : vector<1x128xf32>
    %ne3A_3773 = arith.cmpf one, %sub3A_3772, %sub3A_3772 : vector<1x128xf32>
    %add3A_3774 = vector.broadcast %custom_jvp_call3A_3768 : f32 to vector<1x128xf32>
    %add3A_3775 = arith.addf %reshape3A_3761, %add3A_3774 : vector<1x128xf32>
    %abs3A_3776 = math.absf %sub3A_3772 : vector<1x128xf32>
    %neg3A_3777 = arith.constant 0.000000e+00 : f32
    %neg3A_3778 = vector.broadcast %neg3A_3777 : f32 to vector<1x128xf32>
    %neg3A_3779 = arith.subf %neg3A_3778, %abs3A_3776 : vector<1x128xf32>
    %exp3A_3780 = math.exp %neg3A_3779 : vector<1x128xf32>
    %log1p3A_3781 = math.log1p %exp3A_3780 : vector<1x128xf32>
    %add3A_3782 = arith.addf %max3A_3770, %log1p3A_3781 : vector<1x128xf32>
    %select_n3A_3783 = arith.select %ne3A_3773, %add3A_3775, %add3A_3782 : vector<1x128xi1>, vector<1x128xf32>
    %jit3A_3784 = arith.constant 0.000000e+00 : f32
    %broadcast_in_dim3A_3785 = vector.broadcast %jit3A_3784 : f32 to vector<1x128xf32>
    %select_n3A_3786 = arith.select %eq3A_3767, %select_n3A_3783, %broadcast_in_dim3A_3785 : vector<1x128xi1>, vector<1x128xf32>
    %select_n3A_3787 = arith.select %lt3A_3764, %reshape3A_3761, %select_n3A_3786 : vector<1x128xi1>, vector<1x128xf32>
    %swap3A_3788 = arith.constant 111 : index
    %swap3A_3789 = arith.constant 0 : index
    %swap3A_3790 = vector.load %arg2[%swap3A_3788, %swap3A_3789] : memref<128x128xf32, #tpu.memory_space<vmem>>, vector<1x128xf32>
    tpu.vector_store %arg2[%swap3A_3788, %swap3A_3789], %select_n3A_3787 {strides = array<i32>} : memref<128x128xf32, #tpu.memory_space<vmem>>, vector<1x128xf32>,
    %get3A_3791 = arith.constant 0 : index
    %get3A_3792 = arith.constant 6328 : index
    %get3A_3793 = vector.load %arg0[%get3A_3791, %get3A_3792] : memref<1x8384xf32, #tpu.memory_space<vmem>>, vector<1x128xf32>
    %get3A_3794 = vector.shape_cast %get3A_3793 : vector<1x128xf32> to vector<128xf32>
    %reshape3A_3795 = vector.shape_cast %get3A_3794 : vector<128xf32> to vector<1x128xf32>
    %lt3A_3796 = arith.constant 112 : i32
    %lt3A_3797 = vector.broadcast %lt3A_3796 : i32 to vector<1x128xi32>
    %lt3A_3798 = arith.cmpi slt, %iota3A, %lt3A_3797 : vector<1x128xi32>
    %eq3A_3799 = arith.constant 112 : i32
    %eq3A_3800 = vector.broadcast %eq3A_3799 : i32 to vector<1x128xi32>
    %eq3A_3801 = arith.cmpi eq, %iota3A, %eq3A_3800 : vector<1x128xi32>
    %custom_jvp_call3A_3802 = arith.constant 0.000000e+00 : f32
    %max3A_3803 = vector.broadcast %custom_jvp_call3A_3802 : f32 to vector<1x128xf32>
    %max3A_3804 = arith.maximumf %reshape3A_3795, %max3A_3803 : vector<1x128xf32>
    %sub3A_3805 = vector.broadcast %custom_jvp_call3A_3802 : f32 to vector<1x128xf32>
    %sub3A_3806 = arith.subf %reshape3A_3795, %sub3A_3805 : vector<1x128xf32>
    %ne3A_3807 = arith.cmpf one, %sub3A_3806, %sub3A_3806 : vector<1x128xf32>
    %add3A_3808 = vector.broadcast %custom_jvp_call3A_3802 : f32 to vector<1x128xf32>
    %add3A_3809 = arith.addf %reshape3A_3795, %add3A_3808 : vector<1x128xf32>
    %abs3A_3810 = math.absf %sub3A_3806 : vector<1x128xf32>
    %neg3A_3811 = arith.constant 0.000000e+00 : f32
    %neg3A_3812 = vector.broadcast %neg3A_3811 : f32 to vector<1x128xf32>
    %neg3A_3813 = arith.subf %neg3A_3812, %abs3A_3810 : vector<1x128xf32>
    %exp3A_3814 = math.exp %neg3A_3813 : vector<1x128xf32>
    %log1p3A_3815 = math.log1p %exp3A_3814 : vector<1x128xf32>
    %add3A_3816 = arith.addf %max3A_3804, %log1p3A_3815 : vector<1x128xf32>
    %select_n3A_3817 = arith.select %ne3A_3807, %add3A_3809, %add3A_3816 : vector<1x128xi1>, vector<1x128xf32>
    %jit3A_3818 = arith.constant 0.000000e+00 : f32
    %broadcast_in_dim3A_3819 = vector.broadcast %jit3A_3818 : f32 to vector<1x128xf32>
    %select_n3A_3820 = arith.select %eq3A_3801, %select_n3A_3817, %broadcast_in_dim3A_3819 : vector<1x128xi1>, vector<1x128xf32>
    %select_n3A_3821 = arith.select %lt3A_3798, %reshape3A_3795, %select_n3A_3820 : vector<1x128xi1>, vector<1x128xf32>
    %swap3A_3822 = arith.constant 112 : index
    %swap3A_3823 = arith.constant 0 : index
    %swap3A_3824 = vector.load %arg2[%swap3A_3822, %swap3A_3823] : memref<128x128xf32, #tpu.memory_space<vmem>>, vector<1x128xf32>
    tpu.vector_store %arg2[%swap3A_3822, %swap3A_3823], %select_n3A_3821 {strides = array<i32>} : memref<128x128xf32, #tpu.memory_space<vmem>>, vector<1x128xf32>,
    %get3A_3825 = arith.constant 0 : index
    %get3A_3826 = arith.constant 6441 : index
    %get3A_3827 = vector.load %arg0[%get3A_3825, %get3A_3826] : memref<1x8384xf32, #tpu.memory_space<vmem>>, vector<1x128xf32>
    %get3A_3828 = vector.shape_cast %get3A_3827 : vector<1x128xf32> to vector<128xf32>
    %reshape3A_3829 = vector.shape_cast %get3A_3828 : vector<128xf32> to vector<1x128xf32>
    %lt3A_3830 = arith.constant 113 : i32
    %lt3A_3831 = vector.broadcast %lt3A_3830 : i32 to vector<1x128xi32>
    %lt3A_3832 = arith.cmpi slt, %iota3A, %lt3A_3831 : vector<1x128xi32>
    %eq3A_3833 = arith.constant 113 : i32
    %eq3A_3834 = vector.broadcast %eq3A_3833 : i32 to vector<1x128xi32>
    %eq3A_3835 = arith.cmpi eq, %iota3A, %eq3A_3834 : vector<1x128xi32>
    %custom_jvp_call3A_3836 = arith.constant 0.000000e+00 : f32
    %max3A_3837 = vector.broadcast %custom_jvp_call3A_3836 : f32 to vector<1x128xf32>
    %max3A_3838 = arith.maximumf %reshape3A_3829, %max3A_3837 : vector<1x128xf32>
    %sub3A_3839 = vector.broadcast %custom_jvp_call3A_3836 : f32 to vector<1x128xf32>
    %sub3A_3840 = arith.subf %reshape3A_3829, %sub3A_3839 : vector<1x128xf32>
    %ne3A_3841 = arith.cmpf one, %sub3A_3840, %sub3A_3840 : vector<1x128xf32>
    %add3A_3842 = vector.broadcast %custom_jvp_call3A_3836 : f32 to vector<1x128xf32>
    %add3A_3843 = arith.addf %reshape3A_3829, %add3A_3842 : vector<1x128xf32>
    %abs3A_3844 = math.absf %sub3A_3840 : vector<1x128xf32>
    %neg3A_3845 = arith.constant 0.000000e+00 : f32
    %neg3A_3846 = vector.broadcast %neg3A_3845 : f32 to vector<1x128xf32>
    %neg3A_3847 = arith.subf %neg3A_3846, %abs3A_3844 : vector<1x128xf32>
    %exp3A_3848 = math.exp %neg3A_3847 : vector<1x128xf32>
    %log1p3A_3849 = math.log1p %exp3A_3848 : vector<1x128xf32>
    %add3A_3850 = arith.addf %max3A_3838, %log1p3A_3849 : vector<1x128xf32>
    %select_n3A_3851 = arith.select %ne3A_3841, %add3A_3843, %add3A_3850 : vector<1x128xi1>, vector<1x128xf32>
    %jit3A_3852 = arith.constant 0.000000e+00 : f32
    %broadcast_in_dim3A_3853 = vector.broadcast %jit3A_3852 : f32 to vector<1x128xf32>
    %select_n3A_3854 = arith.select %eq3A_3835, %select_n3A_3851, %broadcast_in_dim3A_3853 : vector<1x128xi1>, vector<1x128xf32>
    %select_n3A_3855 = arith.select %lt3A_3832, %reshape3A_3829, %select_n3A_3854 : vector<1x128xi1>, vector<1x128xf32>
    %swap3A_3856 = arith.constant 113 : index
    %swap3A_3857 = arith.constant 0 : index
    %swap3A_3858 = vector.load %arg2[%swap3A_3856, %swap3A_3857] : memref<128x128xf32, #tpu.memory_space<vmem>>, vector<1x128xf32>
    tpu.vector_store %arg2[%swap3A_3856, %swap3A_3857], %select_n3A_3855 {strides = array<i32>} : memref<128x128xf32, #tpu.memory_space<vmem>>, vector<1x128xf32>,
    %get3A_3859 = arith.constant 0 : index
    %get3A_3860 = arith.constant 6555 : index
    %get3A_3861 = vector.load %arg0[%get3A_3859, %get3A_3860] : memref<1x8384xf32, #tpu.memory_space<vmem>>, vector<1x128xf32>
    %get3A_3862 = vector.shape_cast %get3A_3861 : vector<1x128xf32> to vector<128xf32>
    %reshape3A_3863 = vector.shape_cast %get3A_3862 : vector<128xf32> to vector<1x128xf32>
    %lt3A_3864 = arith.constant 114 : i32
    %lt3A_3865 = vector.broadcast %lt3A_3864 : i32 to vector<1x128xi32>
    %lt3A_3866 = arith.cmpi slt, %iota3A, %lt3A_3865 : vector<1x128xi32>
    %eq3A_3867 = arith.constant 114 : i32
    %eq3A_3868 = vector.broadcast %eq3A_3867 : i32 to vector<1x128xi32>
    %eq3A_3869 = arith.cmpi eq, %iota3A, %eq3A_3868 : vector<1x128xi32>
    %custom_jvp_call3A_3870 = arith.constant 0.000000e+00 : f32
    %max3A_3871 = vector.broadcast %custom_jvp_call3A_3870 : f32 to vector<1x128xf32>
    %max3A_3872 = arith.maximumf %reshape3A_3863, %max3A_3871 : vector<1x128xf32>
    %sub3A_3873 = vector.broadcast %custom_jvp_call3A_3870 : f32 to vector<1x128xf32>
    %sub3A_3874 = arith.subf %reshape3A_3863, %sub3A_3873 : vector<1x128xf32>
    %ne3A_3875 = arith.cmpf one, %sub3A_3874, %sub3A_3874 : vector<1x128xf32>
    %add3A_3876 = vector.broadcast %custom_jvp_call3A_3870 : f32 to vector<1x128xf32>
    %add3A_3877 = arith.addf %reshape3A_3863, %add3A_3876 : vector<1x128xf32>
    %abs3A_3878 = math.absf %sub3A_3874 : vector<1x128xf32>
    %neg3A_3879 = arith.constant 0.000000e+00 : f32
    %neg3A_3880 = vector.broadcast %neg3A_3879 : f32 to vector<1x128xf32>
    %neg3A_3881 = arith.subf %neg3A_3880, %abs3A_3878 : vector<1x128xf32>
    %exp3A_3882 = math.exp %neg3A_3881 : vector<1x128xf32>
    %log1p3A_3883 = math.log1p %exp3A_3882 : vector<1x128xf32>
    %add3A_3884 = arith.addf %max3A_3872, %log1p3A_3883 : vector<1x128xf32>
    %select_n3A_3885 = arith.select %ne3A_3875, %add3A_3877, %add3A_3884 : vector<1x128xi1>, vector<1x128xf32>
    %jit3A_3886 = arith.constant 0.000000e+00 : f32
    %broadcast_in_dim3A_3887 = vector.broadcast %jit3A_3886 : f32 to vector<1x128xf32>
    %select_n3A_3888 = arith.select %eq3A_3869, %select_n3A_3885, %broadcast_in_dim3A_3887 : vector<1x128xi1>, vector<1x128xf32>
    %select_n3A_3889 = arith.select %lt3A_3866, %reshape3A_3863, %select_n3A_3888 : vector<1x128xi1>, vector<1x128xf32>
    %swap3A_3890 = arith.constant 114 : index
    %swap3A_3891 = arith.constant 0 : index
    %swap3A_3892 = vector.load %arg2[%swap3A_3890, %swap3A_3891] : memref<128x128xf32, #tpu.memory_space<vmem>>, vector<1x128xf32>
    tpu.vector_store %arg2[%swap3A_3890, %swap3A_3891], %select_n3A_3889 {strides = array<i32>} : memref<128x128xf32, #tpu.memory_space<vmem>>, vector<1x128xf32>,
    %get3A_3893 = arith.constant 0 : index
    %get3A_3894 = arith.constant 6670 : index
    %get3A_3895 = vector.load %arg0[%get3A_3893, %get3A_3894] : memref<1x8384xf32, #tpu.memory_space<vmem>>, vector<1x128xf32>
    %get3A_3896 = vector.shape_cast %get3A_3895 : vector<1x128xf32> to vector<128xf32>
    %reshape3A_3897 = vector.shape_cast %get3A_3896 : vector<128xf32> to vector<1x128xf32>
    %lt3A_3898 = arith.constant 115 : i32
    %lt3A_3899 = vector.broadcast %lt3A_3898 : i32 to vector<1x128xi32>
    %lt3A_3900 = arith.cmpi slt, %iota3A, %lt3A_3899 : vector<1x128xi32>
    %eq3A_3901 = arith.constant 115 : i32
    %eq3A_3902 = vector.broadcast %eq3A_3901 : i32 to vector<1x128xi32>
    %eq3A_3903 = arith.cmpi eq, %iota3A, %eq3A_3902 : vector<1x128xi32>
    %custom_jvp_call3A_3904 = arith.constant 0.000000e+00 : f32
    %max3A_3905 = vector.broadcast %custom_jvp_call3A_3904 : f32 to vector<1x128xf32>
    %max3A_3906 = arith.maximumf %reshape3A_3897, %max3A_3905 : vector<1x128xf32>
    %sub3A_3907 = vector.broadcast %custom_jvp_call3A_3904 : f32 to vector<1x128xf32>
    %sub3A_3908 = arith.subf %reshape3A_3897, %sub3A_3907 : vector<1x128xf32>
    %ne3A_3909 = arith.cmpf one, %sub3A_3908, %sub3A_3908 : vector<1x128xf32>
    %add3A_3910 = vector.broadcast %custom_jvp_call3A_3904 : f32 to vector<1x128xf32>
    %add3A_3911 = arith.addf %reshape3A_3897, %add3A_3910 : vector<1x128xf32>
    %abs3A_3912 = math.absf %sub3A_3908 : vector<1x128xf32>
    %neg3A_3913 = arith.constant 0.000000e+00 : f32
    %neg3A_3914 = vector.broadcast %neg3A_3913 : f32 to vector<1x128xf32>
    %neg3A_3915 = arith.subf %neg3A_3914, %abs3A_3912 : vector<1x128xf32>
    %exp3A_3916 = math.exp %neg3A_3915 : vector<1x128xf32>
    %log1p3A_3917 = math.log1p %exp3A_3916 : vector<1x128xf32>
    %add3A_3918 = arith.addf %max3A_3906, %log1p3A_3917 : vector<1x128xf32>
    %select_n3A_3919 = arith.select %ne3A_3909, %add3A_3911, %add3A_3918 : vector<1x128xi1>, vector<1x128xf32>
    %jit3A_3920 = arith.constant 0.000000e+00 : f32
    %broadcast_in_dim3A_3921 = vector.broadcast %jit3A_3920 : f32 to vector<1x128xf32>
    %select_n3A_3922 = arith.select %eq3A_3903, %select_n3A_3919, %broadcast_in_dim3A_3921 : vector<1x128xi1>, vector<1x128xf32>
    %select_n3A_3923 = arith.select %lt3A_3900, %reshape3A_3897, %select_n3A_3922 : vector<1x128xi1>, vector<1x128xf32>
    %swap3A_3924 = arith.constant 115 : index
    %swap3A_3925 = arith.constant 0 : index
    %swap3A_3926 = vector.load %arg2[%swap3A_3924, %swap3A_3925] : memref<128x128xf32, #tpu.memory_space<vmem>>, vector<1x128xf32>
    tpu.vector_store %arg2[%swap3A_3924, %swap3A_3925], %select_n3A_3923 {strides = array<i32>} : memref<128x128xf32, #tpu.memory_space<vmem>>, vector<1x128xf32>,
    %get3A_3927 = arith.constant 0 : index
    %get3A_3928 = arith.constant 6786 : index
    %get3A_3929 = vector.load %arg0[%get3A_3927, %get3A_3928] : memref<1x8384xf32, #tpu.memory_space<vmem>>, vector<1x128xf32>
    %get3A_3930 = vector.shape_cast %get3A_3929 : vector<1x128xf32> to vector<128xf32>
    %reshape3A_3931 = vector.shape_cast %get3A_3930 : vector<128xf32> to vector<1x128xf32>
    %lt3A_3932 = arith.constant 116 : i32
    %lt3A_3933 = vector.broadcast %lt3A_3932 : i32 to vector<1x128xi32>
    %lt3A_3934 = arith.cmpi slt, %iota3A, %lt3A_3933 : vector<1x128xi32>
    %eq3A_3935 = arith.constant 116 : i32
    %eq3A_3936 = vector.broadcast %eq3A_3935 : i32 to vector<1x128xi32>
    %eq3A_3937 = arith.cmpi eq, %iota3A, %eq3A_3936 : vector<1x128xi32>
    %custom_jvp_call3A_3938 = arith.constant 0.000000e+00 : f32
    %max3A_3939 = vector.broadcast %custom_jvp_call3A_3938 : f32 to vector<1x128xf32>
    %max3A_3940 = arith.maximumf %reshape3A_3931, %max3A_3939 : vector<1x128xf32>
    %sub3A_3941 = vector.broadcast %custom_jvp_call3A_3938 : f32 to vector<1x128xf32>
    %sub3A_3942 = arith.subf %reshape3A_3931, %sub3A_3941 : vector<1x128xf32>
    %ne3A_3943 = arith.cmpf one, %sub3A_3942, %sub3A_3942 : vector<1x128xf32>
    %add3A_3944 = vector.broadcast %custom_jvp_call3A_3938 : f32 to vector<1x128xf32>
    %add3A_3945 = arith.addf %reshape3A_3931, %add3A_3944 : vector<1x128xf32>
    %abs3A_3946 = math.absf %sub3A_3942 : vector<1x128xf32>
    %neg3A_3947 = arith.constant 0.000000e+00 : f32
    %neg3A_3948 = vector.broadcast %neg3A_3947 : f32 to vector<1x128xf32>
    %neg3A_3949 = arith.subf %neg3A_3948, %abs3A_3946 : vector<1x128xf32>
    %exp3A_3950 = math.exp %neg3A_3949 : vector<1x128xf32>
    %log1p3A_3951 = math.log1p %exp3A_3950 : vector<1x128xf32>
    %add3A_3952 = arith.addf %max3A_3940, %log1p3A_3951 : vector<1x128xf32>
    %select_n3A_3953 = arith.select %ne3A_3943, %add3A_3945, %add3A_3952 : vector<1x128xi1>, vector<1x128xf32>
    %jit3A_3954 = arith.constant 0.000000e+00 : f32
    %broadcast_in_dim3A_3955 = vector.broadcast %jit3A_3954 : f32 to vector<1x128xf32>
    %select_n3A_3956 = arith.select %eq3A_3937, %select_n3A_3953, %broadcast_in_dim3A_3955 : vector<1x128xi1>, vector<1x128xf32>
    %select_n3A_3957 = arith.select %lt3A_3934, %reshape3A_3931, %select_n3A_3956 : vector<1x128xi1>, vector<1x128xf32>
    %swap3A_3958 = arith.constant 116 : index
    %swap3A_3959 = arith.constant 0 : index
    %swap3A_3960 = vector.load %arg2[%swap3A_3958, %swap3A_3959] : memref<128x128xf32, #tpu.memory_space<vmem>>, vector<1x128xf32>
    tpu.vector_store %arg2[%swap3A_3958, %swap3A_3959], %select_n3A_3957 {strides = array<i32>} : memref<128x128xf32, #tpu.memory_space<vmem>>, vector<1x128xf32>,
    %get3A_3961 = arith.constant 0 : index
    %get3A_3962 = arith.constant 6903 : index
    %get3A_3963 = vector.load %arg0[%get3A_3961, %get3A_3962] : memref<1x8384xf32, #tpu.memory_space<vmem>>, vector<1x128xf32>
    %get3A_3964 = vector.shape_cast %get3A_3963 : vector<1x128xf32> to vector<128xf32>
    %reshape3A_3965 = vector.shape_cast %get3A_3964 : vector<128xf32> to vector<1x128xf32>
    %lt3A_3966 = arith.constant 117 : i32
    %lt3A_3967 = vector.broadcast %lt3A_3966 : i32 to vector<1x128xi32>
    %lt3A_3968 = arith.cmpi slt, %iota3A, %lt3A_3967 : vector<1x128xi32>
    %eq3A_3969 = arith.constant 117 : i32
    %eq3A_3970 = vector.broadcast %eq3A_3969 : i32 to vector<1x128xi32>
    %eq3A_3971 = arith.cmpi eq, %iota3A, %eq3A_3970 : vector<1x128xi32>
    %custom_jvp_call3A_3972 = arith.constant 0.000000e+00 : f32
    %max3A_3973 = vector.broadcast %custom_jvp_call3A_3972 : f32 to vector<1x128xf32>
    %max3A_3974 = arith.maximumf %reshape3A_3965, %max3A_3973 : vector<1x128xf32>
    %sub3A_3975 = vector.broadcast %custom_jvp_call3A_3972 : f32 to vector<1x128xf32>
    %sub3A_3976 = arith.subf %reshape3A_3965, %sub3A_3975 : vector<1x128xf32>
    %ne3A_3977 = arith.cmpf one, %sub3A_3976, %sub3A_3976 : vector<1x128xf32>
    %add3A_3978 = vector.broadcast %custom_jvp_call3A_3972 : f32 to vector<1x128xf32>
    %add3A_3979 = arith.addf %reshape3A_3965, %add3A_3978 : vector<1x128xf32>
    %abs3A_3980 = math.absf %sub3A_3976 : vector<1x128xf32>
    %neg3A_3981 = arith.constant 0.000000e+00 : f32
    %neg3A_3982 = vector.broadcast %neg3A_3981 : f32 to vector<1x128xf32>
    %neg3A_3983 = arith.subf %neg3A_3982, %abs3A_3980 : vector<1x128xf32>
    %exp3A_3984 = math.exp %neg3A_3983 : vector<1x128xf32>
    %log1p3A_3985 = math.log1p %exp3A_3984 : vector<1x128xf32>
    %add3A_3986 = arith.addf %max3A_3974, %log1p3A_3985 : vector<1x128xf32>
    %select_n3A_3987 = arith.select %ne3A_3977, %add3A_3979, %add3A_3986 : vector<1x128xi1>, vector<1x128xf32>
    %jit3A_3988 = arith.constant 0.000000e+00 : f32
    %broadcast_in_dim3A_3989 = vector.broadcast %jit3A_3988 : f32 to vector<1x128xf32>
    %select_n3A_3990 = arith.select %eq3A_3971, %select_n3A_3987, %broadcast_in_dim3A_3989 : vector<1x128xi1>, vector<1x128xf32>
    %select_n3A_3991 = arith.select %lt3A_3968, %reshape3A_3965, %select_n3A_3990 : vector<1x128xi1>, vector<1x128xf32>
    %swap3A_3992 = arith.constant 117 : index
    %swap3A_3993 = arith.constant 0 : index
    %swap3A_3994 = vector.load %arg2[%swap3A_3992, %swap3A_3993] : memref<128x128xf32, #tpu.memory_space<vmem>>, vector<1x128xf32>
    tpu.vector_store %arg2[%swap3A_3992, %swap3A_3993], %select_n3A_3991 {strides = array<i32>} : memref<128x128xf32, #tpu.memory_space<vmem>>, vector<1x128xf32>,
    %get3A_3995 = arith.constant 0 : index
    %get3A_3996 = arith.constant 7021 : index
    %get3A_3997 = vector.load %arg0[%get3A_3995, %get3A_3996] : memref<1x8384xf32, #tpu.memory_space<vmem>>, vector<1x128xf32>
    %get3A_3998 = vector.shape_cast %get3A_3997 : vector<1x128xf32> to vector<128xf32>
    %reshape3A_3999 = vector.shape_cast %get3A_3998 : vector<128xf32> to vector<1x128xf32>
    %lt3A_4000 = arith.constant 118 : i32
    %lt3A_4001 = vector.broadcast %lt3A_4000 : i32 to vector<1x128xi32>
    %lt3A_4002 = arith.cmpi slt, %iota3A, %lt3A_4001 : vector<1x128xi32>
    %eq3A_4003 = arith.constant 118 : i32
    %eq3A_4004 = vector.broadcast %eq3A_4003 : i32 to vector<1x128xi32>
    %eq3A_4005 = arith.cmpi eq, %iota3A, %eq3A_4004 : vector<1x128xi32>
    %custom_jvp_call3A_4006 = arith.constant 0.000000e+00 : f32
    %max3A_4007 = vector.broadcast %custom_jvp_call3A_4006 : f32 to vector<1x128xf32>
    %max3A_4008 = arith.maximumf %reshape3A_3999, %max3A_4007 : vector<1x128xf32>
    %sub3A_4009 = vector.broadcast %custom_jvp_call3A_4006 : f32 to vector<1x128xf32>
    %sub3A_4010 = arith.subf %reshape3A_3999, %sub3A_4009 : vector<1x128xf32>
    %ne3A_4011 = arith.cmpf one, %sub3A_4010, %sub3A_4010 : vector<1x128xf32>
    %add3A_4012 = vector.broadcast %custom_jvp_call3A_4006 : f32 to vector<1x128xf32>
    %add3A_4013 = arith.addf %reshape3A_3999, %add3A_4012 : vector<1x128xf32>
    %abs3A_4014 = math.absf %sub3A_4010 : vector<1x128xf32>
    %neg3A_4015 = arith.constant 0.000000e+00 : f32
    %neg3A_4016 = vector.broadcast %neg3A_4015 : f32 to vector<1x128xf32>
    %neg3A_4017 = arith.subf %neg3A_4016, %abs3A_4014 : vector<1x128xf32>
    %exp3A_4018 = math.exp %neg3A_4017 : vector<1x128xf32>
    %log1p3A_4019 = math.log1p %exp3A_4018 : vector<1x128xf32>
    %add3A_4020 = arith.addf %max3A_4008, %log1p3A_4019 : vector<1x128xf32>
    %select_n3A_4021 = arith.select %ne3A_4011, %add3A_4013, %add3A_4020 : vector<1x128xi1>, vector<1x128xf32>
    %jit3A_4022 = arith.constant 0.000000e+00 : f32
    %broadcast_in_dim3A_4023 = vector.broadcast %jit3A_4022 : f32 to vector<1x128xf32>
    %select_n3A_4024 = arith.select %eq3A_4005, %select_n3A_4021, %broadcast_in_dim3A_4023 : vector<1x128xi1>, vector<1x128xf32>
    %select_n3A_4025 = arith.select %lt3A_4002, %reshape3A_3999, %select_n3A_4024 : vector<1x128xi1>, vector<1x128xf32>
    %swap3A_4026 = arith.constant 118 : index
    %swap3A_4027 = arith.constant 0 : index
    %swap3A_4028 = vector.load %arg2[%swap3A_4026, %swap3A_4027] : memref<128x128xf32, #tpu.memory_space<vmem>>, vector<1x128xf32>
    tpu.vector_store %arg2[%swap3A_4026, %swap3A_4027], %select_n3A_4025 {strides = array<i32>} : memref<128x128xf32, #tpu.memory_space<vmem>>, vector<1x128xf32>,
    %get3A_4029 = arith.constant 0 : index
    %get3A_4030 = arith.constant 7140 : index
    %get3A_4031 = vector.load %arg0[%get3A_4029, %get3A_4030] : memref<1x8384xf32, #tpu.memory_space<vmem>>, vector<1x128xf32>
    %get3A_4032 = vector.shape_cast %get3A_4031 : vector<1x128xf32> to vector<128xf32>
    %reshape3A_4033 = vector.shape_cast %get3A_4032 : vector<128xf32> to vector<1x128xf32>
    %lt3A_4034 = arith.constant 119 : i32
    %lt3A_4035 = vector.broadcast %lt3A_4034 : i32 to vector<1x128xi32>
    %lt3A_4036 = arith.cmpi slt, %iota3A, %lt3A_4035 : vector<1x128xi32>
    %eq3A_4037 = arith.constant 119 : i32
    %eq3A_4038 = vector.broadcast %eq3A_4037 : i32 to vector<1x128xi32>
    %eq3A_4039 = arith.cmpi eq, %iota3A, %eq3A_4038 : vector<1x128xi32>
    %custom_jvp_call3A_4040 = arith.constant 0.000000e+00 : f32
    %max3A_4041 = vector.broadcast %custom_jvp_call3A_4040 : f32 to vector<1x128xf32>
    %max3A_4042 = arith.maximumf %reshape3A_4033, %max3A_4041 : vector<1x128xf32>
    %sub3A_4043 = vector.broadcast %custom_jvp_call3A_4040 : f32 to vector<1x128xf32>
    %sub3A_4044 = arith.subf %reshape3A_4033, %sub3A_4043 : vector<1x128xf32>
    %ne3A_4045 = arith.cmpf one, %sub3A_4044, %sub3A_4044 : vector<1x128xf32>
    %add3A_4046 = vector.broadcast %custom_jvp_call3A_4040 : f32 to vector<1x128xf32>
    %add3A_4047 = arith.addf %reshape3A_4033, %add3A_4046 : vector<1x128xf32>
    %abs3A_4048 = math.absf %sub3A_4044 : vector<1x128xf32>
    %neg3A_4049 = arith.constant 0.000000e+00 : f32
    %neg3A_4050 = vector.broadcast %neg3A_4049 : f32 to vector<1x128xf32>
    %neg3A_4051 = arith.subf %neg3A_4050, %abs3A_4048 : vector<1x128xf32>
    %exp3A_4052 = math.exp %neg3A_4051 : vector<1x128xf32>
    %log1p3A_4053 = math.log1p %exp3A_4052 : vector<1x128xf32>
    %add3A_4054 = arith.addf %max3A_4042, %log1p3A_4053 : vector<1x128xf32>
    %select_n3A_4055 = arith.select %ne3A_4045, %add3A_4047, %add3A_4054 : vector<1x128xi1>, vector<1x128xf32>
    %jit3A_4056 = arith.constant 0.000000e+00 : f32
    %broadcast_in_dim3A_4057 = vector.broadcast %jit3A_4056 : f32 to vector<1x128xf32>
    %select_n3A_4058 = arith.select %eq3A_4039, %select_n3A_4055, %broadcast_in_dim3A_4057 : vector<1x128xi1>, vector<1x128xf32>
    %select_n3A_4059 = arith.select %lt3A_4036, %reshape3A_4033, %select_n3A_4058 : vector<1x128xi1>, vector<1x128xf32>
    %swap3A_4060 = arith.constant 119 : index
    %swap3A_4061 = arith.constant 0 : index
    %swap3A_4062 = vector.load %arg2[%swap3A_4060, %swap3A_4061] : memref<128x128xf32, #tpu.memory_space<vmem>>, vector<1x128xf32>
    tpu.vector_store %arg2[%swap3A_4060, %swap3A_4061], %select_n3A_4059 {strides = array<i32>} : memref<128x128xf32, #tpu.memory_space<vmem>>, vector<1x128xf32>,
    %get3A_4063 = arith.constant 0 : index
    %get3A_4064 = arith.constant 7260 : index
    %get3A_4065 = vector.load %arg0[%get3A_4063, %get3A_4064] : memref<1x8384xf32, #tpu.memory_space<vmem>>, vector<1x128xf32>
    %get3A_4066 = vector.shape_cast %get3A_4065 : vector<1x128xf32> to vector<128xf32>
    %reshape3A_4067 = vector.shape_cast %get3A_4066 : vector<128xf32> to vector<1x128xf32>
    %lt3A_4068 = arith.constant 120 : i32
    %lt3A_4069 = vector.broadcast %lt3A_4068 : i32 to vector<1x128xi32>
    %lt3A_4070 = arith.cmpi slt, %iota3A, %lt3A_4069 : vector<1x128xi32>
    %eq3A_4071 = arith.constant 120 : i32
    %eq3A_4072 = vector.broadcast %eq3A_4071 : i32 to vector<1x128xi32>
    %eq3A_4073 = arith.cmpi eq, %iota3A, %eq3A_4072 : vector<1x128xi32>
    %custom_jvp_call3A_4074 = arith.constant 0.000000e+00 : f32
    %max3A_4075 = vector.broadcast %custom_jvp_call3A_4074 : f32 to vector<1x128xf32>
    %max3A_4076 = arith.maximumf %reshape3A_4067, %max3A_4075 : vector<1x128xf32>
    %sub3A_4077 = vector.broadcast %custom_jvp_call3A_4074 : f32 to vector<1x128xf32>
    %sub3A_4078 = arith.subf %reshape3A_4067, %sub3A_4077 : vector<1x128xf32>
    %ne3A_4079 = arith.cmpf one, %sub3A_4078, %sub3A_4078 : vector<1x128xf32>
    %add3A_4080 = vector.broadcast %custom_jvp_call3A_4074 : f32 to vector<1x128xf32>
    %add3A_4081 = arith.addf %reshape3A_4067, %add3A_4080 : vector<1x128xf32>
    %abs3A_4082 = math.absf %sub3A_4078 : vector<1x128xf32>
    %neg3A_4083 = arith.constant 0.000000e+00 : f32
    %neg3A_4084 = vector.broadcast %neg3A_4083 : f32 to vector<1x128xf32>
    %neg3A_4085 = arith.subf %neg3A_4084, %abs3A_4082 : vector<1x128xf32>
    %exp3A_4086 = math.exp %neg3A_4085 : vector<1x128xf32>
    %log1p3A_4087 = math.log1p %exp3A_4086 : vector<1x128xf32>
    %add3A_4088 = arith.addf %max3A_4076, %log1p3A_4087 : vector<1x128xf32>
    %select_n3A_4089 = arith.select %ne3A_4079, %add3A_4081, %add3A_4088 : vector<1x128xi1>, vector<1x128xf32>
    %jit3A_4090 = arith.constant 0.000000e+00 : f32
    %broadcast_in_dim3A_4091 = vector.broadcast %jit3A_4090 : f32 to vector<1x128xf32>
    %select_n3A_4092 = arith.select %eq3A_4073, %select_n3A_4089, %broadcast_in_dim3A_4091 : vector<1x128xi1>, vector<1x128xf32>
    %select_n3A_4093 = arith.select %lt3A_4070, %reshape3A_4067, %select_n3A_4092 : vector<1x128xi1>, vector<1x128xf32>
    %swap3A_4094 = arith.constant 120 : index
    %swap3A_4095 = arith.constant 0 : index
    %swap3A_4096 = vector.load %arg2[%swap3A_4094, %swap3A_4095] : memref<128x128xf32, #tpu.memory_space<vmem>>, vector<1x128xf32>
    tpu.vector_store %arg2[%swap3A_4094, %swap3A_4095], %select_n3A_4093 {strides = array<i32>} : memref<128x128xf32, #tpu.memory_space<vmem>>, vector<1x128xf32>,
    %get3A_4097 = arith.constant 0 : index
    %get3A_4098 = arith.constant 7381 : index
    %get3A_4099 = vector.load %arg0[%get3A_4097, %get3A_4098] : memref<1x8384xf32, #tpu.memory_space<vmem>>, vector<1x128xf32>
    %get3A_4100 = vector.shape_cast %get3A_4099 : vector<1x128xf32> to vector<128xf32>
    %reshape3A_4101 = vector.shape_cast %get3A_4100 : vector<128xf32> to vector<1x128xf32>
    %lt3A_4102 = arith.constant 121 : i32
    %lt3A_4103 = vector.broadcast %lt3A_4102 : i32 to vector<1x128xi32>
    %lt3A_4104 = arith.cmpi slt, %iota3A, %lt3A_4103 : vector<1x128xi32>
    %eq3A_4105 = arith.constant 121 : i32
    %eq3A_4106 = vector.broadcast %eq3A_4105 : i32 to vector<1x128xi32>
    %eq3A_4107 = arith.cmpi eq, %iota3A, %eq3A_4106 : vector<1x128xi32>
    %custom_jvp_call3A_4108 = arith.constant 0.000000e+00 : f32
    %max3A_4109 = vector.broadcast %custom_jvp_call3A_4108 : f32 to vector<1x128xf32>
    %max3A_4110 = arith.maximumf %reshape3A_4101, %max3A_4109 : vector<1x128xf32>
    %sub3A_4111 = vector.broadcast %custom_jvp_call3A_4108 : f32 to vector<1x128xf32>
    %sub3A_4112 = arith.subf %reshape3A_4101, %sub3A_4111 : vector<1x128xf32>
    %ne3A_4113 = arith.cmpf one, %sub3A_4112, %sub3A_4112 : vector<1x128xf32>
    %add3A_4114 = vector.broadcast %custom_jvp_call3A_4108 : f32 to vector<1x128xf32>
    %add3A_4115 = arith.addf %reshape3A_4101, %add3A_4114 : vector<1x128xf32>
    %abs3A_4116 = math.absf %sub3A_4112 : vector<1x128xf32>
    %neg3A_4117 = arith.constant 0.000000e+00 : f32
    %neg3A_4118 = vector.broadcast %neg3A_4117 : f32 to vector<1x128xf32>
    %neg3A_4119 = arith.subf %neg3A_4118, %abs3A_4116 : vector<1x128xf32>
    %exp3A_4120 = math.exp %neg3A_4119 : vector<1x128xf32>
    %log1p3A_4121 = math.log1p %exp3A_4120 : vector<1x128xf32>
    %add3A_4122 = arith.addf %max3A_4110, %log1p3A_4121 : vector<1x128xf32>
    %select_n3A_4123 = arith.select %ne3A_4113, %add3A_4115, %add3A_4122 : vector<1x128xi1>, vector<1x128xf32>
    %jit3A_4124 = arith.constant 0.000000e+00 : f32
    %broadcast_in_dim3A_4125 = vector.broadcast %jit3A_4124 : f32 to vector<1x128xf32>
    %select_n3A_4126 = arith.select %eq3A_4107, %select_n3A_4123, %broadcast_in_dim3A_4125 : vector<1x128xi1>, vector<1x128xf32>
    %select_n3A_4127 = arith.select %lt3A_4104, %reshape3A_4101, %select_n3A_4126 : vector<1x128xi1>, vector<1x128xf32>
    %swap3A_4128 = arith.constant 121 : index
    %swap3A_4129 = arith.constant 0 : index
    %swap3A_4130 = vector.load %arg2[%swap3A_4128, %swap3A_4129] : memref<128x128xf32, #tpu.memory_space<vmem>>, vector<1x128xf32>
    tpu.vector_store %arg2[%swap3A_4128, %swap3A_4129], %select_n3A_4127 {strides = array<i32>} : memref<128x128xf32, #tpu.memory_space<vmem>>, vector<1x128xf32>,
    %get3A_4131 = arith.constant 0 : index
    %get3A_4132 = arith.constant 7503 : index
    %get3A_4133 = vector.load %arg0[%get3A_4131, %get3A_4132] : memref<1x8384xf32, #tpu.memory_space<vmem>>, vector<1x128xf32>
    %get3A_4134 = vector.shape_cast %get3A_4133 : vector<1x128xf32> to vector<128xf32>
    %reshape3A_4135 = vector.shape_cast %get3A_4134 : vector<128xf32> to vector<1x128xf32>
    %lt3A_4136 = arith.constant 122 : i32
    %lt3A_4137 = vector.broadcast %lt3A_4136 : i32 to vector<1x128xi32>
    %lt3A_4138 = arith.cmpi slt, %iota3A, %lt3A_4137 : vector<1x128xi32>
    %eq3A_4139 = arith.constant 122 : i32
    %eq3A_4140 = vector.broadcast %eq3A_4139 : i32 to vector<1x128xi32>
    %eq3A_4141 = arith.cmpi eq, %iota3A, %eq3A_4140 : vector<1x128xi32>
    %custom_jvp_call3A_4142 = arith.constant 0.000000e+00 : f32
    %max3A_4143 = vector.broadcast %custom_jvp_call3A_4142 : f32 to vector<1x128xf32>
    %max3A_4144 = arith.maximumf %reshape3A_4135, %max3A_4143 : vector<1x128xf32>
    %sub3A_4145 = vector.broadcast %custom_jvp_call3A_4142 : f32 to vector<1x128xf32>
    %sub3A_4146 = arith.subf %reshape3A_4135, %sub3A_4145 : vector<1x128xf32>
    %ne3A_4147 = arith.cmpf one, %sub3A_4146, %sub3A_4146 : vector<1x128xf32>
    %add3A_4148 = vector.broadcast %custom_jvp_call3A_4142 : f32 to vector<1x128xf32>
    %add3A_4149 = arith.addf %reshape3A_4135, %add3A_4148 : vector<1x128xf32>
    %abs3A_4150 = math.absf %sub3A_4146 : vector<1x128xf32>
    %neg3A_4151 = arith.constant 0.000000e+00 : f32
    %neg3A_4152 = vector.broadcast %neg3A_4151 : f32 to vector<1x128xf32>
    %neg3A_4153 = arith.subf %neg3A_4152, %abs3A_4150 : vector<1x128xf32>
    %exp3A_4154 = math.exp %neg3A_4153 : vector<1x128xf32>
    %log1p3A_4155 = math.log1p %exp3A_4154 : vector<1x128xf32>
    %add3A_4156 = arith.addf %max3A_4144, %log1p3A_4155 : vector<1x128xf32>
    %select_n3A_4157 = arith.select %ne3A_4147, %add3A_4149, %add3A_4156 : vector<1x128xi1>, vector<1x128xf32>
    %jit3A_4158 = arith.constant 0.000000e+00 : f32
    %broadcast_in_dim3A_4159 = vector.broadcast %jit3A_4158 : f32 to vector<1x128xf32>
    %select_n3A_4160 = arith.select %eq3A_4141, %select_n3A_4157, %broadcast_in_dim3A_4159 : vector<1x128xi1>, vector<1x128xf32>
    %select_n3A_4161 = arith.select %lt3A_4138, %reshape3A_4135, %select_n3A_4160 : vector<1x128xi1>, vector<1x128xf32>
    %swap3A_4162 = arith.constant 122 : index
    %swap3A_4163 = arith.constant 0 : index
    %swap3A_4164 = vector.load %arg2[%swap3A_4162, %swap3A_4163] : memref<128x128xf32, #tpu.memory_space<vmem>>, vector<1x128xf32>
    tpu.vector_store %arg2[%swap3A_4162, %swap3A_4163], %select_n3A_4161 {strides = array<i32>} : memref<128x128xf32, #tpu.memory_space<vmem>>, vector<1x128xf32>,
    %get3A_4165 = arith.constant 0 : index
    %get3A_4166 = arith.constant 7626 : index
    %get3A_4167 = vector.load %arg0[%get3A_4165, %get3A_4166] : memref<1x8384xf32, #tpu.memory_space<vmem>>, vector<1x128xf32>
    %get3A_4168 = vector.shape_cast %get3A_4167 : vector<1x128xf32> to vector<128xf32>
    %reshape3A_4169 = vector.shape_cast %get3A_4168 : vector<128xf32> to vector<1x128xf32>
    %lt3A_4170 = arith.constant 123 : i32
    %lt3A_4171 = vector.broadcast %lt3A_4170 : i32 to vector<1x128xi32>
    %lt3A_4172 = arith.cmpi slt, %iota3A, %lt3A_4171 : vector<1x128xi32>
    %eq3A_4173 = arith.constant 123 : i32
    %eq3A_4174 = vector.broadcast %eq3A_4173 : i32 to vector<1x128xi32>
    %eq3A_4175 = arith.cmpi eq, %iota3A, %eq3A_4174 : vector<1x128xi32>
    %custom_jvp_call3A_4176 = arith.constant 0.000000e+00 : f32
    %max3A_4177 = vector.broadcast %custom_jvp_call3A_4176 : f32 to vector<1x128xf32>
    %max3A_4178 = arith.maximumf %reshape3A_4169, %max3A_4177 : vector<1x128xf32>
    %sub3A_4179 = vector.broadcast %custom_jvp_call3A_4176 : f32 to vector<1x128xf32>
    %sub3A_4180 = arith.subf %reshape3A_4169, %sub3A_4179 : vector<1x128xf32>
    %ne3A_4181 = arith.cmpf one, %sub3A_4180, %sub3A_4180 : vector<1x128xf32>
    %add3A_4182 = vector.broadcast %custom_jvp_call3A_4176 : f32 to vector<1x128xf32>
    %add3A_4183 = arith.addf %reshape3A_4169, %add3A_4182 : vector<1x128xf32>
    %abs3A_4184 = math.absf %sub3A_4180 : vector<1x128xf32>
    %neg3A_4185 = arith.constant 0.000000e+00 : f32
    %neg3A_4186 = vector.broadcast %neg3A_4185 : f32 to vector<1x128xf32>
    %neg3A_4187 = arith.subf %neg3A_4186, %abs3A_4184 : vector<1x128xf32>
    %exp3A_4188 = math.exp %neg3A_4187 : vector<1x128xf32>
    %log1p3A_4189 = math.log1p %exp3A_4188 : vector<1x128xf32>
    %add3A_4190 = arith.addf %max3A_4178, %log1p3A_4189 : vector<1x128xf32>
    %select_n3A_4191 = arith.select %ne3A_4181, %add3A_4183, %add3A_4190 : vector<1x128xi1>, vector<1x128xf32>
    %jit3A_4192 = arith.constant 0.000000e+00 : f32
    %broadcast_in_dim3A_4193 = vector.broadcast %jit3A_4192 : f32 to vector<1x128xf32>
    %select_n3A_4194 = arith.select %eq3A_4175, %select_n3A_4191, %broadcast_in_dim3A_4193 : vector<1x128xi1>, vector<1x128xf32>
    %select_n3A_4195 = arith.select %lt3A_4172, %reshape3A_4169, %select_n3A_4194 : vector<1x128xi1>, vector<1x128xf32>
    %swap3A_4196 = arith.constant 123 : index
    %swap3A_4197 = arith.constant 0 : index
    %swap3A_4198 = vector.load %arg2[%swap3A_4196, %swap3A_4197] : memref<128x128xf32, #tpu.memory_space<vmem>>, vector<1x128xf32>
    tpu.vector_store %arg2[%swap3A_4196, %swap3A_4197], %select_n3A_4195 {strides = array<i32>} : memref<128x128xf32, #tpu.memory_space<vmem>>, vector<1x128xf32>,
    %get3A_4199 = arith.constant 0 : index
    %get3A_4200 = arith.constant 7750 : index
    %get3A_4201 = vector.load %arg0[%get3A_4199, %get3A_4200] : memref<1x8384xf32, #tpu.memory_space<vmem>>, vector<1x128xf32>
    %get3A_4202 = vector.shape_cast %get3A_4201 : vector<1x128xf32> to vector<128xf32>
    %reshape3A_4203 = vector.shape_cast %get3A_4202 : vector<128xf32> to vector<1x128xf32>
    %lt3A_4204 = arith.constant 124 : i32
    %lt3A_4205 = vector.broadcast %lt3A_4204 : i32 to vector<1x128xi32>
    %lt3A_4206 = arith.cmpi slt, %iota3A, %lt3A_4205 : vector<1x128xi32>
    %eq3A_4207 = arith.constant 124 : i32
    %eq3A_4208 = vector.broadcast %eq3A_4207 : i32 to vector<1x128xi32>
    %eq3A_4209 = arith.cmpi eq, %iota3A, %eq3A_4208 : vector<1x128xi32>
    %custom_jvp_call3A_4210 = arith.constant 0.000000e+00 : f32
    %max3A_4211 = vector.broadcast %custom_jvp_call3A_4210 : f32 to vector<1x128xf32>
    %max3A_4212 = arith.maximumf %reshape3A_4203, %max3A_4211 : vector<1x128xf32>
    %sub3A_4213 = vector.broadcast %custom_jvp_call3A_4210 : f32 to vector<1x128xf32>
    %sub3A_4214 = arith.subf %reshape3A_4203, %sub3A_4213 : vector<1x128xf32>
    %ne3A_4215 = arith.cmpf one, %sub3A_4214, %sub3A_4214 : vector<1x128xf32>
    %add3A_4216 = vector.broadcast %custom_jvp_call3A_4210 : f32 to vector<1x128xf32>
    %add3A_4217 = arith.addf %reshape3A_4203, %add3A_4216 : vector<1x128xf32>
    %abs3A_4218 = math.absf %sub3A_4214 : vector<1x128xf32>
    %neg3A_4219 = arith.constant 0.000000e+00 : f32
    %neg3A_4220 = vector.broadcast %neg3A_4219 : f32 to vector<1x128xf32>
    %neg3A_4221 = arith.subf %neg3A_4220, %abs3A_4218 : vector<1x128xf32>
    %exp3A_4222 = math.exp %neg3A_4221 : vector<1x128xf32>
    %log1p3A_4223 = math.log1p %exp3A_4222 : vector<1x128xf32>
    %add3A_4224 = arith.addf %max3A_4212, %log1p3A_4223 : vector<1x128xf32>
    %select_n3A_4225 = arith.select %ne3A_4215, %add3A_4217, %add3A_4224 : vector<1x128xi1>, vector<1x128xf32>
    %jit3A_4226 = arith.constant 0.000000e+00 : f32
    %broadcast_in_dim3A_4227 = vector.broadcast %jit3A_4226 : f32 to vector<1x128xf32>
    %select_n3A_4228 = arith.select %eq3A_4209, %select_n3A_4225, %broadcast_in_dim3A_4227 : vector<1x128xi1>, vector<1x128xf32>
    %select_n3A_4229 = arith.select %lt3A_4206, %reshape3A_4203, %select_n3A_4228 : vector<1x128xi1>, vector<1x128xf32>
    %swap3A_4230 = arith.constant 124 : index
    %swap3A_4231 = arith.constant 0 : index
    %swap3A_4232 = vector.load %arg2[%swap3A_4230, %swap3A_4231] : memref<128x128xf32, #tpu.memory_space<vmem>>, vector<1x128xf32>
    tpu.vector_store %arg2[%swap3A_4230, %swap3A_4231], %select_n3A_4229 {strides = array<i32>} : memref<128x128xf32, #tpu.memory_space<vmem>>, vector<1x128xf32>,
    %get3A_4233 = arith.constant 0 : index
    %get3A_4234 = arith.constant 7875 : index
    %get3A_4235 = vector.load %arg0[%get3A_4233, %get3A_4234] : memref<1x8384xf32, #tpu.memory_space<vmem>>, vector<1x128xf32>
    %get3A_4236 = vector.shape_cast %get3A_4235 : vector<1x128xf32> to vector<128xf32>
    %reshape3A_4237 = vector.shape_cast %get3A_4236 : vector<128xf32> to vector<1x128xf32>
    %lt3A_4238 = arith.constant 125 : i32
    %lt3A_4239 = vector.broadcast %lt3A_4238 : i32 to vector<1x128xi32>
    %lt3A_4240 = arith.cmpi slt, %iota3A, %lt3A_4239 : vector<1x128xi32>
    %eq3A_4241 = arith.constant 125 : i32
    %eq3A_4242 = vector.broadcast %eq3A_4241 : i32 to vector<1x128xi32>
    %eq3A_4243 = arith.cmpi eq, %iota3A, %eq3A_4242 : vector<1x128xi32>
    %custom_jvp_call3A_4244 = arith.constant 0.000000e+00 : f32
    %max3A_4245 = vector.broadcast %custom_jvp_call3A_4244 : f32 to vector<1x128xf32>
    %max3A_4246 = arith.maximumf %reshape3A_4237, %max3A_4245 : vector<1x128xf32>
    %sub3A_4247 = vector.broadcast %custom_jvp_call3A_4244 : f32 to vector<1x128xf32>
    %sub3A_4248 = arith.subf %reshape3A_4237, %sub3A_4247 : vector<1x128xf32>
    %ne3A_4249 = arith.cmpf one, %sub3A_4248, %sub3A_4248 : vector<1x128xf32>
    %add3A_4250 = vector.broadcast %custom_jvp_call3A_4244 : f32 to vector<1x128xf32>
    %add3A_4251 = arith.addf %reshape3A_4237, %add3A_4250 : vector<1x128xf32>
    %abs3A_4252 = math.absf %sub3A_4248 : vector<1x128xf32>
    %neg3A_4253 = arith.constant 0.000000e+00 : f32
    %neg3A_4254 = vector.broadcast %neg3A_4253 : f32 to vector<1x128xf32>
    %neg3A_4255 = arith.subf %neg3A_4254, %abs3A_4252 : vector<1x128xf32>
    %exp3A_4256 = math.exp %neg3A_4255 : vector<1x128xf32>
    %log1p3A_4257 = math.log1p %exp3A_4256 : vector<1x128xf32>
    %add3A_4258 = arith.addf %max3A_4246, %log1p3A_4257 : vector<1x128xf32>
    %select_n3A_4259 = arith.select %ne3A_4249, %add3A_4251, %add3A_4258 : vector<1x128xi1>, vector<1x128xf32>
    %jit3A_4260 = arith.constant 0.000000e+00 : f32
    %broadcast_in_dim3A_4261 = vector.broadcast %jit3A_4260 : f32 to vector<1x128xf32>
    %select_n3A_4262 = arith.select %eq3A_4243, %select_n3A_4259, %broadcast_in_dim3A_4261 : vector<1x128xi1>, vector<1x128xf32>
    %select_n3A_4263 = arith.select %lt3A_4240, %reshape3A_4237, %select_n3A_4262 : vector<1x128xi1>, vector<1x128xf32>
    %swap3A_4264 = arith.constant 125 : index
    %swap3A_4265 = arith.constant 0 : index
    %swap3A_4266 = vector.load %arg2[%swap3A_4264, %swap3A_4265] : memref<128x128xf32, #tpu.memory_space<vmem>>, vector<1x128xf32>
    tpu.vector_store %arg2[%swap3A_4264, %swap3A_4265], %select_n3A_4263 {strides = array<i32>} : memref<128x128xf32, #tpu.memory_space<vmem>>, vector<1x128xf32>,
    %get3A_4267 = arith.constant 0 : index
    %get3A_4268 = arith.constant 8001 : index
    %get3A_4269 = vector.load %arg0[%get3A_4267, %get3A_4268] : memref<1x8384xf32, #tpu.memory_space<vmem>>, vector<1x128xf32>
    %get3A_4270 = vector.shape_cast %get3A_4269 : vector<1x128xf32> to vector<128xf32>
    %reshape3A_4271 = vector.shape_cast %get3A_4270 : vector<128xf32> to vector<1x128xf32>
    %lt3A_4272 = arith.constant 126 : i32
    %lt3A_4273 = vector.broadcast %lt3A_4272 : i32 to vector<1x128xi32>
    %lt3A_4274 = arith.cmpi slt, %iota3A, %lt3A_4273 : vector<1x128xi32>
    %eq3A_4275 = arith.constant 126 : i32
    %eq3A_4276 = vector.broadcast %eq3A_4275 : i32 to vector<1x128xi32>
    %eq3A_4277 = arith.cmpi eq, %iota3A, %eq3A_4276 : vector<1x128xi32>
    %custom_jvp_call3A_4278 = arith.constant 0.000000e+00 : f32
    %max3A_4279 = vector.broadcast %custom_jvp_call3A_4278 : f32 to vector<1x128xf32>
    %max3A_4280 = arith.maximumf %reshape3A_4271, %max3A_4279 : vector<1x128xf32>
    %sub3A_4281 = vector.broadcast %custom_jvp_call3A_4278 : f32 to vector<1x128xf32>
    %sub3A_4282 = arith.subf %reshape3A_4271, %sub3A_4281 : vector<1x128xf32>
    %ne3A_4283 = arith.cmpf one, %sub3A_4282, %sub3A_4282 : vector<1x128xf32>
    %add3A_4284 = vector.broadcast %custom_jvp_call3A_4278 : f32 to vector<1x128xf32>
    %add3A_4285 = arith.addf %reshape3A_4271, %add3A_4284 : vector<1x128xf32>
    %abs3A_4286 = math.absf %sub3A_4282 : vector<1x128xf32>
    %neg3A_4287 = arith.constant 0.000000e+00 : f32
    %neg3A_4288 = vector.broadcast %neg3A_4287 : f32 to vector<1x128xf32>
    %neg3A_4289 = arith.subf %neg3A_4288, %abs3A_4286 : vector<1x128xf32>
    %exp3A_4290 = math.exp %neg3A_4289 : vector<1x128xf32>
    %log1p3A_4291 = math.log1p %exp3A_4290 : vector<1x128xf32>
    %add3A_4292 = arith.addf %max3A_4280, %log1p3A_4291 : vector<1x128xf32>
    %select_n3A_4293 = arith.select %ne3A_4283, %add3A_4285, %add3A_4292 : vector<1x128xi1>, vector<1x128xf32>
    %jit3A_4294 = arith.constant 0.000000e+00 : f32
    %broadcast_in_dim3A_4295 = vector.broadcast %jit3A_4294 : f32 to vector<1x128xf32>
    %select_n3A_4296 = arith.select %eq3A_4277, %select_n3A_4293, %broadcast_in_dim3A_4295 : vector<1x128xi1>, vector<1x128xf32>
    %select_n3A_4297 = arith.select %lt3A_4274, %reshape3A_4271, %select_n3A_4296 : vector<1x128xi1>, vector<1x128xf32>
    %swap3A_4298 = arith.constant 126 : index
    %swap3A_4299 = arith.constant 0 : index
    %swap3A_4300 = vector.load %arg2[%swap3A_4298, %swap3A_4299] : memref<128x128xf32, #tpu.memory_space<vmem>>, vector<1x128xf32>
    tpu.vector_store %arg2[%swap3A_4298, %swap3A_4299], %select_n3A_4297 {strides = array<i32>} : memref<128x128xf32, #tpu.memory_space<vmem>>, vector<1x128xf32>,
    %get3A_4301 = arith.constant 0 : index
    %get3A_4302 = arith.constant 8128 : index
    %get3A_4303 = vector.load %arg0[%get3A_4301, %get3A_4302] : memref<1x8384xf32, #tpu.memory_space<vmem>>, vector<1x128xf32>
    %get3A_4304 = vector.shape_cast %get3A_4303 : vector<1x128xf32> to vector<128xf32>
    %reshape3A_4305 = vector.shape_cast %get3A_4304 : vector<128xf32> to vector<1x128xf32>
    %lt3A_4306 = arith.constant 127 : i32
    %lt3A_4307 = vector.broadcast %lt3A_4306 : i32 to vector<1x128xi32>
    %lt3A_4308 = arith.cmpi slt, %iota3A, %lt3A_4307 : vector<1x128xi32>
    %eq3A_4309 = arith.constant 127 : i32
    %eq3A_4310 = vector.broadcast %eq3A_4309 : i32 to vector<1x128xi32>
    %eq3A_4311 = arith.cmpi eq, %iota3A, %eq3A_4310 : vector<1x128xi32>
    %custom_jvp_call3A_4312 = arith.constant 0.000000e+00 : f32
    %max3A_4313 = vector.broadcast %custom_jvp_call3A_4312 : f32 to vector<1x128xf32>
    %max3A_4314 = arith.maximumf %reshape3A_4305, %max3A_4313 : vector<1x128xf32>
    %sub3A_4315 = vector.broadcast %custom_jvp_call3A_4312 : f32 to vector<1x128xf32>
    %sub3A_4316 = arith.subf %reshape3A_4305, %sub3A_4315 : vector<1x128xf32>
    %ne3A_4317 = arith.cmpf one, %sub3A_4316, %sub3A_4316 : vector<1x128xf32>
    %add3A_4318 = vector.broadcast %custom_jvp_call3A_4312 : f32 to vector<1x128xf32>
    %add3A_4319 = arith.addf %reshape3A_4305, %add3A_4318 : vector<1x128xf32>
    %abs3A_4320 = math.absf %sub3A_4316 : vector<1x128xf32>
    %neg3A_4321 = arith.constant 0.000000e+00 : f32
    %neg3A_4322 = vector.broadcast %neg3A_4321 : f32 to vector<1x128xf32>
    %neg3A_4323 = arith.subf %neg3A_4322, %abs3A_4320 : vector<1x128xf32>
    %exp3A_4324 = math.exp %neg3A_4323 : vector<1x128xf32>
    %log1p3A_4325 = math.log1p %exp3A_4324 : vector<1x128xf32>
    %add3A_4326 = arith.addf %max3A_4314, %log1p3A_4325 : vector<1x128xf32>
    %select_n3A_4327 = arith.select %ne3A_4317, %add3A_4319, %add3A_4326 : vector<1x128xi1>, vector<1x128xf32>
    %jit3A_4328 = arith.constant 0.000000e+00 : f32
    %broadcast_in_dim3A_4329 = vector.broadcast %jit3A_4328 : f32 to vector<1x128xf32>
    %select_n3A_4330 = arith.select %eq3A_4311, %select_n3A_4327, %broadcast_in_dim3A_4329 : vector<1x128xi1>, vector<1x128xf32>
    %select_n3A_4331 = arith.select %lt3A_4308, %reshape3A_4305, %select_n3A_4330 : vector<1x128xi1>, vector<1x128xf32>
    %swap3A_4332 = arith.constant 127 : index
    %swap3A_4333 = arith.constant 0 : index
    %swap3A_4334 = vector.load %arg2[%swap3A_4332, %swap3A_4333] : memref<128x128xf32, #tpu.memory_space<vmem>>, vector<1x128xf32>
    tpu.vector_store %arg2[%swap3A_4332, %swap3A_4333], %select_n3A_4331 {strides = array<i32>} : memref<128x128xf32, #tpu.memory_space<vmem>>, vector<1x128xf32>,
    %get3A_4335 = arith.constant 0 : index
    %get3A_4336 = arith.constant 0 : index
    %get3A_4337 = vector.load %arg2[%get3A_4335, %get3A_4336] : memref<128x128xf32, #tpu.memory_space<vmem>>, vector<128x128xf32>
    %broadcast_in_dim3A_4338 = vector.shape_cast %get3A_4337 : vector<128x128xf32> to vector<1x128x128xf32>
    %broadcast_in_dim3A_4339 = vector.shape_cast %broadcast_in_dim3A_4338 : vector<1x128x128xf32> to vector<1x128x128xf32>
    %broadcast_in_dim3A_4340 = vector.broadcast %broadcast_in_dim3A_4339 : vector<1x128x128xf32> to vector<128x128x128xf32>
    %swap3A_4341 = arith.constant 0 : index
    %swap3A_4342 = arith.constant 0 : index
    %swap3A_4343 = arith.constant 0 : index
    %swap3A_4344 = vector.load %arg3[%swap3A_4341, %swap3A_4342, %swap3A_4343] : memref<128x128x128xf32, #tpu.memory_space<vmem>>, vector<128x128x128xf32>
    tpu.vector_store %arg3[%swap3A_4341, %swap3A_4342, %swap3A_4343], %broadcast_in_dim3A_4340 {strides = array<i32>} : memref<128x128x128xf32, #tpu.memory_space<vmem>>, vector<128x128x128xf32>,
    %scan3A = arith.constant 0 : i32
    %scan3A_4345 = arith.constant 2 : i32
    %scan3A_4346 = arith.addi %scan3A, %scan3A_4345 : i32
    %scan3A_4347 = arith.constant 1 : i32
    scf.for %scan3A_4353 = %scan3A to %scan3A_4346 step %scan3A_4347  : i32 {
      %mul3A = arith.constant 4 : i32
      %mul3A_4354 = arith.muli %scan3A_4353, %mul3A : i32
      %add3A_4355 = arith.constant 0 : i32
      %add3A_4356 = arith.addi %mul3A_4354, %add3A_4355 : i32
      %mul3A_4357 = arith.constant 128 : i32
      %mul3A_4358 = arith.muli %add3A_4356, %mul3A_4357 : i32
      %add3A_4359 = arith.constant 0 : i32
      %add3A_4360 = arith.addi %add3A_4359, %mul3A_4358 : i32
      %dma_start3A = arith.constant 0 : i32
      %dma_start3A_4361 = tpu.memref_slice %arg4[%dma_start3A] : memref<4x!tpu.dma_semaphore, #tpu.memory_space<semaphore_mem>> -> memref<1x!tpu.dma_semaphore, #tpu.memory_space<semaphore_mem>>
      %dma_start3A_4362 = tpu.memref_squeeze %dma_start3A_4361 : memref<1x!tpu.dma_semaphore, #tpu.memory_space<semaphore_mem>> -> memref<!tpu.dma_semaphore, #tpu.memory_space<semaphore_mem>>
      %dma_start3A_4363 = arith.constant 0 : i32
      %dma_start3A_4364 = arith.constant 0 : i32
      %dma_start3A_4365 = tpu.memref_slice %arg1[%add3A_4360, %dma_start3A_4363, %dma_start3A_4364] : memref<2048x128x128xf32, #tpu.memory_space<any>> -> memref<128x128x128xf32, #tpu.memory_space<any>>
      tpu.enqueue_dma source(%arg3 : memref<128x128x128xf32, #tpu.memory_space<vmem>>) target(%dma_start3A_4365 : memref<128x128x128xf32, #tpu.memory_space<any>>) target_semaphore(%dma_start3A_4362 : memref<!tpu.dma_semaphore, #tpu.memory_space<semaphore_mem>>)
      %mul3A_4366 = arith.constant 4 : i32
      %mul3A_4367 = arith.muli %scan3A_4353, %mul3A_4366 : i32
      %add3A_4368 = arith.constant 1 : i32
      %add3A_4369 = arith.addi %mul3A_4367, %add3A_4368 : i32
      %mul3A_4370 = arith.constant 128 : i32
      %mul3A_4371 = arith.muli %add3A_4369, %mul3A_4370 : i32
      %add3A_4372 = arith.constant 0 : i32
      %add3A_4373 = arith.addi %add3A_4372, %mul3A_4371 : i32
      %dma_start3A_4374 = arith.constant 1 : i32
      %dma_start3A_4375 = tpu.memref_slice %arg4[%dma_start3A_4374] : memref<4x!tpu.dma_semaphore, #tpu.memory_space<semaphore_mem>> -> memref<1x!tpu.dma_semaphore, #tpu.memory_space<semaphore_mem>>
      %dma_start3A_4376 = tpu.memref_squeeze %dma_start3A_4375 : memref<1x!tpu.dma_semaphore, #tpu.memory_space<semaphore_mem>> -> memref<!tpu.dma_semaphore, #tpu.memory_space<semaphore_mem>>
      %dma_start3A_4377 = arith.constant 0 : i32
      %dma_start3A_4378 = arith.constant 0 : i32
      %dma_start3A_4379 = tpu.memref_slice %arg1[%add3A_4373, %dma_start3A_4377, %dma_start3A_4378] : memref<2048x128x128xf32, #tpu.memory_space<any>> -> memref<128x128x128xf32, #tpu.memory_space<any>>
      tpu.enqueue_dma source(%arg3 : memref<128x128x128xf32, #tpu.memory_space<vmem>>) target(%dma_start3A_4379 : memref<128x128x128xf32, #tpu.memory_space<any>>) target_semaphore(%dma_start3A_4376 : memref<!tpu.dma_semaphore, #tpu.memory_space<semaphore_mem>>)
      %mul3A_4380 = arith.constant 4 : i32
      %mul3A_4381 = arith.muli %scan3A_4353, %mul3A_4380 : i32
      %add3A_4382 = arith.constant 2 : i32
      %add3A_4383 = arith.addi %mul3A_4381, %add3A_4382 : i32
      %mul3A_4384 = arith.constant 128 : i32
      %mul3A_4385 = arith.muli %add3A_4383, %mul3A_4384 : i32
      %add3A_4386 = arith.constant 0 : i32
      %add3A_4387 = arith.addi %add3A_4386, %mul3A_4385 : i32
      %dma_start3A_4388 = arith.constant 2 : i32
      %dma_start3A_4389 = tpu.memref_slice %arg4[%dma_start3A_4388] : memref<4x!tpu.dma_semaphore, #tpu.memory_space<semaphore_mem>> -> memref<1x!tpu.dma_semaphore, #tpu.memory_space<semaphore_mem>>
      %dma_start3A_4390 = tpu.memref_squeeze %dma_start3A_4389 : memref<1x!tpu.dma_semaphore, #tpu.memory_space<semaphore_mem>> -> memref<!tpu.dma_semaphore, #tpu.memory_space<semaphore_mem>>
      %dma_start3A_4391 = arith.constant 0 : i32
      %dma_start3A_4392 = arith.constant 0 : i32
      %dma_start3A_4393 = tpu.memref_slice %arg1[%add3A_4387, %dma_start3A_4391, %dma_start3A_4392] : memref<2048x128x128xf32, #tpu.memory_space<any>> -> memref<128x128x128xf32, #tpu.memory_space<any>>
      tpu.enqueue_dma source(%arg3 : memref<128x128x128xf32, #tpu.memory_space<vmem>>) target(%dma_start3A_4393 : memref<128x128x128xf32, #tpu.memory_space<any>>) target_semaphore(%dma_start3A_4390 : memref<!tpu.dma_semaphore, #tpu.memory_space<semaphore_mem>>)
      %mul3A_4394 = arith.constant 4 : i32
      %mul3A_4395 = arith.muli %scan3A_4353, %mul3A_4394 : i32
      %add3A_4396 = arith.constant 3 : i32
      %add3A_4397 = arith.addi %mul3A_4395, %add3A_4396 : i32
      %mul3A_4398 = arith.constant 128 : i32
      %mul3A_4399 = arith.muli %add3A_4397, %mul3A_4398 : i32
      %add3A_4400 = arith.constant 0 : i32
      %add3A_4401 = arith.addi %add3A_4400, %mul3A_4399 : i32
      %dma_start3A_4402 = arith.constant 3 : i32
      %dma_start3A_4403 = tpu.memref_slice %arg4[%dma_start3A_4402] : memref<4x!tpu.dma_semaphore, #tpu.memory_space<semaphore_mem>> -> memref<1x!tpu.dma_semaphore, #tpu.memory_space<semaphore_mem>>
      %dma_start3A_4404 = tpu.memref_squeeze %dma_start3A_4403 : memref<1x!tpu.dma_semaphore, #tpu.memory_space<semaphore_mem>> -> memref<!tpu.dma_semaphore, #tpu.memory_space<semaphore_mem>>
      %dma_start3A_4405 = arith.constant 0 : i32
      %dma_start3A_4406 = arith.constant 0 : i32
      %dma_start3A_4407 = tpu.memref_slice %arg1[%add3A_4401, %dma_start3A_4405, %dma_start3A_4406] : memref<2048x128x128xf32, #tpu.memory_space<any>> -> memref<128x128x128xf32, #tpu.memory_space<any>>
      tpu.enqueue_dma source(%arg3 : memref<128x128x128xf32, #tpu.memory_space<vmem>>) target(%dma_start3A_4407 : memref<128x128x128xf32, #tpu.memory_space<any>>) target_semaphore(%dma_start3A_4404 : memref<!tpu.dma_semaphore, #tpu.memory_space<semaphore_mem>>)
    }
    %scan3A_4348 = arith.constant 2 : i32
    %scan3A_4349 = arith.constant 0 : i32
    %scan3A_4350 = arith.constant 2 : i32
    %scan3A_4351 = arith.addi %scan3A_4349, %scan3A_4350 : i32
    %scan3A_4352 = arith.constant 1 : i32
    scf.for %scan3A_4353 = %scan3A_4349 to %scan3A_4351 step %scan3A_4352  : i32 {
      %dma_wait3A = arith.constant 0 : i32
      %dma_wait3A_4354 = tpu.memref_slice %arg4[%dma_wait3A] : memref<4x!tpu.dma_semaphore, #tpu.memory_space<semaphore_mem>> -> memref<1x!tpu.dma_semaphore, #tpu.memory_space<semaphore_mem>>
      %dma_wait3A_4355 = tpu.memref_squeeze %dma_wait3A_4354 : memref<1x!tpu.dma_semaphore, #tpu.memory_space<semaphore_mem>> -> memref<!tpu.dma_semaphore, #tpu.memory_space<semaphore_mem>>
      %dma_wait3A_4356 = arith.constant 0 : i32
      %dma_wait3A_4357 = arith.constant 0 : i32
      %dma_wait3A_4358 = arith.constant 0 : i32
      %dma_wait3A_4359 = tpu.memref_slice %arg1[%dma_wait3A_4356, %dma_wait3A_4357, %dma_wait3A_4358] : memref<2048x128x128xf32, #tpu.memory_space<any>> -> memref<128x128x128xf32, #tpu.memory_space<any>>
      tpu.wait_dma2 semaphore(%dma_wait3A_4355 : memref<!tpu.dma_semaphore, #tpu.memory_space<semaphore_mem>>) src(%arg3 : memref<128x128x128xf32, #tpu.memory_space<vmem>>) dst(%dma_wait3A_4359 : memref<128x128x128xf32, #tpu.memory_space<any>>)
      %dma_wait3A_4360 = arith.constant 1 : i32
      %dma_wait3A_4361 = tpu.memref_slice %arg4[%dma_wait3A_4360] : memref<4x!tpu.dma_semaphore, #tpu.memory_space<semaphore_mem>> -> memref<1x!tpu.dma_semaphore, #tpu.memory_space<semaphore_mem>>
      %dma_wait3A_4362 = tpu.memref_squeeze %dma_wait3A_4361 : memref<1x!tpu.dma_semaphore, #tpu.memory_space<semaphore_mem>> -> memref<!tpu.dma_semaphore, #tpu.memory_space<semaphore_mem>>
      %dma_wait3A_4363 = arith.constant 0 : i32
      %dma_wait3A_4364 = arith.constant 0 : i32
      %dma_wait3A_4365 = arith.constant 0 : i32
      %dma_wait3A_4366 = tpu.memref_slice %arg1[%dma_wait3A_4363, %dma_wait3A_4364, %dma_wait3A_4365] : memref<2048x128x128xf32, #tpu.memory_space<any>> -> memref<128x128x128xf32, #tpu.memory_space<any>>
      tpu.wait_dma2 semaphore(%dma_wait3A_4362 : memref<!tpu.dma_semaphore, #tpu.memory_space<semaphore_mem>>) src(%arg3 : memref<128x128x128xf32, #tpu.memory_space<vmem>>) dst(%dma_wait3A_4366 : memref<128x128x128xf32, #tpu.memory_space<any>>)
      %dma_wait3A_4367 = arith.constant 2 : i32
      %dma_wait3A_4368 = tpu.memref_slice %arg4[%dma_wait3A_4367] : memref<4x!tpu.dma_semaphore, #tpu.memory_space<semaphore_mem>> -> memref<1x!tpu.dma_semaphore, #tpu.memory_space<semaphore_mem>>
      %dma_wait3A_4369 = tpu.memref_squeeze %dma_wait3A_4368 : memref<1x!tpu.dma_semaphore, #tpu.memory_space<semaphore_mem>> -> memref<!tpu.dma_semaphore, #tpu.memory_space<semaphore_mem>>
      %dma_wait3A_4370 = arith.constant 0 : i32
      %dma_wait3A_4371 = arith.constant 0 : i32
      %dma_wait3A_4372 = arith.constant 0 : i32
      %dma_wait3A_4373 = tpu.memref_slice %arg1[%dma_wait3A_4370, %dma_wait3A_4371, %dma_wait3A_4372] : memref<2048x128x128xf32, #tpu.memory_space<any>> -> memref<128x128x128xf32, #tpu.memory_space<any>>
      tpu.wait_dma2 semaphore(%dma_wait3A_4369 : memref<!tpu.dma_semaphore, #tpu.memory_space<semaphore_mem>>) src(%arg3 : memref<128x128x128xf32, #tpu.memory_space<vmem>>) dst(%dma_wait3A_4373 : memref<128x128x128xf32, #tpu.memory_space<any>>)
      %dma_wait3A_4374 = arith.constant 3 : i32
      %dma_wait3A_4375 = tpu.memref_slice %arg4[%dma_wait3A_4374] : memref<4x!tpu.dma_semaphore, #tpu.memory_space<semaphore_mem>> -> memref<1x!tpu.dma_semaphore, #tpu.memory_space<semaphore_mem>>
      %dma_wait3A_4376 = tpu.memref_squeeze %dma_wait3A_4375 : memref<1x!tpu.dma_semaphore, #tpu.memory_space<semaphore_mem>> -> memref<!tpu.dma_semaphore, #tpu.memory_space<semaphore_mem>>
      %dma_wait3A_4377 = arith.constant 0 : i32
      %dma_wait3A_4378 = arith.constant 0 : i32
      %dma_wait3A_4379 = arith.constant 0 : i32
      %dma_wait3A_4380 = tpu.memref_slice %arg1[%dma_wait3A_4377, %dma_wait3A_4378, %dma_wait3A_4379] : memref<2048x128x128xf32, #tpu.memory_space<any>> -> memref<128x128x128xf32, #tpu.memory_space<any>>
      tpu.wait_dma2 semaphore(%dma_wait3A_4376 : memref<!tpu.dma_semaphore, #tpu.memory_space<semaphore_mem>>) src(%arg3 : memref<128x128x128xf32, #tpu.memory_space<vmem>>) dst(%dma_wait3A_4380 : memref<128x128x128xf32, #tpu.memory_space<any>>)
    }
    return
  }
}

</mosaic_0001>

<sc_bundles>
// kernel: kernel.5.cloned.1.call-start
scs
__scs_entry_jumppad:
0x0: {  	(pc) =	sbr.rel $0x88, $3  }
0x1: {  	(tag) =	ssettag $0x0;
	lr =	simm.s32 $0x1  }
0x2: {  	[smem:$0x3FA0] =	sst lr;
	_ =	strace $0xD0000000  }
0x3: {  	_ = 	snop  }
0x4: {  	_ = 	snop  }
0x5: {  	_ = 	snop  }
0x6: {  	_ = 	snop  }
0x7: {  	_ = 	snop  }
__scs_overlays_trampoline_lowered:
0x8: {  	[smem:$0x3FAF] =	sst s0  }
0x9: {  	[smem:$0x3FB0] =	sst s1  }
0xa: {  	[smem:$0x3FB1] =	sst s2  }
0xb: {  	[smem:$0x3FB2] =	sst s3  }
0xc: {  	[smem:$0x3FB3] =	sst s4  }
0xd: {  	[smem:$0x3FB4] =	sst s5  }
0xe: {  	[smem:$0x3FB5] =	sst s6  }
0xf: {  	[smem:$0x3FB6] =	sst s7  }
0x10: {  	[smem:$0x3FB7] =	sst s8  }
0x11: {  	[smem:$0x3FB8] =	sst s9;
	s0 =	simm.s32 @!p0 $0x0  }
0x12: {  	s1 =	sld [smem:$0x3F9E];
	s0 =	simm.s32 @p0 $0x1  }
0x13: {  	[smem:$0x3FB9] =	sst s0;
	s0 =	simm.s32 @!p1 $0x0  }
0x14: {  	s2 =	sld [smem:$0x3F9D];
	s0 =	simm.s32 @p1 $0x1  }
0x15: {  	[smem:$0x3FBA] =	sst s0;
	s0 =	simm.s32 @!p2 $0x0  }
0x16: {  	s3 =	sld [smem:$0x3FDB];
	s0 =	simm.s32 @p2 $0x1  }
0x17: {  	s4 =	simm.s32 $0x1BF5;
	[smem:$0x3FBC] =	sst s0  }
0x18: {  	s0 =	sld [smem:$0x3F9F];
	_ =	swait.ge [sflag:s4], $0x0  }
0x19: {  	s7 =	sld [smem:$0x3FA0]  }
0x1a: {  	s8 =	sadd.s32 $0xFFFFE003, lr  }
0x1b: {  	s9 =	sadd.s32 $0xFFFFFEF7, lr;
	s5 =	simm.s32 $0xFFFFFFFF;
	p2 =	slt.u32 s8, $0xFFFFF086  }
0x1c: {  	p1 =	slt.u32 s9, $0xF7A;
	s5 =	simm.s32 @!p2 $0x0  }
0x1d: {  	s5 =	simm.s32 @p1 $0x1;
	p0 =	seq.s32 s7, s2  }
0x1e: {  	s7 =	smul.u32 @!p0 $0xF7A, s2;
	p2 =	seq.s32 @!p0 s5, $0x0  }
0x1f: {  	s9 =	smul.u32 $0xF7A, s1;
	s8 =	simm.s32 @!p0 $0x1BF5;
	p2 =	por !p2, p0  }
0x20: {  	[sflag:s8] =	ssyncset.s32 @!p0 $0xFFFFF086;
	s6 =	sadd.s32 @!p0 s3, s7;
	s7 =	simm.s32 @!p0 $0x108  }
0x21: {  	s3 =	sadd.s32 s3, s9;
	s6 =	sadd.s32 @!p0 $0x88, s6;
	s7 =	simm.s32 @p2 $0x1082  }
0x22: {  	[simem:s7], [sflag:s8] =	dma.local @!p0 [hbm:s6], $0xF7A  }
0x23: {  	s9 =	sor.u32 $0xD0000000, s2;
	s6 =	simm.s32 $0x108;
	_ =	swait.ge @!p0 [sflag:s8], $0x0  }
0x24: {  	s3 =	sadd.s32 $0x88, s3;
	s6 =	simm.s32 @!p1 $0x1082;
	[sflag:s4] =	ssyncset.s32 $0xFFFFF086  }
0x25: {  	[simem:s6], [sflag:s4] =	dma.local [hbm:s3], $0xF7A  }
0x26: {  	[smem:$0x3FA0] =	sst s1;
	(tag) =	ssettag s2;
	_ =	strace s9  }
0x27: {  	s1 =	sld [smem:$0x3FB0]  }
0x28: {  	s2 =	sld [smem:$0x3FB1]  }
0x29: {  	s4 =	sld [smem:$0x3FB3]  }
0x2a: {  	p0 =	seq.s32 s5, $0x0;
	s5 =	sld [smem:$0x3FB4]  }
0x2b: {  	s6 =	sld [smem:$0x3FB5]  }
0x2c: {  	s7 =	sld [smem:$0x3FB6]  }
0x2d: {  	s3 =	simm.s32 $0x108;
	s8 =	sld [smem:$0x3FB7]  }
0x2e: {  	s3 =	simm.s32 @!p0 $0x1082;
	s9 =	sld [smem:$0x3FB8]  }
0x2f: {  	lr =	sadd.s32 s0, s3;
	s0 =	sld [smem:$0x3FAF]  }
0x30: {  	s3 =	sld [smem:$0x3FB2]  }
0x31: {  	[smem:$0x3FBB] =	sst s10  }
0x32: {  	s10 =	sld [smem:$0x3FB9];
	_ =	sdelay $0x3  }
0x33: {  	p0 =	seq.s32 s10, $0x1;
	s10 =	sld [smem:$0x3FBB];
	_ =	sdelay $0x3  }
0x34: {  	[smem:$0x3FBB] =	sst s10  }
0x35: {  	s10 =	sld [smem:$0x3FBA];
	_ =	sdelay $0x3  }
0x36: {  	p1 =	seq.s32 s10, $0x1;
	s10 =	sld [smem:$0x3FBB];
	_ =	sdelay $0x3  }
0x37: {  	[smem:$0x3FBB] =	sst s10  }
0x38: {  	s10 =	sld [smem:$0x3FBC]  }
0x39: {  	_ = 	snop;
	(pc) =	sbr.ind lr, $3  }
0x3a: {  	_ = 	snop  }
0x3b: {  	_ = 	snop  }
0x3c: {  	p2 =	seq.s32 s10, $0x1;
	s10 =	sld [smem:$0x3FBB]  }
0x3d: {  	_ =	shalt  }
0x3e: {  	_ =	shalt  }
0x3f: {  	_ =	shalt  }
0x40: {  	_ =	shalt  }
0x41: {  	_ =	shalt  }
0x42: {  	_ =	shalt  }
0x43: {  	_ =	shalt  }
0x44: {  	_ =	shalt  }
0x45: {  	_ =	shalt  }
0x46: {  	_ =	shalt  }
0x47: {  	_ =	shalt  }
0x48: {  	_ =	shalt  }
0x49: {  	_ =	shalt  }
0x4a: {  	_ =	shalt  }
0x4b: {  	_ =	shalt  }
0x4c: {  	_ =	shalt  }
0x4d: {  	_ =	shalt  }
0x4e: {  	_ =	shalt  }
0x4f: {  	_ =	shalt  }
0x50: {  	_ =	shalt  }
0x51: {  	_ =	shalt  }
0x52: {  	_ =	shalt  }
0x53: {  	_ =	shalt  }
0x54: {  	_ =	shalt  }
0x55: {  	_ =	shalt  }
0x56: {  	_ =	shalt  }
0x57: {  	_ =	shalt  }
0x58: {  	_ =	shalt  }
0x59: {  	_ =	shalt  }
0x5a: {  	_ =	shalt  }
0x5b: {  	_ =	shalt  }
0x5c: {  	_ =	shalt  }
0x5d: {  	_ =	shalt  }
0x5e: {  	_ =	shalt  }
0x5f: {  	_ =	shalt  }
0x60: {  	_ =	shalt  }
0x61: {  	_ =	shalt  }
0x62: {  	_ =	shalt  }
0x63: {  	_ =	shalt  }
0x64: {  	_ =	shalt  }
0x65: {  	_ =	shalt  }
0x66: {  	_ =	shalt  }
0x67: {  	_ =	shalt  }
0x68: {  	_ =	shalt  }
0x69: {  	_ =	shalt  }
0x6a: {  	_ =	shalt  }
0x6b: {  	_ =	shalt  }
0x6c: {  	_ =	shalt  }
0x6d: {  	_ =	shalt  }
0x6e: {  	_ =	shalt  }
0x6f: {  	_ =	shalt  }
0x70: {  	_ =	shalt  }
0x71: {  	_ =	shalt  }
0x72: {  	_ =	shalt  }
0x73: {  	_ =	shalt  }
0x74: {  	_ =	shalt  }
0x75: {  	_ =	shalt  }
0x76: {  	_ =	shalt  }
0x77: {  	_ =	shalt  }
0x78: {  	_ =	shalt  }
0x79: {  	_ =	shalt  }
0x7a: {  	_ =	shalt  }
0x7b: {  	_ =	shalt  }
0x7c: {  	_ =	shalt  }
0x7d: {  	_ =	shalt  }
0x7e: {  	_ =	shalt  }
0x7f: {  	_ =	shalt  }
0x80: {  	_ =	shalt  }
0x81: {  	_ =	shalt  }
0x82: {  	_ =	shalt  }
0x83: {  	_ =	shalt  }
0x84: {  	_ =	shalt  }
0x85: {  	_ =	shalt  }
0x86: {  	_ =	shalt  }
0x87: {  	_ =	shalt  }
.Lfunc_end0:
.L_simem_size_0:
called_computation_lowered:
.L_overlay_start_0:
0x88: {  	s2 =	sld [smem:$0x3FD9]  }
0x89: {  	s3 =	sld [smem:$0x3FFE];
	_ =	sdelay $0x1  }
0x8a: {  	s1 =	srdreg.scid  }
0x8b: {  	s0 =	sand.u32 $0x1, s1  }
0x8c: {  	s17 =	sshll.u32 s0, $0xA;
	s2 =	sadd.s32 s3, s2  }
0x8d: {  	s2 =	sadd.s32 s2, s17  }
0x8e: {  	[smem:$0x3FC7] =	sst s2  }
0x8f: {  	_ = 	snop  }
0x90: {  	s2 =	sld [smem:$0x3FC9];
	(tm) =	ssettm $0x1  }
0x91: {  	s18 =	sld [smem:$0x3FFB];
	_ =	sdelay $0x3  }
0x92: {  	_ =	strace s18  }
0x93: {  	s3 =	sld [smem:$0x3FFC];
	_ =	sdelay $0x3  }
0x94: {  	_ =	strace s3  }
0x95: {  	s3 =	sld [smem:$0x3FFD];
	_ =	sdelay $0x3  }
0x96: {  	_ =	strace s3  }
0x97: {  	_ =	strace $0x8FFFFFFF  }
0x98: {  	s19 =	sld [smem:$0x3FDB];
	_ =	sdelay $0x1  }
0x99: {  	s4 =	simm.s32 $_scs_section_size  }
0x9a: {  	s5 =	simm.s32 $_size__tile_overlayer_lowered;
	s6 =	simm.s32 $_tile_overlayer_lowered  }
0x9b: {  	s22 =	simm.s32 $0x1BFF;
	s21 =	sshll.u32 s6, $0x1;
	s3 =	sadd.s32 s4, s19  }
0x9c: {  	s7 =	simm.s32 $0x0;
	s20 =	sshll.u32 s5, $0x1;
	s5 =	sadd.s32 s21, s3  }
0x9d: {  	[timem:s7], [sflag:s22] =	dma.local [hbm:s5], s20  }
0x9e: {  	_ =	swait.ge [sflag:s22], s20  }
0x9f: {  	s4 =	ssub.s32 $0x0, s20;
	[sflag:s22] =	ssyncset.done $0x0  }
0xa0: {  	[sflag:s22] =	ssyncadd.s32 s4;
	_ =	sdelay $0x1  }
0xa1: {  	s23 =	simm.s32 $0x1B8B  }
0xa2: {  	_ =	swait.ge [sflag:s23], $0x1  }
0xa3: {  	[sflag:s23] =	ssyncset.done $0x0  }
0xa4: {  	s25 =	simm.s32 $0x1B8E;
	s24 =	sld [smem:$0x3FFE];
	[sflag:s23] =	ssyncadd.s32 $0xFFFFFFFF  }
0xa5: {  	s26 =	simm.s32 $execute0_lowered;
	[smem:$0x3FD2] =	sst s25  }
0xa6: {  	s5 =	sshll.u32 s26, $0x1;
	_ =	strace $0x80000046;
	[dreg:$0x1] =	wrdreg $0xFFFFFFFF  }
0xa7: {  	s28 =	simm.s32 $_size_execute0_lowered;
	s3 =	sadd.s32 s3, s5;
	[dreg:$0x0] =	wrdreg $0x0  }
0xa8: {  	s5 =	sshll.u32 s28, $0x1;
	[dreg:$0x2] =	wrdreg s3  }
0xa9: {  	[dreg:$0x3] =	wrdreg s5  }
0xaa: {  	[dreg:$0x4] =	wrdreg $0xC0  }
0xab: {  	_ =	task [dreg:s7], $0x5FFFF  }
0xac: {  	[dreg:$0x1] =	wrdreg $0xFFFFFFFF  }
0xad: {  	[dreg:$0x0] =	wrdreg $0x60  }
0xae: {  	[dreg:$0x2] =	wrdreg s2  }
0xaf: {  	[dreg:$0x3] =	wrdreg s24  }
0xb0: {  	[dreg:$0x4] =	wrdreg $0x9  }
0xb1: {  	_ =	task.clear_ibuf [dreg:s7], $0x5FFFF;
	_ =	strace $0x90000046  }
0xb2: {  	s29 =	simm.s32 $0x9;
	_ =	strace $0x80000048  }
0xb3: {  	_ =	swait.ge [sflag:s29], $0x1  }
0xb4: {  	[sflag:s29] =	ssyncadd.s32 $0xFFFFFFFF  }
0xb5: {  	_ =	strace $0x90000048  }
0xb6: {  	_ =	sfence  }
0xb7: {  	s30 =	sld [smem:$0x0];
	_ =	sdelay $0x2  }
0xb8: {  	s31 =	sshll.u32 s1, $0xD;
	s1 =	sshrl.u32 s1, $0x2  }
0xb9: {  	s3 =	sand.u32 $0x4000, s31;
	s1 =	sadd.s32 s1, s30  }
0xba: {  	s0 =	sor.u32 s3, s0;
	s1 =	sshll.u32 s1, $0x11  }
0xbb: {  	s0 =	sor.u32 s1, s0  }
0xbc: {  	s0 =	sadd.s32 $0x8F2B, s0  }
0xbd: {  	[sflag:s0] =	ssyncadd.remote.s32 $0x1  }
0xbe: {  	_ =	sfence.sel $0xFFFF  }
0xbf: {  	[dreg:$0x0] =	wrdreg $0xFFFFFFFF;
	(pc) =	sbr.abs _section_cstart, $3  }
0xc0: {  	[dreg:$0x1] =	wrdreg $0xFFFFFFFF  }
0xc1: {  	_ =	task.clear_ibuf [dreg:s7], $0x2FFFF;
	_ =	strace $0x9FFFFFFF  }
0xc2: {  	(tm) =	ssettm $0x7FFFFFFF  }
0xc3: {  	_ =	shalt  }
tec
execute0_lowered:
.L_overlay_start_1:
0x0: {  	(tag) =	ssettag $0x1  }
0x1: {  	s1 =	srdreg.scid;
	s0 =	stileid.u32  }
0x2: {  	s4 =	sand.u32 $0x1, s1;
	s26 =	sshll.u32 s0, $0x1  }
0x3: {  	s3 =	sor.u32 s4, s26  }
0x4: {  	s1 =	sshll.u32 s3, $0x3;
	s28 =	sshll.u32 s3, $0x9  }
0x5: {  	s2 =	sor.u32 $0x2, s1;
	v0 =	vmov s28  }
0x6: {  	s5 =	sshll.u32 s3, $0x1;
	s2 =	smul.u32 s3, s2;
	v0 =	vshrl.u32 v0, $0x7  }
0x7: {  	s5 =	sand.u32 $0x6, s5;
	v0 =	vbroadcast v0, $0x0  }
0x8: {  	s5 =	ssub.s32 s2, s5  }
0x9: {  	v1 =	vmov s5;
	v2 =	vor.u32 $0x1, v0  }
0xa: {  	v1 =	vsub.s32 $0x0, v1;
	v2 =	vmul.u32 v0, v2  }
0xb: {  	s29 =	sor.u32 $0x80, s28;
	v3 =	vbroadcast v1, $0x0  }
0xc: {  	v10 =	vmov s29;
	v1 =	vlaneseq.u32;
	v4 =	vshrl.u32 v2, $0x1  }
0xd: {  	v5 =	vor.u32 $0x10, v1;
	v8 =	vor.u32 $0x40, v1;
	v27 =	vadd.s32 v1, v3  }
0xe: {  	v25 =	vadd.s32 v5, v3;
	v5 =	vor.u32 $0x20, v1;
	v32 =	vadd.s32 v8, v3  }
0xf: {  	v8 =	vor.u32 $0x50, v1;
	v2 =	vadd.s32 v4, v27;
	v6 =	vadd.s32 v4, v25  }
0x10: {  	v30 =	vadd.s32 v5, v3;
	v5 =	vor.u32 $0x30, v1;
	v33 =	vadd.s32 v8, v3  }
0x11: {  	vm0 =	vgt.s32 v2, $0x0;
	vm5 =	vgt.s32 v6, $0x0;
	v7 =	vadd.s32 v4, v30  }
0x12: {  	v31 =	vadd.s32 v5, v3;
	v2 =	vnsel vm0, $0x0, v2;
	v5 =	vnsel vm5, $0x0, v6  }
0x13: {  	vm6 =	vgt.s32 v7, $0x0;
	v6 =	vadd.s32 v4, v31;
	v9 =	vmin.u32 v2, $0x1FF  }
0x14: {  	v2 =	vnsel vm6, $0x0, v7;
	vm7 =	vgt.s32 v6, $0x0;
	v7 =	vmin.u32 v5, $0x1FF  }
0x15: {  	v5 =	vnsel vm7, $0x0, v6;
	v6 =	vmin.u32 v2, $0x1FF;
	v2 =	vadd.s32 v4, v32  }
0x16: {  	v13 =	vor.u32 $0x70, v1;
	v11 =	vadd.s32 v4, v33;
	vm8 =	vgt.s32 v2, $0x0  }
0x17: {  	v8 =	vshrl.u32 v10, $0x7;
	vm9 =	vgt.s32 v11, $0x0;
	v10 =	vnsel vm8, $0x0, v2  }
0x18: {  	v2 =	vbroadcast v8, $0x0;
	v8 =	vmin.u32 v10, $0x1FF;
	v10 =	vor.u32 $0x60, v1  }
0x19: {  	v35 =	vadd.s32 v13, v3;
	v11 =	vnsel vm9, $0x0, v11;
	v34 =	vadd.s32 v10, v3  }
0x1a: {  	v5 =	vmin.u32 v5, $0x1FF;
	v10 =	vadd.s32 $0x1, v2;
	v12 =	vadd.s32 v4, v34  }
0x1b: {  	v14 =	vmul.u32 v2, v10;
	v4 =	vadd.s32 v4, v35;
	vm10 =	vgt.s32 v12, $0x0  }
0x1c: {  	v10 =	vmin.u32 v11, $0x1FF;
	vm11 =	vgt.s32 v4, $0x0;
	v3 =	vnsel vm10, $0x0, v12  }
0x1d: {  	v19 =	vshrl.u32 v14, $0x1;
	v4 =	vnsel vm11, $0x0, v4;
	v12 =	vmin.u32 v3, $0x1FF  }
0x1e: {  	v3 =	vadd.s32 v19, v27;
	v11 =	vadd.s32 v19, v25;
	v15 =	vadd.s32 v19, v30  }
0x1f: {  	v16 =	vmin.u32 v4, $0x1FF;
	vm4 =	vgt.s32 v3, $0x0;
	vm5 =	vgt.s32 v11, $0x0  }
0x20: {  	vm6 =	vgt.s32 v15, $0x0;
	v3 =	vnsel vm4, $0x0, v3;
	v4 =	vnsel vm5, $0x0, v11  }
0x21: {  	s30 =	sor.u32 $0x100, s28;
	v14 =	vmin.u32 v3, $0x1FF;
	v13 =	vmin.u32 v4, $0x1FF;
	v3 =	vnsel vm6, $0x0, v15  }
0x22: {  	v4 =	vmov s30;
	v11 =	vmin.u32 v3, $0x1FF;
	v3 =	vadd.s32 v19, v31  }
0x23: {  	v15 =	vadd.s32 v19, v32;
	v4 =	vshrl.u32 v4, $0x7;
	vm7 =	vgt.s32 v3, $0x0  }
0x24: {  	vm8 =	vgt.s32 v15, $0x0;
	v17 =	vnsel vm7, $0x0, v3;
	v3 =	vbroadcast v4, $0x0  }
0x25: {  	v18 =	vadd.s32 v19, v33;
	v20 =	vadd.s32 v19, v34;
	v4 =	vnsel vm8, $0x0, v15  }
0x26: {  	vm9 =	vgt.s32 v18, $0x0;
	v15 =	vmin.u32 v4, $0x1FF;
	v4 =	vor.u32 $0x1, v3  }
0x27: {  	vm10 =	vgt.s32 v20, $0x0;
	v18 =	vnsel vm9, $0x0, v18;
	v4 =	vmul.u32 v3, v4  }
0x28: {  	v20 =	vnsel vm10, $0x0, v20;
	v18 =	vmin.u32 v18, $0x1FF;
	v19 =	vadd.s32 v19, v35  }
0x29: {  	v20 =	vmin.u32 v20, $0x1FF;
	vm11 =	vgt.s32 v19, $0x0;
	v29 =	vshrl.u32 v4, $0x1  }
0x2a: {  	v17 =	vmin.u32 v17, $0x1FF;
	v4 =	vnsel vm11, $0x0, v19;
	v21 =	vadd.s32 v29, v27  }
0x2b: {  	v19 =	vmin.u32 v4, $0x1FF;
	v4 =	vadd.s32 v29, v25;
	v24 =	vadd.s32 v29, v30  }
0x2c: {  	v26 =	vadd.s32 v29, v31;
	v36 =	vadd.s32 v29, v33;
	v53 =	vadd.s32 v29, v34  }
0x2d: {  	v38 =	vadd.s32 v29, v35;
	vm4 =	vgt.s32 v21, $0x0;
	vm5 =	vgt.s32 v4, $0x0  }
0x2e: {  	s1 =	sor.u32 $0x180, s28;
	vm6 =	vgt.s32 v24, $0x0;
	v21 =	vnsel vm4, $0x0, v21;
	v4 =	vnsel vm5, $0x0, v4  }
0x2f: {  	v23 =	vmin.u32 v4, $0x1FF;
	v4 =	vnsel vm6, $0x0, v24;
	v24 =	vmov s1  }
0x30: {  	v22 =	vmin.u32 v21, $0x1FF;
	v21 =	vmin.u32 v4, $0x1FF;
	v4 =	vshrl.u32 v24, $0x7  }
0x31: {  	vm7 =	vgt.s32 v26, $0x0;
	vm9 =	vgt.s32 v36, $0x0;
	v4 =	vbroadcast v4, $0x0  }
0x32: {  	vm10 =	vgt.s32 v53, $0x0;
	vm11 =	vgt.s32 v38, $0x0;
	v26 =	vnsel vm7, $0x0, v26  }
0x33: {  	v36 =	vnsel vm9, $0x0, v36;
	v24 =	vadd.s32 v29, v32;
	v37 =	vadd.s32 $0x1, v4  }
0x34: {  	v29 =	vnsel vm10, $0x0, v53;
	vm8 =	vgt.s32 v24, $0x0;
	v37 =	vmul.u32 v4, v37  }
0x35: {  	v28 =	vmin.u32 v26, $0x1FF;
	v29 =	vmin.u32 v29, $0x1FF;
	v24 =	vnsel vm8, $0x0, v24  }
0x36: {  	v26 =	vmin.u32 v24, $0x1FF;
	v24 =	vmin.u32 v36, $0x1FF;
	v37 =	vshrl.u32 v37, $0x1  }
0x37: {  	v54 =	vadd.s32 v37, v27;
	v27 =	vnsel vm11, $0x0, v38;
	v55 =	vadd.s32 v37, v25  }
0x38: {  	v56 =	vadd.s32 v37, v30;
	v57 =	vadd.s32 v37, v31;
	v59 =	vadd.s32 v37, v32  }
0x39: {  	s4 =	ssub.s32 $0x2, s4;
	v33 =	vadd.s32 v37, v33;
	v61 =	vadd.s32 v37, v34;
	v37 =	vadd.s32 v37, v35  }
0x3a: {  	s8 =	sshrl.u32 s4, $0x1;
	vm4 =	vgt.s32 v54, $0x0;
	v27 =	vmin.u32 v27, $0x1FF;
	vm5 =	vgt.s32 v55, $0x0  }
0x3b: {  	s4 =	ssub.s32 s4, s8;
	vm6 =	vgt.s32 v56, $0x0;
	vm7 =	vgt.s32 v57, $0x0;
	vm8 =	vgt.s32 v59, $0x0  }
0x3c: {  	s31 =	smax.u32 s4, $0x1;
	vm9 =	vgt.s32 v33, $0x0;
	vm10 =	vgt.s32 v61, $0x0;
	vm11 =	vgt.s32 v37, $0x0  }
0x3d: {  	s6 =	rddreg [dreg:$0x0];
	p1 =	sne.s32 s31, $0x1;
	v36 =	vnsel vm4, $0x0, v54;
	v30 =	vnsel vm5, $0x0, v55;
	v31 =	vnsel vm6, $0x0, v56  }
.Ltmp0:
0x3e: {  	s7 =	rddreg [dreg:$0x1];
	s3 =	sshll.u32 s3, $0x6;
	v58 =	vnsel vm7, $0x0, v57;
	v60 =	vnsel vm8, $0x0, v59;
	v33 =	vnsel vm9, $0x0, v33;
	(pc) =	sbr.rel @!p1 .LBB2_3-.Ltmp0, $4  }
0x3f: {  	p0 =	por $0x0, $0x0;
	s3 =	sadd.s32 s3, s7;
	s7 =	sadd.s32 $0xFFFFFFFF, s31;
	v62 =	vnsel vm10, $0x0, v61;
	v63 =	vnsel vm11, $0x0, v37;
	v37 =	vadd.s32 $0xFFFFFFFF, v1  }
0x40: {  	s2 =	simm.s32 $0x0;
	s4 =	sadd.s32 $0x600, s3;
	s5 =	sshrl.u32 s5, $0x3;
	v25 =	vmin.u32 v36, $0x1FF;
	v30 =	vmin.u32 v30, $0x1FF;
	v31 =	vmin.u32 v31, $0x1FF  }
0x41: {  	s3 =	simm.s32 $0x1;
	[smem:$0x7FF] =	sst s2;
	s6 =	sadd.s32 s6, s5;
	v32 =	vmin.u32 v58, $0x1FF;
	v34 =	vmin.u32 v60, $0x1FF;
	v35 =	vmin.u32 v33, $0x1FF  }
0x42: {  	s5 =	simm.s32 $0x200;
	s1 =	rddreg [dreg:$0x2];
	_ =	strace $0x80000047;
	v36 =	vmin.u32 v62, $0x1FF;
	v33 =	vmin.u32 v63, $0x1FF;
	vm13 =	vgt.s32 v0, v37  }
0x43: {  	_ = 	snop  }
0x44: {  	[tilespmem:s2], [sflag:$0x1] =	stream.linear.gather [hbm4b:s6+s2], $0x200, $0x38;
	[tilespmem:$0x400] =	vst v63  }
0x45: {  	_ =	swait.ge [sflag:s3], $0x200  }
0x46: {  	[sflag:s3] =	ssyncset.done $0x0  }
0x47: {  	[sflag:s3] =	ssyncadd.s32 $0xFFFFFE00  }
0x48: {  	v39 =	vadd.s32 $0xF, v1;
	v38 =	vld.idx.msk [tilespmem:v9+s2+$0x0], vm13  }
0x49: {  	vm0 =	vgt.u32 v0, v39;
	_ =	sdelay $0x3  }
0x4a: {  	v38 =	vnsel vm13, $0x0, v38  }
0x4b: {  	[tilespmem:$0x200] =	vst v38  }
0x4c: {  	v40 =	vadd.s32 $0x1F, v1;
	v38 =	vld.idx.msk [tilespmem:v7+s2+$0x0], vm0  }
0x4d: {  	vm1 =	vgt.u32 v0, v40;
	_ =	sdelay $0x3  }
0x4e: {  	v38 =	vnsel vm0, $0x0, v38  }
0x4f: {  	[tilespmem:$0x210] =	vst v38  }
0x50: {  	v41 =	vimm.s32 $0x0;
	v50 =	vadd.s32 $0x2F, v1;
	v38 =	vld.idx.msk [tilespmem:v6+s2+$0x0], vm1  }
0x51: {  	v41 =	vsel vm0, $0xFFFFFFFF, v41;
	vm0 =	vgt.u32 v0, v50;
	_ =	sdelay $0x3  }
0x52: {  	v38 =	vnsel vm1, $0x0, v38  }
0x53: {  	[tilespmem:$0x220] =	vst v38  }
0x54: {  	v42 =	vimm.s32 $0x0;
	v51 =	vadd.s32 $0x3F, v1;
	v38 =	vld.idx.msk [tilespmem:v5+s2+$0x0], vm0  }
0x55: {  	v42 =	vsel vm1, $0xFFFFFFFF, v42;
	vm1 =	vgt.u32 v0, v51;
	_ =	sdelay $0x3  }
0x56: {  	v38 =	vnsel vm0, $0x0, v38  }
0x57: {  	[tilespmem:$0x230] =	vst v38  }
0x58: {  	v43 =	vimm.s32 $0x0;
	v52 =	vadd.s32 $0x4F, v1;
	v38 =	vld.idx.msk [tilespmem:v8+s2+$0x0], vm1  }
0x59: {  	v43 =	vsel vm0, $0xFFFFFFFF, v43;
	vm0 =	vgt.u32 v0, v52;
	_ =	sdelay $0x3  }
0x5a: {  	v38 =	vnsel vm1, $0x0, v38  }
0x5b: {  	[tilespmem:$0x240] =	vst v38  }
0x5c: {  	v44 =	vimm.s32 $0x0;
	v53 =	vadd.s32 $0x5F, v1;
	v38 =	vld.idx.msk [tilespmem:v10+s2+$0x0], vm0  }
0x5d: {  	v44 =	vsel vm1, $0xFFFFFFFF, v44;
	vm1 =	vgt.u32 v0, v53;
	_ =	sdelay $0x3  }
0x5e: {  	v38 =	vnsel vm0, $0x0, v38  }
0x5f: {  	[tilespmem:$0x250] =	vst v38  }
0x60: {  	v54 =	vadd.s32 $0x6F, v1;
	v38 =	vld.idx.msk [tilespmem:v12+s2+$0x0], vm1  }
0x61: {  	vm2 =	vgt.u32 v0, v54;
	_ =	sdelay $0x3  }
0x62: {  	v38 =	vnsel vm1, $0x0, v38  }
0x63: {  	[tilespmem:$0x260] =	vst v38  }
0x64: {  	v45 =	vimm.s32 $0x0;
	v38 =	vld.idx.msk [tilespmem:v16+s2+$0x0], vm2  }
0x65: {  	v45 =	vsel vm0, $0xFFFFFFFF, v45;
	vm0 =	vgt.s32 v2, v37;
	_ =	sdelay $0x3  }
0x66: {  	v38 =	vnsel vm2, $0x0, v38  }
0x67: {  	[tilespmem:$0x270] =	vst v38  }
0x68: {  	v46 =	vimm.s32 $0x0;
	v38 =	vld.idx.msk [tilespmem:v14+s2+$0x0], vm0  }
0x69: {  	v46 =	vsel vm1, $0xFFFFFFFF, v46;
	vm1 =	vgt.u32 v2, v39;
	_ =	sdelay $0x3  }
0x6a: {  	v38 =	vnsel vm0, $0x0, v38  }
0x6b: {  	[tilespmem:$0x280] =	vst v38  }
0x6c: {  	v38 =	vld.idx.msk [tilespmem:v13+s2+$0x0], vm1  }
0x6d: {  	vm0 =	vgt.u32 v2, v40;
	_ =	sdelay $0x3  }
0x6e: {  	v38 =	vnsel vm1, $0x0, v38  }
0x6f: {  	v55 =	vimm.s32 $0x0;
	[tilespmem:$0x290] =	vst v38  }
0x70: {  	v56 =	vimm.s32 $0x0;
	[tilespmem:$0x1FF60] =	vst v46;
	v46 =	vsel vm2, $0xFFFFFFFF, v55;
	v38 =	vld.idx.msk [tilespmem:v11+s2+$0x0], vm0  }
0x71: {  	[tilespmem:$0x1FF70] =	vst v46;
	v46 =	vsel vm1, $0xFFFFFFFF, v56;
	vm1 =	vgt.u32 v2, v50;
	_ =	sdelay $0x3  }
0x72: {  	v38 =	vnsel vm0, $0x0, v38  }
0x73: {  	[tilespmem:$0x2A0] =	vst v38  }
0x74: {  	v57 =	vimm.s32 $0x0;
	v38 =	vld.idx.msk [tilespmem:v17+s2+$0x0], vm1  }
0x75: {  	[tilespmem:$0x1FF80] =	vst v46;
	v46 =	vsel vm0, $0xFFFFFFFF, v57;
	vm0 =	vgt.u32 v2, v51;
	_ =	sdelay $0x3  }
0x76: {  	v38 =	vnsel vm1, $0x0, v38  }
0x77: {  	[tilespmem:$0x2B0] =	vst v38  }
0x78: {  	v58 =	vimm.s32 $0x0;
	v38 =	vld.idx.msk [tilespmem:v15+s2+$0x0], vm0  }
0x79: {  	[tilespmem:$0x1FF90] =	vst v46;
	v46 =	vsel vm1, $0xFFFFFFFF, v58;
	vm1 =	vgt.u32 v2, v52;
	_ =	sdelay $0x3  }
0x7a: {  	v38 =	vnsel vm0, $0x0, v38  }
0x7b: {  	[tilespmem:$0x2C0] =	vst v38  }
0x7c: {  	v59 =	vimm.s32 $0x0;
	v38 =	vld.idx.msk [tilespmem:v18+s2+$0x0], vm1  }
0x7d: {  	[tilespmem:$0x1FFA0] =	vst v46;
	v46 =	vsel vm0, $0xFFFFFFFF, v59;
	vm0 =	vgt.u32 v2, v53;
	_ =	sdelay $0x3  }
0x7e: {  	v38 =	vnsel vm1, $0x0, v38  }
0x7f: {  	[tilespmem:$0x2D0] =	vst v38  }
0x80: {  	v60 =	vimm.s32 $0x0;
	v38 =	vld.idx.msk [tilespmem:v20+s2+$0x0], vm0  }
0x81: {  	[tilespmem:$0x1FFB0] =	vst v46;
	v46 =	vsel vm1, $0xFFFFFFFF, v60;
	vm1 =	vgt.u32 v2, v54;
	_ =	sdelay $0x3  }
0x82: {  	v38 =	vnsel vm0, $0x0, v38  }
0x83: {  	[tilespmem:$0x2E0] =	vst v38  }
0x84: {  	v61 =	vimm.s32 $0x0;
	v38 =	vld.idx.msk [tilespmem:v19+s2+$0x0], vm1  }
0x85: {  	[tilespmem:$0x1FFC0] =	vst v46;
	v46 =	vsel vm0, $0xFFFFFFFF, v61;
	vm0 =	vgt.s32 v3, v37;
	_ =	sdelay $0x3  }
0x86: {  	v38 =	vnsel vm1, $0x0, v38  }
0x87: {  	[tilespmem:$0x2F0] =	vst v38  }
0x88: {  	v62 =	vimm.s32 $0x0;
	v38 =	vld.idx.msk [tilespmem:v22+s2+$0x0], vm0  }
0x89: {  	[tilespmem:$0x1FFD0] =	vst v46;
	v46 =	vsel vm1, $0xFFFFFFFF, v62;
	vm1 =	vgt.u32 v3, v39;
	_ =	sdelay $0x3  }
0x8a: {  	v38 =	vnsel vm0, $0x0, v38  }
0x8b: {  	[tilespmem:$0x300] =	vst v38  }
0x8c: {  	v38 =	vld.idx.msk [tilespmem:v23+s2+$0x0], vm1  }
0x8d: {  	vm0 =	vgt.u32 v3, v40;
	_ =	sdelay $0x3  }
0x8e: {  	v38 =	vnsel vm1, $0x0, v38  }
0x8f: {  	[tilespmem:$0x310] =	vst v38  }
0x90: {  	v63 =	vimm.s32 $0x0;
	v38 =	vld.idx.msk [tilespmem:v21+s2+$0x0], vm0  }
0x91: {  	[tilespmem:$0x1FFE0] =	vst v46;
	v46 =	vsel vm1, $0xFFFFFFFF, v63;
	vm1 =	vgt.u32 v3, v50;
	_ =	sdelay $0x3  }
0x92: {  	v38 =	vnsel vm0, $0x0, v38  }
0x93: {  	[tilespmem:$0x320] =	vst v38  }
0x94: {  	v38 =	vld.idx.msk [tilespmem:v28+s2+$0x0], vm1  }
0x95: {  	vm2 =	vgt.u32 v3, v51;
	_ =	sdelay $0x3  }
0x96: {  	v38 =	vnsel vm1, $0x0, v38  }
0x97: {  	[tilespmem:$0x330] =	vst v38  }
0x98: {  	v38 =	vld.idx.msk [tilespmem:v26+s2+$0x0], vm2  }
0x99: {  	vm3 =	vgt.u32 v3, v52;
	_ =	sdelay $0x3  }
0x9a: {  	v38 =	vnsel vm2, $0x0, v38  }
0x9b: {  	[tilespmem:$0x340] =	vst v38  }
0x9c: {  	v38 =	vld.idx.msk [tilespmem:v24+s2+$0x0], vm3  }
0x9d: {  	vm4 =	vgt.u32 v3, v53;
	_ =	sdelay $0x3  }
0x9e: {  	v38 =	vnsel vm3, $0x0, v38  }
0x9f: {  	[tilespmem:$0x350] =	vst v38  }
0xa0: {  	v38 =	vld.idx.msk [tilespmem:v29+s2+$0x0], vm4  }
0xa1: {  	vm5 =	vgt.u32 v3, v54;
	_ =	sdelay $0x3  }
0xa2: {  	v38 =	vnsel vm4, $0x0, v38  }
0xa3: {  	[tilespmem:$0x360] =	vst v38  }
0xa4: {  	v38 =	vld.idx.msk [tilespmem:v27+s2+$0x0], vm5  }
0xa5: {  	vm7 =	vgt.s32 v4, v37;
	_ =	sdelay $0x3  }
0xa6: {  	v38 =	vnsel vm5, $0x0, v38  }
0xa7: {  	[tilespmem:$0x370] =	vst v38  }
0xa8: {  	v38 =	vld.idx.msk [tilespmem:v25+s2+$0x0], vm7  }
0xa9: {  	vm6 =	vgt.u32 v4, v39;
	_ =	sdelay $0x3  }
0xaa: {  	v38 =	vnsel vm7, $0x0, v38  }
0xab: {  	[tilespmem:$0x380] =	vst v38  }
0xac: {  	v38 =	vld.idx.msk [tilespmem:v30+s2+$0x0], vm6  }
0xad: {  	vm7 =	vgt.u32 v4, v40;
	_ =	sdelay $0x3  }
0xae: {  	v38 =	vnsel vm6, $0x0, v38  }
0xaf: {  	[tilespmem:$0x390] =	vst v38  }
0xb0: {  	v38 =	vld.idx.msk [tilespmem:v31+s2+$0x0], vm7  }
0xb1: {  	vm8 =	vgt.u32 v4, v50;
	_ =	sdelay $0x3  }
0xb2: {  	v38 =	vnsel vm7, $0x0, v38  }
0xb3: {  	[tilespmem:$0x3A0] =	vst v38  }
0xb4: {  	v38 =	vld.idx.msk [tilespmem:v32+s2+$0x0], vm8  }
0xb5: {  	vm9 =	vgt.u32 v4, v51;
	_ =	sdelay $0x3  }
0xb6: {  	v38 =	vnsel vm8, $0x0, v38  }
0xb7: {  	[tilespmem:$0x3B0] =	vst v38  }
0xb8: {  	v38 =	vld.idx.msk [tilespmem:v34+s2+$0x0], vm9  }
0xb9: {  	vm10 =	vgt.u32 v4, v52;
	_ =	sdelay $0x3  }
0xba: {  	v38 =	vnsel vm9, $0x0, v38  }
0xbb: {  	[tilespmem:$0x3C0] =	vst v38  }
0xbc: {  	v38 =	vld.idx.msk [tilespmem:v35+s2+$0x0], vm10  }
0xbd: {  	vm11 =	vgt.u32 v4, v53;
	_ =	sdelay $0x3  }
0xbe: {  	v38 =	vnsel vm10, $0x0, v38  }
0xbf: {  	[tilespmem:$0x3D0] =	vst v38  }
0xc0: {  	v38 =	vld.idx.msk [tilespmem:v36+s2+$0x0], vm11  }
0xc1: {  	vm12 =	vgt.u32 v4, v54;
	_ =	sdelay $0x3  }
0xc2: {  	v38 =	vnsel vm11, $0x0, v38  }
0xc3: {  	[tilespmem:$0x3E0] =	vst v38  }
0xc4: {  	[tilespmem:$0x1FF10] =	vst v41;
	v38 =	vld.idx.msk [tilespmem:v33+s2+$0x0], vm12  }
0xc5: {  	[tilespmem:$0x1FF20] =	vst v42  }
0xc6: {  	[tilespmem:$0x1FF30] =	vst v43  }
0xc7: {  	[tilespmem:$0x1FF40] =	vst v44  }
0xc8: {  	p1 =	sne.s32 s7, $0x1;
	[tilespmem:$0x1FF50] =	vst v45  }
.Ltmp1:
0xc9: {  	[tilespmem:$0x1FFF0] =	vst v46;
	v38 =	vnsel vm12, $0x0, v38;
	(pc) =	sbr.rel @!p1 .LBB2_3-.Ltmp1, $4  }
0xca: {  	[tilespmem:$0x3F0] =	vst v38  }
0xcb: {  	[hbm4b:s4+s2] =	stream.linear.scatter [tilespmem:s5], [sflag:$0x1], $0x200, $0x38;
	[tilespmem:$0x400] =	vst v63  }
0xcc: {  	_ =	swait.ge [sflag:s3], $0x200  }
0xcd: {  	s7 =	sadd.s32 $0xFFFFFFFF, s7;
	p0 =	por $0x1, $0x1;
	[sflag:s3] =	ssyncset.done $0x0  }
.LBB2_2:
0xce: {  	[sflag:s3] =	ssyncadd.s32 $0xFFFFFE00  }
0xcf: {  	[tilespmem:s2], [sflag:$0x1] =	stream.linear.gather [hbm4b:s6+s2], $0x200, $0x38;
	[tilespmem:$0x400] =	vst v63  }
0xd0: {  	_ =	swait.ge [sflag:s3], $0x200  }
0xd1: {  	v49 =	vld [tilespmem:$0x1FF10];
	_ =	sdelay $0x1  }
0xd2: {  	[sflag:s3] =	ssyncset.done $0x0  }
0xd3: {  	[sflag:s3] =	ssyncadd.s32 $0xFFFFFE00  }
0xd4: {  	v38 =	vld.idx.msk [tilespmem:v9+s2+$0x0], vm13  }
0xd5: {  	vm14 =	vnez.u8 v49;
	_ =	sdelay $0x3  }
0xd6: {  	v38 =	vnsel vm13, $0x0, v38  }
0xd7: {  	v50 =	vld [tilespmem:$0x1FF20];
	[tilespmem:$0x200] =	vst v38  }
0xd8: {  	v38 =	vld.idx.msk [tilespmem:v7+s2+$0x0], vm14;
	_ =	sdelay $0x4  }
0xd9: {  	v38 =	vnsel vm14, $0x0, v38;
	vm14 =	vnez.u8 v50;
	_ =	sdelay $0x4  }
0xda: {  	v51 =	vld [tilespmem:$0x1FF30];
	[tilespmem:$0x210] =	vst v38  }
0xdb: {  	v38 =	vld.idx.msk [tilespmem:v6+s2+$0x0], vm14;
	_ =	sdelay $0x4  }
0xdc: {  	v38 =	vnsel vm14, $0x0, v38;
	vm14 =	vnez.u8 v51;
	_ =	sdelay $0x4  }
0xdd: {  	v52 =	vld [tilespmem:$0x1FF40];
	[tilespmem:$0x220] =	vst v38  }
0xde: {  	v38 =	vld.idx.msk [tilespmem:v5+s2+$0x0], vm14;
	_ =	sdelay $0x4  }
0xdf: {  	v38 =	vnsel vm14, $0x0, v38;
	vm14 =	vnez.u8 v52;
	_ =	sdelay $0x4  }
0xe0: {  	v53 =	vld [tilespmem:$0x1FF50];
	[tilespmem:$0x230] =	vst v38  }
0xe1: {  	v38 =	vld.idx.msk [tilespmem:v8+s2+$0x0], vm14;
	_ =	sdelay $0x4  }
0xe2: {  	v38 =	vnsel vm14, $0x0, v38;
	vm14 =	vnez.u8 v53;
	_ =	sdelay $0x4  }
0xe3: {  	v54 =	vld [tilespmem:$0x1FF60];
	[tilespmem:$0x240] =	vst v38  }
0xe4: {  	v38 =	vld.idx.msk [tilespmem:v10+s2+$0x0], vm14;
	_ =	sdelay $0x4  }
0xe5: {  	v38 =	vnsel vm14, $0x0, v38;
	vm14 =	vnez.u8 v54;
	_ =	sdelay $0x1  }
0xe6: {  	v55 =	vld [tilespmem:$0x1FF70];
	_ =	sdelay $0x2  }
0xe7: {  	[tilespmem:$0x250] =	vst v38  }
0xe8: {  	v38 =	vld.idx.msk [tilespmem:v12+s2+$0x0], vm14  }
0xe9: {  	vm15 =	vnez.u8 v55;
	_ =	sdelay $0x3  }
0xea: {  	v38 =	vnsel vm14, $0x0, v38  }
0xeb: {  	[tilespmem:$0x260] =	vst v38  }
0xec: {  	v38 =	vld.idx.msk [tilespmem:v16+s2+$0x0], vm15  }
0xed: {  	vm14 =	vmmov vm13;
	vm13 =	vgt.s32 v2, v37;
	_ =	sdelay $0x3  }
0xee: {  	v38 =	vnsel vm15, $0x0, v38  }
0xef: {  	v56 =	vld [tilespmem:$0x1FF80];
	[tilespmem:$0x270] =	vst v38  }
0xf0: {  	v38 =	vld.idx.msk [tilespmem:v14+s2+$0x0], vm13;
	_ =	sdelay $0x4  }
0xf1: {  	v38 =	vnsel vm13, $0x0, v38;
	vm13 =	vnez.u8 v56;
	_ =	sdelay $0x4  }
0xf2: {  	v57 =	vld [tilespmem:$0x1FF90];
	[tilespmem:$0x280] =	vst v38  }
0xf3: {  	v38 =	vld.idx.msk [tilespmem:v13+s2+$0x0], vm13;
	_ =	sdelay $0x4  }
0xf4: {  	v38 =	vnsel vm13, $0x0, v38;
	vm13 =	vnez.u8 v57;
	_ =	sdelay $0x4  }
0xf5: {  	v58 =	vld [tilespmem:$0x1FFA0];
	[tilespmem:$0x290] =	vst v38  }
0xf6: {  	v38 =	vld.idx.msk [tilespmem:v11+s2+$0x0], vm13;
	_ =	sdelay $0x4  }
0xf7: {  	v38 =	vnsel vm13, $0x0, v38;
	vm13 =	vnez.u8 v58;
	_ =	sdelay $0x4  }
0xf8: {  	v59 =	vld [tilespmem:$0x1FFB0];
	[tilespmem:$0x2A0] =	vst v38  }
0xf9: {  	v38 =	vld.idx.msk [tilespmem:v17+s2+$0x0], vm13;
	_ =	sdelay $0x4  }
0xfa: {  	v38 =	vnsel vm13, $0x0, v38;
	vm13 =	vnez.u8 v59;
	_ =	sdelay $0x4  }
0xfb: {  	v60 =	vld [tilespmem:$0x1FFC0];
	[tilespmem:$0x2B0] =	vst v38  }
0xfc: {  	v38 =	vld.idx.msk [tilespmem:v15+s2+$0x0], vm13;
	_ =	sdelay $0x4  }
0xfd: {  	v38 =	vnsel vm13, $0x0, v38;
	vm13 =	vnez.u8 v60;
	_ =	sdelay $0x4  }
0xfe: {  	v61 =	vld [tilespmem:$0x1FFD0];
	[tilespmem:$0x2C0] =	vst v38  }
0xff: {  	v38 =	vld.idx.msk [tilespmem:v18+s2+$0x0], vm13;
	_ =	sdelay $0x4  }
0x100: {  	v38 =	vnsel vm13, $0x0, v38;
	vm13 =	vnez.u8 v61;
	_ =	sdelay $0x1  }
0x101: {  	v62 =	vld [tilespmem:$0x1FFE0];
	_ =	sdelay $0x2  }
0x102: {  	[tilespmem:$0x2D0] =	vst v38  }
0x103: {  	v38 =	vld.idx.msk [tilespmem:v20+s2+$0x0], vm13  }
0x104: {  	vm15 =	vnez.u8 v62;
	_ =	sdelay $0x3  }
0x105: {  	v38 =	vnsel vm13, $0x0, v38  }
0x106: {  	[tilespmem:$0x2E0] =	vst v38  }
0x107: {  	v38 =	vld.idx.msk [tilespmem:v19+s2+$0x0], vm15  }
0x108: {  	vm13 =	vgt.s32 v3, v37;
	_ =	sdelay $0x3  }
0x109: {  	v38 =	vnsel vm15, $0x0, v38  }
0x10a: {  	v63 =	vld [tilespmem:$0x1FFF0];
	[tilespmem:$0x2F0] =	vst v38  }
0x10b: {  	v38 =	vld.idx.msk [tilespmem:v22+s2+$0x0], vm13;
	_ =	sdelay $0x4  }
0x10c: {  	v38 =	vnsel vm13, $0x0, v38;
	vm13 =	vnez.u8 v63;
	_ =	sdelay $0x4  }
0x10d: {  	[tilespmem:$0x300] =	vst v38  }
0x10e: {  	v38 =	vld.idx.msk [tilespmem:v23+s2+$0x0], vm13;
	_ =	sdelay $0x4  }
0x10f: {  	v38 =	vnsel vm13, $0x0, v38  }
0x110: {  	[tilespmem:$0x310] =	vst v38  }
0x111: {  	v38 =	vld.idx.msk [tilespmem:v21+s2+$0x0], vm0;
	_ =	sdelay $0x4  }
0x112: {  	v38 =	vnsel vm0, $0x0, v38  }
0x113: {  	[tilespmem:$0x320] =	vst v38  }
0x114: {  	v38 =	vld.idx.msk [tilespmem:v28+s2+$0x0], vm1;
	_ =	sdelay $0x4  }
0x115: {  	v38 =	vnsel vm1, $0x0, v38  }
0x116: {  	[tilespmem:$0x330] =	vst v38  }
0x117: {  	v38 =	vld.idx.msk [tilespmem:v26+s2+$0x0], vm2;
	_ =	sdelay $0x4  }
0x118: {  	v38 =	vnsel vm2, $0x0, v38  }
0x119: {  	[tilespmem:$0x340] =	vst v38  }
0x11a: {  	v38 =	vld.idx.msk [tilespmem:v24+s2+$0x0], vm3;
	_ =	sdelay $0x4  }
0x11b: {  	v38 =	vnsel vm3, $0x0, v38  }
0x11c: {  	[tilespmem:$0x350] =	vst v38  }
0x11d: {  	v38 =	vld.idx.msk [tilespmem:v29+s2+$0x0], vm4;
	_ =	sdelay $0x4  }
0x11e: {  	v38 =	vnsel vm4, $0x0, v38  }
0x11f: {  	[tilespmem:$0x360] =	vst v38  }
0x120: {  	v38 =	vld.idx.msk [tilespmem:v27+s2+$0x0], vm5  }
0x121: {  	vm13 =	vgt.s32 v4, v37;
	_ =	sdelay $0x3  }
0x122: {  	v38 =	vnsel vm5, $0x0, v38  }
0x123: {  	[tilespmem:$0x370] =	vst v38  }
0x124: {  	v38 =	vld.idx.msk [tilespmem:v25+s2+$0x0], vm13;
	_ =	sdelay $0x4  }
0x125: {  	v38 =	vnsel vm13, $0x0, v38  }
0x126: {  	[tilespmem:$0x380] =	vst v38  }
0x127: {  	v38 =	vld.idx.msk [tilespmem:v30+s2+$0x0], vm6;
	_ =	sdelay $0x4  }
0x128: {  	v38 =	vnsel vm6, $0x0, v38  }
0x129: {  	[tilespmem:$0x390] =	vst v38  }
0x12a: {  	v38 =	vld.idx.msk [tilespmem:v31+s2+$0x0], vm7;
	_ =	sdelay $0x4  }
0x12b: {  	v38 =	vnsel vm7, $0x0, v38  }
0x12c: {  	[tilespmem:$0x3A0] =	vst v38  }
0x12d: {  	v38 =	vld.idx.msk [tilespmem:v32+s2+$0x0], vm8;
	_ =	sdelay $0x4  }
0x12e: {  	v38 =	vnsel vm8, $0x0, v38  }
0x12f: {  	[tilespmem:$0x3B0] =	vst v38  }
0x130: {  	v38 =	vld.idx.msk [tilespmem:v34+s2+$0x0], vm9;
	_ =	sdelay $0x4  }
0x131: {  	v38 =	vnsel vm9, $0x0, v38  }
0x132: {  	[tilespmem:$0x3C0] =	vst v38  }
0x133: {  	v38 =	vld.idx.msk [tilespmem:v35+s2+$0x0], vm10;
	_ =	sdelay $0x4  }
0x134: {  	v38 =	vnsel vm10, $0x0, v38  }
0x135: {  	[tilespmem:$0x3D0] =	vst v38  }
0x136: {  	v38 =	vld.idx.msk [tilespmem:v36+s2+$0x0], vm11;
	_ =	sdelay $0x4  }
0x137: {  	v38 =	vnsel vm11, $0x0, v38  }
0x138: {  	[tilespmem:$0x3E0] =	vst v38  }
0x139: {  	v38 =	vld.idx.msk [tilespmem:v33+s2+$0x0], vm12;
	_ =	sdelay $0x3  }
0x13a: {  	p1 =	sne.s32 s7, $0x1  }
.Ltmp2:
0x13b: {  	v38 =	vnsel vm12, $0x0, v38;
	(pc) =	sbr.rel @p1 .LBB2_2-.Ltmp2, $4  }
0x13c: {  	[tilespmem:$0x3F0] =	vst v38  }
0x13d: {  	[hbm4b:s4+s2] =	stream.linear.scatter [tilespmem:s5], [sflag:$0x1], $0x200, $0x38;
	[tilespmem:$0x400] =	vst v63  }
0x13e: {  	_ =	swait.ge [sflag:s3], $0x200  }
0x13f: {  	s7 =	sadd.s32 $0xFFFFFFFF, s7;
	vm13 =	vmmov vm14;
	[sflag:s3] =	ssyncset.done $0x0  }
.LBB2_3:
0x140: {  	[sflag:s3] =	ssyncadd.s32 @p0 $0xFFFFFE00  }
0x141: {  	[tilespmem:s2], [sflag:$0x1] =	stream.linear.gather [hbm4b:s6+s2], $0x200, $0x38;
	[tilespmem:$0x400] =	vst v63  }
0x142: {  	_ =	swait.ge [sflag:s3], $0x200  }
0x143: {  	[sflag:s3] =	ssyncset.done $0x0  }
0x144: {  	[sflag:s3] =	ssyncadd.s32 $0xFFFFFE00  }
0x145: {  	v38 =	vadd.s32 $0xF, v1;
	v9 =	vld.idx.msk [tilespmem:v9+s2+$0x0], vm13  }
0x146: {  	vm0 =	vgt.u32 v0, v38;
	_ =	sdelay $0x3  }
0x147: {  	v9 =	vnsel vm13, $0x0, v9  }
0x148: {  	[tilespmem:$0x200] =	vst v9  }
0x149: {  	v57 =	vadd.s32 $0x1F, v1;
	v7 =	vld.idx.msk [tilespmem:v7+s2+$0x0], vm0  }
0x14a: {  	vm1 =	vgt.u32 v0, v57;
	_ =	sdelay $0x3  }
0x14b: {  	v7 =	vnsel vm0, $0x0, v7  }
0x14c: {  	[tilespmem:$0x210] =	vst v7  }
0x14d: {  	v58 =	vadd.s32 $0x2F, v1;
	v6 =	vld.idx.msk [tilespmem:v6+s2+$0x0], vm1  }
0x14e: {  	vm11 =	vgt.u32 v0, v58;
	_ =	sdelay $0x3  }
0x14f: {  	v6 =	vnsel vm1, $0x0, v6  }
0x150: {  	[tilespmem:$0x220] =	vst v6  }
0x151: {  	v59 =	vadd.s32 $0x3F, v1;
	v5 =	vld.idx.msk [tilespmem:v5+s2+$0x0], vm11  }
0x152: {  	vm12 =	vgt.u32 v0, v59;
	_ =	sdelay $0x3  }
0x153: {  	v5 =	vnsel vm11, $0x0, v5  }
0x154: {  	[tilespmem:$0x230] =	vst v5  }
0x155: {  	v60 =	vadd.s32 $0x4F, v1;
	v5 =	vld.idx.msk [tilespmem:v8+s2+$0x0], vm12  }
0x156: {  	vm13 =	vgt.u32 v0, v60;
	_ =	sdelay $0x3  }
0x157: {  	v5 =	vnsel vm12, $0x0, v5  }
0x158: {  	[tilespmem:$0x240] =	vst v5  }
0x159: {  	v61 =	vadd.s32 $0x5F, v1;
	v5 =	vld.idx.msk [tilespmem:v10+s2+$0x0], vm13  }
0x15a: {  	vm14 =	vgt.u32 v0, v61;
	_ =	sdelay $0x3  }
0x15b: {  	v5 =	vnsel vm13, $0x0, v5  }
0x15c: {  	[tilespmem:$0x250] =	vst v5  }
0x15d: {  	v62 =	vadd.s32 $0x6F, v1;
	v5 =	vld.idx.msk [tilespmem:v12+s2+$0x0], vm14  }
0x15e: {  	vm15 =	vgt.u32 v0, v62;
	_ =	sdelay $0x3  }
0x15f: {  	v63 =	vnsel vm14, $0x0, v5  }
0x160: {  	[tilespmem:$0x260] =	vst v63  }
0x161: {  	v0 =	vld.idx.msk [tilespmem:v16+s2+$0x0], vm15  }
0x162: {  	vm4 =	vgt.s32 v2, v37;
	_ =	sdelay $0x3  }
0x163: {  	v0 =	vnsel vm15, $0x0, v0  }
0x164: {  	[tilespmem:$0x270] =	vst v0  }
0x165: {  	v0 =	vld.idx.msk [tilespmem:v14+s2+$0x0], vm4  }
0x166: {  	vm5 =	vgt.u32 v2, v38;
	_ =	sdelay $0x3  }
0x167: {  	v0 =	vnsel vm4, $0x0, v0  }
0x168: {  	[tilespmem:$0x280] =	vst v0  }
0x169: {  	v0 =	vld.idx.msk [tilespmem:v13+s2+$0x0], vm5  }
0x16a: {  	vm6 =	vgt.u32 v2, v57;
	_ =	sdelay $0x3  }
0x16b: {  	v0 =	vnsel vm5, $0x0, v0  }
0x16c: {  	[tilespmem:$0x290] =	vst v0  }
0x16d: {  	v0 =	vld.idx.msk [tilespmem:v11+s2+$0x0], vm6  }
0x16e: {  	vm7 =	vgt.u32 v2, v58;
	_ =	sdelay $0x3  }
0x16f: {  	v0 =	vnsel vm6, $0x0, v0  }
0x170: {  	[tilespmem:$0x2A0] =	vst v0  }
0x171: {  	v0 =	vld.idx.msk [tilespmem:v17+s2+$0x0], vm7  }
0x172: {  	vm8 =	vgt.u32 v2, v59;
	_ =	sdelay $0x3  }
0x173: {  	v0 =	vnsel vm7, $0x0, v0  }
0x174: {  	[tilespmem:$0x2B0] =	vst v0  }
0x175: {  	v0 =	vld.idx.msk [tilespmem:v15+s2+$0x0], vm8  }
0x176: {  	vm9 =	vgt.u32 v2, v60;
	_ =	sdelay $0x3  }
0x177: {  	v0 =	vnsel vm8, $0x0, v0  }
0x178: {  	[tilespmem:$0x2C0] =	vst v0  }
0x179: {  	v0 =	vld.idx.msk [tilespmem:v18+s2+$0x0], vm9  }
0x17a: {  	vm10 =	vgt.u32 v2, v61;
	_ =	sdelay $0x3  }
0x17b: {  	v0 =	vnsel vm9, $0x0, v0  }
0x17c: {  	[tilespmem:$0x2D0] =	vst v0  }
0x17d: {  	v0 =	vld.idx.msk [tilespmem:v20+s2+$0x0], vm10  }
0x17e: {  	vm11 =	vgt.u32 v2, v62;
	_ =	sdelay $0x3  }
0x17f: {  	v0 =	vnsel vm10, $0x0, v0  }
0x180: {  	[tilespmem:$0x2E0] =	vst v0  }
0x181: {  	v0 =	vld.idx.msk [tilespmem:v19+s2+$0x0], vm11  }
0x182: {  	vm12 =	vgt.s32 v3, v37;
	_ =	sdelay $0x3  }
0x183: {  	v0 =	vnsel vm11, $0x0, v0  }
0x184: {  	[tilespmem:$0x2F0] =	vst v0  }
0x185: {  	v0 =	vld.idx.msk [tilespmem:v22+s2+$0x0], vm12  }
0x186: {  	vm13 =	vgt.u32 v3, v38;
	_ =	sdelay $0x3  }
0x187: {  	v0 =	vnsel vm12, $0x0, v0  }
0x188: {  	[tilespmem:$0x300] =	vst v0  }
0x189: {  	v0 =	vld.idx.msk [tilespmem:v23+s2+$0x0], vm13  }
0x18a: {  	vm14 =	vgt.u32 v3, v57;
	_ =	sdelay $0x3  }
0x18b: {  	v0 =	vnsel vm13, $0x0, v0  }
0x18c: {  	[tilespmem:$0x310] =	vst v0  }
0x18d: {  	v0 =	vld.idx.msk [tilespmem:v21+s2+$0x0], vm14  }
0x18e: {  	vm15 =	vgt.u32 v3, v58;
	_ =	sdelay $0x3  }
0x18f: {  	v0 =	vnsel vm14, $0x0, v0  }
0x190: {  	[tilespmem:$0x320] =	vst v0  }
0x191: {  	v0 =	vld.idx.msk [tilespmem:v28+s2+$0x0], vm15  }
0x192: {  	vm4 =	vgt.u32 v3, v59;
	_ =	sdelay $0x3  }
0x193: {  	v0 =	vnsel vm15, $0x0, v0  }
0x194: {  	[tilespmem:$0x330] =	vst v0  }
0x195: {  	v0 =	vld.idx.msk [tilespmem:v26+s2+$0x0], vm4  }
0x196: {  	vm5 =	vgt.u32 v3, v60;
	_ =	sdelay $0x3  }
0x197: {  	v0 =	vnsel vm4, $0x0, v0  }
0x198: {  	[tilespmem:$0x340] =	vst v0  }
0x199: {  	v0 =	vld.idx.msk [tilespmem:v24+s2+$0x0], vm5  }
0x19a: {  	vm6 =	vgt.u32 v3, v61;
	_ =	sdelay $0x3  }
0x19b: {  	v0 =	vnsel vm5, $0x0, v0  }
0x19c: {  	[tilespmem:$0x350] =	vst v0  }
0x19d: {  	v0 =	vld.idx.msk [tilespmem:v29+s2+$0x0], vm6  }
0x19e: {  	vm7 =	vgt.u32 v3, v62;
	_ =	sdelay $0x3  }
0x19f: {  	v0 =	vnsel vm6, $0x0, v0  }
0x1a0: {  	[tilespmem:$0x360] =	vst v0  }
0x1a1: {  	v0 =	vld.idx.msk [tilespmem:v27+s2+$0x0], vm7  }
0x1a2: {  	vm8 =	vgt.s32 v4, v37;
	_ =	sdelay $0x3  }
0x1a3: {  	v0 =	vnsel vm7, $0x0, v0  }
0x1a4: {  	[tilespmem:$0x370] =	vst v0  }
0x1a5: {  	v0 =	vld.idx.msk [tilespmem:v25+s2+$0x0], vm8  }
0x1a6: {  	vm9 =	vgt.u32 v4, v38;
	_ =	sdelay $0x3  }
0x1a7: {  	v0 =	vnsel vm8, $0x0, v0  }
0x1a8: {  	[tilespmem:$0x380] =	vst v0  }
0x1a9: {  	v0 =	vld.idx.msk [tilespmem:v30+s2+$0x0], vm9  }
0x1aa: {  	vm10 =	vgt.u32 v4, v57;
	_ =	sdelay $0x3  }
0x1ab: {  	v0 =	vnsel vm9, $0x0, v0  }
0x1ac: {  	[tilespmem:$0x390] =	vst v0  }
0x1ad: {  	v0 =	vld.idx.msk [tilespmem:v31+s2+$0x0], vm10  }
0x1ae: {  	vm11 =	vgt.u32 v4, v58;
	_ =	sdelay $0x3  }
0x1af: {  	v0 =	vnsel vm10, $0x0, v0  }
0x1b0: {  	[tilespmem:$0x3A0] =	vst v0  }
0x1b1: {  	v0 =	vld.idx.msk [tilespmem:v32+s2+$0x0], vm11  }
0x1b2: {  	vm12 =	vgt.u32 v4, v59;
	_ =	sdelay $0x3  }
0x1b3: {  	v0 =	vnsel vm11, $0x0, v0  }
0x1b4: {  	[tilespmem:$0x3B0] =	vst v0  }
0x1b5: {  	v0 =	vld.idx.msk [tilespmem:v34+s2+$0x0], vm12  }
0x1b6: {  	vm13 =	vgt.u32 v4, v60;
	_ =	sdelay $0x3  }
0x1b7: {  	v0 =	vnsel vm12, $0x0, v0  }
0x1b8: {  	[tilespmem:$0x3C0] =	vst v0  }
0x1b9: {  	v0 =	vld.idx.msk [tilespmem:v35+s2+$0x0], vm13  }
0x1ba: {  	vm14 =	vgt.u32 v4, v61;
	_ =	sdelay $0x3  }
0x1bb: {  	v0 =	vnsel vm13, $0x0, v0  }
0x1bc: {  	[tilespmem:$0x3D0] =	vst v0  }
0x1bd: {  	v0 =	vld.idx.msk [tilespmem:v36+s2+$0x0], vm14  }
0x1be: {  	vm15 =	vgt.u32 v4, v62;
	_ =	sdelay $0x3  }
0x1bf: {  	v0 =	vnsel vm14, $0x0, v0  }
0x1c0: {  	[tilespmem:$0x3E0] =	vst v0  }
0x1c1: {  	v0 =	vld.idx.msk [tilespmem:v33+s2+$0x0], vm15;
	_ =	sdelay $0x4  }
0x1c2: {  	v0 =	vnsel vm15, $0x0, v0  }
0x1c3: {  	[tilespmem:$0x3F0] =	vst v0  }
0x1c4: {  	[hbm4b:s4+s2] =	stream.linear.scatter [tilespmem:s5], [sflag:$0x1], $0x200, $0x38;
	[tilespmem:$0x400] =	vst v63  }
0x1c5: {  	_ =	swait.ge [sflag:s3], $0x200  }
0x1c6: {  	[sflag:s3] =	ssyncset.done $0x0  }
0x1c7: {  	[sflag:s3] =	ssyncadd.s32 $0xFFFFFE00  }
0x1c8: {  	_ =	sfence.sel $0x180000  }
0x1c9: {  	[bflag:$0x0] =	sbarrier.arrive $0xFFFF  }
0x1ca: {  	p0 =	sne.s32 s0, $0x0;
	_ =	strace $0x90000047  }
0x1cb: {  	s0 =	sadd.s32 @!p0 $0x100000, s1;
	[bflag:$0x2] =	sbarrier.arrive $0xFFFF  }
0x1cc: {  	[sflag:s0] =	ssyncadd.tile.s32 @!p0 $0x1;
	_ =	shalt  }
.Lfunc_end2:
_tile_overlayer_lowered:
.L_overlay_start_2:
0x1cd: {  	(tag) =	ssettag $0x2  }
0x1ce: {  	s0 =	rddreg [dreg:$0x0];
	s2 =	stileid.u32  }
0x1cf: {  	s1 =	rddreg [dreg:$0x1];
	p0 =	sne.s32 s2, $0x0  }
0x1d0: {  	s3 =	rddreg [dreg:$0x2];
	[bflag:$0x3] =	sbarrier.arrive $0xFFFF;
	s2 =	simm.s32 @!p0 $0x1C01  }
0x1d1: {  	[timem:s3], [sflag:s2] =	dma.local @!p0 [hbm:s0], s1  }
0x1d2: {  	s0 =	simm.s32 @!p0 $0x1  }
0x1d3: {  	_ =	swait.ge @!p0 [sflag:s0], s1  }
0x1d4: {  	s1 =	ssub.s32 @!p0 $0x0, s1;
	[sflag:s0] =	ssyncset.done @!p0 $0x0  }
0x1d5: {  	[sflag:s0] =	ssyncadd.s32 @!p0 s1  }
0x1d6: {  	[bflag:$0x3] =	sbarrier.arrive $0xFFFF  }
0x1d7: {  	_ =	shalt  }

</sc_bundles>
